<compile_context>
chip_gen: v7x
topology: tpu7x:2x2x1
jax: 0.10.2.dev20260603
libtpu: 0.0.44.dev20260713+nightly
codegen_flags: <defaults>
</compile_context>

<pallas_src>
import functools

import jax
import jax.numpy as jnp
from jax import lax
from jax.experimental import pallas as pl
from jax.experimental.pallas import tpu as pltpu
from jax.experimental.pallas import tpu_sc as plsc

N = 10000
D = 128
E = 320000
K = 10
ALPHA = 0.1
EPS = 1e-5

NC = 2
NS = 16
B = 128
NB = 79
EP = NC * NS * NB * B
TRASH = N
RPT = 632
NP = NS * RPT

_mesh = plsc.VectorSubcoreMesh(core_axis_name="c", subcore_axis_name="s")


@functools.partial(
    pl.kernel,
    out_type=jax.ShapeDtypeStruct((NC, NP, D), jnp.float32),
    mesh=_mesh,
    scratch_types=[
        pltpu.VMEM_SHARED((NP, D), jnp.float32),
        pltpu.VMEM((NB, B), jnp.int32),
        pltpu.VMEM((B, D), jnp.float32),
    ],
)
def _sc_degree(dsts_hbm, zeros_hbm, ones_hbm, out_hbm, deg_sh, dst_v, ones_v):
    c = lax.axis_index("c")
    s = lax.axis_index("s")
    tid = c * NS + s
    base = s * RPT
    pltpu.sync_copy(zeros_hbm.at[pl.ds(base, RPT)], deg_sh.at[pl.ds(base, RPT)])
    pltpu.sync_copy(ones_hbm, ones_v)
    pltpu.sync_copy(dsts_hbm.at[tid], dst_v)
    plsc.subcore_barrier()

    def body(j, carry):
        pltpu.sync_copy(ones_v, deg_sh.at[dst_v.at[j]], add=True)
        return carry

    lax.fori_loop(0, NB, body, 0)
    plsc.subcore_barrier()
    pltpu.sync_copy(deg_sh.at[pl.ds(base, RPT)], out_hbm.at[c, pl.ds(base, RPT)])


@functools.partial(
    pl.kernel,
    out_type=jax.ShapeDtypeStruct((NC, NP, D), jnp.float32),
    mesh=_mesh,
    scratch_types=[
        pltpu.VMEM_SHARED((NP, D), jnp.float32),
        pltpu.VMEM((NB, B), jnp.int32),
        pltpu.VMEM((NB, B), jnp.int32),
        pltpu.VMEM((B, D), jnp.float32),
        pltpu.SemaphoreType.DMA,
    ],
)
def _sc_propagate(g_hbm, srcs_hbm, dsts_hbm, out_hbm,
                  acc_sh, src_v, dst_v, rows_v, sem):
    c = lax.axis_index("c")
    s = lax.axis_index("s")
    tid = c * NS + s
    base = s * RPT
    pltpu.sync_copy(g_hbm.at[pl.ds(base, RPT)], acc_sh.at[pl.ds(base, RPT)])
    pltpu.sync_copy(srcs_hbm.at[tid], src_v)
    pltpu.sync_copy(dsts_hbm.at[tid], dst_v)
    plsc.subcore_barrier()

    def body(j, carry):
        pltpu.async_copy(g_hbm.at[src_v.at[j]], rows_v, sem).wait()
        pltpu.sync_copy(rows_v, acc_sh.at[dst_v.at[j]], add=True)
        return carry

    lax.fori_loop(0, NB, body, 0)
    plsc.subcore_barrier()
    pltpu.sync_copy(acc_sh.at[pl.ds(base, RPT)], out_hbm.at[c, pl.ds(base, RPT)])


_BLK = 1000


def _mlp_body(x_ref, w1_ref, b1_ref, lng_ref, lnb_ref, wo_ref, bo_ref, pd_ref,
              h0_ref, g0_ref, ca_ref, cb_ref):
    x = x_ref[...]
    h = jnp.dot(x, w1_ref[...], preferred_element_type=jnp.float32) + b1_ref[...]
    mu = jnp.mean(h, axis=-1, keepdims=True)
    var = jnp.mean((h - mu) ** 2, axis=-1, keepdims=True)
    h = (h - mu) * lax.rsqrt(var + EPS) * lng_ref[...] + lnb_ref[...]
    h = jnp.maximum(h, 0.0)
    h0 = jnp.dot(h, wo_ref[...], preferred_element_type=jnp.float32) + bo_ref[...]
    pd = pd_ref[...]
    deg = pd[0, :, 0:1] + pd[1, :, 0:1] + 1.0
    dinv = lax.rsqrt(deg)
    h0_ref[...] = h0
    g0_ref[...] = dinv * h0
    ca_ref[...] = (1.0 - ALPHA) * dinv * dinv
    cb_ref[...] = (1.0 - ALPHA) * dinv


_mlp_call = pl.pallas_call(
    _mlp_body,
    grid=(N // _BLK,),
    in_specs=[
        pl.BlockSpec((_BLK, D), lambda i: (i, 0)),
        pl.BlockSpec((D, D), lambda i: (0, 0)),
        pl.BlockSpec((1, D), lambda i: (0, 0)),
        pl.BlockSpec((1, D), lambda i: (0, 0)),
        pl.BlockSpec((1, D), lambda i: (0, 0)),
        pl.BlockSpec((D, D), lambda i: (0, 0)),
        pl.BlockSpec((1, D), lambda i: (0, 0)),
        pl.BlockSpec((NC, _BLK, D), lambda i: (0, i, 0)),
    ],
    out_specs=[
        pl.BlockSpec((_BLK, D), lambda i: (i, 0)),
        pl.BlockSpec((_BLK, D), lambda i: (i, 0)),
        pl.BlockSpec((_BLK, 1), lambda i: (i, 0)),
        pl.BlockSpec((_BLK, 1), lambda i: (i, 0)),
    ],
    out_shape=[
        jax.ShapeDtypeStruct((N, D), jnp.float32),
        jax.ShapeDtypeStruct((N, D), jnp.float32),
        jax.ShapeDtypeStruct((N, 1), jnp.float32),
        jax.ShapeDtypeStruct((N, 1), jnp.float32),
    ],
)


def _combine_body(p_ref, g_ref, c_ref, dt_ref, o_ref):
    p = p_ref[...]
    o_ref[...] = c_ref[...] * (p[0] + p[1] - g_ref[...]) + ALPHA * dt_ref[...]


_combine_call = pl.pallas_call(
    _combine_body,
    grid=(NS,),
    in_specs=[
        pl.BlockSpec((NC, RPT, D), lambda i: (0, i, 0)),
        pl.BlockSpec((RPT, D), lambda i: (i, 0)),
        pl.BlockSpec((RPT, 1), lambda i: (i, 0)),
        pl.BlockSpec((RPT, D), lambda i: (i, 0)),
    ],
    out_specs=pl.BlockSpec((RPT, D), lambda i: (i, 0)),
    out_shape=jax.ShapeDtypeStruct((NP, D), jnp.float32),
)


def kernel(x, edge_index, W1, b1, ln_g, ln_b, Wout, bout):
    src = edge_index[0].astype(jnp.int32)
    dst = edge_index[1].astype(jnp.int32)
    pad = EP - E
    srcs = jnp.concatenate([src, jnp.zeros((pad,), jnp.int32)]).reshape(
        NC * NS, NB, B)
    dsts = jnp.concatenate([dst, jnp.full((pad,), TRASH, jnp.int32)]).reshape(
        NC * NS, NB, B)

    zerosd = jnp.zeros((NP, D), jnp.float32)
    onesd = jnp.ones((B, D), jnp.float32)
    pdeg = _sc_degree(dsts, zerosd, onesd)

    h0, g0, cA, cB = _mlp_call(
        x, W1, b1.reshape(1, D), ln_g.reshape(1, D), ln_b.reshape(1, D),
        Wout, bout.reshape(1, D), pdeg)

    zpad = ((0, NP - N), (0, 0))
    h0 = jnp.pad(h0, zpad)
    g0 = jnp.pad(g0, zpad)
    cA = jnp.pad(cA, zpad)
    cB = jnp.pad(cB, zpad)

    g = g0
    for k in range(K):
        p = _sc_propagate(g, srcs, dsts)
        if k < K - 1:
            g = _combine_call(p, g, cA, g0)
        else:
            g = _combine_call(p, g, cB, h0)
    return g[:N]

# --- scband reference (transcript-rebuilt; emitter-appended) ---
"""Pipeline reference for scband-residual-appnpwrapper-7267084664913 (READ-ONLY COPY).

The authoritative reference and input builder live on the scoring server;
editing this copy changes nothing except your own understanding.
"""

import jax, jax.numpy as jnp
import numpy as np

N = 10000
E = 320000
D = 128
K = 10
ALPHA = 0.1
EPS = 1e-5


def setup_inputs(seed: int = 0) -> dict:
    key = jax.random.key(seed)
    ks = jax.random.split(key, 10)
    x = jax.random.normal(ks[0], (N, D), dtype=jnp.float32)
    edge_index = jax.random.randint(ks[1], (2, E), 0, N)  # [2, E]: row=src, col=dst
    # MLP params (num_layers=2 -> one hidden Linear + LayerNorm, then output Linear).
    # in_channels == hidden_channels -> input_proj is Identity.
    s = 0.05
    W1 = jax.random.normal(ks[2], (D, D), dtype=jnp.float32) * s
    b1 = jnp.zeros((D,), dtype=jnp.float32)
    ln_g = jnp.ones((D,), dtype=jnp.float32)
    ln_b = jnp.zeros((D,), dtype=jnp.float32)
    Wout = jax.random.normal(ks[3], (D, D), dtype=jnp.float32) * s
    bout = jnp.zeros((D,), dtype=jnp.float32)
    return {"x": x, "edge_index": edge_index, "W1": W1, "b1": b1,
            "ln_g": ln_g, "ln_b": ln_b, "Wout": Wout, "bout": bout}


def _layernorm(h, g, b):
    mu = jnp.mean(h, axis=-1, keepdims=True)
    var = jnp.mean((h - mu) ** 2, axis=-1, keepdims=True)
    return (h - mu) / jnp.sqrt(var + EPS) * g + b


def reference(x, edge_index, W1, b1, ln_g, ln_b, Wout, bout):
    # ---- MLP with residual (eval mode: no dropout) ----
    h = x  # input_proj = Identity (in_channels == hidden_channels)
    identity = h
    h = h @ W1 + b1
    h = _layernorm(h, ln_g, ln_b)
    residual_alpha = 1.0
    h = residual_alpha * h + (1.0 - residual_alpha) * identity
    h = jax.nn.relu(h)
    h = h @ Wout + bout
    # ---- APPNP propagation with GCN symmetric norm + self loops ----
    row = edge_index[0]
    col = edge_index[1]
    loop = jnp.arange(N, dtype=row.dtype)
    row = jnp.concatenate([row, loop])
    col = jnp.concatenate([col, loop])
    w = jnp.ones(row.shape[0], dtype=jnp.float32)
    deg = jnp.zeros((N,), dtype=jnp.float32).at[col].add(w)
    dinv = jnp.where(deg > 0, jax.lax.rsqrt(deg), 0.0)
    norm = dinv[row] * w * dinv[col]
    h0 = h
    for _ in range(K):
        msg = norm[:, None] * jnp.take(h, row, axis=0)  # gather from src
        agg = jnp.zeros_like(h).at[col].add(msg)        # scatter-add to dst
        h = agg * (1.0 - ALPHA) + ALPHA * h0
    return h

if __name__ == "__main__":
    import jax
    _d = setup_inputs()
    print(jax.jit(kernel)(*tuple(_d.values())))

</pallas_src>

<mosaic_0001>
#map = affine_map<(d0, d1) -> (0, 0, 0)>
#map1 = affine_map<(d0, d1) -> (0, 0)>
module attributes {stable_mosaic.version = 14 : i64} {
  func.func @_sc_degree(%arg0: i32, %arg1: i32, %arg2: memref<32x79x128xi32, #tpu.memory_space<hbm>>, %arg3: memref<10112x128xf32, #tpu.memory_space<hbm>>, %arg4: memref<128x128xf32, #tpu.memory_space<hbm>>, %arg5: memref<2x10112x128xf32, #tpu.memory_space<hbm>>, %arg6: memref<10112x128xf32, #tpu.memory_space<vmem_shared>>, %arg7: memref<79x128xi32, #tpu.memory_space<vmem>>, %arg8: memref<128x128xf32, #tpu.memory_space<vmem>>) attributes {dimension_semantics = [#tpu.dimension_semantics<core_parallel>, #tpu.dimension_semantics<subcore_parallel>], iteration_bounds = array<i64: 2, 16>, scalar_prefetch = 0 : i64, scratch_operands = 3 : i64, tpu.core_type = #tpu.core_type<sc_vector_subcore>, window_params = [{transform_indices = #map}, {transform_indices = #map1}, {transform_indices = #map1}, {transform_indices = #map}]} {
    %mul3A = arith.constant 16 : i32
    %mul3A_0 = arith.muli %arg0, %mul3A : i32
    %add3A = arith.addi %mul3A_0, %arg1 : i32
    %mul3A_1 = arith.constant 632 : i32
    %mul3A_2 = arith.muli %arg1, %mul3A_1 : i32
    "tpu.region"() ({
      %run_scoped3A = tpu.sem_alloc : memref<!tpu.dma_semaphore, #tpu.memory_space<semaphore_mem>>
      %dma_start3A = arith.constant 0 : i32
      %dma_start3A_9 = tpu.memref_slice %arg6[%mul3A_2, %dma_start3A] : memref<10112x128xf32, #tpu.memory_space<vmem_shared>> -> memref<632x128xf32, #tpu.memory_space<vmem_shared>>
      %dma_start3A_10 = arith.constant 0 : i32
      %dma_start3A_11 = tpu.memref_slice %arg3[%mul3A_2, %dma_start3A_10] : memref<10112x128xf32, #tpu.memory_space<hbm>> -> memref<632x128xf32, #tpu.memory_space<hbm>>
      tpu.enqueue_dma source(%dma_start3A_11 : memref<632x128xf32, #tpu.memory_space<hbm>>) target(%dma_start3A_9 : memref<632x128xf32, #tpu.memory_space<vmem_shared>>) target_semaphore(%run_scoped3A : memref<!tpu.dma_semaphore, #tpu.memory_space<semaphore_mem>>)
      %dma_wait3A = arith.constant 0 : i32
      %dma_wait3A_12 = tpu.memref_slice %arg6[%mul3A_2, %dma_wait3A] : memref<10112x128xf32, #tpu.memory_space<vmem_shared>> -> memref<632x128xf32, #tpu.memory_space<vmem_shared>>
      %dma_wait3A_13 = arith.constant 0 : i32
      %dma_wait3A_14 = tpu.memref_slice %arg3[%mul3A_2, %dma_wait3A_13] : memref<10112x128xf32, #tpu.memory_space<hbm>> -> memref<632x128xf32, #tpu.memory_space<hbm>>
      tpu.wait_dma2 semaphore(%run_scoped3A : memref<!tpu.dma_semaphore, #tpu.memory_space<semaphore_mem>>) src(%dma_wait3A_14 : memref<632x128xf32, #tpu.memory_space<hbm>>) dst(%dma_wait3A_12 : memref<632x128xf32, #tpu.memory_space<vmem_shared>>)
      tpu.yield
    }) : () -> ()
    "tpu.region"() ({
      %run_scoped3A = tpu.sem_alloc : memref<!tpu.dma_semaphore, #tpu.memory_space<semaphore_mem>>
      tpu.enqueue_dma source(%arg4 : memref<128x128xf32, #tpu.memory_space<hbm>>) target(%arg8 : memref<128x128xf32, #tpu.memory_space<vmem>>) target_semaphore(%run_scoped3A : memref<!tpu.dma_semaphore, #tpu.memory_space<semaphore_mem>>)
      tpu.wait_dma2 semaphore(%run_scoped3A : memref<!tpu.dma_semaphore, #tpu.memory_space<semaphore_mem>>) src(%arg4 : memref<128x128xf32, #tpu.memory_space<hbm>>) dst(%arg8 : memref<128x128xf32, #tpu.memory_space<vmem>>)
      tpu.yield
    }) : () -> ()
    "tpu.region"() ({
      %run_scoped3A = tpu.sem_alloc : memref<!tpu.dma_semaphore, #tpu.memory_space<semaphore_mem>>
      %dma_start3A = arith.constant 0 : i32
      %dma_start3A_9 = arith.constant 0 : i32
      %dma_start3A_10 = tpu.memref_slice %arg2[%add3A, %dma_start3A, %dma_start3A_9] : memref<32x79x128xi32, #tpu.memory_space<hbm>> -> memref<1x79x128xi32, #tpu.memory_space<hbm>>
      %dma_start3A_11 = tpu.memref_squeeze %dma_start3A_10 : memref<1x79x128xi32, #tpu.memory_space<hbm>> -> memref<79x128xi32, #tpu.memory_space<hbm>>
      %dma_start3A_12 = arith.constant 0 : i32
      %dma_start3A_13 = arith.constant 0 : i32
      %dma_start3A_14 = tpu.memref_slice %arg2[%add3A, %dma_start3A_12, %dma_start3A_13] : memref<32x79x128xi32, #tpu.memory_space<hbm>> -> memref<1x79x128xi32, #tpu.memory_space<hbm>>
      %dma_start3A_15 = tpu.memref_squeeze %dma_start3A_14 : memref<1x79x128xi32, #tpu.memory_space<hbm>> -> memref<79x128xi32, #tpu.memory_space<hbm>>
      tpu.enqueue_dma source(%dma_start3A_15 : memref<79x128xi32, #tpu.memory_space<hbm>>) target(%arg7 : memref<79x128xi32, #tpu.memory_space<vmem>>) target_semaphore(%run_scoped3A : memref<!tpu.dma_semaphore, #tpu.memory_space<semaphore_mem>>)
      %dma_wait3A = arith.constant 0 : i32
      %dma_wait3A_16 = arith.constant 0 : i32
      %dma_wait3A_17 = tpu.memref_slice %arg2[%add3A, %dma_wait3A, %dma_wait3A_16] : memref<32x79x128xi32, #tpu.memory_space<hbm>> -> memref<1x79x128xi32, #tpu.memory_space<hbm>>
      %dma_wait3A_18 = tpu.memref_squeeze %dma_wait3A_17 : memref<1x79x128xi32, #tpu.memory_space<hbm>> -> memref<79x128xi32, #tpu.memory_space<hbm>>
      %dma_wait3A_19 = arith.constant 0 : i32
      %dma_wait3A_20 = arith.constant 0 : i32
      %dma_wait3A_21 = tpu.memref_slice %arg2[%add3A, %dma_wait3A_19, %dma_wait3A_20] : memref<32x79x128xi32, #tpu.memory_space<hbm>> -> memref<1x79x128xi32, #tpu.memory_space<hbm>>
      %dma_wait3A_22 = tpu.memref_squeeze %dma_wait3A_21 : memref<1x79x128xi32, #tpu.memory_space<hbm>> -> memref<79x128xi32, #tpu.memory_space<hbm>>
      tpu.wait_dma2 semaphore(%run_scoped3A : memref<!tpu.dma_semaphore, #tpu.memory_space<semaphore_mem>>) src(%dma_wait3A_22 : memref<79x128xi32, #tpu.memory_space<hbm>>) dst(%arg7 : memref<79x128xi32, #tpu.memory_space<vmem>>)
      tpu.yield
    }) : () -> ()
    %barrier3A = arith.constant 0 : index
    tpu.barrier barrier_id(%barrier3A)
    %scan3A = arith.constant 0 : i32
    %scan3A_3 = arith.constant 0 : i32
    %scan3A_4 = arith.constant 79 : i32
    %scan3A_5 = arith.addi %scan3A_3, %scan3A_4 : i32
    %scan3A_6 = arith.constant 1 : i32
    scf.for %scan3A_9 = %scan3A_3 to %scan3A_5 step %scan3A_6  : i32 {
      "tpu.region"() ({
        %run_scoped3A = tpu.sem_alloc : memref<!tpu.dma_semaphore, #tpu.memory_space<semaphore_mem>>
        %dma_start3A = arith.constant 0 : i32
        %dma_start3A_10 = tpu.memref_slice %arg7[%scan3A_9, %dma_start3A] : memref<79x128xi32, #tpu.memory_space<vmem>> -> memref<1x128xi32, #tpu.memory_space<vmem>>
        %dma_start3A_11 = tpu.memref_squeeze %dma_start3A_10 : memref<1x128xi32, #tpu.memory_space<vmem>> -> memref<128xi32, #tpu.memory_space<vmem>>
        %dma_start3A_12 = arith.constant 0 : i32
        %dma_start3A_13 = arith.constant 0 : i32
        %dma_start3A_14 = tpu.memref_slice %arg6[%dma_start3A_12, %dma_start3A_13] : memref<10112x128xf32, #tpu.memory_space<vmem_shared>> -> memref<10112x128xf32, #tpu.memory_space<vmem_shared>>
        tpu.enqueue_indirect_dma source(%arg8 : memref<128x128xf32, #tpu.memory_space<vmem>>) target(%dma_start3A_14 : memref<10112x128xf32, #tpu.memory_space<vmem_shared>>) offsets(%dma_start3A_11 : memref<128xi32, #tpu.memory_space<vmem>>) semaphore(%run_scoped3A : memref<!tpu.dma_semaphore, #tpu.memory_space<semaphore_mem>>) {add = true}
        %dma_wait3A = arith.constant 0 : i32
        %dma_wait3A_15 = tpu.memref_slice %arg7[%scan3A_9, %dma_wait3A] : memref<79x128xi32, #tpu.memory_space<vmem>> -> memref<1x128xi32, #tpu.memory_space<vmem>>
        %dma_wait3A_16 = tpu.memref_squeeze %dma_wait3A_15 : memref<1x128xi32, #tpu.memory_space<vmem>> -> memref<128xi32, #tpu.memory_space<vmem>>
        %dma_wait3A_17 = arith.constant 0 : i32
        %dma_wait3A_18 = arith.constant 0 : i32
        %dma_wait3A_19 = tpu.memref_slice %arg6[%dma_wait3A_17, %dma_wait3A_18] : memref<10112x128xf32, #tpu.memory_space<vmem_shared>> -> memref<10112x128xf32, #tpu.memory_space<vmem_shared>>
        tpu.wait_indirect_dma semaphore(%run_scoped3A : memref<!tpu.dma_semaphore, #tpu.memory_space<semaphore_mem>>) src(%arg8 : memref<128x128xf32, #tpu.memory_space<vmem>>) dst(%dma_wait3A_19 : memref<10112x128xf32, #tpu.memory_space<vmem_shared>>)
        tpu.yield
      }) : () -> ()
    }
    %scan3A_7 = arith.constant 79 : i32
    %barrier3A_8 = arith.constant 0 : index
    tpu.barrier barrier_id(%barrier3A_8)
    "tpu.region"() ({
      %run_scoped3A = tpu.sem_alloc : memref<!tpu.dma_semaphore, #tpu.memory_space<semaphore_mem>>
      %dma_start3A = arith.constant 0 : i32
      %dma_start3A_9 = tpu.memref_slice %arg5[%arg0, %mul3A_2, %dma_start3A] : memref<2x10112x128xf32, #tpu.memory_space<hbm>> -> memref<1x632x128xf32, #tpu.memory_space<hbm>>
      %dma_start3A_10 = tpu.memref_squeeze %dma_start3A_9 : memref<1x632x128xf32, #tpu.memory_space<hbm>> -> memref<632x128xf32, #tpu.memory_space<hbm>>
      %dma_start3A_11 = arith.constant 0 : i32
      %dma_start3A_12 = tpu.memref_slice %arg6[%mul3A_2, %dma_start3A_11] : memref<10112x128xf32, #tpu.memory_space<vmem_shared>> -> memref<632x128xf32, #tpu.memory_space<vmem_shared>>
      tpu.enqueue_dma source(%dma_start3A_12 : memref<632x128xf32, #tpu.memory_space<vmem_shared>>) target(%dma_start3A_10 : memref<632x128xf32, #tpu.memory_space<hbm>>) target_semaphore(%run_scoped3A : memref<!tpu.dma_semaphore, #tpu.memory_space<semaphore_mem>>)
      %dma_wait3A = arith.constant 0 : i32
      %dma_wait3A_13 = tpu.memref_slice %arg5[%arg0, %mul3A_2, %dma_wait3A] : memref<2x10112x128xf32, #tpu.memory_space<hbm>> -> memref<1x632x128xf32, #tpu.memory_space<hbm>>
      %dma_wait3A_14 = tpu.memref_squeeze %dma_wait3A_13 : memref<1x632x128xf32, #tpu.memory_space<hbm>> -> memref<632x128xf32, #tpu.memory_space<hbm>>
      %dma_wait3A_15 = arith.constant 0 : i32
      %dma_wait3A_16 = tpu.memref_slice %arg6[%mul3A_2, %dma_wait3A_15] : memref<10112x128xf32, #tpu.memory_space<vmem_shared>> -> memref<632x128xf32, #tpu.memory_space<vmem_shared>>
      tpu.wait_dma2 semaphore(%run_scoped3A : memref<!tpu.dma_semaphore, #tpu.memory_space<semaphore_mem>>) src(%dma_wait3A_16 : memref<632x128xf32, #tpu.memory_space<vmem_shared>>) dst(%dma_wait3A_14 : memref<632x128xf32, #tpu.memory_space<hbm>>)
      tpu.yield
    }) : () -> ()
    return
  }
}

#map = affine_map<(d0, d1) -> (0, 0)>
#map1 = affine_map<(d0, d1) -> (0, 0, 0)>
module attributes {stable_mosaic.version = 14 : i64} {
  func.func @_sc_propagate(%arg0: i32, %arg1: i32, %arg2: memref<10112x128xf32, #tpu.memory_space<hbm>>, %arg3: memref<32x79x128xi32, #tpu.memory_space<hbm>>, %arg4: memref<32x79x128xi32, #tpu.memory_space<hbm>>, %arg5: memref<2x10112x128xf32, #tpu.memory_space<hbm>>, %arg6: memref<10112x128xf32, #tpu.memory_space<vmem_shared>>, %arg7: memref<79x128xi32, #tpu.memory_space<vmem>>, %arg8: memref<79x128xi32, #tpu.memory_space<vmem>>, %arg9: memref<128x128xf32, #tpu.memory_space<vmem>>, %arg10: memref<!tpu.dma_semaphore, #tpu.memory_space<semaphore_mem>>) attributes {dimension_semantics = [#tpu.dimension_semantics<core_parallel>, #tpu.dimension_semantics<subcore_parallel>], iteration_bounds = array<i64: 2, 16>, scalar_prefetch = 0 : i64, scratch_operands = 5 : i64, tpu.core_type = #tpu.core_type<sc_vector_subcore>, window_params = [{transform_indices = #map}, {transform_indices = #map1}, {transform_indices = #map1}, {transform_indices = #map1}]} {
    %mul3A = arith.constant 16 : i32
    %mul3A_0 = arith.muli %arg0, %mul3A : i32
    %add3A = arith.addi %mul3A_0, %arg1 : i32
    %mul3A_1 = arith.constant 632 : i32
    %mul3A_2 = arith.muli %arg1, %mul3A_1 : i32
    "tpu.region"() ({
      %run_scoped3A = tpu.sem_alloc : memref<!tpu.dma_semaphore, #tpu.memory_space<semaphore_mem>>
      %dma_start3A = arith.constant 0 : i32
      %dma_start3A_9 = tpu.memref_slice %arg6[%mul3A_2, %dma_start3A] : memref<10112x128xf32, #tpu.memory_space<vmem_shared>> -> memref<632x128xf32, #tpu.memory_space<vmem_shared>>
      %dma_start3A_10 = arith.constant 0 : i32
      %dma_start3A_11 = tpu.memref_slice %arg2[%mul3A_2, %dma_start3A_10] : memref<10112x128xf32, #tpu.memory_space<hbm>> -> memref<632x128xf32, #tpu.memory_space<hbm>>
      tpu.enqueue_dma source(%dma_start3A_11 : memref<632x128xf32, #tpu.memory_space<hbm>>) target(%dma_start3A_9 : memref<632x128xf32, #tpu.memory_space<vmem_shared>>) target_semaphore(%run_scoped3A : memref<!tpu.dma_semaphore, #tpu.memory_space<semaphore_mem>>)
      %dma_wait3A = arith.constant 0 : i32
      %dma_wait3A_12 = tpu.memref_slice %arg6[%mul3A_2, %dma_wait3A] : memref<10112x128xf32, #tpu.memory_space<vmem_shared>> -> memref<632x128xf32, #tpu.memory_space<vmem_shared>>
      %dma_wait3A_13 = arith.constant 0 : i32
      %dma_wait3A_14 = tpu.memref_slice %arg2[%mul3A_2, %dma_wait3A_13] : memref<10112x128xf32, #tpu.memory_space<hbm>> -> memref<632x128xf32, #tpu.memory_space<hbm>>
      tpu.wait_dma2 semaphore(%run_scoped3A : memref<!tpu.dma_semaphore, #tpu.memory_space<semaphore_mem>>) src(%dma_wait3A_14 : memref<632x128xf32, #tpu.memory_space<hbm>>) dst(%dma_wait3A_12 : memref<632x128xf32, #tpu.memory_space<vmem_shared>>)
      tpu.yield
    }) : () -> ()
    "tpu.region"() ({
      %run_scoped3A = tpu.sem_alloc : memref<!tpu.dma_semaphore, #tpu.memory_space<semaphore_mem>>
      %dma_start3A = arith.constant 0 : i32
      %dma_start3A_9 = arith.constant 0 : i32
      %dma_start3A_10 = tpu.memref_slice %arg3[%add3A, %dma_start3A, %dma_start3A_9] : memref<32x79x128xi32, #tpu.memory_space<hbm>> -> memref<1x79x128xi32, #tpu.memory_space<hbm>>
      %dma_start3A_11 = tpu.memref_squeeze %dma_start3A_10 : memref<1x79x128xi32, #tpu.memory_space<hbm>> -> memref<79x128xi32, #tpu.memory_space<hbm>>
      %dma_start3A_12 = arith.constant 0 : i32
      %dma_start3A_13 = arith.constant 0 : i32
      %dma_start3A_14 = tpu.memref_slice %arg3[%add3A, %dma_start3A_12, %dma_start3A_13] : memref<32x79x128xi32, #tpu.memory_space<hbm>> -> memref<1x79x128xi32, #tpu.memory_space<hbm>>
      %dma_start3A_15 = tpu.memref_squeeze %dma_start3A_14 : memref<1x79x128xi32, #tpu.memory_space<hbm>> -> memref<79x128xi32, #tpu.memory_space<hbm>>
      tpu.enqueue_dma source(%dma_start3A_15 : memref<79x128xi32, #tpu.memory_space<hbm>>) target(%arg7 : memref<79x128xi32, #tpu.memory_space<vmem>>) target_semaphore(%run_scoped3A : memref<!tpu.dma_semaphore, #tpu.memory_space<semaphore_mem>>)
      %dma_wait3A = arith.constant 0 : i32
      %dma_wait3A_16 = arith.constant 0 : i32
      %dma_wait3A_17 = tpu.memref_slice %arg3[%add3A, %dma_wait3A, %dma_wait3A_16] : memref<32x79x128xi32, #tpu.memory_space<hbm>> -> memref<1x79x128xi32, #tpu.memory_space<hbm>>
      %dma_wait3A_18 = tpu.memref_squeeze %dma_wait3A_17 : memref<1x79x128xi32, #tpu.memory_space<hbm>> -> memref<79x128xi32, #tpu.memory_space<hbm>>
      %dma_wait3A_19 = arith.constant 0 : i32
      %dma_wait3A_20 = arith.constant 0 : i32
      %dma_wait3A_21 = tpu.memref_slice %arg3[%add3A, %dma_wait3A_19, %dma_wait3A_20] : memref<32x79x128xi32, #tpu.memory_space<hbm>> -> memref<1x79x128xi32, #tpu.memory_space<hbm>>
      %dma_wait3A_22 = tpu.memref_squeeze %dma_wait3A_21 : memref<1x79x128xi32, #tpu.memory_space<hbm>> -> memref<79x128xi32, #tpu.memory_space<hbm>>
      tpu.wait_dma2 semaphore(%run_scoped3A : memref<!tpu.dma_semaphore, #tpu.memory_space<semaphore_mem>>) src(%dma_wait3A_22 : memref<79x128xi32, #tpu.memory_space<hbm>>) dst(%arg7 : memref<79x128xi32, #tpu.memory_space<vmem>>)
      tpu.yield
    }) : () -> ()
    "tpu.region"() ({
      %run_scoped3A = tpu.sem_alloc : memref<!tpu.dma_semaphore, #tpu.memory_space<semaphore_mem>>
      %dma_start3A = arith.constant 0 : i32
      %dma_start3A_9 = arith.constant 0 : i32
      %dma_start3A_10 = tpu.memref_slice %arg4[%add3A, %dma_start3A, %dma_start3A_9] : memref<32x79x128xi32, #tpu.memory_space<hbm>> -> memref<1x79x128xi32, #tpu.memory_space<hbm>>
      %dma_start3A_11 = tpu.memref_squeeze %dma_start3A_10 : memref<1x79x128xi32, #tpu.memory_space<hbm>> -> memref<79x128xi32, #tpu.memory_space<hbm>>
      %dma_start3A_12 = arith.constant 0 : i32
      %dma_start3A_13 = arith.constant 0 : i32
      %dma_start3A_14 = tpu.memref_slice %arg4[%add3A, %dma_start3A_12, %dma_start3A_13] : memref<32x79x128xi32, #tpu.memory_space<hbm>> -> memref<1x79x128xi32, #tpu.memory_space<hbm>>
      %dma_start3A_15 = tpu.memref_squeeze %dma_start3A_14 : memref<1x79x128xi32, #tpu.memory_space<hbm>> -> memref<79x128xi32, #tpu.memory_space<hbm>>
      tpu.enqueue_dma source(%dma_start3A_15 : memref<79x128xi32, #tpu.memory_space<hbm>>) target(%arg8 : memref<79x128xi32, #tpu.memory_space<vmem>>) target_semaphore(%run_scoped3A : memref<!tpu.dma_semaphore, #tpu.memory_space<semaphore_mem>>)
      %dma_wait3A = arith.constant 0 : i32
      %dma_wait3A_16 = arith.constant 0 : i32
      %dma_wait3A_17 = tpu.memref_slice %arg4[%add3A, %dma_wait3A, %dma_wait3A_16] : memref<32x79x128xi32, #tpu.memory_space<hbm>> -> memref<1x79x128xi32, #tpu.memory_space<hbm>>
      %dma_wait3A_18 = tpu.memref_squeeze %dma_wait3A_17 : memref<1x79x128xi32, #tpu.memory_space<hbm>> -> memref<79x128xi32, #tpu.memory_space<hbm>>
      %dma_wait3A_19 = arith.constant 0 : i32
      %dma_wait3A_20 = arith.constant 0 : i32
      %dma_wait3A_21 = tpu.memref_slice %arg4[%add3A, %dma_wait3A_19, %dma_wait3A_20] : memref<32x79x128xi32, #tpu.memory_space<hbm>> -> memref<1x79x128xi32, #tpu.memory_space<hbm>>
      %dma_wait3A_22 = tpu.memref_squeeze %dma_wait3A_21 : memref<1x79x128xi32, #tpu.memory_space<hbm>> -> memref<79x128xi32, #tpu.memory_space<hbm>>
      tpu.wait_dma2 semaphore(%run_scoped3A : memref<!tpu.dma_semaphore, #tpu.memory_space<semaphore_mem>>) src(%dma_wait3A_22 : memref<79x128xi32, #tpu.memory_space<hbm>>) dst(%arg8 : memref<79x128xi32, #tpu.memory_space<vmem>>)
      tpu.yield
    }) : () -> ()
    %barrier3A = arith.constant 0 : index
    tpu.barrier barrier_id(%barrier3A)
    %scan3A = arith.constant 0 : i32
    %scan3A_3 = arith.constant 0 : i32
    %scan3A_4 = arith.constant 79 : i32
    %scan3A_5 = arith.addi %scan3A_3, %scan3A_4 : i32
    %scan3A_6 = arith.constant 1 : i32
    scf.for %scan3A_9 = %scan3A_3 to %scan3A_5 step %scan3A_6  : i32 {
      %dma_start3A = arith.constant 0 : i32
      %dma_start3A_10 = tpu.memref_slice %arg7[%scan3A_9, %dma_start3A] : memref<79x128xi32, #tpu.memory_space<vmem>> -> memref<1x128xi32, #tpu.memory_space<vmem>>
      %dma_start3A_11 = tpu.memref_squeeze %dma_start3A_10 : memref<1x128xi32, #tpu.memory_space<vmem>> -> memref<128xi32, #tpu.memory_space<vmem>>
      %dma_start3A_12 = arith.constant 0 : i32
      %dma_start3A_13 = arith.constant 0 : i32
      %dma_start3A_14 = tpu.memref_slice %arg2[%dma_start3A_12, %dma_start3A_13] : memref<10112x128xf32, #tpu.memory_space<hbm>> -> memref<10112x128xf32, #tpu.memory_space<hbm>>
      tpu.enqueue_indirect_dma source(%dma_start3A_14 : memref<10112x128xf32, #tpu.memory_space<hbm>>) target(%arg9 : memref<128x128xf32, #tpu.memory_space<vmem>>) offsets(%dma_start3A_11 : memref<128xi32, #tpu.memory_space<vmem>>) semaphore(%arg10 : memref<!tpu.dma_semaphore, #tpu.memory_space<semaphore_mem>>)
      %dma_wait3A = arith.constant 0 : i32
      %dma_wait3A_15 = tpu.memref_slice %arg7[%scan3A_9, %dma_wait3A] : memref<79x128xi32, #tpu.memory_space<vmem>> -> memref<1x128xi32, #tpu.memory_space<vmem>>
      %dma_wait3A_16 = tpu.memref_squeeze %dma_wait3A_15 : memref<1x128xi32, #tpu.memory_space<vmem>> -> memref<128xi32, #tpu.memory_space<vmem>>
      %dma_wait3A_17 = arith.constant 0 : i32
      %dma_wait3A_18 = arith.constant 0 : i32
      %dma_wait3A_19 = tpu.memref_slice %arg2[%dma_wait3A_17, %dma_wait3A_18] : memref<10112x128xf32, #tpu.memory_space<hbm>> -> memref<10112x128xf32, #tpu.memory_space<hbm>>
      tpu.wait_indirect_dma semaphore(%arg10 : memref<!tpu.dma_semaphore, #tpu.memory_space<semaphore_mem>>) src(%dma_wait3A_19 : memref<10112x128xf32, #tpu.memory_space<hbm>>) dst(%arg9 : memref<128x128xf32, #tpu.memory_space<vmem>>)
      "tpu.region"() ({
        %run_scoped3A = tpu.sem_alloc : memref<!tpu.dma_semaphore, #tpu.memory_space<semaphore_mem>>
        %dma_start3A_20 = arith.constant 0 : i32
        %dma_start3A_21 = tpu.memref_slice %arg8[%scan3A_9, %dma_start3A_20] : memref<79x128xi32, #tpu.memory_space<vmem>> -> memref<1x128xi32, #tpu.memory_space<vmem>>
        %dma_start3A_22 = tpu.memref_squeeze %dma_start3A_21 : memref<1x128xi32, #tpu.memory_space<vmem>> -> memref<128xi32, #tpu.memory_space<vmem>>
        %dma_start3A_23 = arith.constant 0 : i32
        %dma_start3A_24 = arith.constant 0 : i32
        %dma_start3A_25 = tpu.memref_slice %arg6[%dma_start3A_23, %dma_start3A_24] : memref<10112x128xf32, #tpu.memory_space<vmem_shared>> -> memref<10112x128xf32, #tpu.memory_space<vmem_shared>>
        tpu.enqueue_indirect_dma source(%arg9 : memref<128x128xf32, #tpu.memory_space<vmem>>) target(%dma_start3A_25 : memref<10112x128xf32, #tpu.memory_space<vmem_shared>>) offsets(%dma_start3A_22 : memref<128xi32, #tpu.memory_space<vmem>>) semaphore(%run_scoped3A : memref<!tpu.dma_semaphore, #tpu.memory_space<semaphore_mem>>) {add = true}
        %dma_wait3A_26 = arith.constant 0 : i32
        %dma_wait3A_27 = tpu.memref_slice %arg8[%scan3A_9, %dma_wait3A_26] : memref<79x128xi32, #tpu.memory_space<vmem>> -> memref<1x128xi32, #tpu.memory_space<vmem>>
        %dma_wait3A_28 = tpu.memref_squeeze %dma_wait3A_27 : memref<1x128xi32, #tpu.memory_space<vmem>> -> memref<128xi32, #tpu.memory_space<vmem>>
        %dma_wait3A_29 = arith.constant 0 : i32
        %dma_wait3A_30 = arith.constant 0 : i32
        %dma_wait3A_31 = tpu.memref_slice %arg6[%dma_wait3A_29, %dma_wait3A_30] : memref<10112x128xf32, #tpu.memory_space<vmem_shared>> -> memref<10112x128xf32, #tpu.memory_space<vmem_shared>>
        tpu.wait_indirect_dma semaphore(%run_scoped3A : memref<!tpu.dma_semaphore, #tpu.memory_space<semaphore_mem>>) src(%arg9 : memref<128x128xf32, #tpu.memory_space<vmem>>) dst(%dma_wait3A_31 : memref<10112x128xf32, #tpu.memory_space<vmem_shared>>)
        tpu.yield
      }) : () -> ()
    }
    %scan3A_7 = arith.constant 79 : i32
    %barrier3A_8 = arith.constant 0 : index
    tpu.barrier barrier_id(%barrier3A_8)
    "tpu.region"() ({
      %run_scoped3A = tpu.sem_alloc : memref<!tpu.dma_semaphore, #tpu.memory_space<semaphore_mem>>
      %dma_start3A = arith.constant 0 : i32
      %dma_start3A_9 = tpu.memref_slice %arg5[%arg0, %mul3A_2, %dma_start3A] : memref<2x10112x128xf32, #tpu.memory_space<hbm>> -> memref<1x632x128xf32, #tpu.memory_space<hbm>>
      %dma_start3A_10 = tpu.memref_squeeze %dma_start3A_9 : memref<1x632x128xf32, #tpu.memory_space<hbm>> -> memref<632x128xf32, #tpu.memory_space<hbm>>
      %dma_start3A_11 = arith.constant 0 : i32
      %dma_start3A_12 = tpu.memref_slice %arg6[%mul3A_2, %dma_start3A_11] : memref<10112x128xf32, #tpu.memory_space<vmem_shared>> -> memref<632x128xf32, #tpu.memory_space<vmem_shared>>
      tpu.enqueue_dma source(%dma_start3A_12 : memref<632x128xf32, #tpu.memory_space<vmem_shared>>) target(%dma_start3A_10 : memref<632x128xf32, #tpu.memory_space<hbm>>) target_semaphore(%run_scoped3A : memref<!tpu.dma_semaphore, #tpu.memory_space<semaphore_mem>>)
      %dma_wait3A = arith.constant 0 : i32
      %dma_wait3A_13 = tpu.memref_slice %arg5[%arg0, %mul3A_2, %dma_wait3A] : memref<2x10112x128xf32, #tpu.memory_space<hbm>> -> memref<1x632x128xf32, #tpu.memory_space<hbm>>
      %dma_wait3A_14 = tpu.memref_squeeze %dma_wait3A_13 : memref<1x632x128xf32, #tpu.memory_space<hbm>> -> memref<632x128xf32, #tpu.memory_space<hbm>>
      %dma_wait3A_15 = arith.constant 0 : i32
      %dma_wait3A_16 = tpu.memref_slice %arg6[%mul3A_2, %dma_wait3A_15] : memref<10112x128xf32, #tpu.memory_space<vmem_shared>> -> memref<632x128xf32, #tpu.memory_space<vmem_shared>>
      tpu.wait_dma2 semaphore(%run_scoped3A : memref<!tpu.dma_semaphore, #tpu.memory_space<semaphore_mem>>) src(%dma_wait3A_16 : memref<632x128xf32, #tpu.memory_space<vmem_shared>>) dst(%dma_wait3A_14 : memref<632x128xf32, #tpu.memory_space<hbm>>)
      tpu.yield
    }) : () -> ()
    return
  }
}

#map = affine_map<(d0, d1) -> (0, 0)>
#map1 = affine_map<(d0, d1) -> (0, 0, 0)>
module attributes {stable_mosaic.version = 14 : i64} {
  func.func @_sc_propagate(%arg0: i32, %arg1: i32, %arg2: memref<10112x128xf32, #tpu.memory_space<hbm>>, %arg3: memref<32x79x128xi32, #tpu.memory_space<hbm>>, %arg4: memref<32x79x128xi32, #tpu.memory_space<hbm>>, %arg5: memref<2x10112x128xf32, #tpu.memory_space<hbm>>, %arg6: memref<10112x128xf32, #tpu.memory_space<vmem_shared>>, %arg7: memref<79x128xi32, #tpu.memory_space<vmem>>, %arg8: memref<79x128xi32, #tpu.memory_space<vmem>>, %arg9: memref<128x128xf32, #tpu.memory_space<vmem>>, %arg10: memref<!tpu.dma_semaphore, #tpu.memory_space<semaphore_mem>>) attributes {dimension_semantics = [#tpu.dimension_semantics<core_parallel>, #tpu.dimension_semantics<subcore_parallel>], iteration_bounds = array<i64: 2, 16>, scalar_prefetch = 0 : i64, scratch_operands = 5 : i64, tpu.core_type = #tpu.core_type<sc_vector_subcore>, window_params = [{transform_indices = #map}, {transform_indices = #map1}, {transform_indices = #map1}, {transform_indices = #map1}]} {
    %mul3A = arith.constant 16 : i32
    %mul3A_0 = arith.muli %arg0, %mul3A : i32
    %add3A = arith.addi %mul3A_0, %arg1 : i32
    %mul3A_1 = arith.constant 632 : i32
    %mul3A_2 = arith.muli %arg1, %mul3A_1 : i32
    "tpu.region"() ({
      %run_scoped3A = tpu.sem_alloc : memref<!tpu.dma_semaphore, #tpu.memory_space<semaphore_mem>>
      %dma_start3A = arith.constant 0 : i32
      %dma_start3A_9 = tpu.memref_slice %arg6[%mul3A_2, %dma_start3A] : memref<10112x128xf32, #tpu.memory_space<vmem_shared>> -> memref<632x128xf32, #tpu.memory_space<vmem_shared>>
      %dma_start3A_10 = arith.constant 0 : i32
      %dma_start3A_11 = tpu.memref_slice %arg2[%mul3A_2, %dma_start3A_10] : memref<10112x128xf32, #tpu.memory_space<hbm>> -> memref<632x128xf32, #tpu.memory_space<hbm>>
      tpu.enqueue_dma source(%dma_start3A_11 : memref<632x128xf32, #tpu.memory_space<hbm>>) target(%dma_start3A_9 : memref<632x128xf32, #tpu.memory_space<vmem_shared>>) target_semaphore(%run_scoped3A : memref<!tpu.dma_semaphore, #tpu.memory_space<semaphore_mem>>)
      %dma_wait3A = arith.constant 0 : i32
      %dma_wait3A_12 = tpu.memref_slice %arg6[%mul3A_2, %dma_wait3A] : memref<10112x128xf32, #tpu.memory_space<vmem_shared>> -> memref<632x128xf32, #tpu.memory_space<vmem_shared>>
      %dma_wait3A_13 = arith.constant 0 : i32
      %dma_wait3A_14 = tpu.memref_slice %arg2[%mul3A_2, %dma_wait3A_13] : memref<10112x128xf32, #tpu.memory_space<hbm>> -> memref<632x128xf32, #tpu.memory_space<hbm>>
      tpu.wait_dma2 semaphore(%run_scoped3A : memref<!tpu.dma_semaphore, #tpu.memory_space<semaphore_mem>>) src(%dma_wait3A_14 : memref<632x128xf32, #tpu.memory_space<hbm>>) dst(%dma_wait3A_12 : memref<632x128xf32, #tpu.memory_space<vmem_shared>>)
      tpu.yield
    }) : () -> ()
    "tpu.region"() ({
      %run_scoped3A = tpu.sem_alloc : memref<!tpu.dma_semaphore, #tpu.memory_space<semaphore_mem>>
      %dma_start3A = arith.constant 0 : i32
      %dma_start3A_9 = arith.constant 0 : i32
      %dma_start3A_10 = tpu.memref_slice %arg3[%add3A, %dma_start3A, %dma_start3A_9] : memref<32x79x128xi32, #tpu.memory_space<hbm>> -> memref<1x79x128xi32, #tpu.memory_space<hbm>>
      %dma_start3A_11 = tpu.memref_squeeze %dma_start3A_10 : memref<1x79x128xi32, #tpu.memory_space<hbm>> -> memref<79x128xi32, #tpu.memory_space<hbm>>
      %dma_start3A_12 = arith.constant 0 : i32
      %dma_start3A_13 = arith.constant 0 : i32
      %dma_start3A_14 = tpu.memref_slice %arg3[%add3A, %dma_start3A_12, %dma_start3A_13] : memref<32x79x128xi32, #tpu.memory_space<hbm>> -> memref<1x79x128xi32, #tpu.memory_space<hbm>>
      %dma_start3A_15 = tpu.memref_squeeze %dma_start3A_14 : memref<1x79x128xi32, #tpu.memory_space<hbm>> -> memref<79x128xi32, #tpu.memory_space<hbm>>
      tpu.enqueue_dma source(%dma_start3A_15 : memref<79x128xi32, #tpu.memory_space<hbm>>) target(%arg7 : memref<79x128xi32, #tpu.memory_space<vmem>>) target_semaphore(%run_scoped3A : memref<!tpu.dma_semaphore, #tpu.memory_space<semaphore_mem>>)
      %dma_wait3A = arith.constant 0 : i32
      %dma_wait3A_16 = arith.constant 0 : i32
      %dma_wait3A_17 = tpu.memref_slice %arg3[%add3A, %dma_wait3A, %dma_wait3A_16] : memref<32x79x128xi32, #tpu.memory_space<hbm>> -> memref<1x79x128xi32, #tpu.memory_space<hbm>>
      %dma_wait3A_18 = tpu.memref_squeeze %dma_wait3A_17 : memref<1x79x128xi32, #tpu.memory_space<hbm>> -> memref<79x128xi32, #tpu.memory_space<hbm>>
      %dma_wait3A_19 = arith.constant 0 : i32
      %dma_wait3A_20 = arith.constant 0 : i32
      %dma_wait3A_21 = tpu.memref_slice %arg3[%add3A, %dma_wait3A_19, %dma_wait3A_20] : memref<32x79x128xi32, #tpu.memory_space<hbm>> -> memref<1x79x128xi32, #tpu.memory_space<hbm>>
      %dma_wait3A_22 = tpu.memref_squeeze %dma_wait3A_21 : memref<1x79x128xi32, #tpu.memory_space<hbm>> -> memref<79x128xi32, #tpu.memory_space<hbm>>
      tpu.wait_dma2 semaphore(%run_scoped3A : memref<!tpu.dma_semaphore, #tpu.memory_space<semaphore_mem>>) src(%dma_wait3A_22 : memref<79x128xi32, #tpu.memory_space<hbm>>) dst(%arg7 : memref<79x128xi32, #tpu.memory_space<vmem>>)
      tpu.yield
    }) : () -> ()
    "tpu.region"() ({
      %run_scoped3A = tpu.sem_alloc : memref<!tpu.dma_semaphore, #tpu.memory_space<semaphore_mem>>
      %dma_start3A = arith.constant 0 : i32
      %dma_start3A_9 = arith.constant 0 : i32
      %dma_start3A_10 = tpu.memref_slice %arg4[%add3A, %dma_start3A, %dma_start3A_9] : memref<32x79x128xi32, #tpu.memory_space<hbm>> -> memref<1x79x128xi32, #tpu.memory_space<hbm>>
      %dma_start3A_11 = tpu.memref_squeeze %dma_start3A_10 : memref<1x79x128xi32, #tpu.memory_space<hbm>> -> memref<79x128xi32, #tpu.memory_space<hbm>>
      %dma_start3A_12 = arith.constant 0 : i32
      %dma_start3A_13 = arith.constant 0 : i32
      %dma_start3A_14 = tpu.memref_slice %arg4[%add3A, %dma_start3A_12, %dma_start3A_13] : memref<32x79x128xi32, #tpu.memory_space<hbm>> -> memref<1x79x128xi32, #tpu.memory_space<hbm>>
      %dma_start3A_15 = tpu.memref_squeeze %dma_start3A_14 : memref<1x79x128xi32, #tpu.memory_space<hbm>> -> memref<79x128xi32, #tpu.memory_space<hbm>>
      tpu.enqueue_dma source(%dma_start3A_15 : memref<79x128xi32, #tpu.memory_space<hbm>>) target(%arg8 : memref<79x128xi32, #tpu.memory_space<vmem>>) target_semaphore(%run_scoped3A : memref<!tpu.dma_semaphore, #tpu.memory_space<semaphore_mem>>)
      %dma_wait3A = arith.constant 0 : i32
      %dma_wait3A_16 = arith.constant 0 : i32
      %dma_wait3A_17 = tpu.memref_slice %arg4[%add3A, %dma_wait3A, %dma_wait3A_16] : memref<32x79x128xi32, #tpu.memory_space<hbm>> -> memref<1x79x128xi32, #tpu.memory_space<hbm>>
      %dma_wait3A_18 = tpu.memref_squeeze %dma_wait3A_17 : memref<1x79x128xi32, #tpu.memory_space<hbm>> -> memref<79x128xi32, #tpu.memory_space<hbm>>
      %dma_wait3A_19 = arith.constant 0 : i32
      %dma_wait3A_20 = arith.constant 0 : i32
      %dma_wait3A_21 = tpu.memref_slice %arg4[%add3A, %dma_wait3A_19, %dma_wait3A_20] : memref<32x79x128xi32, #tpu.memory_space<hbm>> -> memref<1x79x128xi32, #tpu.memory_space<hbm>>
      %dma_wait3A_22 = tpu.memref_squeeze %dma_wait3A_21 : memref<1x79x128xi32, #tpu.memory_space<hbm>> -> memref<79x128xi32, #tpu.memory_space<hbm>>
      tpu.wait_dma2 semaphore(%run_scoped3A : memref<!tpu.dma_semaphore, #tpu.memory_space<semaphore_mem>>) src(%dma_wait3A_22 : memref<79x128xi32, #tpu.memory_space<hbm>>) dst(%arg8 : memref<79x128xi32, #tpu.memory_space<vmem>>)
      tpu.yield
    }) : () -> ()
    %barrier3A = arith.constant 0 : index
    tpu.barrier barrier_id(%barrier3A)
    %scan3A = arith.constant 0 : i32
    %scan3A_3 = arith.constant 0 : i32
    %scan3A_4 = arith.constant 79 : i32
    %scan3A_5 = arith.addi %scan3A_3, %scan3A_4 : i32
    %scan3A_6 = arith.constant 1 : i32
    scf.for %scan3A_9 = %scan3A_3 to %scan3A_5 step %scan3A_6  : i32 {
      %dma_start3A = arith.constant 0 : i32
      %dma_start3A_10 = tpu.memref_slice %arg7[%scan3A_9, %dma_start3A] : memref<79x128xi32, #tpu.memory_space<vmem>> -> memref<1x128xi32, #tpu.memory_space<vmem>>
      %dma_start3A_11 = tpu.memref_squeeze %dma_start3A_10 : memref<1x128xi32, #tpu.memory_space<vmem>> -> memref<128xi32, #tpu.memory_space<vmem>>
      %dma_start3A_12 = arith.constant 0 : i32
      %dma_start3A_13 = arith.constant 0 : i32
      %dma_start3A_14 = tpu.memref_slice %arg2[%dma_start3A_12, %dma_start3A_13] : memref<10112x128xf32, #tpu.memory_space<hbm>> -> memref<10112x128xf32, #tpu.memory_space<hbm>>
      tpu.enqueue_indirect_dma source(%dma_start3A_14 : memref<10112x128xf32, #tpu.memory_space<hbm>>) target(%arg9 : memref<128x128xf32, #tpu.memory_space<vmem>>) offsets(%dma_start3A_11 : memref<128xi32, #tpu.memory_space<vmem>>) semaphore(%arg10 : memref<!tpu.dma_semaphore, #tpu.memory_space<semaphore_mem>>)
      %dma_wait3A = arith.constant 0 : i32
      %dma_wait3A_15 = tpu.memref_slice %arg7[%scan3A_9, %dma_wait3A] : memref<79x128xi32, #tpu.memory_space<vmem>> -> memref<1x128xi32, #tpu.memory_space<vmem>>
      %dma_wait3A_16 = tpu.memref_squeeze %dma_wait3A_15 : memref<1x128xi32, #tpu.memory_space<vmem>> -> memref<128xi32, #tpu.memory_space<vmem>>
      %dma_wait3A_17 = arith.constant 0 : i32
      %dma_wait3A_18 = arith.constant 0 : i32
      %dma_wait3A_19 = tpu.memref_slice %arg2[%dma_wait3A_17, %dma_wait3A_18] : memref<10112x128xf32, #tpu.memory_space<hbm>> -> memref<10112x128xf32, #tpu.memory_space<hbm>>
      tpu.wait_indirect_dma semaphore(%arg10 : memref<!tpu.dma_semaphore, #tpu.memory_space<semaphore_mem>>) src(%dma_wait3A_19 : memref<10112x128xf32, #tpu.memory_space<hbm>>) dst(%arg9 : memref<128x128xf32, #tpu.memory_space<vmem>>)
      "tpu.region"() ({
        %run_scoped3A = tpu.sem_alloc : memref<!tpu.dma_semaphore, #tpu.memory_space<semaphore_mem>>
        %dma_start3A_20 = arith.constant 0 : i32
        %dma_start3A_21 = tpu.memref_slice %arg8[%scan3A_9, %dma_start3A_20] : memref<79x128xi32, #tpu.memory_space<vmem>> -> memref<1x128xi32, #tpu.memory_space<vmem>>
        %dma_start3A_22 = tpu.memref_squeeze %dma_start3A_21 : memref<1x128xi32, #tpu.memory_space<vmem>> -> memref<128xi32, #tpu.memory_space<vmem>>
        %dma_start3A_23 = arith.constant 0 : i32
        %dma_start3A_24 = arith.constant 0 : i32
        %dma_start3A_25 = tpu.memref_slice %arg6[%dma_start3A_23, %dma_start3A_24] : memref<10112x128xf32, #tpu.memory_space<vmem_shared>> -> memref<10112x128xf32, #tpu.memory_space<vmem_shared>>
        tpu.enqueue_indirect_dma source(%arg9 : memref<128x128xf32, #tpu.memory_space<vmem>>) target(%dma_start3A_25 : memref<10112x128xf32, #tpu.memory_space<vmem_shared>>) offsets(%dma_start3A_22 : memref<128xi32, #tpu.memory_space<vmem>>) semaphore(%run_scoped3A : memref<!tpu.dma_semaphore, #tpu.memory_space<semaphore_mem>>) {add = true}
        %dma_wait3A_26 = arith.constant 0 : i32
        %dma_wait3A_27 = tpu.memref_slice %arg8[%scan3A_9, %dma_wait3A_26] : memref<79x128xi32, #tpu.memory_space<vmem>> -> memref<1x128xi32, #tpu.memory_space<vmem>>
        %dma_wait3A_28 = tpu.memref_squeeze %dma_wait3A_27 : memref<1x128xi32, #tpu.memory_space<vmem>> -> memref<128xi32, #tpu.memory_space<vmem>>
        %dma_wait3A_29 = arith.constant 0 : i32
        %dma_wait3A_30 = arith.constant 0 : i32
        %dma_wait3A_31 = tpu.memref_slice %arg6[%dma_wait3A_29, %dma_wait3A_30] : memref<10112x128xf32, #tpu.memory_space<vmem_shared>> -> memref<10112x128xf32, #tpu.memory_space<vmem_shared>>
        tpu.wait_indirect_dma semaphore(%run_scoped3A : memref<!tpu.dma_semaphore, #tpu.memory_space<semaphore_mem>>) src(%arg9 : memref<128x128xf32, #tpu.memory_space<vmem>>) dst(%dma_wait3A_31 : memref<10112x128xf32, #tpu.memory_space<vmem_shared>>)
        tpu.yield
      }) : () -> ()
    }
    %scan3A_7 = arith.constant 79 : i32
    %barrier3A_8 = arith.constant 0 : index
    tpu.barrier barrier_id(%barrier3A_8)
    "tpu.region"() ({
      %run_scoped3A = tpu.sem_alloc : memref<!tpu.dma_semaphore, #tpu.memory_space<semaphore_mem>>
      %dma_start3A = arith.constant 0 : i32
      %dma_start3A_9 = tpu.memref_slice %arg5[%arg0, %mul3A_2, %dma_start3A] : memref<2x10112x128xf32, #tpu.memory_space<hbm>> -> memref<1x632x128xf32, #tpu.memory_space<hbm>>
      %dma_start3A_10 = tpu.memref_squeeze %dma_start3A_9 : memref<1x632x128xf32, #tpu.memory_space<hbm>> -> memref<632x128xf32, #tpu.memory_space<hbm>>
      %dma_start3A_11 = arith.constant 0 : i32
      %dma_start3A_12 = tpu.memref_slice %arg6[%mul3A_2, %dma_start3A_11] : memref<10112x128xf32, #tpu.memory_space<vmem_shared>> -> memref<632x128xf32, #tpu.memory_space<vmem_shared>>
      tpu.enqueue_dma source(%dma_start3A_12 : memref<632x128xf32, #tpu.memory_space<vmem_shared>>) target(%dma_start3A_10 : memref<632x128xf32, #tpu.memory_space<hbm>>) target_semaphore(%run_scoped3A : memref<!tpu.dma_semaphore, #tpu.memory_space<semaphore_mem>>)
      %dma_wait3A = arith.constant 0 : i32
      %dma_wait3A_13 = tpu.memref_slice %arg5[%arg0, %mul3A_2, %dma_wait3A] : memref<2x10112x128xf32, #tpu.memory_space<hbm>> -> memref<1x632x128xf32, #tpu.memory_space<hbm>>
      %dma_wait3A_14 = tpu.memref_squeeze %dma_wait3A_13 : memref<1x632x128xf32, #tpu.memory_space<hbm>> -> memref<632x128xf32, #tpu.memory_space<hbm>>
      %dma_wait3A_15 = arith.constant 0 : i32
      %dma_wait3A_16 = tpu.memref_slice %arg6[%mul3A_2, %dma_wait3A_15] : memref<10112x128xf32, #tpu.memory_space<vmem_shared>> -> memref<632x128xf32, #tpu.memory_space<vmem_shared>>
      tpu.wait_dma2 semaphore(%run_scoped3A : memref<!tpu.dma_semaphore, #tpu.memory_space<semaphore_mem>>) src(%dma_wait3A_16 : memref<632x128xf32, #tpu.memory_space<vmem_shared>>) dst(%dma_wait3A_14 : memref<632x128xf32, #tpu.memory_space<hbm>>)
      tpu.yield
    }) : () -> ()
    return
  }
}

#map = affine_map<(d0, d1) -> (0, 0)>
#map1 = affine_map<(d0, d1) -> (0, 0, 0)>
module attributes {stable_mosaic.version = 14 : i64} {
  func.func @_sc_propagate(%arg0: i32, %arg1: i32, %arg2: memref<10112x128xf32, #tpu.memory_space<hbm>>, %arg3: memref<32x79x128xi32, #tpu.memory_space<hbm>>, %arg4: memref<32x79x128xi32, #tpu.memory_space<hbm>>, %arg5: memref<2x10112x128xf32, #tpu.memory_space<hbm>>, %arg6: memref<10112x128xf32, #tpu.memory_space<vmem_shared>>, %arg7: memref<79x128xi32, #tpu.memory_space<vmem>>, %arg8: memref<79x128xi32, #tpu.memory_space<vmem>>, %arg9: memref<128x128xf32, #tpu.memory_space<vmem>>, %arg10: memref<!tpu.dma_semaphore, #tpu.memory_space<semaphore_mem>>) attributes {dimension_semantics = [#tpu.dimension_semantics<core_parallel>, #tpu.dimension_semantics<subcore_parallel>], iteration_bounds = array<i64: 2, 16>, scalar_prefetch = 0 : i64, scratch_operands = 5 : i64, tpu.core_type = #tpu.core_type<sc_vector_subcore>, window_params = [{transform_indices = #map}, {transform_indices = #map1}, {transform_indices = #map1}, {transform_indices = #map1}]} {
    %mul3A = arith.constant 16 : i32
    %mul3A_0 = arith.muli %arg0, %mul3A : i32
    %add3A = arith.addi %mul3A_0, %arg1 : i32
    %mul3A_1 = arith.constant 632 : i32
    %mul3A_2 = arith.muli %arg1, %mul3A_1 : i32
    "tpu.region"() ({
      %run_scoped3A = tpu.sem_alloc : memref<!tpu.dma_semaphore, #tpu.memory_space<semaphore_mem>>
      %dma_start3A = arith.constant 0 : i32
      %dma_start3A_9 = tpu.memref_slice %arg6[%mul3A_2, %dma_start3A] : memref<10112x128xf32, #tpu.memory_space<vmem_shared>> -> memref<632x128xf32, #tpu.memory_space<vmem_shared>>
      %dma_start3A_10 = arith.constant 0 : i32
      %dma_start3A_11 = tpu.memref_slice %arg2[%mul3A_2, %dma_start3A_10] : memref<10112x128xf32, #tpu.memory_space<hbm>> -> memref<632x128xf32, #tpu.memory_space<hbm>>
      tpu.enqueue_dma source(%dma_start3A_11 : memref<632x128xf32, #tpu.memory_space<hbm>>) target(%dma_start3A_9 : memref<632x128xf32, #tpu.memory_space<vmem_shared>>) target_semaphore(%run_scoped3A : memref<!tpu.dma_semaphore, #tpu.memory_space<semaphore_mem>>)
      %dma_wait3A = arith.constant 0 : i32
      %dma_wait3A_12 = tpu.memref_slice %arg6[%mul3A_2, %dma_wait3A] : memref<10112x128xf32, #tpu.memory_space<vmem_shared>> -> memref<632x128xf32, #tpu.memory_space<vmem_shared>>
      %dma_wait3A_13 = arith.constant 0 : i32
      %dma_wait3A_14 = tpu.memref_slice %arg2[%mul3A_2, %dma_wait3A_13] : memref<10112x128xf32, #tpu.memory_space<hbm>> -> memref<632x128xf32, #tpu.memory_space<hbm>>
      tpu.wait_dma2 semaphore(%run_scoped3A : memref<!tpu.dma_semaphore, #tpu.memory_space<semaphore_mem>>) src(%dma_wait3A_14 : memref<632x128xf32, #tpu.memory_space<hbm>>) dst(%dma_wait3A_12 : memref<632x128xf32, #tpu.memory_space<vmem_shared>>)
      tpu.yield
    }) : () -> ()
    "tpu.region"() ({
      %run_scoped3A = tpu.sem_alloc : memref<!tpu.dma_semaphore, #tpu.memory_space<semaphore_mem>>
      %dma_start3A = arith.constant 0 : i32
      %dma_start3A_9 = arith.constant 0 : i32
      %dma_start3A_10 = tpu.memref_slice %arg3[%add3A, %dma_start3A, %dma_start3A_9] : memref<32x79x128xi32, #tpu.memory_space<hbm>> -> memref<1x79x128xi32, #tpu.memory_space<hbm>>
      %dma_start3A_11 = tpu.memref_squeeze %dma_start3A_10 : memref<1x79x128xi32, #tpu.memory_space<hbm>> -> memref<79x128xi32, #tpu.memory_space<hbm>>
      %dma_start3A_12 = arith.constant 0 : i32
      %dma_start3A_13 = arith.constant 0 : i32
      %dma_start3A_14 = tpu.memref_slice %arg3[%add3A, %dma_start3A_12, %dma_start3A_13] : memref<32x79x128xi32, #tpu.memory_space<hbm>> -> memref<1x79x128xi32, #tpu.memory_space<hbm>>
      %dma_start3A_15 = tpu.memref_squeeze %dma_start3A_14 : memref<1x79x128xi32, #tpu.memory_space<hbm>> -> memref<79x128xi32, #tpu.memory_space<hbm>>
      tpu.enqueue_dma source(%dma_start3A_15 : memref<79x128xi32, #tpu.memory_space<hbm>>) target(%arg7 : memref<79x128xi32, #tpu.memory_space<vmem>>) target_semaphore(%run_scoped3A : memref<!tpu.dma_semaphore, #tpu.memory_space<semaphore_mem>>)
      %dma_wait3A = arith.constant 0 : i32
      %dma_wait3A_16 = arith.constant 0 : i32
      %dma_wait3A_17 = tpu.memref_slice %arg3[%add3A, %dma_wait3A, %dma_wait3A_16] : memref<32x79x128xi32, #tpu.memory_space<hbm>> -> memref<1x79x128xi32, #tpu.memory_space<hbm>>
      %dma_wait3A_18 = tpu.memref_squeeze %dma_wait3A_17 : memref<1x79x128xi32, #tpu.memory_space<hbm>> -> memref<79x128xi32, #tpu.memory_space<hbm>>
      %dma_wait3A_19 = arith.constant 0 : i32
      %dma_wait3A_20 = arith.constant 0 : i32
      %dma_wait3A_21 = tpu.memref_slice %arg3[%add3A, %dma_wait3A_19, %dma_wait3A_20] : memref<32x79x128xi32, #tpu.memory_space<hbm>> -> memref<1x79x128xi32, #tpu.memory_space<hbm>>
      %dma_wait3A_22 = tpu.memref_squeeze %dma_wait3A_21 : memref<1x79x128xi32, #tpu.memory_space<hbm>> -> memref<79x128xi32, #tpu.memory_space<hbm>>
      tpu.wait_dma2 semaphore(%run_scoped3A : memref<!tpu.dma_semaphore, #tpu.memory_space<semaphore_mem>>) src(%dma_wait3A_22 : memref<79x128xi32, #tpu.memory_space<hbm>>) dst(%arg7 : memref<79x128xi32, #tpu.memory_space<vmem>>)
      tpu.yield
    }) : () -> ()
    "tpu.region"() ({
      %run_scoped3A = tpu.sem_alloc : memref<!tpu.dma_semaphore, #tpu.memory_space<semaphore_mem>>
      %dma_start3A = arith.constant 0 : i32
      %dma_start3A_9 = arith.constant 0 : i32
      %dma_start3A_10 = tpu.memref_slice %arg4[%add3A, %dma_start3A, %dma_start3A_9] : memref<32x79x128xi32, #tpu.memory_space<hbm>> -> memref<1x79x128xi32, #tpu.memory_space<hbm>>
      %dma_start3A_11 = tpu.memref_squeeze %dma_start3A_10 : memref<1x79x128xi32, #tpu.memory_space<hbm>> -> memref<79x128xi32, #tpu.memory_space<hbm>>
      %dma_start3A_12 = arith.constant 0 : i32
      %dma_start3A_13 = arith.constant 0 : i32
      %dma_start3A_14 = tpu.memref_slice %arg4[%add3A, %dma_start3A_12, %dma_start3A_13] : memref<32x79x128xi32, #tpu.memory_space<hbm>> -> memref<1x79x128xi32, #tpu.memory_space<hbm>>
      %dma_start3A_15 = tpu.memref_squeeze %dma_start3A_14 : memref<1x79x128xi32, #tpu.memory_space<hbm>> -> memref<79x128xi32, #tpu.memory_space<hbm>>
      tpu.enqueue_dma source(%dma_start3A_15 : memref<79x128xi32, #tpu.memory_space<hbm>>) target(%arg8 : memref<79x128xi32, #tpu.memory_space<vmem>>) target_semaphore(%run_scoped3A : memref<!tpu.dma_semaphore, #tpu.memory_space<semaphore_mem>>)
      %dma_wait3A = arith.constant 0 : i32
      %dma_wait3A_16 = arith.constant 0 : i32
      %dma_wait3A_17 = tpu.memref_slice %arg4[%add3A, %dma_wait3A, %dma_wait3A_16] : memref<32x79x128xi32, #tpu.memory_space<hbm>> -> memref<1x79x128xi32, #tpu.memory_space<hbm>>
      %dma_wait3A_18 = tpu.memref_squeeze %dma_wait3A_17 : memref<1x79x128xi32, #tpu.memory_space<hbm>> -> memref<79x128xi32, #tpu.memory_space<hbm>>
      %dma_wait3A_19 = arith.constant 0 : i32
      %dma_wait3A_20 = arith.constant 0 : i32
      %dma_wait3A_21 = tpu.memref_slice %arg4[%add3A, %dma_wait3A_19, %dma_wait3A_20] : memref<32x79x128xi32, #tpu.memory_space<hbm>> -> memref<1x79x128xi32, #tpu.memory_space<hbm>>
      %dma_wait3A_22 = tpu.memref_squeeze %dma_wait3A_21 : memref<1x79x128xi32, #tpu.memory_space<hbm>> -> memref<79x128xi32, #tpu.memory_space<hbm>>
      tpu.wait_dma2 semaphore(%run_scoped3A : memref<!tpu.dma_semaphore, #tpu.memory_space<semaphore_mem>>) src(%dma_wait3A_22 : memref<79x128xi32, #tpu.memory_space<hbm>>) dst(%arg8 : memref<79x128xi32, #tpu.memory_space<vmem>>)
      tpu.yield
    }) : () -> ()
    %barrier3A = arith.constant 0 : index
    tpu.barrier barrier_id(%barrier3A)
    %scan3A = arith.constant 0 : i32
    %scan3A_3 = arith.constant 0 : i32
    %scan3A_4 = arith.constant 79 : i32
    %scan3A_5 = arith.addi %scan3A_3, %scan3A_4 : i32
    %scan3A_6 = arith.constant 1 : i32
    scf.for %scan3A_9 = %scan3A_3 to %scan3A_5 step %scan3A_6  : i32 {
      %dma_start3A = arith.constant 0 : i32
      %dma_start3A_10 = tpu.memref_slice %arg7[%scan3A_9, %dma_start3A] : memref<79x128xi32, #tpu.memory_space<vmem>> -> memref<1x128xi32, #tpu.memory_space<vmem>>
      %dma_start3A_11 = tpu.memref_squeeze %dma_start3A_10 : memref<1x128xi32, #tpu.memory_space<vmem>> -> memref<128xi32, #tpu.memory_space<vmem>>
      %dma_start3A_12 = arith.constant 0 : i32
      %dma_start3A_13 = arith.constant 0 : i32
      %dma_start3A_14 = tpu.memref_slice %arg2[%dma_start3A_12, %dma_start3A_13] : memref<10112x128xf32, #tpu.memory_space<hbm>> -> memref<10112x128xf32, #tpu.memory_space<hbm>>
      tpu.enqueue_indirect_dma source(%dma_start3A_14 : memref<10112x128xf32, #tpu.memory_space<hbm>>) target(%arg9 : memref<128x128xf32, #tpu.memory_space<vmem>>) offsets(%dma_start3A_11 : memref<128xi32, #tpu.memory_space<vmem>>) semaphore(%arg10 : memref<!tpu.dma_semaphore, #tpu.memory_space<semaphore_mem>>)
      %dma_wait3A = arith.constant 0 : i32
      %dma_wait3A_15 = tpu.memref_slice %arg7[%scan3A_9, %dma_wait3A] : memref<79x128xi32, #tpu.memory_space<vmem>> -> memref<1x128xi32, #tpu.memory_space<vmem>>
      %dma_wait3A_16 = tpu.memref_squeeze %dma_wait3A_15 : memref<1x128xi32, #tpu.memory_space<vmem>> -> memref<128xi32, #tpu.memory_space<vmem>>
      %dma_wait3A_17 = arith.constant 0 : i32
      %dma_wait3A_18 = arith.constant 0 : i32
      %dma_wait3A_19 = tpu.memref_slice %arg2[%dma_wait3A_17, %dma_wait3A_18] : memref<10112x128xf32, #tpu.memory_space<hbm>> -> memref<10112x128xf32, #tpu.memory_space<hbm>>
      tpu.wait_indirect_dma semaphore(%arg10 : memref<!tpu.dma_semaphore, #tpu.memory_space<semaphore_mem>>) src(%dma_wait3A_19 : memref<10112x128xf32, #tpu.memory_space<hbm>>) dst(%arg9 : memref<128x128xf32, #tpu.memory_space<vmem>>)
      "tpu.region"() ({
        %run_scoped3A = tpu.sem_alloc : memref<!tpu.dma_semaphore, #tpu.memory_space<semaphore_mem>>
        %dma_start3A_20 = arith.constant 0 : i32
        %dma_start3A_21 = tpu.memref_slice %arg8[%scan3A_9, %dma_start3A_20] : memref<79x128xi32, #tpu.memory_space<vmem>> -> memref<1x128xi32, #tpu.memory_space<vmem>>
        %dma_start3A_22 = tpu.memref_squeeze %dma_start3A_21 : memref<1x128xi32, #tpu.memory_space<vmem>> -> memref<128xi32, #tpu.memory_space<vmem>>
        %dma_start3A_23 = arith.constant 0 : i32
        %dma_start3A_24 = arith.constant 0 : i32
        %dma_start3A_25 = tpu.memref_slice %arg6[%dma_start3A_23, %dma_start3A_24] : memref<10112x128xf32, #tpu.memory_space<vmem_shared>> -> memref<10112x128xf32, #tpu.memory_space<vmem_shared>>
        tpu.enqueue_indirect_dma source(%arg9 : memref<128x128xf32, #tpu.memory_space<vmem>>) target(%dma_start3A_25 : memref<10112x128xf32, #tpu.memory_space<vmem_shared>>) offsets(%dma_start3A_22 : memref<128xi32, #tpu.memory_space<vmem>>) semaphore(%run_scoped3A : memref<!tpu.dma_semaphore, #tpu.memory_space<semaphore_mem>>) {add = true}
        %dma_wait3A_26 = arith.constant 0 : i32
        %dma_wait3A_27 = tpu.memref_slice %arg8[%scan3A_9, %dma_wait3A_26] : memref<79x128xi32, #tpu.memory_space<vmem>> -> memref<1x128xi32, #tpu.memory_space<vmem>>
        %dma_wait3A_28 = tpu.memref_squeeze %dma_wait3A_27 : memref<1x128xi32, #tpu.memory_space<vmem>> -> memref<128xi32, #tpu.memory_space<vmem>>
        %dma_wait3A_29 = arith.constant 0 : i32
        %dma_wait3A_30 = arith.constant 0 : i32
        %dma_wait3A_31 = tpu.memref_slice %arg6[%dma_wait3A_29, %dma_wait3A_30] : memref<10112x128xf32, #tpu.memory_space<vmem_shared>> -> memref<10112x128xf32, #tpu.memory_space<vmem_shared>>
        tpu.wait_indirect_dma semaphore(%run_scoped3A : memref<!tpu.dma_semaphore, #tpu.memory_space<semaphore_mem>>) src(%arg9 : memref<128x128xf32, #tpu.memory_space<vmem>>) dst(%dma_wait3A_31 : memref<10112x128xf32, #tpu.memory_space<vmem_shared>>)
        tpu.yield
      }) : () -> ()
    }
    %scan3A_7 = arith.constant 79 : i32
    %barrier3A_8 = arith.constant 0 : index
    tpu.barrier barrier_id(%barrier3A_8)
    "tpu.region"() ({
      %run_scoped3A = tpu.sem_alloc : memref<!tpu.dma_semaphore, #tpu.memory_space<semaphore_mem>>
      %dma_start3A = arith.constant 0 : i32
      %dma_start3A_9 = tpu.memref_slice %arg5[%arg0, %mul3A_2, %dma_start3A] : memref<2x10112x128xf32, #tpu.memory_space<hbm>> -> memref<1x632x128xf32, #tpu.memory_space<hbm>>
      %dma_start3A_10 = tpu.memref_squeeze %dma_start3A_9 : memref<1x632x128xf32, #tpu.memory_space<hbm>> -> memref<632x128xf32, #tpu.memory_space<hbm>>
      %dma_start3A_11 = arith.constant 0 : i32
      %dma_start3A_12 = tpu.memref_slice %arg6[%mul3A_2, %dma_start3A_11] : memref<10112x128xf32, #tpu.memory_space<vmem_shared>> -> memref<632x128xf32, #tpu.memory_space<vmem_shared>>
      tpu.enqueue_dma source(%dma_start3A_12 : memref<632x128xf32, #tpu.memory_space<vmem_shared>>) target(%dma_start3A_10 : memref<632x128xf32, #tpu.memory_space<hbm>>) target_semaphore(%run_scoped3A : memref<!tpu.dma_semaphore, #tpu.memory_space<semaphore_mem>>)
      %dma_wait3A = arith.constant 0 : i32
      %dma_wait3A_13 = tpu.memref_slice %arg5[%arg0, %mul3A_2, %dma_wait3A] : memref<2x10112x128xf32, #tpu.memory_space<hbm>> -> memref<1x632x128xf32, #tpu.memory_space<hbm>>
      %dma_wait3A_14 = tpu.memref_squeeze %dma_wait3A_13 : memref<1x632x128xf32, #tpu.memory_space<hbm>> -> memref<632x128xf32, #tpu.memory_space<hbm>>
      %dma_wait3A_15 = arith.constant 0 : i32
      %dma_wait3A_16 = tpu.memref_slice %arg6[%mul3A_2, %dma_wait3A_15] : memref<10112x128xf32, #tpu.memory_space<vmem_shared>> -> memref<632x128xf32, #tpu.memory_space<vmem_shared>>
      tpu.wait_dma2 semaphore(%run_scoped3A : memref<!tpu.dma_semaphore, #tpu.memory_space<semaphore_mem>>) src(%dma_wait3A_16 : memref<632x128xf32, #tpu.memory_space<vmem_shared>>) dst(%dma_wait3A_14 : memref<632x128xf32, #tpu.memory_space<hbm>>)
      tpu.yield
    }) : () -> ()
    return
  }
}

#map = affine_map<(d0, d1) -> (0, 0)>
#map1 = affine_map<(d0, d1) -> (0, 0, 0)>
module attributes {stable_mosaic.version = 14 : i64} {
  func.func @_sc_propagate(%arg0: i32, %arg1: i32, %arg2: memref<10112x128xf32, #tpu.memory_space<hbm>>, %arg3: memref<32x79x128xi32, #tpu.memory_space<hbm>>, %arg4: memref<32x79x128xi32, #tpu.memory_space<hbm>>, %arg5: memref<2x10112x128xf32, #tpu.memory_space<hbm>>, %arg6: memref<10112x128xf32, #tpu.memory_space<vmem_shared>>, %arg7: memref<79x128xi32, #tpu.memory_space<vmem>>, %arg8: memref<79x128xi32, #tpu.memory_space<vmem>>, %arg9: memref<128x128xf32, #tpu.memory_space<vmem>>, %arg10: memref<!tpu.dma_semaphore, #tpu.memory_space<semaphore_mem>>) attributes {dimension_semantics = [#tpu.dimension_semantics<core_parallel>, #tpu.dimension_semantics<subcore_parallel>], iteration_bounds = array<i64: 2, 16>, scalar_prefetch = 0 : i64, scratch_operands = 5 : i64, tpu.core_type = #tpu.core_type<sc_vector_subcore>, window_params = [{transform_indices = #map}, {transform_indices = #map1}, {transform_indices = #map1}, {transform_indices = #map1}]} {
    %mul3A = arith.constant 16 : i32
    %mul3A_0 = arith.muli %arg0, %mul3A : i32
    %add3A = arith.addi %mul3A_0, %arg1 : i32
    %mul3A_1 = arith.constant 632 : i32
    %mul3A_2 = arith.muli %arg1, %mul3A_1 : i32
    "tpu.region"() ({
      %run_scoped3A = tpu.sem_alloc : memref<!tpu.dma_semaphore, #tpu.memory_space<semaphore_mem>>
      %dma_start3A = arith.constant 0 : i32
      %dma_start3A_9 = tpu.memref_slice %arg6[%mul3A_2, %dma_start3A] : memref<10112x128xf32, #tpu.memory_space<vmem_shared>> -> memref<632x128xf32, #tpu.memory_space<vmem_shared>>
      %dma_start3A_10 = arith.constant 0 : i32
      %dma_start3A_11 = tpu.memref_slice %arg2[%mul3A_2, %dma_start3A_10] : memref<10112x128xf32, #tpu.memory_space<hbm>> -> memref<632x128xf32, #tpu.memory_space<hbm>>
      tpu.enqueue_dma source(%dma_start3A_11 : memref<632x128xf32, #tpu.memory_space<hbm>>) target(%dma_start3A_9 : memref<632x128xf32, #tpu.memory_space<vmem_shared>>) target_semaphore(%run_scoped3A : memref<!tpu.dma_semaphore, #tpu.memory_space<semaphore_mem>>)
      %dma_wait3A = arith.constant 0 : i32
      %dma_wait3A_12 = tpu.memref_slice %arg6[%mul3A_2, %dma_wait3A] : memref<10112x128xf32, #tpu.memory_space<vmem_shared>> -> memref<632x128xf32, #tpu.memory_space<vmem_shared>>
      %dma_wait3A_13 = arith.constant 0 : i32
      %dma_wait3A_14 = tpu.memref_slice %arg2[%mul3A_2, %dma_wait3A_13] : memref<10112x128xf32, #tpu.memory_space<hbm>> -> memref<632x128xf32, #tpu.memory_space<hbm>>
      tpu.wait_dma2 semaphore(%run_scoped3A : memref<!tpu.dma_semaphore, #tpu.memory_space<semaphore_mem>>) src(%dma_wait3A_14 : memref<632x128xf32, #tpu.memory_space<hbm>>) dst(%dma_wait3A_12 : memref<632x128xf32, #tpu.memory_space<vmem_shared>>)
      tpu.yield
    }) : () -> ()
    "tpu.region"() ({
      %run_scoped3A = tpu.sem_alloc : memref<!tpu.dma_semaphore, #tpu.memory_space<semaphore_mem>>
      %dma_start3A = arith.constant 0 : i32
      %dma_start3A_9 = arith.constant 0 : i32
      %dma_start3A_10 = tpu.memref_slice %arg3[%add3A, %dma_start3A, %dma_start3A_9] : memref<32x79x128xi32, #tpu.memory_space<hbm>> -> memref<1x79x128xi32, #tpu.memory_space<hbm>>
      %dma_start3A_11 = tpu.memref_squeeze %dma_start3A_10 : memref<1x79x128xi32, #tpu.memory_space<hbm>> -> memref<79x128xi32, #tpu.memory_space<hbm>>
      %dma_start3A_12 = arith.constant 0 : i32
      %dma_start3A_13 = arith.constant 0 : i32
      %dma_start3A_14 = tpu.memref_slice %arg3[%add3A, %dma_start3A_12, %dma_start3A_13] : memref<32x79x128xi32, #tpu.memory_space<hbm>> -> memref<1x79x128xi32, #tpu.memory_space<hbm>>
      %dma_start3A_15 = tpu.memref_squeeze %dma_start3A_14 : memref<1x79x128xi32, #tpu.memory_space<hbm>> -> memref<79x128xi32, #tpu.memory_space<hbm>>
      tpu.enqueue_dma source(%dma_start3A_15 : memref<79x128xi32, #tpu.memory_space<hbm>>) target(%arg7 : memref<79x128xi32, #tpu.memory_space<vmem>>) target_semaphore(%run_scoped3A : memref<!tpu.dma_semaphore, #tpu.memory_space<semaphore_mem>>)
      %dma_wait3A = arith.constant 0 : i32
      %dma_wait3A_16 = arith.constant 0 : i32
      %dma_wait3A_17 = tpu.memref_slice %arg3[%add3A, %dma_wait3A, %dma_wait3A_16] : memref<32x79x128xi32, #tpu.memory_space<hbm>> -> memref<1x79x128xi32, #tpu.memory_space<hbm>>
      %dma_wait3A_18 = tpu.memref_squeeze %dma_wait3A_17 : memref<1x79x128xi32, #tpu.memory_space<hbm>> -> memref<79x128xi32, #tpu.memory_space<hbm>>
      %dma_wait3A_19 = arith.constant 0 : i32
      %dma_wait3A_20 = arith.constant 0 : i32
      %dma_wait3A_21 = tpu.memref_slice %arg3[%add3A, %dma_wait3A_19, %dma_wait3A_20] : memref<32x79x128xi32, #tpu.memory_space<hbm>> -> memref<1x79x128xi32, #tpu.memory_space<hbm>>
      %dma_wait3A_22 = tpu.memref_squeeze %dma_wait3A_21 : memref<1x79x128xi32, #tpu.memory_space<hbm>> -> memref<79x128xi32, #tpu.memory_space<hbm>>
      tpu.wait_dma2 semaphore(%run_scoped3A : memref<!tpu.dma_semaphore, #tpu.memory_space<semaphore_mem>>) src(%dma_wait3A_22 : memref<79x128xi32, #tpu.memory_space<hbm>>) dst(%arg7 : memref<79x128xi32, #tpu.memory_space<vmem>>)
      tpu.yield
    }) : () -> ()
    "tpu.region"() ({
      %run_scoped3A = tpu.sem_alloc : memref<!tpu.dma_semaphore, #tpu.memory_space<semaphore_mem>>
      %dma_start3A = arith.constant 0 : i32
      %dma_start3A_9 = arith.constant 0 : i32
      %dma_start3A_10 = tpu.memref_slice %arg4[%add3A, %dma_start3A, %dma_start3A_9] : memref<32x79x128xi32, #tpu.memory_space<hbm>> -> memref<1x79x128xi32, #tpu.memory_space<hbm>>
      %dma_start3A_11 = tpu.memref_squeeze %dma_start3A_10 : memref<1x79x128xi32, #tpu.memory_space<hbm>> -> memref<79x128xi32, #tpu.memory_space<hbm>>
      %dma_start3A_12 = arith.constant 0 : i32
      %dma_start3A_13 = arith.constant 0 : i32
      %dma_start3A_14 = tpu.memref_slice %arg4[%add3A, %dma_start3A_12, %dma_start3A_13] : memref<32x79x128xi32, #tpu.memory_space<hbm>> -> memref<1x79x128xi32, #tpu.memory_space<hbm>>
      %dma_start3A_15 = tpu.memref_squeeze %dma_start3A_14 : memref<1x79x128xi32, #tpu.memory_space<hbm>> -> memref<79x128xi32, #tpu.memory_space<hbm>>
      tpu.enqueue_dma source(%dma_start3A_15 : memref<79x128xi32, #tpu.memory_space<hbm>>) target(%arg8 : memref<79x128xi32, #tpu.memory_space<vmem>>) target_semaphore(%run_scoped3A : memref<!tpu.dma_semaphore, #tpu.memory_space<semaphore_mem>>)
      %dma_wait3A = arith.constant 0 : i32
      %dma_wait3A_16 = arith.constant 0 : i32
      %dma_wait3A_17 = tpu.memref_slice %arg4[%add3A, %dma_wait3A, %dma_wait3A_16] : memref<32x79x128xi32, #tpu.memory_space<hbm>> -> memref<1x79x128xi32, #tpu.memory_space<hbm>>
      %dma_wait3A_18 = tpu.memref_squeeze %dma_wait3A_17 : memref<1x79x128xi32, #tpu.memory_space<hbm>> -> memref<79x128xi32, #tpu.memory_space<hbm>>
      %dma_wait3A_19 = arith.constant 0 : i32
      %dma_wait3A_20 = arith.constant 0 : i32
      %dma_wait3A_21 = tpu.memref_slice %arg4[%add3A, %dma_wait3A_19, %dma_wait3A_20] : memref<32x79x128xi32, #tpu.memory_space<hbm>> -> memref<1x79x128xi32, #tpu.memory_space<hbm>>
      %dma_wait3A_22 = tpu.memref_squeeze %dma_wait3A_21 : memref<1x79x128xi32, #tpu.memory_space<hbm>> -> memref<79x128xi32, #tpu.memory_space<hbm>>
      tpu.wait_dma2 semaphore(%run_scoped3A : memref<!tpu.dma_semaphore, #tpu.memory_space<semaphore_mem>>) src(%dma_wait3A_22 : memref<79x128xi32, #tpu.memory_space<hbm>>) dst(%arg8 : memref<79x128xi32, #tpu.memory_space<vmem>>)
      tpu.yield
    }) : () -> ()
    %barrier3A = arith.constant 0 : index
    tpu.barrier barrier_id(%barrier3A)
    %scan3A = arith.constant 0 : i32
    %scan3A_3 = arith.constant 0 : i32
    %scan3A_4 = arith.constant 79 : i32
    %scan3A_5 = arith.addi %scan3A_3, %scan3A_4 : i32
    %scan3A_6 = arith.constant 1 : i32
    scf.for %scan3A_9 = %scan3A_3 to %scan3A_5 step %scan3A_6  : i32 {
      %dma_start3A = arith.constant 0 : i32
      %dma_start3A_10 = tpu.memref_slice %arg7[%scan3A_9, %dma_start3A] : memref<79x128xi32, #tpu.memory_space<vmem>> -> memref<1x128xi32, #tpu.memory_space<vmem>>
      %dma_start3A_11 = tpu.memref_squeeze %dma_start3A_10 : memref<1x128xi32, #tpu.memory_space<vmem>> -> memref<128xi32, #tpu.memory_space<vmem>>
      %dma_start3A_12 = arith.constant 0 : i32
      %dma_start3A_13 = arith.constant 0 : i32
      %dma_start3A_14 = tpu.memref_slice %arg2[%dma_start3A_12, %dma_start3A_13] : memref<10112x128xf32, #tpu.memory_space<hbm>> -> memref<10112x128xf32, #tpu.memory_space<hbm>>
      tpu.enqueue_indirect_dma source(%dma_start3A_14 : memref<10112x128xf32, #tpu.memory_space<hbm>>) target(%arg9 : memref<128x128xf32, #tpu.memory_space<vmem>>) offsets(%dma_start3A_11 : memref<128xi32, #tpu.memory_space<vmem>>) semaphore(%arg10 : memref<!tpu.dma_semaphore, #tpu.memory_space<semaphore_mem>>)
      %dma_wait3A = arith.constant 0 : i32
      %dma_wait3A_15 = tpu.memref_slice %arg7[%scan3A_9, %dma_wait3A] : memref<79x128xi32, #tpu.memory_space<vmem>> -> memref<1x128xi32, #tpu.memory_space<vmem>>
      %dma_wait3A_16 = tpu.memref_squeeze %dma_wait3A_15 : memref<1x128xi32, #tpu.memory_space<vmem>> -> memref<128xi32, #tpu.memory_space<vmem>>
      %dma_wait3A_17 = arith.constant 0 : i32
      %dma_wait3A_18 = arith.constant 0 : i32
      %dma_wait3A_19 = tpu.memref_slice %arg2[%dma_wait3A_17, %dma_wait3A_18] : memref<10112x128xf32, #tpu.memory_space<hbm>> -> memref<10112x128xf32, #tpu.memory_space<hbm>>
      tpu.wait_indirect_dma semaphore(%arg10 : memref<!tpu.dma_semaphore, #tpu.memory_space<semaphore_mem>>) src(%dma_wait3A_19 : memref<10112x128xf32, #tpu.memory_space<hbm>>) dst(%arg9 : memref<128x128xf32, #tpu.memory_space<vmem>>)
      "tpu.region"() ({
        %run_scoped3A = tpu.sem_alloc : memref<!tpu.dma_semaphore, #tpu.memory_space<semaphore_mem>>
        %dma_start3A_20 = arith.constant 0 : i32
        %dma_start3A_21 = tpu.memref_slice %arg8[%scan3A_9, %dma_start3A_20] : memref<79x128xi32, #tpu.memory_space<vmem>> -> memref<1x128xi32, #tpu.memory_space<vmem>>
        %dma_start3A_22 = tpu.memref_squeeze %dma_start3A_21 : memref<1x128xi32, #tpu.memory_space<vmem>> -> memref<128xi32, #tpu.memory_space<vmem>>
        %dma_start3A_23 = arith.constant 0 : i32
        %dma_start3A_24 = arith.constant 0 : i32
        %dma_start3A_25 = tpu.memref_slice %arg6[%dma_start3A_23, %dma_start3A_24] : memref<10112x128xf32, #tpu.memory_space<vmem_shared>> -> memref<10112x128xf32, #tpu.memory_space<vmem_shared>>
        tpu.enqueue_indirect_dma source(%arg9 : memref<128x128xf32, #tpu.memory_space<vmem>>) target(%dma_start3A_25 : memref<10112x128xf32, #tpu.memory_space<vmem_shared>>) offsets(%dma_start3A_22 : memref<128xi32, #tpu.memory_space<vmem>>) semaphore(%run_scoped3A : memref<!tpu.dma_semaphore, #tpu.memory_space<semaphore_mem>>) {add = true}
        %dma_wait3A_26 = arith.constant 0 : i32
        %dma_wait3A_27 = tpu.memref_slice %arg8[%scan3A_9, %dma_wait3A_26] : memref<79x128xi32, #tpu.memory_space<vmem>> -> memref<1x128xi32, #tpu.memory_space<vmem>>
        %dma_wait3A_28 = tpu.memref_squeeze %dma_wait3A_27 : memref<1x128xi32, #tpu.memory_space<vmem>> -> memref<128xi32, #tpu.memory_space<vmem>>
        %dma_wait3A_29 = arith.constant 0 : i32
        %dma_wait3A_30 = arith.constant 0 : i32
        %dma_wait3A_31 = tpu.memref_slice %arg6[%dma_wait3A_29, %dma_wait3A_30] : memref<10112x128xf32, #tpu.memory_space<vmem_shared>> -> memref<10112x128xf32, #tpu.memory_space<vmem_shared>>
        tpu.wait_indirect_dma semaphore(%run_scoped3A : memref<!tpu.dma_semaphore, #tpu.memory_space<semaphore_mem>>) src(%arg9 : memref<128x128xf32, #tpu.memory_space<vmem>>) dst(%dma_wait3A_31 : memref<10112x128xf32, #tpu.memory_space<vmem_shared>>)
        tpu.yield
      }) : () -> ()
    }
    %scan3A_7 = arith.constant 79 : i32
    %barrier3A_8 = arith.constant 0 : index
    tpu.barrier barrier_id(%barrier3A_8)
    "tpu.region"() ({
      %run_scoped3A = tpu.sem_alloc : memref<!tpu.dma_semaphore, #tpu.memory_space<semaphore_mem>>
      %dma_start3A = arith.constant 0 : i32
      %dma_start3A_9 = tpu.memref_slice %arg5[%arg0, %mul3A_2, %dma_start3A] : memref<2x10112x128xf32, #tpu.memory_space<hbm>> -> memref<1x632x128xf32, #tpu.memory_space<hbm>>
      %dma_start3A_10 = tpu.memref_squeeze %dma_start3A_9 : memref<1x632x128xf32, #tpu.memory_space<hbm>> -> memref<632x128xf32, #tpu.memory_space<hbm>>
      %dma_start3A_11 = arith.constant 0 : i32
      %dma_start3A_12 = tpu.memref_slice %arg6[%mul3A_2, %dma_start3A_11] : memref<10112x128xf32, #tpu.memory_space<vmem_shared>> -> memref<632x128xf32, #tpu.memory_space<vmem_shared>>
      tpu.enqueue_dma source(%dma_start3A_12 : memref<632x128xf32, #tpu.memory_space<vmem_shared>>) target(%dma_start3A_10 : memref<632x128xf32, #tpu.memory_space<hbm>>) target_semaphore(%run_scoped3A : memref<!tpu.dma_semaphore, #tpu.memory_space<semaphore_mem>>)
      %dma_wait3A = arith.constant 0 : i32
      %dma_wait3A_13 = tpu.memref_slice %arg5[%arg0, %mul3A_2, %dma_wait3A] : memref<2x10112x128xf32, #tpu.memory_space<hbm>> -> memref<1x632x128xf32, #tpu.memory_space<hbm>>
      %dma_wait3A_14 = tpu.memref_squeeze %dma_wait3A_13 : memref<1x632x128xf32, #tpu.memory_space<hbm>> -> memref<632x128xf32, #tpu.memory_space<hbm>>
      %dma_wait3A_15 = arith.constant 0 : i32
      %dma_wait3A_16 = tpu.memref_slice %arg6[%mul3A_2, %dma_wait3A_15] : memref<10112x128xf32, #tpu.memory_space<vmem_shared>> -> memref<632x128xf32, #tpu.memory_space<vmem_shared>>
      tpu.wait_dma2 semaphore(%run_scoped3A : memref<!tpu.dma_semaphore, #tpu.memory_space<semaphore_mem>>) src(%dma_wait3A_16 : memref<632x128xf32, #tpu.memory_space<vmem_shared>>) dst(%dma_wait3A_14 : memref<632x128xf32, #tpu.memory_space<hbm>>)
      tpu.yield
    }) : () -> ()
    return
  }
}

#map = affine_map<(d0, d1) -> (0, 0)>
#map1 = affine_map<(d0, d1) -> (0, 0, 0)>
module attributes {stable_mosaic.version = 14 : i64} {
  func.func @_sc_propagate(%arg0: i32, %arg1: i32, %arg2: memref<10112x128xf32, #tpu.memory_space<hbm>>, %arg3: memref<32x79x128xi32, #tpu.memory_space<hbm>>, %arg4: memref<32x79x128xi32, #tpu.memory_space<hbm>>, %arg5: memref<2x10112x128xf32, #tpu.memory_space<hbm>>, %arg6: memref<10112x128xf32, #tpu.memory_space<vmem_shared>>, %arg7: memref<79x128xi32, #tpu.memory_space<vmem>>, %arg8: memref<79x128xi32, #tpu.memory_space<vmem>>, %arg9: memref<128x128xf32, #tpu.memory_space<vmem>>, %arg10: memref<!tpu.dma_semaphore, #tpu.memory_space<semaphore_mem>>) attributes {dimension_semantics = [#tpu.dimension_semantics<core_parallel>, #tpu.dimension_semantics<subcore_parallel>], iteration_bounds = array<i64: 2, 16>, scalar_prefetch = 0 : i64, scratch_operands = 5 : i64, tpu.core_type = #tpu.core_type<sc_vector_subcore>, window_params = [{transform_indices = #map}, {transform_indices = #map1}, {transform_indices = #map1}, {transform_indices = #map1}]} {
    %mul3A = arith.constant 16 : i32
    %mul3A_0 = arith.muli %arg0, %mul3A : i32
    %add3A = arith.addi %mul3A_0, %arg1 : i32
    %mul3A_1 = arith.constant 632 : i32
    %mul3A_2 = arith.muli %arg1, %mul3A_1 : i32
    "tpu.region"() ({
      %run_scoped3A = tpu.sem_alloc : memref<!tpu.dma_semaphore, #tpu.memory_space<semaphore_mem>>
      %dma_start3A = arith.constant 0 : i32
      %dma_start3A_9 = tpu.memref_slice %arg6[%mul3A_2, %dma_start3A] : memref<10112x128xf32, #tpu.memory_space<vmem_shared>> -> memref<632x128xf32, #tpu.memory_space<vmem_shared>>
      %dma_start3A_10 = arith.constant 0 : i32
      %dma_start3A_11 = tpu.memref_slice %arg2[%mul3A_2, %dma_start3A_10] : memref<10112x128xf32, #tpu.memory_space<hbm>> -> memref<632x128xf32, #tpu.memory_space<hbm>>
      tpu.enqueue_dma source(%dma_start3A_11 : memref<632x128xf32, #tpu.memory_space<hbm>>) target(%dma_start3A_9 : memref<632x128xf32, #tpu.memory_space<vmem_shared>>) target_semaphore(%run_scoped3A : memref<!tpu.dma_semaphore, #tpu.memory_space<semaphore_mem>>)
      %dma_wait3A = arith.constant 0 : i32
      %dma_wait3A_12 = tpu.memref_slice %arg6[%mul3A_2, %dma_wait3A] : memref<10112x128xf32, #tpu.memory_space<vmem_shared>> -> memref<632x128xf32, #tpu.memory_space<vmem_shared>>
      %dma_wait3A_13 = arith.constant 0 : i32
      %dma_wait3A_14 = tpu.memref_slice %arg2[%mul3A_2, %dma_wait3A_13] : memref<10112x128xf32, #tpu.memory_space<hbm>> -> memref<632x128xf32, #tpu.memory_space<hbm>>
      tpu.wait_dma2 semaphore(%run_scoped3A : memref<!tpu.dma_semaphore, #tpu.memory_space<semaphore_mem>>) src(%dma_wait3A_14 : memref<632x128xf32, #tpu.memory_space<hbm>>) dst(%dma_wait3A_12 : memref<632x128xf32, #tpu.memory_space<vmem_shared>>)
      tpu.yield
    }) : () -> ()
    "tpu.region"() ({
      %run_scoped3A = tpu.sem_alloc : memref<!tpu.dma_semaphore, #tpu.memory_space<semaphore_mem>>
      %dma_start3A = arith.constant 0 : i32
      %dma_start3A_9 = arith.constant 0 : i32
      %dma_start3A_10 = tpu.memref_slice %arg3[%add3A, %dma_start3A, %dma_start3A_9] : memref<32x79x128xi32, #tpu.memory_space<hbm>> -> memref<1x79x128xi32, #tpu.memory_space<hbm>>
      %dma_start3A_11 = tpu.memref_squeeze %dma_start3A_10 : memref<1x79x128xi32, #tpu.memory_space<hbm>> -> memref<79x128xi32, #tpu.memory_space<hbm>>
      %dma_start3A_12 = arith.constant 0 : i32
      %dma_start3A_13 = arith.constant 0 : i32
      %dma_start3A_14 = tpu.memref_slice %arg3[%add3A, %dma_start3A_12, %dma_start3A_13] : memref<32x79x128xi32, #tpu.memory_space<hbm>> -> memref<1x79x128xi32, #tpu.memory_space<hbm>>
      %dma_start3A_15 = tpu.memref_squeeze %dma_start3A_14 : memref<1x79x128xi32, #tpu.memory_space<hbm>> -> memref<79x128xi32, #tpu.memory_space<hbm>>
      tpu.enqueue_dma source(%dma_start3A_15 : memref<79x128xi32, #tpu.memory_space<hbm>>) target(%arg7 : memref<79x128xi32, #tpu.memory_space<vmem>>) target_semaphore(%run_scoped3A : memref<!tpu.dma_semaphore, #tpu.memory_space<semaphore_mem>>)
      %dma_wait3A = arith.constant 0 : i32
      %dma_wait3A_16 = arith.constant 0 : i32
      %dma_wait3A_17 = tpu.memref_slice %arg3[%add3A, %dma_wait3A, %dma_wait3A_16] : memref<32x79x128xi32, #tpu.memory_space<hbm>> -> memref<1x79x128xi32, #tpu.memory_space<hbm>>
      %dma_wait3A_18 = tpu.memref_squeeze %dma_wait3A_17 : memref<1x79x128xi32, #tpu.memory_space<hbm>> -> memref<79x128xi32, #tpu.memory_space<hbm>>
      %dma_wait3A_19 = arith.constant 0 : i32
      %dma_wait3A_20 = arith.constant 0 : i32
      %dma_wait3A_21 = tpu.memref_slice %arg3[%add3A, %dma_wait3A_19, %dma_wait3A_20] : memref<32x79x128xi32, #tpu.memory_space<hbm>> -> memref<1x79x128xi32, #tpu.memory_space<hbm>>
      %dma_wait3A_22 = tpu.memref_squeeze %dma_wait3A_21 : memref<1x79x128xi32, #tpu.memory_space<hbm>> -> memref<79x128xi32, #tpu.memory_space<hbm>>
      tpu.wait_dma2 semaphore(%run_scoped3A : memref<!tpu.dma_semaphore, #tpu.memory_space<semaphore_mem>>) src(%dma_wait3A_22 : memref<79x128xi32, #tpu.memory_space<hbm>>) dst(%arg7 : memref<79x128xi32, #tpu.memory_space<vmem>>)
      tpu.yield
    }) : () -> ()
    "tpu.region"() ({
      %run_scoped3A = tpu.sem_alloc : memref<!tpu.dma_semaphore, #tpu.memory_space<semaphore_mem>>
      %dma_start3A = arith.constant 0 : i32
      %dma_start3A_9 = arith.constant 0 : i32
      %dma_start3A_10 = tpu.memref_slice %arg4[%add3A, %dma_start3A, %dma_start3A_9] : memref<32x79x128xi32, #tpu.memory_space<hbm>> -> memref<1x79x128xi32, #tpu.memory_space<hbm>>
      %dma_start3A_11 = tpu.memref_squeeze %dma_start3A_10 : memref<1x79x128xi32, #tpu.memory_space<hbm>> -> memref<79x128xi32, #tpu.memory_space<hbm>>
      %dma_start3A_12 = arith.constant 0 : i32
      %dma_start3A_13 = arith.constant 0 : i32
      %dma_start3A_14 = tpu.memref_slice %arg4[%add3A, %dma_start3A_12, %dma_start3A_13] : memref<32x79x128xi32, #tpu.memory_space<hbm>> -> memref<1x79x128xi32, #tpu.memory_space<hbm>>
      %dma_start3A_15 = tpu.memref_squeeze %dma_start3A_14 : memref<1x79x128xi32, #tpu.memory_space<hbm>> -> memref<79x128xi32, #tpu.memory_space<hbm>>
      tpu.enqueue_dma source(%dma_start3A_15 : memref<79x128xi32, #tpu.memory_space<hbm>>) target(%arg8 : memref<79x128xi32, #tpu.memory_space<vmem>>) target_semaphore(%run_scoped3A : memref<!tpu.dma_semaphore, #tpu.memory_space<semaphore_mem>>)
      %dma_wait3A = arith.constant 0 : i32
      %dma_wait3A_16 = arith.constant 0 : i32
      %dma_wait3A_17 = tpu.memref_slice %arg4[%add3A, %dma_wait3A, %dma_wait3A_16] : memref<32x79x128xi32, #tpu.memory_space<hbm>> -> memref<1x79x128xi32, #tpu.memory_space<hbm>>
      %dma_wait3A_18 = tpu.memref_squeeze %dma_wait3A_17 : memref<1x79x128xi32, #tpu.memory_space<hbm>> -> memref<79x128xi32, #tpu.memory_space<hbm>>
      %dma_wait3A_19 = arith.constant 0 : i32
      %dma_wait3A_20 = arith.constant 0 : i32
      %dma_wait3A_21 = tpu.memref_slice %arg4[%add3A, %dma_wait3A_19, %dma_wait3A_20] : memref<32x79x128xi32, #tpu.memory_space<hbm>> -> memref<1x79x128xi32, #tpu.memory_space<hbm>>
      %dma_wait3A_22 = tpu.memref_squeeze %dma_wait3A_21 : memref<1x79x128xi32, #tpu.memory_space<hbm>> -> memref<79x128xi32, #tpu.memory_space<hbm>>
      tpu.wait_dma2 semaphore(%run_scoped3A : memref<!tpu.dma_semaphore, #tpu.memory_space<semaphore_mem>>) src(%dma_wait3A_22 : memref<79x128xi32, #tpu.memory_space<hbm>>) dst(%arg8 : memref<79x128xi32, #tpu.memory_space<vmem>>)
      tpu.yield
    }) : () -> ()
    %barrier3A = arith.constant 0 : index
    tpu.barrier barrier_id(%barrier3A)
    %scan3A = arith.constant 0 : i32
    %scan3A_3 = arith.constant 0 : i32
    %scan3A_4 = arith.constant 79 : i32
    %scan3A_5 = arith.addi %scan3A_3, %scan3A_4 : i32
    %scan3A_6 = arith.constant 1 : i32
    scf.for %scan3A_9 = %scan3A_3 to %scan3A_5 step %scan3A_6  : i32 {
      %dma_start3A = arith.constant 0 : i32
      %dma_start3A_10 = tpu.memref_slice %arg7[%scan3A_9, %dma_start3A] : memref<79x128xi32, #tpu.memory_space<vmem>> -> memref<1x128xi32, #tpu.memory_space<vmem>>
      %dma_start3A_11 = tpu.memref_squeeze %dma_start3A_10 : memref<1x128xi32, #tpu.memory_space<vmem>> -> memref<128xi32, #tpu.memory_space<vmem>>
      %dma_start3A_12 = arith.constant 0 : i32
      %dma_start3A_13 = arith.constant 0 : i32
      %dma_start3A_14 = tpu.memref_slice %arg2[%dma_start3A_12, %dma_start3A_13] : memref<10112x128xf32, #tpu.memory_space<hbm>> -> memref<10112x128xf32, #tpu.memory_space<hbm>>
      tpu.enqueue_indirect_dma source(%dma_start3A_14 : memref<10112x128xf32, #tpu.memory_space<hbm>>) target(%arg9 : memref<128x128xf32, #tpu.memory_space<vmem>>) offsets(%dma_start3A_11 : memref<128xi32, #tpu.memory_space<vmem>>) semaphore(%arg10 : memref<!tpu.dma_semaphore, #tpu.memory_space<semaphore_mem>>)
      %dma_wait3A = arith.constant 0 : i32
      %dma_wait3A_15 = tpu.memref_slice %arg7[%scan3A_9, %dma_wait3A] : memref<79x128xi32, #tpu.memory_space<vmem>> -> memref<1x128xi32, #tpu.memory_space<vmem>>
      %dma_wait3A_16 = tpu.memref_squeeze %dma_wait3A_15 : memref<1x128xi32, #tpu.memory_space<vmem>> -> memref<128xi32, #tpu.memory_space<vmem>>
      %dma_wait3A_17 = arith.constant 0 : i32
      %dma_wait3A_18 = arith.constant 0 : i32
      %dma_wait3A_19 = tpu.memref_slice %arg2[%dma_wait3A_17, %dma_wait3A_18] : memref<10112x128xf32, #tpu.memory_space<hbm>> -> memref<10112x128xf32, #tpu.memory_space<hbm>>
      tpu.wait_indirect_dma semaphore(%arg10 : memref<!tpu.dma_semaphore, #tpu.memory_space<semaphore_mem>>) src(%dma_wait3A_19 : memref<10112x128xf32, #tpu.memory_space<hbm>>) dst(%arg9 : memref<128x128xf32, #tpu.memory_space<vmem>>)
      "tpu.region"() ({
        %run_scoped3A = tpu.sem_alloc : memref<!tpu.dma_semaphore, #tpu.memory_space<semaphore_mem>>
        %dma_start3A_20 = arith.constant 0 : i32
        %dma_start3A_21 = tpu.memref_slice %arg8[%scan3A_9, %dma_start3A_20] : memref<79x128xi32, #tpu.memory_space<vmem>> -> memref<1x128xi32, #tpu.memory_space<vmem>>
        %dma_start3A_22 = tpu.memref_squeeze %dma_start3A_21 : memref<1x128xi32, #tpu.memory_space<vmem>> -> memref<128xi32, #tpu.memory_space<vmem>>
        %dma_start3A_23 = arith.constant 0 : i32
        %dma_start3A_24 = arith.constant 0 : i32
        %dma_start3A_25 = tpu.memref_slice %arg6[%dma_start3A_23, %dma_start3A_24] : memref<10112x128xf32, #tpu.memory_space<vmem_shared>> -> memref<10112x128xf32, #tpu.memory_space<vmem_shared>>
        tpu.enqueue_indirect_dma source(%arg9 : memref<128x128xf32, #tpu.memory_space<vmem>>) target(%dma_start3A_25 : memref<10112x128xf32, #tpu.memory_space<vmem_shared>>) offsets(%dma_start3A_22 : memref<128xi32, #tpu.memory_space<vmem>>) semaphore(%run_scoped3A : memref<!tpu.dma_semaphore, #tpu.memory_space<semaphore_mem>>) {add = true}
        %dma_wait3A_26 = arith.constant 0 : i32
        %dma_wait3A_27 = tpu.memref_slice %arg8[%scan3A_9, %dma_wait3A_26] : memref<79x128xi32, #tpu.memory_space<vmem>> -> memref<1x128xi32, #tpu.memory_space<vmem>>
        %dma_wait3A_28 = tpu.memref_squeeze %dma_wait3A_27 : memref<1x128xi32, #tpu.memory_space<vmem>> -> memref<128xi32, #tpu.memory_space<vmem>>
        %dma_wait3A_29 = arith.constant 0 : i32
        %dma_wait3A_30 = arith.constant 0 : i32
        %dma_wait3A_31 = tpu.memref_slice %arg6[%dma_wait3A_29, %dma_wait3A_30] : memref<10112x128xf32, #tpu.memory_space<vmem_shared>> -> memref<10112x128xf32, #tpu.memory_space<vmem_shared>>
        tpu.wait_indirect_dma semaphore(%run_scoped3A : memref<!tpu.dma_semaphore, #tpu.memory_space<semaphore_mem>>) src(%arg9 : memref<128x128xf32, #tpu.memory_space<vmem>>) dst(%dma_wait3A_31 : memref<10112x128xf32, #tpu.memory_space<vmem_shared>>)
        tpu.yield
      }) : () -> ()
    }
    %scan3A_7 = arith.constant 79 : i32
    %barrier3A_8 = arith.constant 0 : index
    tpu.barrier barrier_id(%barrier3A_8)
    "tpu.region"() ({
      %run_scoped3A = tpu.sem_alloc : memref<!tpu.dma_semaphore, #tpu.memory_space<semaphore_mem>>
      %dma_start3A = arith.constant 0 : i32
      %dma_start3A_9 = tpu.memref_slice %arg5[%arg0, %mul3A_2, %dma_start3A] : memref<2x10112x128xf32, #tpu.memory_space<hbm>> -> memref<1x632x128xf32, #tpu.memory_space<hbm>>
      %dma_start3A_10 = tpu.memref_squeeze %dma_start3A_9 : memref<1x632x128xf32, #tpu.memory_space<hbm>> -> memref<632x128xf32, #tpu.memory_space<hbm>>
      %dma_start3A_11 = arith.constant 0 : i32
      %dma_start3A_12 = tpu.memref_slice %arg6[%mul3A_2, %dma_start3A_11] : memref<10112x128xf32, #tpu.memory_space<vmem_shared>> -> memref<632x128xf32, #tpu.memory_space<vmem_shared>>
      tpu.enqueue_dma source(%dma_start3A_12 : memref<632x128xf32, #tpu.memory_space<vmem_shared>>) target(%dma_start3A_10 : memref<632x128xf32, #tpu.memory_space<hbm>>) target_semaphore(%run_scoped3A : memref<!tpu.dma_semaphore, #tpu.memory_space<semaphore_mem>>)
      %dma_wait3A = arith.constant 0 : i32
      %dma_wait3A_13 = tpu.memref_slice %arg5[%arg0, %mul3A_2, %dma_wait3A] : memref<2x10112x128xf32, #tpu.memory_space<hbm>> -> memref<1x632x128xf32, #tpu.memory_space<hbm>>
      %dma_wait3A_14 = tpu.memref_squeeze %dma_wait3A_13 : memref<1x632x128xf32, #tpu.memory_space<hbm>> -> memref<632x128xf32, #tpu.memory_space<hbm>>
      %dma_wait3A_15 = arith.constant 0 : i32
      %dma_wait3A_16 = tpu.memref_slice %arg6[%mul3A_2, %dma_wait3A_15] : memref<10112x128xf32, #tpu.memory_space<vmem_shared>> -> memref<632x128xf32, #tpu.memory_space<vmem_shared>>
      tpu.wait_dma2 semaphore(%run_scoped3A : memref<!tpu.dma_semaphore, #tpu.memory_space<semaphore_mem>>) src(%dma_wait3A_16 : memref<632x128xf32, #tpu.memory_space<vmem_shared>>) dst(%dma_wait3A_14 : memref<632x128xf32, #tpu.memory_space<hbm>>)
      tpu.yield
    }) : () -> ()
    return
  }
}

#map = affine_map<(d0, d1) -> (0, 0)>
#map1 = affine_map<(d0, d1) -> (0, 0, 0)>
module attributes {stable_mosaic.version = 14 : i64} {
  func.func @_sc_propagate(%arg0: i32, %arg1: i32, %arg2: memref<10112x128xf32, #tpu.memory_space<hbm>>, %arg3: memref<32x79x128xi32, #tpu.memory_space<hbm>>, %arg4: memref<32x79x128xi32, #tpu.memory_space<hbm>>, %arg5: memref<2x10112x128xf32, #tpu.memory_space<hbm>>, %arg6: memref<10112x128xf32, #tpu.memory_space<vmem_shared>>, %arg7: memref<79x128xi32, #tpu.memory_space<vmem>>, %arg8: memref<79x128xi32, #tpu.memory_space<vmem>>, %arg9: memref<128x128xf32, #tpu.memory_space<vmem>>, %arg10: memref<!tpu.dma_semaphore, #tpu.memory_space<semaphore_mem>>) attributes {dimension_semantics = [#tpu.dimension_semantics<core_parallel>, #tpu.dimension_semantics<subcore_parallel>], iteration_bounds = array<i64: 2, 16>, scalar_prefetch = 0 : i64, scratch_operands = 5 : i64, tpu.core_type = #tpu.core_type<sc_vector_subcore>, window_params = [{transform_indices = #map}, {transform_indices = #map1}, {transform_indices = #map1}, {transform_indices = #map1}]} {
    %mul3A = arith.constant 16 : i32
    %mul3A_0 = arith.muli %arg0, %mul3A : i32
    %add3A = arith.addi %mul3A_0, %arg1 : i32
    %mul3A_1 = arith.constant 632 : i32
    %mul3A_2 = arith.muli %arg1, %mul3A_1 : i32
    "tpu.region"() ({
      %run_scoped3A = tpu.sem_alloc : memref<!tpu.dma_semaphore, #tpu.memory_space<semaphore_mem>>
      %dma_start3A = arith.constant 0 : i32
      %dma_start3A_9 = tpu.memref_slice %arg6[%mul3A_2, %dma_start3A] : memref<10112x128xf32, #tpu.memory_space<vmem_shared>> -> memref<632x128xf32, #tpu.memory_space<vmem_shared>>
      %dma_start3A_10 = arith.constant 0 : i32
      %dma_start3A_11 = tpu.memref_slice %arg2[%mul3A_2, %dma_start3A_10] : memref<10112x128xf32, #tpu.memory_space<hbm>> -> memref<632x128xf32, #tpu.memory_space<hbm>>
      tpu.enqueue_dma source(%dma_start3A_11 : memref<632x128xf32, #tpu.memory_space<hbm>>) target(%dma_start3A_9 : memref<632x128xf32, #tpu.memory_space<vmem_shared>>) target_semaphore(%run_scoped3A : memref<!tpu.dma_semaphore, #tpu.memory_space<semaphore_mem>>)
      %dma_wait3A = arith.constant 0 : i32
      %dma_wait3A_12 = tpu.memref_slice %arg6[%mul3A_2, %dma_wait3A] : memref<10112x128xf32, #tpu.memory_space<vmem_shared>> -> memref<632x128xf32, #tpu.memory_space<vmem_shared>>
      %dma_wait3A_13 = arith.constant 0 : i32
      %dma_wait3A_14 = tpu.memref_slice %arg2[%mul3A_2, %dma_wait3A_13] : memref<10112x128xf32, #tpu.memory_space<hbm>> -> memref<632x128xf32, #tpu.memory_space<hbm>>
      tpu.wait_dma2 semaphore(%run_scoped3A : memref<!tpu.dma_semaphore, #tpu.memory_space<semaphore_mem>>) src(%dma_wait3A_14 : memref<632x128xf32, #tpu.memory_space<hbm>>) dst(%dma_wait3A_12 : memref<632x128xf32, #tpu.memory_space<vmem_shared>>)
      tpu.yield
    }) : () -> ()
    "tpu.region"() ({
      %run_scoped3A = tpu.sem_alloc : memref<!tpu.dma_semaphore, #tpu.memory_space<semaphore_mem>>
      %dma_start3A = arith.constant 0 : i32
      %dma_start3A_9 = arith.constant 0 : i32
      %dma_start3A_10 = tpu.memref_slice %arg3[%add3A, %dma_start3A, %dma_start3A_9] : memref<32x79x128xi32, #tpu.memory_space<hbm>> -> memref<1x79x128xi32, #tpu.memory_space<hbm>>
      %dma_start3A_11 = tpu.memref_squeeze %dma_start3A_10 : memref<1x79x128xi32, #tpu.memory_space<hbm>> -> memref<79x128xi32, #tpu.memory_space<hbm>>
      %dma_start3A_12 = arith.constant 0 : i32
      %dma_start3A_13 = arith.constant 0 : i32
      %dma_start3A_14 = tpu.memref_slice %arg3[%add3A, %dma_start3A_12, %dma_start3A_13] : memref<32x79x128xi32, #tpu.memory_space<hbm>> -> memref<1x79x128xi32, #tpu.memory_space<hbm>>
      %dma_start3A_15 = tpu.memref_squeeze %dma_start3A_14 : memref<1x79x128xi32, #tpu.memory_space<hbm>> -> memref<79x128xi32, #tpu.memory_space<hbm>>
      tpu.enqueue_dma source(%dma_start3A_15 : memref<79x128xi32, #tpu.memory_space<hbm>>) target(%arg7 : memref<79x128xi32, #tpu.memory_space<vmem>>) target_semaphore(%run_scoped3A : memref<!tpu.dma_semaphore, #tpu.memory_space<semaphore_mem>>)
      %dma_wait3A = arith.constant 0 : i32
      %dma_wait3A_16 = arith.constant 0 : i32
      %dma_wait3A_17 = tpu.memref_slice %arg3[%add3A, %dma_wait3A, %dma_wait3A_16] : memref<32x79x128xi32, #tpu.memory_space<hbm>> -> memref<1x79x128xi32, #tpu.memory_space<hbm>>
      %dma_wait3A_18 = tpu.memref_squeeze %dma_wait3A_17 : memref<1x79x128xi32, #tpu.memory_space<hbm>> -> memref<79x128xi32, #tpu.memory_space<hbm>>
      %dma_wait3A_19 = arith.constant 0 : i32
      %dma_wait3A_20 = arith.constant 0 : i32
      %dma_wait3A_21 = tpu.memref_slice %arg3[%add3A, %dma_wait3A_19, %dma_wait3A_20] : memref<32x79x128xi32, #tpu.memory_space<hbm>> -> memref<1x79x128xi32, #tpu.memory_space<hbm>>
      %dma_wait3A_22 = tpu.memref_squeeze %dma_wait3A_21 : memref<1x79x128xi32, #tpu.memory_space<hbm>> -> memref<79x128xi32, #tpu.memory_space<hbm>>
      tpu.wait_dma2 semaphore(%run_scoped3A : memref<!tpu.dma_semaphore, #tpu.memory_space<semaphore_mem>>) src(%dma_wait3A_22 : memref<79x128xi32, #tpu.memory_space<hbm>>) dst(%arg7 : memref<79x128xi32, #tpu.memory_space<vmem>>)
      tpu.yield
    }) : () -> ()
    "tpu.region"() ({
      %run_scoped3A = tpu.sem_alloc : memref<!tpu.dma_semaphore, #tpu.memory_space<semaphore_mem>>
      %dma_start3A = arith.constant 0 : i32
      %dma_start3A_9 = arith.constant 0 : i32
      %dma_start3A_10 = tpu.memref_slice %arg4[%add3A, %dma_start3A, %dma_start3A_9] : memref<32x79x128xi32, #tpu.memory_space<hbm>> -> memref<1x79x128xi32, #tpu.memory_space<hbm>>
      %dma_start3A_11 = tpu.memref_squeeze %dma_start3A_10 : memref<1x79x128xi32, #tpu.memory_space<hbm>> -> memref<79x128xi32, #tpu.memory_space<hbm>>
      %dma_start3A_12 = arith.constant 0 : i32
      %dma_start3A_13 = arith.constant 0 : i32
      %dma_start3A_14 = tpu.memref_slice %arg4[%add3A, %dma_start3A_12, %dma_start3A_13] : memref<32x79x128xi32, #tpu.memory_space<hbm>> -> memref<1x79x128xi32, #tpu.memory_space<hbm>>
      %dma_start3A_15 = tpu.memref_squeeze %dma_start3A_14 : memref<1x79x128xi32, #tpu.memory_space<hbm>> -> memref<79x128xi32, #tpu.memory_space<hbm>>
      tpu.enqueue_dma source(%dma_start3A_15 : memref<79x128xi32, #tpu.memory_space<hbm>>) target(%arg8 : memref<79x128xi32, #tpu.memory_space<vmem>>) target_semaphore(%run_scoped3A : memref<!tpu.dma_semaphore, #tpu.memory_space<semaphore_mem>>)
      %dma_wait3A = arith.constant 0 : i32
      %dma_wait3A_16 = arith.constant 0 : i32
      %dma_wait3A_17 = tpu.memref_slice %arg4[%add3A, %dma_wait3A, %dma_wait3A_16] : memref<32x79x128xi32, #tpu.memory_space<hbm>> -> memref<1x79x128xi32, #tpu.memory_space<hbm>>
      %dma_wait3A_18 = tpu.memref_squeeze %dma_wait3A_17 : memref<1x79x128xi32, #tpu.memory_space<hbm>> -> memref<79x128xi32, #tpu.memory_space<hbm>>
      %dma_wait3A_19 = arith.constant 0 : i32
      %dma_wait3A_20 = arith.constant 0 : i32
      %dma_wait3A_21 = tpu.memref_slice %arg4[%add3A, %dma_wait3A_19, %dma_wait3A_20] : memref<32x79x128xi32, #tpu.memory_space<hbm>> -> memref<1x79x128xi32, #tpu.memory_space<hbm>>
      %dma_wait3A_22 = tpu.memref_squeeze %dma_wait3A_21 : memref<1x79x128xi32, #tpu.memory_space<hbm>> -> memref<79x128xi32, #tpu.memory_space<hbm>>
      tpu.wait_dma2 semaphore(%run_scoped3A : memref<!tpu.dma_semaphore, #tpu.memory_space<semaphore_mem>>) src(%dma_wait3A_22 : memref<79x128xi32, #tpu.memory_space<hbm>>) dst(%arg8 : memref<79x128xi32, #tpu.memory_space<vmem>>)
      tpu.yield
    }) : () -> ()
    %barrier3A = arith.constant 0 : index
    tpu.barrier barrier_id(%barrier3A)
    %scan3A = arith.constant 0 : i32
    %scan3A_3 = arith.constant 0 : i32
    %scan3A_4 = arith.constant 79 : i32
    %scan3A_5 = arith.addi %scan3A_3, %scan3A_4 : i32
    %scan3A_6 = arith.constant 1 : i32
    scf.for %scan3A_9 = %scan3A_3 to %scan3A_5 step %scan3A_6  : i32 {
      %dma_start3A = arith.constant 0 : i32
      %dma_start3A_10 = tpu.memref_slice %arg7[%scan3A_9, %dma_start3A] : memref<79x128xi32, #tpu.memory_space<vmem>> -> memref<1x128xi32, #tpu.memory_space<vmem>>
      %dma_start3A_11 = tpu.memref_squeeze %dma_start3A_10 : memref<1x128xi32, #tpu.memory_space<vmem>> -> memref<128xi32, #tpu.memory_space<vmem>>
      %dma_start3A_12 = arith.constant 0 : i32
      %dma_start3A_13 = arith.constant 0 : i32
      %dma_start3A_14 = tpu.memref_slice %arg2[%dma_start3A_12, %dma_start3A_13] : memref<10112x128xf32, #tpu.memory_space<hbm>> -> memref<10112x128xf32, #tpu.memory_space<hbm>>
      tpu.enqueue_indirect_dma source(%dma_start3A_14 : memref<10112x128xf32, #tpu.memory_space<hbm>>) target(%arg9 : memref<128x128xf32, #tpu.memory_space<vmem>>) offsets(%dma_start3A_11 : memref<128xi32, #tpu.memory_space<vmem>>) semaphore(%arg10 : memref<!tpu.dma_semaphore, #tpu.memory_space<semaphore_mem>>)
      %dma_wait3A = arith.constant 0 : i32
      %dma_wait3A_15 = tpu.memref_slice %arg7[%scan3A_9, %dma_wait3A] : memref<79x128xi32, #tpu.memory_space<vmem>> -> memref<1x128xi32, #tpu.memory_space<vmem>>
      %dma_wait3A_16 = tpu.memref_squeeze %dma_wait3A_15 : memref<1x128xi32, #tpu.memory_space<vmem>> -> memref<128xi32, #tpu.memory_space<vmem>>
      %dma_wait3A_17 = arith.constant 0 : i32
      %dma_wait3A_18 = arith.constant 0 : i32
      %dma_wait3A_19 = tpu.memref_slice %arg2[%dma_wait3A_17, %dma_wait3A_18] : memref<10112x128xf32, #tpu.memory_space<hbm>> -> memref<10112x128xf32, #tpu.memory_space<hbm>>
      tpu.wait_indirect_dma semaphore(%arg10 : memref<!tpu.dma_semaphore, #tpu.memory_space<semaphore_mem>>) src(%dma_wait3A_19 : memref<10112x128xf32, #tpu.memory_space<hbm>>) dst(%arg9 : memref<128x128xf32, #tpu.memory_space<vmem>>)
      "tpu.region"() ({
        %run_scoped3A = tpu.sem_alloc : memref<!tpu.dma_semaphore, #tpu.memory_space<semaphore_mem>>
        %dma_start3A_20 = arith.constant 0 : i32
        %dma_start3A_21 = tpu.memref_slice %arg8[%scan3A_9, %dma_start3A_20] : memref<79x128xi32, #tpu.memory_space<vmem>> -> memref<1x128xi32, #tpu.memory_space<vmem>>
        %dma_start3A_22 = tpu.memref_squeeze %dma_start3A_21 : memref<1x128xi32, #tpu.memory_space<vmem>> -> memref<128xi32, #tpu.memory_space<vmem>>
        %dma_start3A_23 = arith.constant 0 : i32
        %dma_start3A_24 = arith.constant 0 : i32
        %dma_start3A_25 = tpu.memref_slice %arg6[%dma_start3A_23, %dma_start3A_24] : memref<10112x128xf32, #tpu.memory_space<vmem_shared>> -> memref<10112x128xf32, #tpu.memory_space<vmem_shared>>
        tpu.enqueue_indirect_dma source(%arg9 : memref<128x128xf32, #tpu.memory_space<vmem>>) target(%dma_start3A_25 : memref<10112x128xf32, #tpu.memory_space<vmem_shared>>) offsets(%dma_start3A_22 : memref<128xi32, #tpu.memory_space<vmem>>) semaphore(%run_scoped3A : memref<!tpu.dma_semaphore, #tpu.memory_space<semaphore_mem>>) {add = true}
        %dma_wait3A_26 = arith.constant 0 : i32
        %dma_wait3A_27 = tpu.memref_slice %arg8[%scan3A_9, %dma_wait3A_26] : memref<79x128xi32, #tpu.memory_space<vmem>> -> memref<1x128xi32, #tpu.memory_space<vmem>>
        %dma_wait3A_28 = tpu.memref_squeeze %dma_wait3A_27 : memref<1x128xi32, #tpu.memory_space<vmem>> -> memref<128xi32, #tpu.memory_space<vmem>>
        %dma_wait3A_29 = arith.constant 0 : i32
        %dma_wait3A_30 = arith.constant 0 : i32
        %dma_wait3A_31 = tpu.memref_slice %arg6[%dma_wait3A_29, %dma_wait3A_30] : memref<10112x128xf32, #tpu.memory_space<vmem_shared>> -> memref<10112x128xf32, #tpu.memory_space<vmem_shared>>
        tpu.wait_indirect_dma semaphore(%run_scoped3A : memref<!tpu.dma_semaphore, #tpu.memory_space<semaphore_mem>>) src(%arg9 : memref<128x128xf32, #tpu.memory_space<vmem>>) dst(%dma_wait3A_31 : memref<10112x128xf32, #tpu.memory_space<vmem_shared>>)
        tpu.yield
      }) : () -> ()
    }
    %scan3A_7 = arith.constant 79 : i32
    %barrier3A_8 = arith.constant 0 : index
    tpu.barrier barrier_id(%barrier3A_8)
    "tpu.region"() ({
      %run_scoped3A = tpu.sem_alloc : memref<!tpu.dma_semaphore, #tpu.memory_space<semaphore_mem>>
      %dma_start3A = arith.constant 0 : i32
      %dma_start3A_9 = tpu.memref_slice %arg5[%arg0, %mul3A_2, %dma_start3A] : memref<2x10112x128xf32, #tpu.memory_space<hbm>> -> memref<1x632x128xf32, #tpu.memory_space<hbm>>
      %dma_start3A_10 = tpu.memref_squeeze %dma_start3A_9 : memref<1x632x128xf32, #tpu.memory_space<hbm>> -> memref<632x128xf32, #tpu.memory_space<hbm>>
      %dma_start3A_11 = arith.constant 0 : i32
      %dma_start3A_12 = tpu.memref_slice %arg6[%mul3A_2, %dma_start3A_11] : memref<10112x128xf32, #tpu.memory_space<vmem_shared>> -> memref<632x128xf32, #tpu.memory_space<vmem_shared>>
      tpu.enqueue_dma source(%dma_start3A_12 : memref<632x128xf32, #tpu.memory_space<vmem_shared>>) target(%dma_start3A_10 : memref<632x128xf32, #tpu.memory_space<hbm>>) target_semaphore(%run_scoped3A : memref<!tpu.dma_semaphore, #tpu.memory_space<semaphore_mem>>)
      %dma_wait3A = arith.constant 0 : i32
      %dma_wait3A_13 = tpu.memref_slice %arg5[%arg0, %mul3A_2, %dma_wait3A] : memref<2x10112x128xf32, #tpu.memory_space<hbm>> -> memref<1x632x128xf32, #tpu.memory_space<hbm>>
      %dma_wait3A_14 = tpu.memref_squeeze %dma_wait3A_13 : memref<1x632x128xf32, #tpu.memory_space<hbm>> -> memref<632x128xf32, #tpu.memory_space<hbm>>
      %dma_wait3A_15 = arith.constant 0 : i32
      %dma_wait3A_16 = tpu.memref_slice %arg6[%mul3A_2, %dma_wait3A_15] : memref<10112x128xf32, #tpu.memory_space<vmem_shared>> -> memref<632x128xf32, #tpu.memory_space<vmem_shared>>
      tpu.wait_dma2 semaphore(%run_scoped3A : memref<!tpu.dma_semaphore, #tpu.memory_space<semaphore_mem>>) src(%dma_wait3A_16 : memref<632x128xf32, #tpu.memory_space<vmem_shared>>) dst(%dma_wait3A_14 : memref<632x128xf32, #tpu.memory_space<hbm>>)
      tpu.yield
    }) : () -> ()
    return
  }
}

#map = affine_map<(d0, d1) -> (0, 0)>
#map1 = affine_map<(d0, d1) -> (0, 0, 0)>
module attributes {stable_mosaic.version = 14 : i64} {
  func.func @_sc_propagate(%arg0: i32, %arg1: i32, %arg2: memref<10112x128xf32, #tpu.memory_space<hbm>>, %arg3: memref<32x79x128xi32, #tpu.memory_space<hbm>>, %arg4: memref<32x79x128xi32, #tpu.memory_space<hbm>>, %arg5: memref<2x10112x128xf32, #tpu.memory_space<hbm>>, %arg6: memref<10112x128xf32, #tpu.memory_space<vmem_shared>>, %arg7: memref<79x128xi32, #tpu.memory_space<vmem>>, %arg8: memref<79x128xi32, #tpu.memory_space<vmem>>, %arg9: memref<128x128xf32, #tpu.memory_space<vmem>>, %arg10: memref<!tpu.dma_semaphore, #tpu.memory_space<semaphore_mem>>) attributes {dimension_semantics = [#tpu.dimension_semantics<core_parallel>, #tpu.dimension_semantics<subcore_parallel>], iteration_bounds = array<i64: 2, 16>, scalar_prefetch = 0 : i64, scratch_operands = 5 : i64, tpu.core_type = #tpu.core_type<sc_vector_subcore>, window_params = [{transform_indices = #map}, {transform_indices = #map1}, {transform_indices = #map1}, {transform_indices = #map1}]} {
    %mul3A = arith.constant 16 : i32
    %mul3A_0 = arith.muli %arg0, %mul3A : i32
    %add3A = arith.addi %mul3A_0, %arg1 : i32
    %mul3A_1 = arith.constant 632 : i32
    %mul3A_2 = arith.muli %arg1, %mul3A_1 : i32
    "tpu.region"() ({
      %run_scoped3A = tpu.sem_alloc : memref<!tpu.dma_semaphore, #tpu.memory_space<semaphore_mem>>
      %dma_start3A = arith.constant 0 : i32
      %dma_start3A_9 = tpu.memref_slice %arg6[%mul3A_2, %dma_start3A] : memref<10112x128xf32, #tpu.memory_space<vmem_shared>> -> memref<632x128xf32, #tpu.memory_space<vmem_shared>>
      %dma_start3A_10 = arith.constant 0 : i32
      %dma_start3A_11 = tpu.memref_slice %arg2[%mul3A_2, %dma_start3A_10] : memref<10112x128xf32, #tpu.memory_space<hbm>> -> memref<632x128xf32, #tpu.memory_space<hbm>>
      tpu.enqueue_dma source(%dma_start3A_11 : memref<632x128xf32, #tpu.memory_space<hbm>>) target(%dma_start3A_9 : memref<632x128xf32, #tpu.memory_space<vmem_shared>>) target_semaphore(%run_scoped3A : memref<!tpu.dma_semaphore, #tpu.memory_space<semaphore_mem>>)
      %dma_wait3A = arith.constant 0 : i32
      %dma_wait3A_12 = tpu.memref_slice %arg6[%mul3A_2, %dma_wait3A] : memref<10112x128xf32, #tpu.memory_space<vmem_shared>> -> memref<632x128xf32, #tpu.memory_space<vmem_shared>>
      %dma_wait3A_13 = arith.constant 0 : i32
      %dma_wait3A_14 = tpu.memref_slice %arg2[%mul3A_2, %dma_wait3A_13] : memref<10112x128xf32, #tpu.memory_space<hbm>> -> memref<632x128xf32, #tpu.memory_space<hbm>>
      tpu.wait_dma2 semaphore(%run_scoped3A : memref<!tpu.dma_semaphore, #tpu.memory_space<semaphore_mem>>) src(%dma_wait3A_14 : memref<632x128xf32, #tpu.memory_space<hbm>>) dst(%dma_wait3A_12 : memref<632x128xf32, #tpu.memory_space<vmem_shared>>)
      tpu.yield
    }) : () -> ()
    "tpu.region"() ({
      %run_scoped3A = tpu.sem_alloc : memref<!tpu.dma_semaphore, #tpu.memory_space<semaphore_mem>>
      %dma_start3A = arith.constant 0 : i32
      %dma_start3A_9 = arith.constant 0 : i32
      %dma_start3A_10 = tpu.memref_slice %arg3[%add3A, %dma_start3A, %dma_start3A_9] : memref<32x79x128xi32, #tpu.memory_space<hbm>> -> memref<1x79x128xi32, #tpu.memory_space<hbm>>
      %dma_start3A_11 = tpu.memref_squeeze %dma_start3A_10 : memref<1x79x128xi32, #tpu.memory_space<hbm>> -> memref<79x128xi32, #tpu.memory_space<hbm>>
      %dma_start3A_12 = arith.constant 0 : i32
      %dma_start3A_13 = arith.constant 0 : i32
      %dma_start3A_14 = tpu.memref_slice %arg3[%add3A, %dma_start3A_12, %dma_start3A_13] : memref<32x79x128xi32, #tpu.memory_space<hbm>> -> memref<1x79x128xi32, #tpu.memory_space<hbm>>
      %dma_start3A_15 = tpu.memref_squeeze %dma_start3A_14 : memref<1x79x128xi32, #tpu.memory_space<hbm>> -> memref<79x128xi32, #tpu.memory_space<hbm>>
      tpu.enqueue_dma source(%dma_start3A_15 : memref<79x128xi32, #tpu.memory_space<hbm>>) target(%arg7 : memref<79x128xi32, #tpu.memory_space<vmem>>) target_semaphore(%run_scoped3A : memref<!tpu.dma_semaphore, #tpu.memory_space<semaphore_mem>>)
      %dma_wait3A = arith.constant 0 : i32
      %dma_wait3A_16 = arith.constant 0 : i32
      %dma_wait3A_17 = tpu.memref_slice %arg3[%add3A, %dma_wait3A, %dma_wait3A_16] : memref<32x79x128xi32, #tpu.memory_space<hbm>> -> memref<1x79x128xi32, #tpu.memory_space<hbm>>
      %dma_wait3A_18 = tpu.memref_squeeze %dma_wait3A_17 : memref<1x79x128xi32, #tpu.memory_space<hbm>> -> memref<79x128xi32, #tpu.memory_space<hbm>>
      %dma_wait3A_19 = arith.constant 0 : i32
      %dma_wait3A_20 = arith.constant 0 : i32
      %dma_wait3A_21 = tpu.memref_slice %arg3[%add3A, %dma_wait3A_19, %dma_wait3A_20] : memref<32x79x128xi32, #tpu.memory_space<hbm>> -> memref<1x79x128xi32, #tpu.memory_space<hbm>>
      %dma_wait3A_22 = tpu.memref_squeeze %dma_wait3A_21 : memref<1x79x128xi32, #tpu.memory_space<hbm>> -> memref<79x128xi32, #tpu.memory_space<hbm>>
      tpu.wait_dma2 semaphore(%run_scoped3A : memref<!tpu.dma_semaphore, #tpu.memory_space<semaphore_mem>>) src(%dma_wait3A_22 : memref<79x128xi32, #tpu.memory_space<hbm>>) dst(%arg7 : memref<79x128xi32, #tpu.memory_space<vmem>>)
      tpu.yield
    }) : () -> ()
    "tpu.region"() ({
      %run_scoped3A = tpu.sem_alloc : memref<!tpu.dma_semaphore, #tpu.memory_space<semaphore_mem>>
      %dma_start3A = arith.constant 0 : i32
      %dma_start3A_9 = arith.constant 0 : i32
      %dma_start3A_10 = tpu.memref_slice %arg4[%add3A, %dma_start3A, %dma_start3A_9] : memref<32x79x128xi32, #tpu.memory_space<hbm>> -> memref<1x79x128xi32, #tpu.memory_space<hbm>>
      %dma_start3A_11 = tpu.memref_squeeze %dma_start3A_10 : memref<1x79x128xi32, #tpu.memory_space<hbm>> -> memref<79x128xi32, #tpu.memory_space<hbm>>
      %dma_start3A_12 = arith.constant 0 : i32
      %dma_start3A_13 = arith.constant 0 : i32
      %dma_start3A_14 = tpu.memref_slice %arg4[%add3A, %dma_start3A_12, %dma_start3A_13] : memref<32x79x128xi32, #tpu.memory_space<hbm>> -> memref<1x79x128xi32, #tpu.memory_space<hbm>>
      %dma_start3A_15 = tpu.memref_squeeze %dma_start3A_14 : memref<1x79x128xi32, #tpu.memory_space<hbm>> -> memref<79x128xi32, #tpu.memory_space<hbm>>
      tpu.enqueue_dma source(%dma_start3A_15 : memref<79x128xi32, #tpu.memory_space<hbm>>) target(%arg8 : memref<79x128xi32, #tpu.memory_space<vmem>>) target_semaphore(%run_scoped3A : memref<!tpu.dma_semaphore, #tpu.memory_space<semaphore_mem>>)
      %dma_wait3A = arith.constant 0 : i32
      %dma_wait3A_16 = arith.constant 0 : i32
      %dma_wait3A_17 = tpu.memref_slice %arg4[%add3A, %dma_wait3A, %dma_wait3A_16] : memref<32x79x128xi32, #tpu.memory_space<hbm>> -> memref<1x79x128xi32, #tpu.memory_space<hbm>>
      %dma_wait3A_18 = tpu.memref_squeeze %dma_wait3A_17 : memref<1x79x128xi32, #tpu.memory_space<hbm>> -> memref<79x128xi32, #tpu.memory_space<hbm>>
      %dma_wait3A_19 = arith.constant 0 : i32
      %dma_wait3A_20 = arith.constant 0 : i32
      %dma_wait3A_21 = tpu.memref_slice %arg4[%add3A, %dma_wait3A_19, %dma_wait3A_20] : memref<32x79x128xi32, #tpu.memory_space<hbm>> -> memref<1x79x128xi32, #tpu.memory_space<hbm>>
      %dma_wait3A_22 = tpu.memref_squeeze %dma_wait3A_21 : memref<1x79x128xi32, #tpu.memory_space<hbm>> -> memref<79x128xi32, #tpu.memory_space<hbm>>
      tpu.wait_dma2 semaphore(%run_scoped3A : memref<!tpu.dma_semaphore, #tpu.memory_space<semaphore_mem>>) src(%dma_wait3A_22 : memref<79x128xi32, #tpu.memory_space<hbm>>) dst(%arg8 : memref<79x128xi32, #tpu.memory_space<vmem>>)
      tpu.yield
    }) : () -> ()
    %barrier3A = arith.constant 0 : index
    tpu.barrier barrier_id(%barrier3A)
    %scan3A = arith.constant 0 : i32
    %scan3A_3 = arith.constant 0 : i32
    %scan3A_4 = arith.constant 79 : i32
    %scan3A_5 = arith.addi %scan3A_3, %scan3A_4 : i32
    %scan3A_6 = arith.constant 1 : i32
    scf.for %scan3A_9 = %scan3A_3 to %scan3A_5 step %scan3A_6  : i32 {
      %dma_start3A = arith.constant 0 : i32
      %dma_start3A_10 = tpu.memref_slice %arg7[%scan3A_9, %dma_start3A] : memref<79x128xi32, #tpu.memory_space<vmem>> -> memref<1x128xi32, #tpu.memory_space<vmem>>
      %dma_start3A_11 = tpu.memref_squeeze %dma_start3A_10 : memref<1x128xi32, #tpu.memory_space<vmem>> -> memref<128xi32, #tpu.memory_space<vmem>>
      %dma_start3A_12 = arith.constant 0 : i32
      %dma_start3A_13 = arith.constant 0 : i32
      %dma_start3A_14 = tpu.memref_slice %arg2[%dma_start3A_12, %dma_start3A_13] : memref<10112x128xf32, #tpu.memory_space<hbm>> -> memref<10112x128xf32, #tpu.memory_space<hbm>>
      tpu.enqueue_indirect_dma source(%dma_start3A_14 : memref<10112x128xf32, #tpu.memory_space<hbm>>) target(%arg9 : memref<128x128xf32, #tpu.memory_space<vmem>>) offsets(%dma_start3A_11 : memref<128xi32, #tpu.memory_space<vmem>>) semaphore(%arg10 : memref<!tpu.dma_semaphore, #tpu.memory_space<semaphore_mem>>)
      %dma_wait3A = arith.constant 0 : i32
      %dma_wait3A_15 = tpu.memref_slice %arg7[%scan3A_9, %dma_wait3A] : memref<79x128xi32, #tpu.memory_space<vmem>> -> memref<1x128xi32, #tpu.memory_space<vmem>>
      %dma_wait3A_16 = tpu.memref_squeeze %dma_wait3A_15 : memref<1x128xi32, #tpu.memory_space<vmem>> -> memref<128xi32, #tpu.memory_space<vmem>>
      %dma_wait3A_17 = arith.constant 0 : i32
      %dma_wait3A_18 = arith.constant 0 : i32
      %dma_wait3A_19 = tpu.memref_slice %arg2[%dma_wait3A_17, %dma_wait3A_18] : memref<10112x128xf32, #tpu.memory_space<hbm>> -> memref<10112x128xf32, #tpu.memory_space<hbm>>
      tpu.wait_indirect_dma semaphore(%arg10 : memref<!tpu.dma_semaphore, #tpu.memory_space<semaphore_mem>>) src(%dma_wait3A_19 : memref<10112x128xf32, #tpu.memory_space<hbm>>) dst(%arg9 : memref<128x128xf32, #tpu.memory_space<vmem>>)
      "tpu.region"() ({
        %run_scoped3A = tpu.sem_alloc : memref<!tpu.dma_semaphore, #tpu.memory_space<semaphore_mem>>
        %dma_start3A_20 = arith.constant 0 : i32
        %dma_start3A_21 = tpu.memref_slice %arg8[%scan3A_9, %dma_start3A_20] : memref<79x128xi32, #tpu.memory_space<vmem>> -> memref<1x128xi32, #tpu.memory_space<vmem>>
        %dma_start3A_22 = tpu.memref_squeeze %dma_start3A_21 : memref<1x128xi32, #tpu.memory_space<vmem>> -> memref<128xi32, #tpu.memory_space<vmem>>
        %dma_start3A_23 = arith.constant 0 : i32
        %dma_start3A_24 = arith.constant 0 : i32
        %dma_start3A_25 = tpu.memref_slice %arg6[%dma_start3A_23, %dma_start3A_24] : memref<10112x128xf32, #tpu.memory_space<vmem_shared>> -> memref<10112x128xf32, #tpu.memory_space<vmem_shared>>
        tpu.enqueue_indirect_dma source(%arg9 : memref<128x128xf32, #tpu.memory_space<vmem>>) target(%dma_start3A_25 : memref<10112x128xf32, #tpu.memory_space<vmem_shared>>) offsets(%dma_start3A_22 : memref<128xi32, #tpu.memory_space<vmem>>) semaphore(%run_scoped3A : memref<!tpu.dma_semaphore, #tpu.memory_space<semaphore_mem>>) {add = true}
        %dma_wait3A_26 = arith.constant 0 : i32
        %dma_wait3A_27 = tpu.memref_slice %arg8[%scan3A_9, %dma_wait3A_26] : memref<79x128xi32, #tpu.memory_space<vmem>> -> memref<1x128xi32, #tpu.memory_space<vmem>>
        %dma_wait3A_28 = tpu.memref_squeeze %dma_wait3A_27 : memref<1x128xi32, #tpu.memory_space<vmem>> -> memref<128xi32, #tpu.memory_space<vmem>>
        %dma_wait3A_29 = arith.constant 0 : i32
        %dma_wait3A_30 = arith.constant 0 : i32
        %dma_wait3A_31 = tpu.memref_slice %arg6[%dma_wait3A_29, %dma_wait3A_30] : memref<10112x128xf32, #tpu.memory_space<vmem_shared>> -> memref<10112x128xf32, #tpu.memory_space<vmem_shared>>
        tpu.wait_indirect_dma semaphore(%run_scoped3A : memref<!tpu.dma_semaphore, #tpu.memory_space<semaphore_mem>>) src(%arg9 : memref<128x128xf32, #tpu.memory_space<vmem>>) dst(%dma_wait3A_31 : memref<10112x128xf32, #tpu.memory_space<vmem_shared>>)
        tpu.yield
      }) : () -> ()
    }
    %scan3A_7 = arith.constant 79 : i32
    %barrier3A_8 = arith.constant 0 : index
    tpu.barrier barrier_id(%barrier3A_8)
    "tpu.region"() ({
      %run_scoped3A = tpu.sem_alloc : memref<!tpu.dma_semaphore, #tpu.memory_space<semaphore_mem>>
      %dma_start3A = arith.constant 0 : i32
      %dma_start3A_9 = tpu.memref_slice %arg5[%arg0, %mul3A_2, %dma_start3A] : memref<2x10112x128xf32, #tpu.memory_space<hbm>> -> memref<1x632x128xf32, #tpu.memory_space<hbm>>
      %dma_start3A_10 = tpu.memref_squeeze %dma_start3A_9 : memref<1x632x128xf32, #tpu.memory_space<hbm>> -> memref<632x128xf32, #tpu.memory_space<hbm>>
      %dma_start3A_11 = arith.constant 0 : i32
      %dma_start3A_12 = tpu.memref_slice %arg6[%mul3A_2, %dma_start3A_11] : memref<10112x128xf32, #tpu.memory_space<vmem_shared>> -> memref<632x128xf32, #tpu.memory_space<vmem_shared>>
      tpu.enqueue_dma source(%dma_start3A_12 : memref<632x128xf32, #tpu.memory_space<vmem_shared>>) target(%dma_start3A_10 : memref<632x128xf32, #tpu.memory_space<hbm>>) target_semaphore(%run_scoped3A : memref<!tpu.dma_semaphore, #tpu.memory_space<semaphore_mem>>)
      %dma_wait3A = arith.constant 0 : i32
      %dma_wait3A_13 = tpu.memref_slice %arg5[%arg0, %mul3A_2, %dma_wait3A] : memref<2x10112x128xf32, #tpu.memory_space<hbm>> -> memref<1x632x128xf32, #tpu.memory_space<hbm>>
      %dma_wait3A_14 = tpu.memref_squeeze %dma_wait3A_13 : memref<1x632x128xf32, #tpu.memory_space<hbm>> -> memref<632x128xf32, #tpu.memory_space<hbm>>
      %dma_wait3A_15 = arith.constant 0 : i32
      %dma_wait3A_16 = tpu.memref_slice %arg6[%mul3A_2, %dma_wait3A_15] : memref<10112x128xf32, #tpu.memory_space<vmem_shared>> -> memref<632x128xf32, #tpu.memory_space<vmem_shared>>
      tpu.wait_dma2 semaphore(%run_scoped3A : memref<!tpu.dma_semaphore, #tpu.memory_space<semaphore_mem>>) src(%dma_wait3A_16 : memref<632x128xf32, #tpu.memory_space<vmem_shared>>) dst(%dma_wait3A_14 : memref<632x128xf32, #tpu.memory_space<hbm>>)
      tpu.yield
    }) : () -> ()
    return
  }
}

#map = affine_map<(d0, d1) -> (0, 0)>
#map1 = affine_map<(d0, d1) -> (0, 0, 0)>
module attributes {stable_mosaic.version = 14 : i64} {
  func.func @_sc_propagate(%arg0: i32, %arg1: i32, %arg2: memref<10112x128xf32, #tpu.memory_space<hbm>>, %arg3: memref<32x79x128xi32, #tpu.memory_space<hbm>>, %arg4: memref<32x79x128xi32, #tpu.memory_space<hbm>>, %arg5: memref<2x10112x128xf32, #tpu.memory_space<hbm>>, %arg6: memref<10112x128xf32, #tpu.memory_space<vmem_shared>>, %arg7: memref<79x128xi32, #tpu.memory_space<vmem>>, %arg8: memref<79x128xi32, #tpu.memory_space<vmem>>, %arg9: memref<128x128xf32, #tpu.memory_space<vmem>>, %arg10: memref<!tpu.dma_semaphore, #tpu.memory_space<semaphore_mem>>) attributes {dimension_semantics = [#tpu.dimension_semantics<core_parallel>, #tpu.dimension_semantics<subcore_parallel>], iteration_bounds = array<i64: 2, 16>, scalar_prefetch = 0 : i64, scratch_operands = 5 : i64, tpu.core_type = #tpu.core_type<sc_vector_subcore>, window_params = [{transform_indices = #map}, {transform_indices = #map1}, {transform_indices = #map1}, {transform_indices = #map1}]} {
    %mul3A = arith.constant 16 : i32
    %mul3A_0 = arith.muli %arg0, %mul3A : i32
    %add3A = arith.addi %mul3A_0, %arg1 : i32
    %mul3A_1 = arith.constant 632 : i32
    %mul3A_2 = arith.muli %arg1, %mul3A_1 : i32
    "tpu.region"() ({
      %run_scoped3A = tpu.sem_alloc : memref<!tpu.dma_semaphore, #tpu.memory_space<semaphore_mem>>
      %dma_start3A = arith.constant 0 : i32
      %dma_start3A_9 = tpu.memref_slice %arg6[%mul3A_2, %dma_start3A] : memref<10112x128xf32, #tpu.memory_space<vmem_shared>> -> memref<632x128xf32, #tpu.memory_space<vmem_shared>>
      %dma_start3A_10 = arith.constant 0 : i32
      %dma_start3A_11 = tpu.memref_slice %arg2[%mul3A_2, %dma_start3A_10] : memref<10112x128xf32, #tpu.memory_space<hbm>> -> memref<632x128xf32, #tpu.memory_space<hbm>>
      tpu.enqueue_dma source(%dma_start3A_11 : memref<632x128xf32, #tpu.memory_space<hbm>>) target(%dma_start3A_9 : memref<632x128xf32, #tpu.memory_space<vmem_shared>>) target_semaphore(%run_scoped3A : memref<!tpu.dma_semaphore, #tpu.memory_space<semaphore_mem>>)
      %dma_wait3A = arith.constant 0 : i32
      %dma_wait3A_12 = tpu.memref_slice %arg6[%mul3A_2, %dma_wait3A] : memref<10112x128xf32, #tpu.memory_space<vmem_shared>> -> memref<632x128xf32, #tpu.memory_space<vmem_shared>>
      %dma_wait3A_13 = arith.constant 0 : i32
      %dma_wait3A_14 = tpu.memref_slice %arg2[%mul3A_2, %dma_wait3A_13] : memref<10112x128xf32, #tpu.memory_space<hbm>> -> memref<632x128xf32, #tpu.memory_space<hbm>>
      tpu.wait_dma2 semaphore(%run_scoped3A : memref<!tpu.dma_semaphore, #tpu.memory_space<semaphore_mem>>) src(%dma_wait3A_14 : memref<632x128xf32, #tpu.memory_space<hbm>>) dst(%dma_wait3A_12 : memref<632x128xf32, #tpu.memory_space<vmem_shared>>)
      tpu.yield
    }) : () -> ()
    "tpu.region"() ({
      %run_scoped3A = tpu.sem_alloc : memref<!tpu.dma_semaphore, #tpu.memory_space<semaphore_mem>>
      %dma_start3A = arith.constant 0 : i32
      %dma_start3A_9 = arith.constant 0 : i32
      %dma_start3A_10 = tpu.memref_slice %arg3[%add3A, %dma_start3A, %dma_start3A_9] : memref<32x79x128xi32, #tpu.memory_space<hbm>> -> memref<1x79x128xi32, #tpu.memory_space<hbm>>
      %dma_start3A_11 = tpu.memref_squeeze %dma_start3A_10 : memref<1x79x128xi32, #tpu.memory_space<hbm>> -> memref<79x128xi32, #tpu.memory_space<hbm>>
      %dma_start3A_12 = arith.constant 0 : i32
      %dma_start3A_13 = arith.constant 0 : i32
      %dma_start3A_14 = tpu.memref_slice %arg3[%add3A, %dma_start3A_12, %dma_start3A_13] : memref<32x79x128xi32, #tpu.memory_space<hbm>> -> memref<1x79x128xi32, #tpu.memory_space<hbm>>
      %dma_start3A_15 = tpu.memref_squeeze %dma_start3A_14 : memref<1x79x128xi32, #tpu.memory_space<hbm>> -> memref<79x128xi32, #tpu.memory_space<hbm>>
      tpu.enqueue_dma source(%dma_start3A_15 : memref<79x128xi32, #tpu.memory_space<hbm>>) target(%arg7 : memref<79x128xi32, #tpu.memory_space<vmem>>) target_semaphore(%run_scoped3A : memref<!tpu.dma_semaphore, #tpu.memory_space<semaphore_mem>>)
      %dma_wait3A = arith.constant 0 : i32
      %dma_wait3A_16 = arith.constant 0 : i32
      %dma_wait3A_17 = tpu.memref_slice %arg3[%add3A, %dma_wait3A, %dma_wait3A_16] : memref<32x79x128xi32, #tpu.memory_space<hbm>> -> memref<1x79x128xi32, #tpu.memory_space<hbm>>
      %dma_wait3A_18 = tpu.memref_squeeze %dma_wait3A_17 : memref<1x79x128xi32, #tpu.memory_space<hbm>> -> memref<79x128xi32, #tpu.memory_space<hbm>>
      %dma_wait3A_19 = arith.constant 0 : i32
      %dma_wait3A_20 = arith.constant 0 : i32
      %dma_wait3A_21 = tpu.memref_slice %arg3[%add3A, %dma_wait3A_19, %dma_wait3A_20] : memref<32x79x128xi32, #tpu.memory_space<hbm>> -> memref<1x79x128xi32, #tpu.memory_space<hbm>>
      %dma_wait3A_22 = tpu.memref_squeeze %dma_wait3A_21 : memref<1x79x128xi32, #tpu.memory_space<hbm>> -> memref<79x128xi32, #tpu.memory_space<hbm>>
      tpu.wait_dma2 semaphore(%run_scoped3A : memref<!tpu.dma_semaphore, #tpu.memory_space<semaphore_mem>>) src(%dma_wait3A_22 : memref<79x128xi32, #tpu.memory_space<hbm>>) dst(%arg7 : memref<79x128xi32, #tpu.memory_space<vmem>>)
      tpu.yield
    }) : () -> ()
    "tpu.region"() ({
      %run_scoped3A = tpu.sem_alloc : memref<!tpu.dma_semaphore, #tpu.memory_space<semaphore_mem>>
      %dma_start3A = arith.constant 0 : i32
      %dma_start3A_9 = arith.constant 0 : i32
      %dma_start3A_10 = tpu.memref_slice %arg4[%add3A, %dma_start3A, %dma_start3A_9] : memref<32x79x128xi32, #tpu.memory_space<hbm>> -> memref<1x79x128xi32, #tpu.memory_space<hbm>>
      %dma_start3A_11 = tpu.memref_squeeze %dma_start3A_10 : memref<1x79x128xi32, #tpu.memory_space<hbm>> -> memref<79x128xi32, #tpu.memory_space<hbm>>
      %dma_start3A_12 = arith.constant 0 : i32
      %dma_start3A_13 = arith.constant 0 : i32
      %dma_start3A_14 = tpu.memref_slice %arg4[%add3A, %dma_start3A_12, %dma_start3A_13] : memref<32x79x128xi32, #tpu.memory_space<hbm>> -> memref<1x79x128xi32, #tpu.memory_space<hbm>>
      %dma_start3A_15 = tpu.memref_squeeze %dma_start3A_14 : memref<1x79x128xi32, #tpu.memory_space<hbm>> -> memref<79x128xi32, #tpu.memory_space<hbm>>
      tpu.enqueue_dma source(%dma_start3A_15 : memref<79x128xi32, #tpu.memory_space<hbm>>) target(%arg8 : memref<79x128xi32, #tpu.memory_space<vmem>>) target_semaphore(%run_scoped3A : memref<!tpu.dma_semaphore, #tpu.memory_space<semaphore_mem>>)
      %dma_wait3A = arith.constant 0 : i32
      %dma_wait3A_16 = arith.constant 0 : i32
      %dma_wait3A_17 = tpu.memref_slice %arg4[%add3A, %dma_wait3A, %dma_wait3A_16] : memref<32x79x128xi32, #tpu.memory_space<hbm>> -> memref<1x79x128xi32, #tpu.memory_space<hbm>>
      %dma_wait3A_18 = tpu.memref_squeeze %dma_wait3A_17 : memref<1x79x128xi32, #tpu.memory_space<hbm>> -> memref<79x128xi32, #tpu.memory_space<hbm>>
      %dma_wait3A_19 = arith.constant 0 : i32
      %dma_wait3A_20 = arith.constant 0 : i32
      %dma_wait3A_21 = tpu.memref_slice %arg4[%add3A, %dma_wait3A_19, %dma_wait3A_20] : memref<32x79x128xi32, #tpu.memory_space<hbm>> -> memref<1x79x128xi32, #tpu.memory_space<hbm>>
      %dma_wait3A_22 = tpu.memref_squeeze %dma_wait3A_21 : memref<1x79x128xi32, #tpu.memory_space<hbm>> -> memref<79x128xi32, #tpu.memory_space<hbm>>
      tpu.wait_dma2 semaphore(%run_scoped3A : memref<!tpu.dma_semaphore, #tpu.memory_space<semaphore_mem>>) src(%dma_wait3A_22 : memref<79x128xi32, #tpu.memory_space<hbm>>) dst(%arg8 : memref<79x128xi32, #tpu.memory_space<vmem>>)
      tpu.yield
    }) : () -> ()
    %barrier3A = arith.constant 0 : index
    tpu.barrier barrier_id(%barrier3A)
    %scan3A = arith.constant 0 : i32
    %scan3A_3 = arith.constant 0 : i32
    %scan3A_4 = arith.constant 79 : i32
    %scan3A_5 = arith.addi %scan3A_3, %scan3A_4 : i32
    %scan3A_6 = arith.constant 1 : i32
    scf.for %scan3A_9 = %scan3A_3 to %scan3A_5 step %scan3A_6  : i32 {
      %dma_start3A = arith.constant 0 : i32
      %dma_start3A_10 = tpu.memref_slice %arg7[%scan3A_9, %dma_start3A] : memref<79x128xi32, #tpu.memory_space<vmem>> -> memref<1x128xi32, #tpu.memory_space<vmem>>
      %dma_start3A_11 = tpu.memref_squeeze %dma_start3A_10 : memref<1x128xi32, #tpu.memory_space<vmem>> -> memref<128xi32, #tpu.memory_space<vmem>>
      %dma_start3A_12 = arith.constant 0 : i32
      %dma_start3A_13 = arith.constant 0 : i32
      %dma_start3A_14 = tpu.memref_slice %arg2[%dma_start3A_12, %dma_start3A_13] : memref<10112x128xf32, #tpu.memory_space<hbm>> -> memref<10112x128xf32, #tpu.memory_space<hbm>>
      tpu.enqueue_indirect_dma source(%dma_start3A_14 : memref<10112x128xf32, #tpu.memory_space<hbm>>) target(%arg9 : memref<128x128xf32, #tpu.memory_space<vmem>>) offsets(%dma_start3A_11 : memref<128xi32, #tpu.memory_space<vmem>>) semaphore(%arg10 : memref<!tpu.dma_semaphore, #tpu.memory_space<semaphore_mem>>)
      %dma_wait3A = arith.constant 0 : i32
      %dma_wait3A_15 = tpu.memref_slice %arg7[%scan3A_9, %dma_wait3A] : memref<79x128xi32, #tpu.memory_space<vmem>> -> memref<1x128xi32, #tpu.memory_space<vmem>>
      %dma_wait3A_16 = tpu.memref_squeeze %dma_wait3A_15 : memref<1x128xi32, #tpu.memory_space<vmem>> -> memref<128xi32, #tpu.memory_space<vmem>>
      %dma_wait3A_17 = arith.constant 0 : i32
      %dma_wait3A_18 = arith.constant 0 : i32
      %dma_wait3A_19 = tpu.memref_slice %arg2[%dma_wait3A_17, %dma_wait3A_18] : memref<10112x128xf32, #tpu.memory_space<hbm>> -> memref<10112x128xf32, #tpu.memory_space<hbm>>
      tpu.wait_indirect_dma semaphore(%arg10 : memref<!tpu.dma_semaphore, #tpu.memory_space<semaphore_mem>>) src(%dma_wait3A_19 : memref<10112x128xf32, #tpu.memory_space<hbm>>) dst(%arg9 : memref<128x128xf32, #tpu.memory_space<vmem>>)
      "tpu.region"() ({
        %run_scoped3A = tpu.sem_alloc : memref<!tpu.dma_semaphore, #tpu.memory_space<semaphore_mem>>
        %dma_start3A_20 = arith.constant 0 : i32
        %dma_start3A_21 = tpu.memref_slice %arg8[%scan3A_9, %dma_start3A_20] : memref<79x128xi32, #tpu.memory_space<vmem>> -> memref<1x128xi32, #tpu.memory_space<vmem>>
        %dma_start3A_22 = tpu.memref_squeeze %dma_start3A_21 : memref<1x128xi32, #tpu.memory_space<vmem>> -> memref<128xi32, #tpu.memory_space<vmem>>
        %dma_start3A_23 = arith.constant 0 : i32
        %dma_start3A_24 = arith.constant 0 : i32
        %dma_start3A_25 = tpu.memref_slice %arg6[%dma_start3A_23, %dma_start3A_24] : memref<10112x128xf32, #tpu.memory_space<vmem_shared>> -> memref<10112x128xf32, #tpu.memory_space<vmem_shared>>
        tpu.enqueue_indirect_dma source(%arg9 : memref<128x128xf32, #tpu.memory_space<vmem>>) target(%dma_start3A_25 : memref<10112x128xf32, #tpu.memory_space<vmem_shared>>) offsets(%dma_start3A_22 : memref<128xi32, #tpu.memory_space<vmem>>) semaphore(%run_scoped3A : memref<!tpu.dma_semaphore, #tpu.memory_space<semaphore_mem>>) {add = true}
        %dma_wait3A_26 = arith.constant 0 : i32
        %dma_wait3A_27 = tpu.memref_slice %arg8[%scan3A_9, %dma_wait3A_26] : memref<79x128xi32, #tpu.memory_space<vmem>> -> memref<1x128xi32, #tpu.memory_space<vmem>>
        %dma_wait3A_28 = tpu.memref_squeeze %dma_wait3A_27 : memref<1x128xi32, #tpu.memory_space<vmem>> -> memref<128xi32, #tpu.memory_space<vmem>>
        %dma_wait3A_29 = arith.constant 0 : i32
        %dma_wait3A_30 = arith.constant 0 : i32
        %dma_wait3A_31 = tpu.memref_slice %arg6[%dma_wait3A_29, %dma_wait3A_30] : memref<10112x128xf32, #tpu.memory_space<vmem_shared>> -> memref<10112x128xf32, #tpu.memory_space<vmem_shared>>
        tpu.wait_indirect_dma semaphore(%run_scoped3A : memref<!tpu.dma_semaphore, #tpu.memory_space<semaphore_mem>>) src(%arg9 : memref<128x128xf32, #tpu.memory_space<vmem>>) dst(%dma_wait3A_31 : memref<10112x128xf32, #tpu.memory_space<vmem_shared>>)
        tpu.yield
      }) : () -> ()
    }
    %scan3A_7 = arith.constant 79 : i32
    %barrier3A_8 = arith.constant 0 : index
    tpu.barrier barrier_id(%barrier3A_8)
    "tpu.region"() ({
      %run_scoped3A = tpu.sem_alloc : memref<!tpu.dma_semaphore, #tpu.memory_space<semaphore_mem>>
      %dma_start3A = arith.constant 0 : i32
      %dma_start3A_9 = tpu.memref_slice %arg5[%arg0, %mul3A_2, %dma_start3A] : memref<2x10112x128xf32, #tpu.memory_space<hbm>> -> memref<1x632x128xf32, #tpu.memory_space<hbm>>
      %dma_start3A_10 = tpu.memref_squeeze %dma_start3A_9 : memref<1x632x128xf32, #tpu.memory_space<hbm>> -> memref<632x128xf32, #tpu.memory_space<hbm>>
      %dma_start3A_11 = arith.constant 0 : i32
      %dma_start3A_12 = tpu.memref_slice %arg6[%mul3A_2, %dma_start3A_11] : memref<10112x128xf32, #tpu.memory_space<vmem_shared>> -> memref<632x128xf32, #tpu.memory_space<vmem_shared>>
      tpu.enqueue_dma source(%dma_start3A_12 : memref<632x128xf32, #tpu.memory_space<vmem_shared>>) target(%dma_start3A_10 : memref<632x128xf32, #tpu.memory_space<hbm>>) target_semaphore(%run_scoped3A : memref<!tpu.dma_semaphore, #tpu.memory_space<semaphore_mem>>)
      %dma_wait3A = arith.constant 0 : i32
      %dma_wait3A_13 = tpu.memref_slice %arg5[%arg0, %mul3A_2, %dma_wait3A] : memref<2x10112x128xf32, #tpu.memory_space<hbm>> -> memref<1x632x128xf32, #tpu.memory_space<hbm>>
      %dma_wait3A_14 = tpu.memref_squeeze %dma_wait3A_13 : memref<1x632x128xf32, #tpu.memory_space<hbm>> -> memref<632x128xf32, #tpu.memory_space<hbm>>
      %dma_wait3A_15 = arith.constant 0 : i32
      %dma_wait3A_16 = tpu.memref_slice %arg6[%mul3A_2, %dma_wait3A_15] : memref<10112x128xf32, #tpu.memory_space<vmem_shared>> -> memref<632x128xf32, #tpu.memory_space<vmem_shared>>
      tpu.wait_dma2 semaphore(%run_scoped3A : memref<!tpu.dma_semaphore, #tpu.memory_space<semaphore_mem>>) src(%dma_wait3A_16 : memref<632x128xf32, #tpu.memory_space<vmem_shared>>) dst(%dma_wait3A_14 : memref<632x128xf32, #tpu.memory_space<hbm>>)
      tpu.yield
    }) : () -> ()
    return
  }
}

#map = affine_map<(d0, d1) -> (0, 0)>
#map1 = affine_map<(d0, d1) -> (0, 0, 0)>
module attributes {stable_mosaic.version = 14 : i64} {
  func.func @_sc_propagate(%arg0: i32, %arg1: i32, %arg2: memref<10112x128xf32, #tpu.memory_space<hbm>>, %arg3: memref<32x79x128xi32, #tpu.memory_space<hbm>>, %arg4: memref<32x79x128xi32, #tpu.memory_space<hbm>>, %arg5: memref<2x10112x128xf32, #tpu.memory_space<hbm>>, %arg6: memref<10112x128xf32, #tpu.memory_space<vmem_shared>>, %arg7: memref<79x128xi32, #tpu.memory_space<vmem>>, %arg8: memref<79x128xi32, #tpu.memory_space<vmem>>, %arg9: memref<128x128xf32, #tpu.memory_space<vmem>>, %arg10: memref<!tpu.dma_semaphore, #tpu.memory_space<semaphore_mem>>) attributes {dimension_semantics = [#tpu.dimension_semantics<core_parallel>, #tpu.dimension_semantics<subcore_parallel>], iteration_bounds = array<i64: 2, 16>, scalar_prefetch = 0 : i64, scratch_operands = 5 : i64, tpu.core_type = #tpu.core_type<sc_vector_subcore>, window_params = [{transform_indices = #map}, {transform_indices = #map1}, {transform_indices = #map1}, {transform_indices = #map1}]} {
    %mul3A = arith.constant 16 : i32
    %mul3A_0 = arith.muli %arg0, %mul3A : i32
    %add3A = arith.addi %mul3A_0, %arg1 : i32
    %mul3A_1 = arith.constant 632 : i32
    %mul3A_2 = arith.muli %arg1, %mul3A_1 : i32
    "tpu.region"() ({
      %run_scoped3A = tpu.sem_alloc : memref<!tpu.dma_semaphore, #tpu.memory_space<semaphore_mem>>
      %dma_start3A = arith.constant 0 : i32
      %dma_start3A_9 = tpu.memref_slice %arg6[%mul3A_2, %dma_start3A] : memref<10112x128xf32, #tpu.memory_space<vmem_shared>> -> memref<632x128xf32, #tpu.memory_space<vmem_shared>>
      %dma_start3A_10 = arith.constant 0 : i32
      %dma_start3A_11 = tpu.memref_slice %arg2[%mul3A_2, %dma_start3A_10] : memref<10112x128xf32, #tpu.memory_space<hbm>> -> memref<632x128xf32, #tpu.memory_space<hbm>>
      tpu.enqueue_dma source(%dma_start3A_11 : memref<632x128xf32, #tpu.memory_space<hbm>>) target(%dma_start3A_9 : memref<632x128xf32, #tpu.memory_space<vmem_shared>>) target_semaphore(%run_scoped3A : memref<!tpu.dma_semaphore, #tpu.memory_space<semaphore_mem>>)
      %dma_wait3A = arith.constant 0 : i32
      %dma_wait3A_12 = tpu.memref_slice %arg6[%mul3A_2, %dma_wait3A] : memref<10112x128xf32, #tpu.memory_space<vmem_shared>> -> memref<632x128xf32, #tpu.memory_space<vmem_shared>>
      %dma_wait3A_13 = arith.constant 0 : i32
      %dma_wait3A_14 = tpu.memref_slice %arg2[%mul3A_2, %dma_wait3A_13] : memref<10112x128xf32, #tpu.memory_space<hbm>> -> memref<632x128xf32, #tpu.memory_space<hbm>>
      tpu.wait_dma2 semaphore(%run_scoped3A : memref<!tpu.dma_semaphore, #tpu.memory_space<semaphore_mem>>) src(%dma_wait3A_14 : memref<632x128xf32, #tpu.memory_space<hbm>>) dst(%dma_wait3A_12 : memref<632x128xf32, #tpu.memory_space<vmem_shared>>)
      tpu.yield
    }) : () -> ()
    "tpu.region"() ({
      %run_scoped3A = tpu.sem_alloc : memref<!tpu.dma_semaphore, #tpu.memory_space<semaphore_mem>>
      %dma_start3A = arith.constant 0 : i32
      %dma_start3A_9 = arith.constant 0 : i32
      %dma_start3A_10 = tpu.memref_slice %arg3[%add3A, %dma_start3A, %dma_start3A_9] : memref<32x79x128xi32, #tpu.memory_space<hbm>> -> memref<1x79x128xi32, #tpu.memory_space<hbm>>
      %dma_start3A_11 = tpu.memref_squeeze %dma_start3A_10 : memref<1x79x128xi32, #tpu.memory_space<hbm>> -> memref<79x128xi32, #tpu.memory_space<hbm>>
      %dma_start3A_12 = arith.constant 0 : i32
      %dma_start3A_13 = arith.constant 0 : i32
      %dma_start3A_14 = tpu.memref_slice %arg3[%add3A, %dma_start3A_12, %dma_start3A_13] : memref<32x79x128xi32, #tpu.memory_space<hbm>> -> memref<1x79x128xi32, #tpu.memory_space<hbm>>
      %dma_start3A_15 = tpu.memref_squeeze %dma_start3A_14 : memref<1x79x128xi32, #tpu.memory_space<hbm>> -> memref<79x128xi32, #tpu.memory_space<hbm>>
      tpu.enqueue_dma source(%dma_start3A_15 : memref<79x128xi32, #tpu.memory_space<hbm>>) target(%arg7 : memref<79x128xi32, #tpu.memory_space<vmem>>) target_semaphore(%run_scoped3A : memref<!tpu.dma_semaphore, #tpu.memory_space<semaphore_mem>>)
      %dma_wait3A = arith.constant 0 : i32
      %dma_wait3A_16 = arith.constant 0 : i32
      %dma_wait3A_17 = tpu.memref_slice %arg3[%add3A, %dma_wait3A, %dma_wait3A_16] : memref<32x79x128xi32, #tpu.memory_space<hbm>> -> memref<1x79x128xi32, #tpu.memory_space<hbm>>
      %dma_wait3A_18 = tpu.memref_squeeze %dma_wait3A_17 : memref<1x79x128xi32, #tpu.memory_space<hbm>> -> memref<79x128xi32, #tpu.memory_space<hbm>>
      %dma_wait3A_19 = arith.constant 0 : i32
      %dma_wait3A_20 = arith.constant 0 : i32
      %dma_wait3A_21 = tpu.memref_slice %arg3[%add3A, %dma_wait3A_19, %dma_wait3A_20] : memref<32x79x128xi32, #tpu.memory_space<hbm>> -> memref<1x79x128xi32, #tpu.memory_space<hbm>>
      %dma_wait3A_22 = tpu.memref_squeeze %dma_wait3A_21 : memref<1x79x128xi32, #tpu.memory_space<hbm>> -> memref<79x128xi32, #tpu.memory_space<hbm>>
      tpu.wait_dma2 semaphore(%run_scoped3A : memref<!tpu.dma_semaphore, #tpu.memory_space<semaphore_mem>>) src(%dma_wait3A_22 : memref<79x128xi32, #tpu.memory_space<hbm>>) dst(%arg7 : memref<79x128xi32, #tpu.memory_space<vmem>>)
      tpu.yield
    }) : () -> ()
    "tpu.region"() ({
      %run_scoped3A = tpu.sem_alloc : memref<!tpu.dma_semaphore, #tpu.memory_space<semaphore_mem>>
      %dma_start3A = arith.constant 0 : i32
      %dma_start3A_9 = arith.constant 0 : i32
      %dma_start3A_10 = tpu.memref_slice %arg4[%add3A, %dma_start3A, %dma_start3A_9] : memref<32x79x128xi32, #tpu.memory_space<hbm>> -> memref<1x79x128xi32, #tpu.memory_space<hbm>>
      %dma_start3A_11 = tpu.memref_squeeze %dma_start3A_10 : memref<1x79x128xi32, #tpu.memory_space<hbm>> -> memref<79x128xi32, #tpu.memory_space<hbm>>
      %dma_start3A_12 = arith.constant 0 : i32
      %dma_start3A_13 = arith.constant 0 : i32
      %dma_start3A_14 = tpu.memref_slice %arg4[%add3A, %dma_start3A_12, %dma_start3A_13] : memref<32x79x128xi32, #tpu.memory_space<hbm>> -> memref<1x79x128xi32, #tpu.memory_space<hbm>>
      %dma_start3A_15 = tpu.memref_squeeze %dma_start3A_14 : memref<1x79x128xi32, #tpu.memory_space<hbm>> -> memref<79x128xi32, #tpu.memory_space<hbm>>
      tpu.enqueue_dma source(%dma_start3A_15 : memref<79x128xi32, #tpu.memory_space<hbm>>) target(%arg8 : memref<79x128xi32, #tpu.memory_space<vmem>>) target_semaphore(%run_scoped3A : memref<!tpu.dma_semaphore, #tpu.memory_space<semaphore_mem>>)
      %dma_wait3A = arith.constant 0 : i32
      %dma_wait3A_16 = arith.constant 0 : i32
      %dma_wait3A_17 = tpu.memref_slice %arg4[%add3A, %dma_wait3A, %dma_wait3A_16] : memref<32x79x128xi32, #tpu.memory_space<hbm>> -> memref<1x79x128xi32, #tpu.memory_space<hbm>>
      %dma_wait3A_18 = tpu.memref_squeeze %dma_wait3A_17 : memref<1x79x128xi32, #tpu.memory_space<hbm>> -> memref<79x128xi32, #tpu.memory_space<hbm>>
      %dma_wait3A_19 = arith.constant 0 : i32
      %dma_wait3A_20 = arith.constant 0 : i32
      %dma_wait3A_21 = tpu.memref_slice %arg4[%add3A, %dma_wait3A_19, %dma_wait3A_20] : memref<32x79x128xi32, #tpu.memory_space<hbm>> -> memref<1x79x128xi32, #tpu.memory_space<hbm>>
      %dma_wait3A_22 = tpu.memref_squeeze %dma_wait3A_21 : memref<1x79x128xi32, #tpu.memory_space<hbm>> -> memref<79x128xi32, #tpu.memory_space<hbm>>
      tpu.wait_dma2 semaphore(%run_scoped3A : memref<!tpu.dma_semaphore, #tpu.memory_space<semaphore_mem>>) src(%dma_wait3A_22 : memref<79x128xi32, #tpu.memory_space<hbm>>) dst(%arg8 : memref<79x128xi32, #tpu.memory_space<vmem>>)
      tpu.yield
    }) : () -> ()
    %barrier3A = arith.constant 0 : index
    tpu.barrier barrier_id(%barrier3A)
    %scan3A = arith.constant 0 : i32
    %scan3A_3 = arith.constant 0 : i32
    %scan3A_4 = arith.constant 79 : i32
    %scan3A_5 = arith.addi %scan3A_3, %scan3A_4 : i32
    %scan3A_6 = arith.constant 1 : i32
    scf.for %scan3A_9 = %scan3A_3 to %scan3A_5 step %scan3A_6  : i32 {
      %dma_start3A = arith.constant 0 : i32
      %dma_start3A_10 = tpu.memref_slice %arg7[%scan3A_9, %dma_start3A] : memref<79x128xi32, #tpu.memory_space<vmem>> -> memref<1x128xi32, #tpu.memory_space<vmem>>
      %dma_start3A_11 = tpu.memref_squeeze %dma_start3A_10 : memref<1x128xi32, #tpu.memory_space<vmem>> -> memref<128xi32, #tpu.memory_space<vmem>>
      %dma_start3A_12 = arith.constant 0 : i32
      %dma_start3A_13 = arith.constant 0 : i32
      %dma_start3A_14 = tpu.memref_slice %arg2[%dma_start3A_12, %dma_start3A_13] : memref<10112x128xf32, #tpu.memory_space<hbm>> -> memref<10112x128xf32, #tpu.memory_space<hbm>>
      tpu.enqueue_indirect_dma source(%dma_start3A_14 : memref<10112x128xf32, #tpu.memory_space<hbm>>) target(%arg9 : memref<128x128xf32, #tpu.memory_space<vmem>>) offsets(%dma_start3A_11 : memref<128xi32, #tpu.memory_space<vmem>>) semaphore(%arg10 : memref<!tpu.dma_semaphore, #tpu.memory_space<semaphore_mem>>)
      %dma_wait3A = arith.constant 0 : i32
      %dma_wait3A_15 = tpu.memref_slice %arg7[%scan3A_9, %dma_wait3A] : memref<79x128xi32, #tpu.memory_space<vmem>> -> memref<1x128xi32, #tpu.memory_space<vmem>>
      %dma_wait3A_16 = tpu.memref_squeeze %dma_wait3A_15 : memref<1x128xi32, #tpu.memory_space<vmem>> -> memref<128xi32, #tpu.memory_space<vmem>>
      %dma_wait3A_17 = arith.constant 0 : i32
      %dma_wait3A_18 = arith.constant 0 : i32
      %dma_wait3A_19 = tpu.memref_slice %arg2[%dma_wait3A_17, %dma_wait3A_18] : memref<10112x128xf32, #tpu.memory_space<hbm>> -> memref<10112x128xf32, #tpu.memory_space<hbm>>
      tpu.wait_indirect_dma semaphore(%arg10 : memref<!tpu.dma_semaphore, #tpu.memory_space<semaphore_mem>>) src(%dma_wait3A_19 : memref<10112x128xf32, #tpu.memory_space<hbm>>) dst(%arg9 : memref<128x128xf32, #tpu.memory_space<vmem>>)
      "tpu.region"() ({
        %run_scoped3A = tpu.sem_alloc : memref<!tpu.dma_semaphore, #tpu.memory_space<semaphore_mem>>
        %dma_start3A_20 = arith.constant 0 : i32
        %dma_start3A_21 = tpu.memref_slice %arg8[%scan3A_9, %dma_start3A_20] : memref<79x128xi32, #tpu.memory_space<vmem>> -> memref<1x128xi32, #tpu.memory_space<vmem>>
        %dma_start3A_22 = tpu.memref_squeeze %dma_start3A_21 : memref<1x128xi32, #tpu.memory_space<vmem>> -> memref<128xi32, #tpu.memory_space<vmem>>
        %dma_start3A_23 = arith.constant 0 : i32
        %dma_start3A_24 = arith.constant 0 : i32
        %dma_start3A_25 = tpu.memref_slice %arg6[%dma_start3A_23, %dma_start3A_24] : memref<10112x128xf32, #tpu.memory_space<vmem_shared>> -> memref<10112x128xf32, #tpu.memory_space<vmem_shared>>
        tpu.enqueue_indirect_dma source(%arg9 : memref<128x128xf32, #tpu.memory_space<vmem>>) target(%dma_start3A_25 : memref<10112x128xf32, #tpu.memory_space<vmem_shared>>) offsets(%dma_start3A_22 : memref<128xi32, #tpu.memory_space<vmem>>) semaphore(%run_scoped3A : memref<!tpu.dma_semaphore, #tpu.memory_space<semaphore_mem>>) {add = true}
        %dma_wait3A_26 = arith.constant 0 : i32
        %dma_wait3A_27 = tpu.memref_slice %arg8[%scan3A_9, %dma_wait3A_26] : memref<79x128xi32, #tpu.memory_space<vmem>> -> memref<1x128xi32, #tpu.memory_space<vmem>>
        %dma_wait3A_28 = tpu.memref_squeeze %dma_wait3A_27 : memref<1x128xi32, #tpu.memory_space<vmem>> -> memref<128xi32, #tpu.memory_space<vmem>>
        %dma_wait3A_29 = arith.constant 0 : i32
        %dma_wait3A_30 = arith.constant 0 : i32
        %dma_wait3A_31 = tpu.memref_slice %arg6[%dma_wait3A_29, %dma_wait3A_30] : memref<10112x128xf32, #tpu.memory_space<vmem_shared>> -> memref<10112x128xf32, #tpu.memory_space<vmem_shared>>
        tpu.wait_indirect_dma semaphore(%run_scoped3A : memref<!tpu.dma_semaphore, #tpu.memory_space<semaphore_mem>>) src(%arg9 : memref<128x128xf32, #tpu.memory_space<vmem>>) dst(%dma_wait3A_31 : memref<10112x128xf32, #tpu.memory_space<vmem_shared>>)
        tpu.yield
      }) : () -> ()
    }
    %scan3A_7 = arith.constant 79 : i32
    %barrier3A_8 = arith.constant 0 : index
    tpu.barrier barrier_id(%barrier3A_8)
    "tpu.region"() ({
      %run_scoped3A = tpu.sem_alloc : memref<!tpu.dma_semaphore, #tpu.memory_space<semaphore_mem>>
      %dma_start3A = arith.constant 0 : i32
      %dma_start3A_9 = tpu.memref_slice %arg5[%arg0, %mul3A_2, %dma_start3A] : memref<2x10112x128xf32, #tpu.memory_space<hbm>> -> memref<1x632x128xf32, #tpu.memory_space<hbm>>
      %dma_start3A_10 = tpu.memref_squeeze %dma_start3A_9 : memref<1x632x128xf32, #tpu.memory_space<hbm>> -> memref<632x128xf32, #tpu.memory_space<hbm>>
      %dma_start3A_11 = arith.constant 0 : i32
      %dma_start3A_12 = tpu.memref_slice %arg6[%mul3A_2, %dma_start3A_11] : memref<10112x128xf32, #tpu.memory_space<vmem_shared>> -> memref<632x128xf32, #tpu.memory_space<vmem_shared>>
      tpu.enqueue_dma source(%dma_start3A_12 : memref<632x128xf32, #tpu.memory_space<vmem_shared>>) target(%dma_start3A_10 : memref<632x128xf32, #tpu.memory_space<hbm>>) target_semaphore(%run_scoped3A : memref<!tpu.dma_semaphore, #tpu.memory_space<semaphore_mem>>)
      %dma_wait3A = arith.constant 0 : i32
      %dma_wait3A_13 = tpu.memref_slice %arg5[%arg0, %mul3A_2, %dma_wait3A] : memref<2x10112x128xf32, #tpu.memory_space<hbm>> -> memref<1x632x128xf32, #tpu.memory_space<hbm>>
      %dma_wait3A_14 = tpu.memref_squeeze %dma_wait3A_13 : memref<1x632x128xf32, #tpu.memory_space<hbm>> -> memref<632x128xf32, #tpu.memory_space<hbm>>
      %dma_wait3A_15 = arith.constant 0 : i32
      %dma_wait3A_16 = tpu.memref_slice %arg6[%mul3A_2, %dma_wait3A_15] : memref<10112x128xf32, #tpu.memory_space<vmem_shared>> -> memref<632x128xf32, #tpu.memory_space<vmem_shared>>
      tpu.wait_dma2 semaphore(%run_scoped3A : memref<!tpu.dma_semaphore, #tpu.memory_space<semaphore_mem>>) src(%dma_wait3A_16 : memref<632x128xf32, #tpu.memory_space<vmem_shared>>) dst(%dma_wait3A_14 : memref<632x128xf32, #tpu.memory_space<hbm>>)
      tpu.yield
    }) : () -> ()
    return
  }
}

#map = affine_map<(d0, d1) -> (0, 0)>
#map1 = affine_map<(d0, d1) -> (0, 0, 0)>
module attributes {stable_mosaic.version = 14 : i64} {
  func.func @_sc_propagate(%arg0: i32, %arg1: i32, %arg2: memref<10112x128xf32, #tpu.memory_space<hbm>>, %arg3: memref<32x79x128xi32, #tpu.memory_space<hbm>>, %arg4: memref<32x79x128xi32, #tpu.memory_space<hbm>>, %arg5: memref<2x10112x128xf32, #tpu.memory_space<hbm>>, %arg6: memref<10112x128xf32, #tpu.memory_space<vmem_shared>>, %arg7: memref<79x128xi32, #tpu.memory_space<vmem>>, %arg8: memref<79x128xi32, #tpu.memory_space<vmem>>, %arg9: memref<128x128xf32, #tpu.memory_space<vmem>>, %arg10: memref<!tpu.dma_semaphore, #tpu.memory_space<semaphore_mem>>) attributes {dimension_semantics = [#tpu.dimension_semantics<core_parallel>, #tpu.dimension_semantics<subcore_parallel>], iteration_bounds = array<i64: 2, 16>, scalar_prefetch = 0 : i64, scratch_operands = 5 : i64, tpu.core_type = #tpu.core_type<sc_vector_subcore>, window_params = [{transform_indices = #map}, {transform_indices = #map1}, {transform_indices = #map1}, {transform_indices = #map1}]} {
    %mul3A = arith.constant 16 : i32
    %mul3A_0 = arith.muli %arg0, %mul3A : i32
    %add3A = arith.addi %mul3A_0, %arg1 : i32
    %mul3A_1 = arith.constant 632 : i32
    %mul3A_2 = arith.muli %arg1, %mul3A_1 : i32
    "tpu.region"() ({
      %run_scoped3A = tpu.sem_alloc : memref<!tpu.dma_semaphore, #tpu.memory_space<semaphore_mem>>
      %dma_start3A = arith.constant 0 : i32
      %dma_start3A_9 = tpu.memref_slice %arg6[%mul3A_2, %dma_start3A] : memref<10112x128xf32, #tpu.memory_space<vmem_shared>> -> memref<632x128xf32, #tpu.memory_space<vmem_shared>>
      %dma_start3A_10 = arith.constant 0 : i32
      %dma_start3A_11 = tpu.memref_slice %arg2[%mul3A_2, %dma_start3A_10] : memref<10112x128xf32, #tpu.memory_space<hbm>> -> memref<632x128xf32, #tpu.memory_space<hbm>>
      tpu.enqueue_dma source(%dma_start3A_11 : memref<632x128xf32, #tpu.memory_space<hbm>>) target(%dma_start3A_9 : memref<632x128xf32, #tpu.memory_space<vmem_shared>>) target_semaphore(%run_scoped3A : memref<!tpu.dma_semaphore, #tpu.memory_space<semaphore_mem>>)
      %dma_wait3A = arith.constant 0 : i32
      %dma_wait3A_12 = tpu.memref_slice %arg6[%mul3A_2, %dma_wait3A] : memref<10112x128xf32, #tpu.memory_space<vmem_shared>> -> memref<632x128xf32, #tpu.memory_space<vmem_shared>>
      %dma_wait3A_13 = arith.constant 0 : i32
      %dma_wait3A_14 = tpu.memref_slice %arg2[%mul3A_2, %dma_wait3A_13] : memref<10112x128xf32, #tpu.memory_space<hbm>> -> memref<632x128xf32, #tpu.memory_space<hbm>>
      tpu.wait_dma2 semaphore(%run_scoped3A : memref<!tpu.dma_semaphore, #tpu.memory_space<semaphore_mem>>) src(%dma_wait3A_14 : memref<632x128xf32, #tpu.memory_space<hbm>>) dst(%dma_wait3A_12 : memref<632x128xf32, #tpu.memory_space<vmem_shared>>)
      tpu.yield
    }) : () -> ()
    "tpu.region"() ({
      %run_scoped3A = tpu.sem_alloc : memref<!tpu.dma_semaphore, #tpu.memory_space<semaphore_mem>>
      %dma_start3A = arith.constant 0 : i32
      %dma_start3A_9 = arith.constant 0 : i32
      %dma_start3A_10 = tpu.memref_slice %arg3[%add3A, %dma_start3A, %dma_start3A_9] : memref<32x79x128xi32, #tpu.memory_space<hbm>> -> memref<1x79x128xi32, #tpu.memory_space<hbm>>
      %dma_start3A_11 = tpu.memref_squeeze %dma_start3A_10 : memref<1x79x128xi32, #tpu.memory_space<hbm>> -> memref<79x128xi32, #tpu.memory_space<hbm>>
      %dma_start3A_12 = arith.constant 0 : i32
      %dma_start3A_13 = arith.constant 0 : i32
      %dma_start3A_14 = tpu.memref_slice %arg3[%add3A, %dma_start3A_12, %dma_start3A_13] : memref<32x79x128xi32, #tpu.memory_space<hbm>> -> memref<1x79x128xi32, #tpu.memory_space<hbm>>
      %dma_start3A_15 = tpu.memref_squeeze %dma_start3A_14 : memref<1x79x128xi32, #tpu.memory_space<hbm>> -> memref<79x128xi32, #tpu.memory_space<hbm>>
      tpu.enqueue_dma source(%dma_start3A_15 : memref<79x128xi32, #tpu.memory_space<hbm>>) target(%arg7 : memref<79x128xi32, #tpu.memory_space<vmem>>) target_semaphore(%run_scoped3A : memref<!tpu.dma_semaphore, #tpu.memory_space<semaphore_mem>>)
      %dma_wait3A = arith.constant 0 : i32
      %dma_wait3A_16 = arith.constant 0 : i32
      %dma_wait3A_17 = tpu.memref_slice %arg3[%add3A, %dma_wait3A, %dma_wait3A_16] : memref<32x79x128xi32, #tpu.memory_space<hbm>> -> memref<1x79x128xi32, #tpu.memory_space<hbm>>
      %dma_wait3A_18 = tpu.memref_squeeze %dma_wait3A_17 : memref<1x79x128xi32, #tpu.memory_space<hbm>> -> memref<79x128xi32, #tpu.memory_space<hbm>>
      %dma_wait3A_19 = arith.constant 0 : i32
      %dma_wait3A_20 = arith.constant 0 : i32
      %dma_wait3A_21 = tpu.memref_slice %arg3[%add3A, %dma_wait3A_19, %dma_wait3A_20] : memref<32x79x128xi32, #tpu.memory_space<hbm>> -> memref<1x79x128xi32, #tpu.memory_space<hbm>>
      %dma_wait3A_22 = tpu.memref_squeeze %dma_wait3A_21 : memref<1x79x128xi32, #tpu.memory_space<hbm>> -> memref<79x128xi32, #tpu.memory_space<hbm>>
      tpu.wait_dma2 semaphore(%run_scoped3A : memref<!tpu.dma_semaphore, #tpu.memory_space<semaphore_mem>>) src(%dma_wait3A_22 : memref<79x128xi32, #tpu.memory_space<hbm>>) dst(%arg7 : memref<79x128xi32, #tpu.memory_space<vmem>>)
      tpu.yield
    }) : () -> ()
    "tpu.region"() ({
      %run_scoped3A = tpu.sem_alloc : memref<!tpu.dma_semaphore, #tpu.memory_space<semaphore_mem>>
      %dma_start3A = arith.constant 0 : i32
      %dma_start3A_9 = arith.constant 0 : i32
      %dma_start3A_10 = tpu.memref_slice %arg4[%add3A, %dma_start3A, %dma_start3A_9] : memref<32x79x128xi32, #tpu.memory_space<hbm>> -> memref<1x79x128xi32, #tpu.memory_space<hbm>>
      %dma_start3A_11 = tpu.memref_squeeze %dma_start3A_10 : memref<1x79x128xi32, #tpu.memory_space<hbm>> -> memref<79x128xi32, #tpu.memory_space<hbm>>
      %dma_start3A_12 = arith.constant 0 : i32
      %dma_start3A_13 = arith.constant 0 : i32
      %dma_start3A_14 = tpu.memref_slice %arg4[%add3A, %dma_start3A_12, %dma_start3A_13] : memref<32x79x128xi32, #tpu.memory_space<hbm>> -> memref<1x79x128xi32, #tpu.memory_space<hbm>>
      %dma_start3A_15 = tpu.memref_squeeze %dma_start3A_14 : memref<1x79x128xi32, #tpu.memory_space<hbm>> -> memref<79x128xi32, #tpu.memory_space<hbm>>
      tpu.enqueue_dma source(%dma_start3A_15 : memref<79x128xi32, #tpu.memory_space<hbm>>) target(%arg8 : memref<79x128xi32, #tpu.memory_space<vmem>>) target_semaphore(%run_scoped3A : memref<!tpu.dma_semaphore, #tpu.memory_space<semaphore_mem>>)
      %dma_wait3A = arith.constant 0 : i32
      %dma_wait3A_16 = arith.constant 0 : i32
      %dma_wait3A_17 = tpu.memref_slice %arg4[%add3A, %dma_wait3A, %dma_wait3A_16] : memref<32x79x128xi32, #tpu.memory_space<hbm>> -> memref<1x79x128xi32, #tpu.memory_space<hbm>>
      %dma_wait3A_18 = tpu.memref_squeeze %dma_wait3A_17 : memref<1x79x128xi32, #tpu.memory_space<hbm>> -> memref<79x128xi32, #tpu.memory_space<hbm>>
      %dma_wait3A_19 = arith.constant 0 : i32
      %dma_wait3A_20 = arith.constant 0 : i32
      %dma_wait3A_21 = tpu.memref_slice %arg4[%add3A, %dma_wait3A_19, %dma_wait3A_20] : memref<32x79x128xi32, #tpu.memory_space<hbm>> -> memref<1x79x128xi32, #tpu.memory_space<hbm>>
      %dma_wait3A_22 = tpu.memref_squeeze %dma_wait3A_21 : memref<1x79x128xi32, #tpu.memory_space<hbm>> -> memref<79x128xi32, #tpu.memory_space<hbm>>
      tpu.wait_dma2 semaphore(%run_scoped3A : memref<!tpu.dma_semaphore, #tpu.memory_space<semaphore_mem>>) src(%dma_wait3A_22 : memref<79x128xi32, #tpu.memory_space<hbm>>) dst(%arg8 : memref<79x128xi32, #tpu.memory_space<vmem>>)
      tpu.yield
    }) : () -> ()
    %barrier3A = arith.constant 0 : index
    tpu.barrier barrier_id(%barrier3A)
    %scan3A = arith.constant 0 : i32
    %scan3A_3 = arith.constant 0 : i32
    %scan3A_4 = arith.constant 79 : i32
    %scan3A_5 = arith.addi %scan3A_3, %scan3A_4 : i32
    %scan3A_6 = arith.constant 1 : i32
    scf.for %scan3A_9 = %scan3A_3 to %scan3A_5 step %scan3A_6  : i32 {
      %dma_start3A = arith.constant 0 : i32
      %dma_start3A_10 = tpu.memref_slice %arg7[%scan3A_9, %dma_start3A] : memref<79x128xi32, #tpu.memory_space<vmem>> -> memref<1x128xi32, #tpu.memory_space<vmem>>
      %dma_start3A_11 = tpu.memref_squeeze %dma_start3A_10 : memref<1x128xi32, #tpu.memory_space<vmem>> -> memref<128xi32, #tpu.memory_space<vmem>>
      %dma_start3A_12 = arith.constant 0 : i32
      %dma_start3A_13 = arith.constant 0 : i32
      %dma_start3A_14 = tpu.memref_slice %arg2[%dma_start3A_12, %dma_start3A_13] : memref<10112x128xf32, #tpu.memory_space<hbm>> -> memref<10112x128xf32, #tpu.memory_space<hbm>>
      tpu.enqueue_indirect_dma source(%dma_start3A_14 : memref<10112x128xf32, #tpu.memory_space<hbm>>) target(%arg9 : memref<128x128xf32, #tpu.memory_space<vmem>>) offsets(%dma_start3A_11 : memref<128xi32, #tpu.memory_space<vmem>>) semaphore(%arg10 : memref<!tpu.dma_semaphore, #tpu.memory_space<semaphore_mem>>)
      %dma_wait3A = arith.constant 0 : i32
      %dma_wait3A_15 = tpu.memref_slice %arg7[%scan3A_9, %dma_wait3A] : memref<79x128xi32, #tpu.memory_space<vmem>> -> memref<1x128xi32, #tpu.memory_space<vmem>>
      %dma_wait3A_16 = tpu.memref_squeeze %dma_wait3A_15 : memref<1x128xi32, #tpu.memory_space<vmem>> -> memref<128xi32, #tpu.memory_space<vmem>>
      %dma_wait3A_17 = arith.constant 0 : i32
      %dma_wait3A_18 = arith.constant 0 : i32
      %dma_wait3A_19 = tpu.memref_slice %arg2[%dma_wait3A_17, %dma_wait3A_18] : memref<10112x128xf32, #tpu.memory_space<hbm>> -> memref<10112x128xf32, #tpu.memory_space<hbm>>
      tpu.wait_indirect_dma semaphore(%arg10 : memref<!tpu.dma_semaphore, #tpu.memory_space<semaphore_mem>>) src(%dma_wait3A_19 : memref<10112x128xf32, #tpu.memory_space<hbm>>) dst(%arg9 : memref<128x128xf32, #tpu.memory_space<vmem>>)
      "tpu.region"() ({
        %run_scoped3A = tpu.sem_alloc : memref<!tpu.dma_semaphore, #tpu.memory_space<semaphore_mem>>
        %dma_start3A_20 = arith.constant 0 : i32
        %dma_start3A_21 = tpu.memref_slice %arg8[%scan3A_9, %dma_start3A_20] : memref<79x128xi32, #tpu.memory_space<vmem>> -> memref<1x128xi32, #tpu.memory_space<vmem>>
        %dma_start3A_22 = tpu.memref_squeeze %dma_start3A_21 : memref<1x128xi32, #tpu.memory_space<vmem>> -> memref<128xi32, #tpu.memory_space<vmem>>
        %dma_start3A_23 = arith.constant 0 : i32
        %dma_start3A_24 = arith.constant 0 : i32
        %dma_start3A_25 = tpu.memref_slice %arg6[%dma_start3A_23, %dma_start3A_24] : memref<10112x128xf32, #tpu.memory_space<vmem_shared>> -> memref<10112x128xf32, #tpu.memory_space<vmem_shared>>
        tpu.enqueue_indirect_dma source(%arg9 : memref<128x128xf32, #tpu.memory_space<vmem>>) target(%dma_start3A_25 : memref<10112x128xf32, #tpu.memory_space<vmem_shared>>) offsets(%dma_start3A_22 : memref<128xi32, #tpu.memory_space<vmem>>) semaphore(%run_scoped3A : memref<!tpu.dma_semaphore, #tpu.memory_space<semaphore_mem>>) {add = true}
        %dma_wait3A_26 = arith.constant 0 : i32
        %dma_wait3A_27 = tpu.memref_slice %arg8[%scan3A_9, %dma_wait3A_26] : memref<79x128xi32, #tpu.memory_space<vmem>> -> memref<1x128xi32, #tpu.memory_space<vmem>>
        %dma_wait3A_28 = tpu.memref_squeeze %dma_wait3A_27 : memref<1x128xi32, #tpu.memory_space<vmem>> -> memref<128xi32, #tpu.memory_space<vmem>>
        %dma_wait3A_29 = arith.constant 0 : i32
        %dma_wait3A_30 = arith.constant 0 : i32
        %dma_wait3A_31 = tpu.memref_slice %arg6[%dma_wait3A_29, %dma_wait3A_30] : memref<10112x128xf32, #tpu.memory_space<vmem_shared>> -> memref<10112x128xf32, #tpu.memory_space<vmem_shared>>
        tpu.wait_indirect_dma semaphore(%run_scoped3A : memref<!tpu.dma_semaphore, #tpu.memory_space<semaphore_mem>>) src(%arg9 : memref<128x128xf32, #tpu.memory_space<vmem>>) dst(%dma_wait3A_31 : memref<10112x128xf32, #tpu.memory_space<vmem_shared>>)
        tpu.yield
      }) : () -> ()
    }
    %scan3A_7 = arith.constant 79 : i32
    %barrier3A_8 = arith.constant 0 : index
    tpu.barrier barrier_id(%barrier3A_8)
    "tpu.region"() ({
      %run_scoped3A = tpu.sem_alloc : memref<!tpu.dma_semaphore, #tpu.memory_space<semaphore_mem>>
      %dma_start3A = arith.constant 0 : i32
      %dma_start3A_9 = tpu.memref_slice %arg5[%arg0, %mul3A_2, %dma_start3A] : memref<2x10112x128xf32, #tpu.memory_space<hbm>> -> memref<1x632x128xf32, #tpu.memory_space<hbm>>
      %dma_start3A_10 = tpu.memref_squeeze %dma_start3A_9 : memref<1x632x128xf32, #tpu.memory_space<hbm>> -> memref<632x128xf32, #tpu.memory_space<hbm>>
      %dma_start3A_11 = arith.constant 0 : i32
      %dma_start3A_12 = tpu.memref_slice %arg6[%mul3A_2, %dma_start3A_11] : memref<10112x128xf32, #tpu.memory_space<vmem_shared>> -> memref<632x128xf32, #tpu.memory_space<vmem_shared>>
      tpu.enqueue_dma source(%dma_start3A_12 : memref<632x128xf32, #tpu.memory_space<vmem_shared>>) target(%dma_start3A_10 : memref<632x128xf32, #tpu.memory_space<hbm>>) target_semaphore(%run_scoped3A : memref<!tpu.dma_semaphore, #tpu.memory_space<semaphore_mem>>)
      %dma_wait3A = arith.constant 0 : i32
      %dma_wait3A_13 = tpu.memref_slice %arg5[%arg0, %mul3A_2, %dma_wait3A] : memref<2x10112x128xf32, #tpu.memory_space<hbm>> -> memref<1x632x128xf32, #tpu.memory_space<hbm>>
      %dma_wait3A_14 = tpu.memref_squeeze %dma_wait3A_13 : memref<1x632x128xf32, #tpu.memory_space<hbm>> -> memref<632x128xf32, #tpu.memory_space<hbm>>
      %dma_wait3A_15 = arith.constant 0 : i32
      %dma_wait3A_16 = tpu.memref_slice %arg6[%mul3A_2, %dma_wait3A_15] : memref<10112x128xf32, #tpu.memory_space<vmem_shared>> -> memref<632x128xf32, #tpu.memory_space<vmem_shared>>
      tpu.wait_dma2 semaphore(%run_scoped3A : memref<!tpu.dma_semaphore, #tpu.memory_space<semaphore_mem>>) src(%dma_wait3A_16 : memref<632x128xf32, #tpu.memory_space<vmem_shared>>) dst(%dma_wait3A_14 : memref<632x128xf32, #tpu.memory_space<hbm>>)
      tpu.yield
    }) : () -> ()
    return
  }
}

module attributes {stable_mosaic.version = 14 : i64} {
  func.func @_mlp_body(%arg0: i32, %arg1: memref<1000x128xf32, #tpu.memory_space<vmem>>, %arg2: memref<128x128xf32, #tpu.memory_space<vmem>>, %arg3: memref<1x128xf32, #tpu.memory_space<vmem>>, %arg4: memref<1x128xf32, #tpu.memory_space<vmem>>, %arg5: memref<1x128xf32, #tpu.memory_space<vmem>>, %arg6: memref<128x128xf32, #tpu.memory_space<vmem>>, %arg7: memref<1x128xf32, #tpu.memory_space<vmem>>, %arg8: memref<2x1000x128xf32, #tpu.memory_space<vmem>>, %arg9: memref<1000x128xf32, #tpu.memory_space<vmem>>, %arg10: memref<1000x128xf32, #tpu.memory_space<vmem>>, %arg11: memref<1000x1xf32, #tpu.memory_space<vmem>>, %arg12: memref<1000x1xf32, #tpu.memory_space<vmem>>) attributes {dimension_semantics = [#tpu.dimension_semantics<arbitrary>], iteration_bounds = array<i64: 10>, scalar_prefetch = 0 : i64, scratch_operands = 0 : i64, tpu.core_type = #tpu.core_type<tc>, window_params = [{transform_indices = @transform_0, window_bounds = array<i64: 1000, 128>}, {pipeline_mode = #tpu.pipeline_mode<synchronous>, transform_indices = @transform_1, window_bounds = array<i64: 128, 128>}, {pipeline_mode = #tpu.pipeline_mode<synchronous>, transform_indices = @transform_2, window_bounds = array<i64: 1, 128>}, {pipeline_mode = #tpu.pipeline_mode<synchronous>, transform_indices = @transform_3, window_bounds = array<i64: 1, 128>}, {pipeline_mode = #tpu.pipeline_mode<synchronous>, transform_indices = @transform_4, window_bounds = array<i64: 1, 128>}, {pipeline_mode = #tpu.pipeline_mode<synchronous>, transform_indices = @transform_5, window_bounds = array<i64: 128, 128>}, {pipeline_mode = #tpu.pipeline_mode<synchronous>, transform_indices = @transform_6, window_bounds = array<i64: 1, 128>}, {transform_indices = @transform_7, window_bounds = array<i64: 2, 1000, 128>}, {transform_indices = @transform_8, window_bounds = array<i64: 1000, 128>}, {transform_indices = @transform_9, window_bounds = array<i64: 1000, 128>}, {transform_indices = @transform_10, window_bounds = array<i64: 1000, 1>}, {transform_indices = @transform_11, window_bounds = array<i64: 1000, 1>}]} {
    %get3A = arith.constant 0 : index
    %get3A_0 = arith.constant 0 : index
    %get3A_1 = vector.load %arg1[%get3A, %get3A_0] : memref<1000x128xf32, #tpu.memory_space<vmem>>, vector<1000x128xf32>
    %get3A_2 = arith.constant 0 : index
    %get3A_3 = arith.constant 0 : index
    %get3A_4 = vector.load %arg2[%get3A_2, %get3A_3] : memref<128x128xf32, #tpu.memory_space<vmem>>, vector<128x128xf32>
    %dot_general3A = arith.constant dense<0.000000e+00> : vector<1000x128xf32>
    %dot_general3A_5 = tpu.matmul %get3A_1, %get3A_4, %dot_general3A {dimension_numbers = #tpu.dot_dimension_numbers<[1], [0], [0], [1], [0, 0, 1, 1], [], []>, transpose_lhs_hint = false} : vector<1000x128xf32>, vector<128x128xf32>, vector<1000x128xf32> -> vector<1000x128xf32>
    %get3A_6 = arith.constant 0 : index
    %get3A_7 = arith.constant 0 : index
    %get3A_8 = vector.load %arg3[%get3A_6, %get3A_7] : memref<1x128xf32, #tpu.memory_space<vmem>>, vector<1x128xf32>
    %add3A = vector.broadcast %get3A_8 : vector<1x128xf32> to vector<1000x128xf32>
    %add3A_9 = arith.addf %dot_general3A_5, %add3A : vector<1000x128xf32>
    %reduce_sum3A = arith.constant dense<0.000000e+00> : vector<1000xf32>
    %reduce_sum3A_10 = vector.multi_reduction <add>, %add3A_9, %reduce_sum3A [1] : vector<1000x128xf32> to vector<1000xf32>
    %broadcast_in_dim3A = vector.shape_cast %reduce_sum3A_10 : vector<1000xf32> to vector<1000x1xf32>
    %div3A = arith.constant 1.280000e+02 : f32
    %div3A_11 = vector.broadcast %div3A : f32 to vector<1000x1xf32>
    %div3A_12 = arith.divf %broadcast_in_dim3A, %div3A_11 : vector<1000x1xf32>
    %sub3A = vector.broadcast %div3A_12 : vector<1000x1xf32> to vector<1000x128xf32>
    %sub3A_13 = arith.subf %add3A_9, %sub3A : vector<1000x128xf32>
    %integer_pow3A = arith.mulf %sub3A_13, %sub3A_13 : vector<1000x128xf32>
    %reduce_sum3A_14 = arith.constant dense<0.000000e+00> : vector<1000xf32>
    %reduce_sum3A_15 = vector.multi_reduction <add>, %integer_pow3A, %reduce_sum3A_14 [1] : vector<1000x128xf32> to vector<1000xf32>
    %broadcast_in_dim3A_16 = vector.shape_cast %reduce_sum3A_15 : vector<1000xf32> to vector<1000x1xf32>
    %div3A_17 = arith.constant 1.280000e+02 : f32
    %div3A_18 = vector.broadcast %div3A_17 : f32 to vector<1000x1xf32>
    %div3A_19 = arith.divf %broadcast_in_dim3A_16, %div3A_18 : vector<1000x1xf32>
    %sub3A_20 = vector.broadcast %div3A_12 : vector<1000x1xf32> to vector<1000x128xf32>
    %sub3A_21 = arith.subf %add3A_9, %sub3A_20 : vector<1000x128xf32>
    %add3A_22 = arith.constant 9.99999974E-6 : f32
    %add3A_23 = vector.broadcast %add3A_22 : f32 to vector<1000x1xf32>
    %add3A_24 = arith.addf %div3A_19, %add3A_23 : vector<1000x1xf32>
    %rsqrt3A = math.rsqrt %add3A_24 : vector<1000x1xf32>
    %mul3A = vector.broadcast %rsqrt3A : vector<1000x1xf32> to vector<1000x128xf32>
    %mul3A_25 = arith.mulf %sub3A_21, %mul3A : vector<1000x128xf32>
    %get3A_26 = arith.constant 0 : index
    %get3A_27 = arith.constant 0 : index
    %get3A_28 = vector.load %arg4[%get3A_26, %get3A_27] : memref<1x128xf32, #tpu.memory_space<vmem>>, vector<1x128xf32>
    %mul3A_29 = vector.broadcast %get3A_28 : vector<1x128xf32> to vector<1000x128xf32>
    %mul3A_30 = arith.mulf %mul3A_25, %mul3A_29 : vector<1000x128xf32>
    %get3A_31 = arith.constant 0 : index
    %get3A_32 = arith.constant 0 : index
    %get3A_33 = vector.load %arg5[%get3A_31, %get3A_32] : memref<1x128xf32, #tpu.memory_space<vmem>>, vector<1x128xf32>
    %add3A_34 = vector.broadcast %get3A_33 : vector<1x128xf32> to vector<1000x128xf32>
    %add3A_35 = arith.addf %mul3A_30, %add3A_34 : vector<1000x128xf32>
    %max3A = arith.constant 0.000000e+00 : f32
    %max3A_36 = vector.broadcast %max3A : f32 to vector<1000x128xf32>
    %max3A_37 = arith.maximumf %add3A_35, %max3A_36 : vector<1000x128xf32>
    %get3A_38 = arith.constant 0 : index
    %get3A_39 = arith.constant 0 : index
    %get3A_40 = vector.load %arg6[%get3A_38, %get3A_39] : memref<128x128xf32, #tpu.memory_space<vmem>>, vector<128x128xf32>
    %dot_general3A_41 = arith.constant dense<0.000000e+00> : vector<1000x128xf32>
    %dot_general3A_42 = tpu.matmul %max3A_37, %get3A_40, %dot_general3A_41 {dimension_numbers = #tpu.dot_dimension_numbers<[1], [0], [0], [1], [0, 0, 1, 1], [], []>, transpose_lhs_hint = false} : vector<1000x128xf32>, vector<128x128xf32>, vector<1000x128xf32> -> vector<1000x128xf32>
    %get3A_43 = arith.constant 0 : index
    %get3A_44 = arith.constant 0 : index
    %get3A_45 = vector.load %arg7[%get3A_43, %get3A_44] : memref<1x128xf32, #tpu.memory_space<vmem>>, vector<1x128xf32>
    %add3A_46 = vector.broadcast %get3A_45 : vector<1x128xf32> to vector<1000x128xf32>
    %add3A_47 = arith.addf %dot_general3A_42, %add3A_46 : vector<1000x128xf32>
    %get3A_48 = arith.constant 0 : index
    %get3A_49 = arith.constant 0 : index
    %get3A_50 = arith.constant 0 : index
    %get3A_51 = vector.load %arg8[%get3A_48, %get3A_49, %get3A_50] : memref<2x1000x128xf32, #tpu.memory_space<vmem>>, vector<2x1000x128xf32>
    %slice3A = vector.extract_strided_slice %get3A_51 {offsets = [0, 0, 0], sizes = [1, 1000, 1], strides = [1, 1, 1]} : vector<2x1000x128xf32> to vector<1x1000x1xf32>
    %squeeze3A = vector.shape_cast %slice3A : vector<1x1000x1xf32> to vector<1000x1xf32>
    %slice3A_52 = vector.extract_strided_slice %get3A_51 {offsets = [1, 0, 0], sizes = [1, 1000, 1], strides = [1, 1, 1]} : vector<2x1000x128xf32> to vector<1x1000x1xf32>
    %squeeze3A_53 = vector.shape_cast %slice3A_52 : vector<1x1000x1xf32> to vector<1000x1xf32>
    %add3A_54 = arith.addf %squeeze3A, %squeeze3A_53 : vector<1000x1xf32>
    %add3A_55 = arith.constant 1.000000e+00 : f32
    %add3A_56 = vector.broadcast %add3A_55 : f32 to vector<1000x1xf32>
    %add3A_57 = arith.addf %add3A_54, %add3A_56 : vector<1000x1xf32>
    %rsqrt3A_58 = math.rsqrt %add3A_57 : vector<1000x1xf32>
    %swap3A = arith.constant 0 : index
    %swap3A_59 = arith.constant 0 : index
    %swap3A_60 = vector.load %arg9[%swap3A, %swap3A_59] : memref<1000x128xf32, #tpu.memory_space<vmem>>, vector<1000x128xf32>
    tpu.vector_store %arg9[%swap3A, %swap3A_59], %add3A_47 {strides = array<i32>} : memref<1000x128xf32, #tpu.memory_space<vmem>>, vector<1000x128xf32>,
    %mul3A_61 = vector.broadcast %rsqrt3A_58 : vector<1000x1xf32> to vector<1000x128xf32>
    %mul3A_62 = arith.mulf %mul3A_61, %add3A_47 : vector<1000x128xf32>
    %swap3A_63 = arith.constant 0 : index
    %swap3A_64 = arith.constant 0 : index
    %swap3A_65 = vector.load %arg10[%swap3A_63, %swap3A_64] : memref<1000x128xf32, #tpu.memory_space<vmem>>, vector<1000x128xf32>
    tpu.vector_store %arg10[%swap3A_63, %swap3A_64], %mul3A_62 {strides = array<i32>} : memref<1000x128xf32, #tpu.memory_space<vmem>>, vector<1000x128xf32>,
    %mul3A_66 = arith.constant 0.899999976 : f32
    %mul3A_67 = vector.broadcast %mul3A_66 : f32 to vector<1000x1xf32>
    %mul3A_68 = arith.mulf %mul3A_67, %rsqrt3A_58 : vector<1000x1xf32>
    %mul3A_69 = arith.mulf %mul3A_68, %rsqrt3A_58 : vector<1000x1xf32>
    %swap3A_70 = arith.constant 0 : index
    %swap3A_71 = arith.constant 0 : index
    %swap3A_72 = vector.load %arg11[%swap3A_70, %swap3A_71] : memref<1000x1xf32, #tpu.memory_space<vmem>>, vector<1000x1xf32>
    tpu.vector_store %arg11[%swap3A_70, %swap3A_71], %mul3A_69 {strides = array<i32>} : memref<1000x1xf32, #tpu.memory_space<vmem>>, vector<1000x1xf32>,
    %mul3A_73 = arith.constant 0.899999976 : f32
    %mul3A_74 = vector.broadcast %mul3A_73 : f32 to vector<1000x1xf32>
    %mul3A_75 = arith.mulf %mul3A_74, %rsqrt3A_58 : vector<1000x1xf32>
    %swap3A_76 = arith.constant 0 : index
    %swap3A_77 = arith.constant 0 : index
    %swap3A_78 = vector.load %arg12[%swap3A_76, %swap3A_77] : memref<1000x1xf32, #tpu.memory_space<vmem>>, vector<1000x1xf32>
    tpu.vector_store %arg12[%swap3A_76, %swap3A_77], %mul3A_75 {strides = array<i32>} : memref<1000x1xf32, #tpu.memory_space<vmem>>, vector<1000x1xf32>,
    return
  }
  func.func @transform_0(%arg0: i32) -> (i32, i32) {
    %c0_i32 = arith.constant 0 : i32
    %c0_i32_0 = arith.constant 0 : i32
    return %arg0, %c0_i32 : i32, i32
  }
  func.func @transform_1(%arg0: i32) -> (i32, i32) {
    %c0_i32 = arith.constant 0 : i32
    %c0_i32_0 = arith.constant 0 : i32
    %c0_i32_1 = arith.constant 0 : i32
    return %c0_i32, %c0_i32_0 : i32, i32
  }
  func.func @transform_2(%arg0: i32) -> (i32, i32) {
    %c0_i32 = arith.constant 0 : i32
    %c0_i32_0 = arith.constant 0 : i32
    %c0_i32_1 = arith.constant 0 : i32
    return %c0_i32, %c0_i32_0 : i32, i32
  }
  func.func @transform_3(%arg0: i32) -> (i32, i32) {
    %c0_i32 = arith.constant 0 : i32
    %c0_i32_0 = arith.constant 0 : i32
    %c0_i32_1 = arith.constant 0 : i32
    return %c0_i32, %c0_i32_0 : i32, i32
  }
  func.func @transform_4(%arg0: i32) -> (i32, i32) {
    %c0_i32 = arith.constant 0 : i32
    %c0_i32_0 = arith.constant 0 : i32
    %c0_i32_1 = arith.constant 0 : i32
    return %c0_i32, %c0_i32_0 : i32, i32
  }
  func.func @transform_5(%arg0: i32) -> (i32, i32) {
    %c0_i32 = arith.constant 0 : i32
    %c0_i32_0 = arith.constant 0 : i32
    %c0_i32_1 = arith.constant 0 : i32
    return %c0_i32, %c0_i32_0 : i32, i32
  }
  func.func @transform_6(%arg0: i32) -> (i32, i32) {
    %c0_i32 = arith.constant 0 : i32
    %c0_i32_0 = arith.constant 0 : i32
    %c0_i32_1 = arith.constant 0 : i32
    return %c0_i32, %c0_i32_0 : i32, i32
  }
  func.func @transform_7(%arg0: i32) -> (i32, i32, i32) {
    %c0_i32 = arith.constant 0 : i32
    %c0_i32_0 = arith.constant 0 : i32
    %c0_i32_1 = arith.constant 0 : i32
    return %c0_i32, %arg0, %c0_i32_0 : i32, i32, i32
  }
  func.func @transform_8(%arg0: i32) -> (i32, i32) {
    %c0_i32 = arith.constant 0 : i32
    %c0_i32_0 = arith.constant 0 : i32
    return %arg0, %c0_i32 : i32, i32
  }
  func.func @transform_9(%arg0: i32) -> (i32, i32) {
    %c0_i32 = arith.constant 0 : i32
    %c0_i32_0 = arith.constant 0 : i32
    return %arg0, %c0_i32 : i32, i32
  }
  func.func @transform_10(%arg0: i32) -> (i32, i32) {
    %c0_i32 = arith.constant 0 : i32
    %c0_i32_0 = arith.constant 0 : i32
    return %arg0, %c0_i32 : i32, i32
  }
  func.func @transform_11(%arg0: i32) -> (i32, i32) {
    %c0_i32 = arith.constant 0 : i32
    %c0_i32_0 = arith.constant 0 : i32
    return %arg0, %c0_i32 : i32, i32
  }
}

module attributes {stable_mosaic.version = 14 : i64} {
  func.func @_combine_body(%arg0: i32, %arg1: memref<2x632x128xf32, #tpu.memory_space<vmem>>, %arg2: memref<632x128xf32, #tpu.memory_space<vmem>>, %arg3: memref<632x1xf32, #tpu.memory_space<vmem>>, %arg4: memref<632x128xf32, #tpu.memory_space<vmem>>, %arg5: memref<632x128xf32, #tpu.memory_space<vmem>>) attributes {dimension_semantics = [#tpu.dimension_semantics<arbitrary>], iteration_bounds = array<i64: 16>, scalar_prefetch = 0 : i64, scratch_operands = 0 : i64, tpu.core_type = #tpu.core_type<tc>, window_params = [{transform_indices = @transform_0, window_bounds = array<i64: 2, 632, 128>}, {transform_indices = @transform_1, window_bounds = array<i64: 632, 128>}, {transform_indices = @transform_2, window_bounds = array<i64: 632, 1>}, {transform_indices = @transform_3, window_bounds = array<i64: 632, 128>}, {transform_indices = @transform_4, window_bounds = array<i64: 632, 128>}]} {
    %get3A = arith.constant 0 : index
    %get3A_0 = arith.constant 0 : index
    %get3A_1 = arith.constant 0 : index
    %get3A_2 = vector.load %arg1[%get3A, %get3A_0, %get3A_1] : memref<2x632x128xf32, #tpu.memory_space<vmem>>, vector<2x632x128xf32>
    %get3A_3 = arith.constant 0 : index
    %get3A_4 = arith.constant 0 : index
    %get3A_5 = vector.load %arg3[%get3A_3, %get3A_4] : memref<632x1xf32, #tpu.memory_space<vmem>>, vector<632x1xf32>
    %slice3A = vector.extract_strided_slice %get3A_2 {offsets = [0, 0, 0], sizes = [1, 632, 128], strides = [1, 1, 1]} : vector<2x632x128xf32> to vector<1x632x128xf32>
    %squeeze3A = vector.shape_cast %slice3A : vector<1x632x128xf32> to vector<632x128xf32>
    %slice3A_6 = vector.extract_strided_slice %get3A_2 {offsets = [1, 0, 0], sizes = [1, 632, 128], strides = [1, 1, 1]} : vector<2x632x128xf32> to vector<1x632x128xf32>
    %squeeze3A_7 = vector.shape_cast %slice3A_6 : vector<1x632x128xf32> to vector<632x128xf32>
    %add3A = arith.addf %squeeze3A, %squeeze3A_7 : vector<632x128xf32>
    %get3A_8 = arith.constant 0 : index
    %get3A_9 = arith.constant 0 : index
    %get3A_10 = vector.load %arg2[%get3A_8, %get3A_9] : memref<632x128xf32, #tpu.memory_space<vmem>>, vector<632x128xf32>
    %sub3A = arith.subf %add3A, %get3A_10 : vector<632x128xf32>
    %mul3A = vector.broadcast %get3A_5 : vector<632x1xf32> to vector<632x128xf32>
    %mul3A_11 = arith.mulf %mul3A, %sub3A : vector<632x128xf32>
    %get3A_12 = arith.constant 0 : index
    %get3A_13 = arith.constant 0 : index
    %get3A_14 = vector.load %arg4[%get3A_12, %get3A_13] : memref<632x128xf32, #tpu.memory_space<vmem>>, vector<632x128xf32>
    %mul3A_15 = arith.constant 1.000000e-01 : f32
    %mul3A_16 = vector.broadcast %mul3A_15 : f32 to vector<632x128xf32>
    %mul3A_17 = arith.mulf %mul3A_16, %get3A_14 : vector<632x128xf32>
    %add3A_18 = arith.addf %mul3A_11, %mul3A_17 : vector<632x128xf32>
    %swap3A = arith.constant 0 : index
    %swap3A_19 = arith.constant 0 : index
    %swap3A_20 = vector.load %arg5[%swap3A, %swap3A_19] : memref<632x128xf32, #tpu.memory_space<vmem>>, vector<632x128xf32>
    tpu.vector_store %arg5[%swap3A, %swap3A_19], %add3A_18 {strides = array<i32>} : memref<632x128xf32, #tpu.memory_space<vmem>>, vector<632x128xf32>,
    return
  }
  func.func @transform_0(%arg0: i32) -> (i32, i32, i32) {
    %c0_i32 = arith.constant 0 : i32
    %c0_i32_0 = arith.constant 0 : i32
    %c0_i32_1 = arith.constant 0 : i32
    return %c0_i32, %arg0, %c0_i32_0 : i32, i32, i32
  }
  func.func @transform_1(%arg0: i32) -> (i32, i32) {
    %c0_i32 = arith.constant 0 : i32
    %c0_i32_0 = arith.constant 0 : i32
    return %arg0, %c0_i32 : i32, i32
  }
  func.func @transform_2(%arg0: i32) -> (i32, i32) {
    %c0_i32 = arith.constant 0 : i32
    %c0_i32_0 = arith.constant 0 : i32
    return %arg0, %c0_i32 : i32, i32
  }
  func.func @transform_3(%arg0: i32) -> (i32, i32) {
    %c0_i32 = arith.constant 0 : i32
    %c0_i32_0 = arith.constant 0 : i32
    return %arg0, %c0_i32 : i32, i32
  }
  func.func @transform_4(%arg0: i32) -> (i32, i32) {
    %c0_i32 = arith.constant 0 : i32
    %c0_i32_0 = arith.constant 0 : i32
    return %arg0, %c0_i32 : i32, i32
  }
}

</mosaic_0001>

<sc_bundles>
// kernel: kernel.24.cloned.1.call-start
scs
__scs_entry_jumppad:
0x0: {  	(pc) =	sbr.rel $0x88, $3  }
0x1: {  	(tag) =	ssettag $0x0;
	lr =	simm.s32 $0x1  }
0x2: {  	[smem:$0x3F99] =	sst lr;
	_ =	strace $0xD0000000  }
0x3: {  	_ = 	snop  }
0x4: {  	_ = 	snop  }
0x5: {  	_ = 	snop  }
0x6: {  	_ = 	snop  }
0x7: {  	_ = 	snop  }
__scs_overlays_trampoline_lowered:
0x8: {  	[smem:$0x3FA8] =	sst s0  }
0x9: {  	[smem:$0x3FA9] =	sst s1  }
0xa: {  	[smem:$0x3FAA] =	sst s2  }
0xb: {  	[smem:$0x3FAB] =	sst s3  }
0xc: {  	[smem:$0x3FAC] =	sst s4  }
0xd: {  	[smem:$0x3FAD] =	sst s5  }
0xe: {  	[smem:$0x3FAE] =	sst s6  }
0xf: {  	[smem:$0x3FAF] =	sst s7  }
0x10: {  	[smem:$0x3FB0] =	sst s8  }
0x11: {  	[smem:$0x3FB1] =	sst s9;
	s0 =	simm.s32 @!p0 $0x0  }
0x12: {  	s1 =	sld [smem:$0x3F97];
	s0 =	simm.s32 @p0 $0x1  }
0x13: {  	[smem:$0x3FB2] =	sst s0;
	s0 =	simm.s32 @!p1 $0x0  }
0x14: {  	s2 =	sld [smem:$0x3F96];
	s0 =	simm.s32 @p1 $0x1  }
0x15: {  	[smem:$0x3FB3] =	sst s0;
	s0 =	simm.s32 @!p2 $0x0  }
0x16: {  	s3 =	sld [smem:$0x3FDB];
	s0 =	simm.s32 @p2 $0x1  }
0x17: {  	s4 =	simm.s32 $0x1BF5;
	[smem:$0x3FB5] =	sst s0  }
0x18: {  	s0 =	sld [smem:$0x3F98];
	_ =	swait.ge [sflag:s4], $0x0  }
0x19: {  	s7 =	sld [smem:$0x3F99]  }
0x1a: {  	s8 =	sadd.s32 $0xFFFFE003, lr  }
0x1b: {  	s9 =	sadd.s32 $0xFFFFFEF7, lr;
	s5 =	simm.s32 $0xFFFFFFFF;
	p2 =	slt.u32 s8, $0xFFFFF086  }
0x1c: {  	p1 =	slt.u32 s9, $0xF7A;
	s5 =	simm.s32 @!p2 $0x0  }
0x1d: {  	s5 =	simm.s32 @p1 $0x1;
	p0 =	seq.s32 s7, s2  }
0x1e: {  	s7 =	smul.u32 @!p0 $0xF7A, s2;
	p2 =	seq.s32 @!p0 s5, $0x0  }
0x1f: {  	s9 =	smul.u32 $0xF7A, s1;
	s8 =	simm.s32 @!p0 $0x1BF5;
	p2 =	por !p2, p0  }
0x20: {  	[sflag:s8] =	ssyncset.s32 @!p0 $0xFFFFF086;
	s6 =	sadd.s32 @!p0 s3, s7;
	s7 =	simm.s32 @!p0 $0x108  }
0x21: {  	s3 =	sadd.s32 s3, s9;
	s6 =	sadd.s32 @!p0 $0x88, s6;
	s7 =	simm.s32 @p2 $0x1082  }
0x22: {  	[simem:s7], [sflag:s8] =	dma.local @!p0 [hbm:s6], $0xF7A  }
0x23: {  	s9 =	sor.u32 $0xD0000000, s2;
	s6 =	simm.s32 $0x108;
	_ =	swait.ge @!p0 [sflag:s8], $0x0  }
0x24: {  	s3 =	sadd.s32 $0x88, s3;
	s6 =	simm.s32 @!p1 $0x1082;
	[sflag:s4] =	ssyncset.s32 $0xFFFFF086  }
0x25: {  	[simem:s6], [sflag:s4] =	dma.local [hbm:s3], $0xF7A  }
0x26: {  	[smem:$0x3F99] =	sst s1;
	(tag) =	ssettag s2;
	_ =	strace s9  }
0x27: {  	s1 =	sld [smem:$0x3FA9]  }
0x28: {  	s2 =	sld [smem:$0x3FAA]  }
0x29: {  	s4 =	sld [smem:$0x3FAC]  }
0x2a: {  	p0 =	seq.s32 s5, $0x0;
	s5 =	sld [smem:$0x3FAD]  }
0x2b: {  	s6 =	sld [smem:$0x3FAE]  }
0x2c: {  	s7 =	sld [smem:$0x3FAF]  }
0x2d: {  	s3 =	simm.s32 $0x108;
	s8 =	sld [smem:$0x3FB0]  }
0x2e: {  	s3 =	simm.s32 @!p0 $0x1082;
	s9 =	sld [smem:$0x3FB1]  }
0x2f: {  	lr =	sadd.s32 s0, s3;
	s0 =	sld [smem:$0x3FA8]  }
0x30: {  	s3 =	sld [smem:$0x3FAB]  }
0x31: {  	[smem:$0x3FB4] =	sst s10  }
0x32: {  	s10 =	sld [smem:$0x3FB2];
	_ =	sdelay $0x3  }
0x33: {  	p0 =	seq.s32 s10, $0x1;
	s10 =	sld [smem:$0x3FB4];
	_ =	sdelay $0x3  }
0x34: {  	[smem:$0x3FB4] =	sst s10  }
0x35: {  	s10 =	sld [smem:$0x3FB3];
	_ =	sdelay $0x3  }
0x36: {  	p1 =	seq.s32 s10, $0x1;
	s10 =	sld [smem:$0x3FB4];
	_ =	sdelay $0x3  }
0x37: {  	[smem:$0x3FB4] =	sst s10  }
0x38: {  	s10 =	sld [smem:$0x3FB5]  }
0x39: {  	_ = 	snop;
	(pc) =	sbr.ind lr, $3  }
0x3a: {  	_ = 	snop  }
0x3b: {  	_ = 	snop  }
0x3c: {  	p2 =	seq.s32 s10, $0x1;
	s10 =	sld [smem:$0x3FB4]  }
0x3d: {  	_ =	shalt  }
0x3e: {  	_ =	shalt  }
0x3f: {  	_ =	shalt  }
0x40: {  	_ =	shalt  }
0x41: {  	_ =	shalt  }
0x42: {  	_ =	shalt  }
0x43: {  	_ =	shalt  }
0x44: {  	_ =	shalt  }
0x45: {  	_ =	shalt  }
0x46: {  	_ =	shalt  }
0x47: {  	_ =	shalt  }
0x48: {  	_ =	shalt  }
0x49: {  	_ =	shalt  }
0x4a: {  	_ =	shalt  }
0x4b: {  	_ =	shalt  }
0x4c: {  	_ =	shalt  }
0x4d: {  	_ =	shalt  }
0x4e: {  	_ =	shalt  }
0x4f: {  	_ =	shalt  }
0x50: {  	_ =	shalt  }
0x51: {  	_ =	shalt  }
0x52: {  	_ =	shalt  }
0x53: {  	_ =	shalt  }
0x54: {  	_ =	shalt  }
0x55: {  	_ =	shalt  }
0x56: {  	_ =	shalt  }
0x57: {  	_ =	shalt  }
0x58: {  	_ =	shalt  }
0x59: {  	_ =	shalt  }
0x5a: {  	_ =	shalt  }
0x5b: {  	_ =	shalt  }
0x5c: {  	_ =	shalt  }
0x5d: {  	_ =	shalt  }
0x5e: {  	_ =	shalt  }
0x5f: {  	_ =	shalt  }
0x60: {  	_ =	shalt  }
0x61: {  	_ =	shalt  }
0x62: {  	_ =	shalt  }
0x63: {  	_ =	shalt  }
0x64: {  	_ =	shalt  }
0x65: {  	_ =	shalt  }
0x66: {  	_ =	shalt  }
0x67: {  	_ =	shalt  }
0x68: {  	_ =	shalt  }
0x69: {  	_ =	shalt  }
0x6a: {  	_ =	shalt  }
0x6b: {  	_ =	shalt  }
0x6c: {  	_ =	shalt  }
0x6d: {  	_ =	shalt  }
0x6e: {  	_ =	shalt  }
0x6f: {  	_ =	shalt  }
0x70: {  	_ =	shalt  }
0x71: {  	_ =	shalt  }
0x72: {  	_ =	shalt  }
0x73: {  	_ =	shalt  }
0x74: {  	_ =	shalt  }
0x75: {  	_ =	shalt  }
0x76: {  	_ =	shalt  }
0x77: {  	_ =	shalt  }
0x78: {  	_ =	shalt  }
0x79: {  	_ =	shalt  }
0x7a: {  	_ =	shalt  }
0x7b: {  	_ =	shalt  }
0x7c: {  	_ =	shalt  }
0x7d: {  	_ =	shalt  }
0x7e: {  	_ =	shalt  }
0x7f: {  	_ =	shalt  }
0x80: {  	_ =	shalt  }
0x81: {  	_ =	shalt  }
0x82: {  	_ =	shalt  }
0x83: {  	_ =	shalt  }
0x84: {  	_ =	shalt  }
0x85: {  	_ =	shalt  }
0x86: {  	_ =	shalt  }
0x87: {  	_ =	shalt  }
.Lfunc_end0:
.L_simem_size_0:
called_computation_lowered:
.L_overlay_start_0:
0x88: {  	s2 =	sld [smem:$0x3FD9]  }
0x89: {  	s3 =	sld [smem:$0x3FFE];
	_ =	sdelay $0x1  }
0x8a: {  	s1 =	srdreg.scid  }
0x8b: {  	s0 =	sand.u32 $0x1, s1  }
0x8c: {  	s17 =	sshll.u32 s0, $0xA;
	s2 =	sadd.s32 s3, s2  }
0x8d: {  	s2 =	sadd.s32 s2, s17  }
0x8e: {  	[smem:$0x3FC0] =	sst s2  }
0x8f: {  	_ = 	snop  }
0x90: {  	s2 =	sld [smem:$0x3FD0];
	(tm) =	ssettm $0x1  }
0x91: {  	s18 =	sld [smem:$0x3FFB];
	_ =	sdelay $0x3  }
0x92: {  	_ =	strace s18  }
0x93: {  	s3 =	sld [smem:$0x3FFC];
	_ =	sdelay $0x3  }
0x94: {  	_ =	strace s3  }
0x95: {  	s3 =	sld [smem:$0x3FFD];
	_ =	sdelay $0x3  }
0x96: {  	_ =	strace s3  }
0x97: {  	_ =	strace $0x8FFFFFFF  }
0x98: {  	s19 =	sld [smem:$0x3FDB];
	_ =	sdelay $0x1  }
0x99: {  	s4 =	simm.s32 $_scs_section_size  }
0x9a: {  	s5 =	simm.s32 $_size__tile_overlayer_lowered;
	s6 =	simm.s32 $_tile_overlayer_lowered  }
0x9b: {  	s22 =	simm.s32 $0x1BFF;
	s21 =	sshll.u32 s6, $0x1;
	s3 =	sadd.s32 s4, s19  }
0x9c: {  	s7 =	simm.s32 $0x0;
	s20 =	sshll.u32 s5, $0x1;
	s5 =	sadd.s32 s21, s3  }
0x9d: {  	[timem:s7], [sflag:s22] =	dma.local [hbm:s5], s20  }
0x9e: {  	_ =	swait.ge [sflag:s22], s20  }
0x9f: {  	s4 =	ssub.s32 $0x0, s20;
	[sflag:s22] =	ssyncset.done $0x0  }
0xa0: {  	[sflag:s22] =	ssyncadd.s32 s4;
	_ =	sdelay $0x1  }
0xa1: {  	s23 =	simm.s32 $0x1B8B  }
0xa2: {  	_ =	swait.ge [sflag:s23], $0x1  }
0xa3: {  	[sflag:s23] =	ssyncset.done $0x0  }
0xa4: {  	s25 =	simm.s32 $0x1B8E;
	s24 =	sld [smem:$0x3FFE];
	[sflag:s23] =	ssyncadd.s32 $0xFFFFFFFF  }
0xa5: {  	s26 =	simm.s32 $execute0_lowered;
	[smem:$0x3FD2] =	sst s25  }
0xa6: {  	s5 =	sshll.u32 s26, $0x1;
	_ =	strace $0x80000046;
	[dreg:$0x1] =	wrdreg $0xFFFFFFFF  }
0xa7: {  	s28 =	simm.s32 $_size_execute0_lowered;
	s3 =	sadd.s32 s3, s5;
	[dreg:$0x0] =	wrdreg $0x0  }
0xa8: {  	s5 =	sshll.u32 s28, $0x1;
	[dreg:$0x2] =	wrdreg s3  }
0xa9: {  	[dreg:$0x3] =	wrdreg s5  }
0xaa: {  	[dreg:$0x4] =	wrdreg $0xC0  }
0xab: {  	_ =	task [dreg:s7], $0x5FFFF  }
0xac: {  	[dreg:$0x1] =	wrdreg $0xFFFFFFFF  }
0xad: {  	[dreg:$0x0] =	wrdreg $0x60  }
0xae: {  	[dreg:$0x2] =	wrdreg s24  }
0xaf: {  	[dreg:$0x3] =	wrdreg s2  }
0xb0: {  	[dreg:$0x4] =	wrdreg $0x0  }
0xb1: {  	[dreg:$0x5] =	wrdreg $0x9  }
0xb2: {  	_ =	task.clear_ibuf [dreg:s7], $0x6FFFF;
	_ =	strace $0x90000046  }
0xb3: {  	s29 =	simm.s32 $0x9;
	_ =	strace $0x80000048  }
0xb4: {  	_ =	swait.ge [sflag:s29], $0x1  }
0xb5: {  	[sflag:s29] =	ssyncadd.s32 $0xFFFFFFFF  }
0xb6: {  	_ =	strace $0x90000048  }
0xb7: {  	_ =	sfence  }
0xb8: {  	s30 =	sld [smem:$0x0];
	_ =	sdelay $0x2  }
0xb9: {  	s31 =	sshll.u32 s1, $0xD;
	s1 =	sshrl.u32 s1, $0x2  }
0xba: {  	s3 =	sand.u32 $0x4000, s31;
	s1 =	sadd.s32 s1, s30  }
0xbb: {  	s0 =	sor.u32 s3, s0;
	s1 =	sshll.u32 s1, $0x11  }
0xbc: {  	s0 =	sor.u32 s1, s0  }
0xbd: {  	s0 =	sadd.s32 $0x8F2B, s0  }
0xbe: {  	[sflag:s0] =	ssyncadd.remote.s32 $0x1  }
0xbf: {  	_ =	sfence.sel $0xFFFF  }
0xc0: {  	[dreg:$0x0] =	wrdreg $0xFFFFFFFF;
	(pc) =	sbr.abs _section_cstart, $3  }
0xc1: {  	[dreg:$0x1] =	wrdreg $0xFFFFFFFF  }
0xc2: {  	_ =	task.clear_ibuf [dreg:s7], $0x2FFFF;
	_ =	strace $0x9FFFFFFF  }
0xc3: {  	(tm) =	ssettm $0x7FFFFFFF  }
tec
execute0_lowered:
.L_overlay_start_1:
0x0: {  	(tag) =	ssettag $0x1  }
0x1: {  	s6 =	rddreg [dreg:$0x0]  }
0x2: {  	s0 =	srdreg.scid;
	s2 =	rddreg [dreg:$0x1]  }
0x3: {  	s3 =	rddreg [dreg:$0x2];
	s4 =	simm.s32 $0x0;
	s13 =	simm.s32 $0x13C00  }
0x4: {  	s14 =	simm.s32 $0x80;
	s5 =	sand.u32 $0x1, s0;
	s0 =	stileid.u32  }
0x5: {  	s15 =	simm.s32 $0x0;
	[smem:$0x7FF] =	sst s4;
	s8 =	smul.u32 $0x13C00, s0  }
0x6: {  	s1 =	sshll.u32 s5, $0x4;
	s9 =	smul.u32 $0x13C000, s5;
	s5 =	ssub.s32 $0x2, s5  }
0x7: {  	s28 =	smul.u32 $0x4F000, s0;
	s31 =	sshll.u32 s0, $0x6;
	s1 =	sor.u32 s0, s1  }
0x8: {  	s29 =	sshrl.u32 s5, $0x1;
	s7 =	smul.u32 $0x500, s1;
	s1 =	rddreg [dreg:$0x3]  }
0x9: {  	_ =	strace $0x80000047;
	s10 =	sshrl.u32 s8, $0x3;
	s8 =	sadd.s32 s8, s9  }
0xa: {  	s11 =	ssub.s32 s5, s29;
	s30 =	sshrl.u32 s28, $0x2;
	s8 =	sshrl.u32 s8, $0x3  }
0xb: {  	s10 =	sadd.s32 s10, s6;
	s12 =	sadd.s32 s30, s3;
	s9 =	smax.u32 s11, $0x1  }
0xc: {  	s11 =	simm.s32 $0x1;
	s7 =	sadd.s32 s7, s6;
	s8 =	sadd.s32 s8, s6  }
0xd: {  	s5 =	sadd.s32 $0x11800, s10;
	s6 =	sor.u32 $0x1C01, s31;
	s10 =	sshrl.u32 s12, $0x3  }
0xe: {  	s12 =	simm.s32 $0x16400;
	s7 =	sadd.s32 $0x7800, s7;
	s8 =	sadd.s32 $0x39000, s8  }
.LBB2_1:
0xf: {  	[spmem:s10], [sflag:s6] =	dma.local [hbm:s5], $0x2780  }
0x10: {  	_ =	swait.ge [sflag:s11], $0x2780  }
0x11: {  	[sflag:s11] =	ssyncset.done $0x0  }
0x12: {  	[sflag:s11] =	ssyncadd.s32 $0xFFFFD880  }
0x13: {  	[tilespmem:s12], [sflag:$0x1] =	stream.linear.gather [hbm4b:s2+s4], $0x4000, $0x38;
	[tilespmem:$0x1A400] =	vst v63  }
0x14: {  	_ =	swait.ge [sflag:s11], $0x4000  }
0x15: {  	[sflag:s11] =	ssyncset.done $0x0  }
0x16: {  	[sflag:s11] =	ssyncadd.s32 $0xFFFFC000  }
0x17: {  	[tilespmem:s13], [sflag:$0x1] =	stream.linear.gather [hbm4b:s7+s4], $0x2780, $0x38;
	[tilespmem:$0x1A400] =	vst v63  }
0x18: {  	_ =	swait.ge [sflag:s11], $0x2780  }
0x19: {  	[sflag:s11] =	ssyncset.done $0x0  }
0x1a: {  	[sflag:s11] =	ssyncadd.s32 $0xFFFFD880  }
0x1b: {  	s16 =	simm.s32 $0x13C00;
	[bflag:$0x0] =	sbarrier.arrive $0xFFFF  }
0x1c: {  	[spmem:s3] =	stream.indirect.scatter.add.f32 [tilespmem:s12], [sflag:$0x1], $0x80, s16, s14, $0xb8;
	[tilespmem:$0x1A400] =	vst v63  }
0x1d: {  	s16 =	simm.s32 $0x200;
	_ =	swait.ge [sflag:s11], $0x4000  }
.LBB2_2:
0x1e: {  	s17 =	sshra.s32 s16, $0x2;
	[sflag:s11] =	ssyncset.done $0x0;
	p0 =	sne.s32 s16, $0x9C00  }
.Ltmp0:
0x1f: {  	s17 =	sadd.s32 $0x13C00, s17;
	[sflag:s11] =	ssyncadd.s32 $0xFFFFC000;
	(pc) =	sbr.rel @p0 .LBB2_2-.Ltmp0, $3  }
0x20: {  	[spmem:s3] =	stream.indirect.scatter.add.f32 [tilespmem:s12], [sflag:$0x1], $0x80, s17, s14, $0xb8;
	[tilespmem:$0x1A400] =	vst v63  }
0x21: {  	s16 =	sadd.s32 $0x200, s16;
	_ =	sdelay $0x1  }
0x22: {  	_ =	swait.ge [sflag:s11], $0x4000  }
0x23: {  	[sflag:s11] =	ssyncset.done $0x0;
	s15 =	sadd.s32 $0x1, s15  }
0x24: {  	[sflag:s11] =	ssyncadd.s32 $0xFFFFC000;
	p0 =	sne.s32 s15, s9  }
.Ltmp1:
0x25: {  	[bflag:$0x0] =	sbarrier.arrive $0xFFFF;
	(pc) =	sbr.rel @p0 .LBB2_1-.Ltmp1, $4  }
0x26: {  	[hbm:s8], [sflag:s6] =	dma.local [spmem:s10], $0x2780  }
0x27: {  	_ =	swait.ge [sflag:s11], $0x2780  }
0x28: {  	[sflag:s11] =	ssyncset.done $0x0  }
0x29: {  	[sflag:s11] =	ssyncadd.s32 $0xFFFFD880  }
0x2a: {  	_ =	sfence.sel $0x180000  }
0x2b: {  	[bflag:$0x0] =	sbarrier.arrive $0xFFFF  }
0x2c: {  	p0 =	sne.s32 s0, $0x0;
	_ =	strace $0x90000047  }
0x2d: {  	s0 =	sadd.s32 @!p0 $0x100000, s1;
	[bflag:$0x2] =	sbarrier.arrive $0xFFFF  }
0x2e: {  	[sflag:s0] =	ssyncadd.tile.s32 @!p0 $0x1;
	_ =	shalt  }
.Lfunc_end2:
_tile_overlayer_lowered:
.L_overlay_start_2:
0x2f: {  	(tag) =	ssettag $0x2  }
0x30: {  	s0 =	rddreg [dreg:$0x0];
	s2 =	stileid.u32  }
0x31: {  	s1 =	rddreg [dreg:$0x1];
	p0 =	sne.s32 s2, $0x0  }
0x32: {  	s3 =	rddreg [dreg:$0x2];
	[bflag:$0x3] =	sbarrier.arrive $0xFFFF;
	s2 =	simm.s32 @!p0 $0x1C01  }
0x33: {  	[timem:s3], [sflag:s2] =	dma.local @!p0 [hbm:s0], s1  }
0x34: {  	s0 =	simm.s32 @!p0 $0x1  }
0x35: {  	_ =	swait.ge @!p0 [sflag:s0], s1  }
0x36: {  	s1 =	ssub.s32 @!p0 $0x0, s1;
	[sflag:s0] =	ssyncset.done @!p0 $0x0  }
0x37: {  	[sflag:s0] =	ssyncadd.s32 @!p0 s1  }
0x38: {  	[bflag:$0x3] =	sbarrier.arrive $0xFFFF  }
0x39: {  	_ =	shalt  }

// kernel: kernel.27.cloned.1.call-start
scs
__scs_entry_jumppad:
0x0: {  	(pc) =	sbr.rel $0x88, $3  }
0x1: {  	(tag) =	ssettag $0x0;
	lr =	simm.s32 $0x1  }
0x2: {  	[smem:$0x3F99] =	sst lr;
	_ =	strace $0xD0000000  }
0x3: {  	_ = 	snop  }
0x4: {  	_ = 	snop  }
0x5: {  	_ = 	snop  }
0x6: {  	_ = 	snop  }
0x7: {  	_ = 	snop  }
__scs_overlays_trampoline_lowered:
0x8: {  	[smem:$0x3FA8] =	sst s0  }
0x9: {  	[smem:$0x3FA9] =	sst s1  }
0xa: {  	[smem:$0x3FAA] =	sst s2  }
0xb: {  	[smem:$0x3FAB] =	sst s3  }
0xc: {  	[smem:$0x3FAC] =	sst s4  }
0xd: {  	[smem:$0x3FAD] =	sst s5  }
0xe: {  	[smem:$0x3FAE] =	sst s6  }
0xf: {  	[smem:$0x3FAF] =	sst s7  }
0x10: {  	[smem:$0x3FB0] =	sst s8  }
0x11: {  	[smem:$0x3FB1] =	sst s9;
	s0 =	simm.s32 @!p0 $0x0  }
0x12: {  	s1 =	sld [smem:$0x3F97];
	s0 =	simm.s32 @p0 $0x1  }
0x13: {  	[smem:$0x3FB2] =	sst s0;
	s0 =	simm.s32 @!p1 $0x0  }
0x14: {  	s2 =	sld [smem:$0x3F96];
	s0 =	simm.s32 @p1 $0x1  }
0x15: {  	[smem:$0x3FB3] =	sst s0;
	s0 =	simm.s32 @!p2 $0x0  }
0x16: {  	s3 =	sld [smem:$0x3FDB];
	s0 =	simm.s32 @p2 $0x1  }
0x17: {  	s4 =	simm.s32 $0x1BF5;
	[smem:$0x3FB5] =	sst s0  }
0x18: {  	s0 =	sld [smem:$0x3F98];
	_ =	swait.ge [sflag:s4], $0x0  }
0x19: {  	s7 =	sld [smem:$0x3F99]  }
0x1a: {  	s8 =	sadd.s32 $0xFFFFE003, lr  }
0x1b: {  	s9 =	sadd.s32 $0xFFFFFEF7, lr;
	s5 =	simm.s32 $0xFFFFFFFF;
	p2 =	slt.u32 s8, $0xFFFFF086  }
0x1c: {  	p1 =	slt.u32 s9, $0xF7A;
	s5 =	simm.s32 @!p2 $0x0  }
0x1d: {  	s5 =	simm.s32 @p1 $0x1;
	p0 =	seq.s32 s7, s2  }
0x1e: {  	s7 =	smul.u32 @!p0 $0xF7A, s2;
	p2 =	seq.s32 @!p0 s5, $0x0  }
0x1f: {  	s9 =	smul.u32 $0xF7A, s1;
	s8 =	simm.s32 @!p0 $0x1BF5;
	p2 =	por !p2, p0  }
0x20: {  	[sflag:s8] =	ssyncset.s32 @!p0 $0xFFFFF086;
	s6 =	sadd.s32 @!p0 s3, s7;
	s7 =	simm.s32 @!p0 $0x108  }
0x21: {  	s3 =	sadd.s32 s3, s9;
	s6 =	sadd.s32 @!p0 $0x88, s6;
	s7 =	simm.s32 @p2 $0x1082  }
0x22: {  	[simem:s7], [sflag:s8] =	dma.local @!p0 [hbm:s6], $0xF7A  }
0x23: {  	s9 =	sor.u32 $0xD0000000, s2;
	s6 =	simm.s32 $0x108;
	_ =	swait.ge @!p0 [sflag:s8], $0x0  }
0x24: {  	s3 =	sadd.s32 $0x88, s3;
	s6 =	simm.s32 @!p1 $0x1082;
	[sflag:s4] =	ssyncset.s32 $0xFFFFF086  }
0x25: {  	[simem:s6], [sflag:s4] =	dma.local [hbm:s3], $0xF7A  }
0x26: {  	[smem:$0x3F99] =	sst s1;
	(tag) =	ssettag s2;
	_ =	strace s9  }
0x27: {  	s1 =	sld [smem:$0x3FA9]  }
0x28: {  	s2 =	sld [smem:$0x3FAA]  }
0x29: {  	s4 =	sld [smem:$0x3FAC]  }
0x2a: {  	p0 =	seq.s32 s5, $0x0;
	s5 =	sld [smem:$0x3FAD]  }
0x2b: {  	s6 =	sld [smem:$0x3FAE]  }
0x2c: {  	s7 =	sld [smem:$0x3FAF]  }
0x2d: {  	s3 =	simm.s32 $0x108;
	s8 =	sld [smem:$0x3FB0]  }
0x2e: {  	s3 =	simm.s32 @!p0 $0x1082;
	s9 =	sld [smem:$0x3FB1]  }
0x2f: {  	lr =	sadd.s32 s0, s3;
	s0 =	sld [smem:$0x3FA8]  }
0x30: {  	s3 =	sld [smem:$0x3FAB]  }
0x31: {  	[smem:$0x3FB4] =	sst s10  }
0x32: {  	s10 =	sld [smem:$0x3FB2];
	_ =	sdelay $0x3  }
0x33: {  	p0 =	seq.s32 s10, $0x1;
	s10 =	sld [smem:$0x3FB4];
	_ =	sdelay $0x3  }
0x34: {  	[smem:$0x3FB4] =	sst s10  }
0x35: {  	s10 =	sld [smem:$0x3FB3];
	_ =	sdelay $0x3  }
0x36: {  	p1 =	seq.s32 s10, $0x1;
	s10 =	sld [smem:$0x3FB4];
	_ =	sdelay $0x3  }
0x37: {  	[smem:$0x3FB4] =	sst s10  }
0x38: {  	s10 =	sld [smem:$0x3FB5]  }
0x39: {  	_ = 	snop;
	(pc) =	sbr.ind lr, $3  }
0x3a: {  	_ = 	snop  }
0x3b: {  	_ = 	snop  }
0x3c: {  	p2 =	seq.s32 s10, $0x1;
	s10 =	sld [smem:$0x3FB4]  }
0x3d: {  	_ =	shalt  }
0x3e: {  	_ =	shalt  }
0x3f: {  	_ =	shalt  }
0x40: {  	_ =	shalt  }
0x41: {  	_ =	shalt  }
0x42: {  	_ =	shalt  }
0x43: {  	_ =	shalt  }
0x44: {  	_ =	shalt  }
0x45: {  	_ =	shalt  }
0x46: {  	_ =	shalt  }
0x47: {  	_ =	shalt  }
0x48: {  	_ =	shalt  }
0x49: {  	_ =	shalt  }
0x4a: {  	_ =	shalt  }
0x4b: {  	_ =	shalt  }
0x4c: {  	_ =	shalt  }
0x4d: {  	_ =	shalt  }
0x4e: {  	_ =	shalt  }
0x4f: {  	_ =	shalt  }
0x50: {  	_ =	shalt  }
0x51: {  	_ =	shalt  }
0x52: {  	_ =	shalt  }
0x53: {  	_ =	shalt  }
0x54: {  	_ =	shalt  }
0x55: {  	_ =	shalt  }
0x56: {  	_ =	shalt  }
0x57: {  	_ =	shalt  }
0x58: {  	_ =	shalt  }
0x59: {  	_ =	shalt  }
0x5a: {  	_ =	shalt  }
0x5b: {  	_ =	shalt  }
0x5c: {  	_ =	shalt  }
0x5d: {  	_ =	shalt  }
0x5e: {  	_ =	shalt  }
0x5f: {  	_ =	shalt  }
0x60: {  	_ =	shalt  }
0x61: {  	_ =	shalt  }
0x62: {  	_ =	shalt  }
0x63: {  	_ =	shalt  }
0x64: {  	_ =	shalt  }
0x65: {  	_ =	shalt  }
0x66: {  	_ =	shalt  }
0x67: {  	_ =	shalt  }
0x68: {  	_ =	shalt  }
0x69: {  	_ =	shalt  }
0x6a: {  	_ =	shalt  }
0x6b: {  	_ =	shalt  }
0x6c: {  	_ =	shalt  }
0x6d: {  	_ =	shalt  }
0x6e: {  	_ =	shalt  }
0x6f: {  	_ =	shalt  }
0x70: {  	_ =	shalt  }
0x71: {  	_ =	shalt  }
0x72: {  	_ =	shalt  }
0x73: {  	_ =	shalt  }
0x74: {  	_ =	shalt  }
0x75: {  	_ =	shalt  }
0x76: {  	_ =	shalt  }
0x77: {  	_ =	shalt  }
0x78: {  	_ =	shalt  }
0x79: {  	_ =	shalt  }
0x7a: {  	_ =	shalt  }
0x7b: {  	_ =	shalt  }
0x7c: {  	_ =	shalt  }
0x7d: {  	_ =	shalt  }
0x7e: {  	_ =	shalt  }
0x7f: {  	_ =	shalt  }
0x80: {  	_ =	shalt  }
0x81: {  	_ =	shalt  }
0x82: {  	_ =	shalt  }
0x83: {  	_ =	shalt  }
0x84: {  	_ =	shalt  }
0x85: {  	_ =	shalt  }
0x86: {  	_ =	shalt  }
0x87: {  	_ =	shalt  }
.Lfunc_end0:
.L_simem_size_0:
called_computation.1_lowered:
.L_overlay_start_0:
0x88: {  	s2 =	sld [smem:$0x3FD9]  }
0x89: {  	s3 =	sld [smem:$0x3FFE];
	_ =	sdelay $0x1  }
0x8a: {  	s1 =	srdreg.scid  }
0x8b: {  	s0 =	sand.u32 $0x1, s1  }
0x8c: {  	s16 =	sshll.u32 s0, $0xA;
	s2 =	sadd.s32 s3, s2  }
0x8d: {  	s2 =	sadd.s32 s2, s16  }
0x8e: {  	[smem:$0x3FC0] =	sst s2  }
0x8f: {  	_ = 	snop  }
0x90: {  	(tm) =	ssettm $0x1  }
0x91: {  	s17 =	sld [smem:$0x3FFB];
	_ =	sdelay $0x3  }
0x92: {  	_ =	strace s17  }
0x93: {  	s2 =	sld [smem:$0x3FFC];
	_ =	sdelay $0x3  }
0x94: {  	_ =	strace s2  }
0x95: {  	s2 =	sld [smem:$0x3FFD];
	_ =	sdelay $0x3  }
0x96: {  	_ =	strace s2  }
0x97: {  	_ =	strace $0x8FFFFFFF  }
0x98: {  	s18 =	sld [smem:$0x3FDB];
	_ =	sdelay $0x1  }
0x99: {  	s19 =	simm.s32 $_scs_section_size  }
0x9a: {  	s4 =	simm.s32 $_size__tile_overlayer_lowered;
	s5 =	simm.s32 $_tile_overlayer_lowered  }
0x9b: {  	s22 =	simm.s32 $0x1BFF;
	s21 =	sshll.u32 s5, $0x1;
	s2 =	sadd.s32 s19, s18  }
0x9c: {  	s6 =	simm.s32 $0x0;
	s20 =	sshll.u32 s4, $0x1;
	s4 =	sadd.s32 s21, s2  }
0x9d: {  	[timem:s6], [sflag:s22] =	dma.local [hbm:s4], s20  }
0x9e: {  	_ =	swait.ge [sflag:s22], s20  }
0x9f: {  	s3 =	ssub.s32 $0x0, s20;
	[sflag:s22] =	ssyncset.done $0x0  }
0xa0: {  	[sflag:s22] =	ssyncadd.s32 s3;
	_ =	sdelay $0x1  }
0xa1: {  	s23 =	simm.s32 $0x1B8B  }
0xa2: {  	_ =	swait.ge [sflag:s23], $0x1  }
0xa3: {  	[sflag:s23] =	ssyncset.done $0x0  }
0xa4: {  	s25 =	simm.s32 $0x1B8E;
	s24 =	sld [smem:$0x3FFE];
	[sflag:s23] =	ssyncadd.s32 $0xFFFFFFFF  }
0xa5: {  	s26 =	simm.s32 $execute0_lowered;
	[smem:$0x3FD2] =	sst s25  }
0xa6: {  	s4 =	sshll.u32 s26, $0x1;
	_ =	strace $0x80000049;
	[dreg:$0x1] =	wrdreg $0xFFFFFFFF  }
0xa7: {  	s28 =	simm.s32 $_size_execute0_lowered;
	s2 =	sadd.s32 s2, s4;
	[dreg:$0x0] =	wrdreg $0x0  }
0xa8: {  	s4 =	sshll.u32 s28, $0x1;
	[dreg:$0x2] =	wrdreg s2  }
0xa9: {  	[dreg:$0x3] =	wrdreg s4  }
0xaa: {  	[dreg:$0x4] =	wrdreg $0xC0  }
0xab: {  	_ =	task [dreg:s6], $0x5FFFF  }
0xac: {  	[dreg:$0x1] =	wrdreg $0xFFFFFFFF  }
0xad: {  	[dreg:$0x0] =	wrdreg $0x60  }
0xae: {  	[dreg:$0x2] =	wrdreg s24  }
0xaf: {  	[dreg:$0x3] =	wrdreg $0x0  }
0xb0: {  	[dreg:$0x4] =	wrdreg $0x9  }
0xb1: {  	_ =	task.clear_ibuf [dreg:s6], $0x5FFFF;
	_ =	strace $0x90000049  }
0xb2: {  	s29 =	simm.s32 $0x9;
	_ =	strace $0x8000004B  }
0xb3: {  	_ =	swait.ge [sflag:s29], $0x1  }
0xb4: {  	[sflag:s29] =	ssyncadd.s32 $0xFFFFFFFF  }
0xb5: {  	_ =	strace $0x9000004B  }
0xb6: {  	_ =	sfence  }
0xb7: {  	s30 =	sld [smem:$0x0];
	_ =	sdelay $0x2  }
0xb8: {  	s31 =	sshll.u32 s1, $0xD;
	s1 =	sshrl.u32 s1, $0x2  }
0xb9: {  	s3 =	sand.u32 $0x4000, s31;
	s1 =	sadd.s32 s1, s30  }
0xba: {  	s0 =	sor.u32 s3, s0;
	s1 =	sshll.u32 s1, $0x11  }
0xbb: {  	s0 =	sor.u32 s1, s0  }
0xbc: {  	s0 =	sadd.s32 $0x8F2B, s0  }
0xbd: {  	[sflag:s0] =	ssyncadd.remote.s32 $0x1  }
0xbe: {  	_ =	sfence.sel $0xFFFF  }
0xbf: {  	[dreg:$0x0] =	wrdreg $0xFFFFFFFF;
	(pc) =	sbr.abs _section_cstart, $3  }
0xc0: {  	[dreg:$0x1] =	wrdreg $0xFFFFFFFF  }
0xc1: {  	_ =	task.clear_ibuf [dreg:s6], $0x2FFFF;
	_ =	strace $0x9FFFFFFF  }
0xc2: {  	(tm) =	ssettm $0x7FFFFFFF  }
0xc3: {  	_ =	shalt  }
tec
execute0_lowered:
.L_overlay_start_1:
0x0: {  	(tag) =	ssettag $0x1  }
0x1: {  	s5 =	rddreg [dreg:$0x0]  }
0x2: {  	s2 =	rddreg [dreg:$0x1]  }
0x3: {  	s0 =	rddreg [dreg:$0x2]  }
0x4: {  	s4 =	srdreg.scid;
	s1 =	stileid.u32  }
0x5: {  	s3 =	simm.s32 $0x0;
	s12 =	simm.s32 $0x2;
	s13 =	simm.s32 $0x13C00  }
0x6: {  	s14 =	simm.s32 $0x16400;
	s15 =	simm.s32 $0x80;
	s16 =	simm.s32 $0x18C00  }
0x7: {  	s17 =	simm.s32 $0x1;
	s18 =	simm.s32 $0x0;
	s6 =	sand.u32 $0x1, s4  }
0x8: {  	s7 =	smul.u32 $0x13C00, s1;
	[smem:$0x7FF] =	sst s3;
	s4 =	sadd.s32 $0x38A00, s5  }
0x9: {  	s11 =	smul.u32 $0x4F000, s1;
	s31 =	sshll.u32 s1, $0x6;
	s8 =	sshll.u32 s6, $0x4  }
0xa: {  	s9 =	smul.u32 $0x13C000, s6;
	_ =	strace $0x8000004A;
	s6 =	ssub.s32 $0x2, s6  }
0xb: {  	s8 =	sor.u32 s1, s8;
	s10 =	sshrl.u32 s6, $0x1;
	s29 =	sshrl.u32 s11, $0x2  }
0xc: {  	s30 =	sshrl.u32 s7, $0x3;
	s8 =	smul.u32 $0x500, s8;
	s9 =	sadd.s32 s7, s9  }
0xd: {  	s10 =	ssub.s32 s6, s10;
	s11 =	sadd.s32 s29, s2;
	s6 =	sor.u32 $0x1C02, s31  }
0xe: {  	s9 =	sshrl.u32 s9, $0x3;
	s10 =	smax.u32 s10, $0x1;
	s11 =	sshrl.u32 s11, $0x3  }
0xf: {  	s8 =	sadd.s32 s8, s5;
	s9 =	sadd.s32 s9, s5;
	s5 =	sadd.s32 s4, s30  }
0x10: {  	s7 =	sadd.s32 $0x88000, s8;
	s8 =	sadd.s32 $0x7800, s8;
	s9 =	sadd.s32 $0x92000, s9  }
.LBB2_1:
0x11: {  	[spmem:s11], [sflag:s6] =	dma.local [hbm:s5], $0x2780  }
0x12: {  	_ =	swait.ge [sflag:s12], $0x2780  }
0x13: {  	[sflag:s12] =	ssyncset.done $0x0  }
0x14: {  	[sflag:s12] =	ssyncadd.s32 $0xFFFFD880  }
0x15: {  	[tilespmem:s13], [sflag:$0x2] =	stream.linear.gather [hbm4b:s7+s3], $0x2780, $0x38;
	[tilespmem:$0x1CC00] =	vst v63  }
0x16: {  	_ =	swait.ge [sflag:s12], $0x2780  }
0x17: {  	[sflag:s12] =	ssyncset.done $0x0  }
0x18: {  	[sflag:s12] =	ssyncadd.s32 $0xFFFFD880  }
0x19: {  	[tilespmem:s14], [sflag:$0x2] =	stream.linear.gather [hbm4b:s8+s3], $0x2780, $0x38;
	[tilespmem:$0x1CC00] =	vst v63  }
0x1a: {  	_ =	swait.ge [sflag:s12], $0x2780  }
0x1b: {  	[sflag:s12] =	ssyncset.done $0x0  }
0x1c: {  	[sflag:s12] =	ssyncadd.s32 $0xFFFFD880  }
0x1d: {  	s19 =	simm.s32 $0x13C00;
	[bflag:$0x0] =	sbarrier.arrive $0xFFFF  }
0x1e: {  	[tilespmem:s16], [sflag:$0x1] =	stream.indirect.gather [hbm4b:s4+s15], $0x80, s19, s15, $0xb8;
	[tilespmem:$0x1CC00] =	vst v63  }
0x1f: {  	_ =	swait.ge [sflag:s17], $0x4000  }
0x20: {  	[sflag:s17] =	ssyncset.done $0x0  }
0x21: {  	s31 =	simm.s32 $0x16400;
	[sflag:s17] =	ssyncadd.s32 $0xFFFFC000  }
0x22: {  	[spmem:s2] =	stream.indirect.scatter.add.f32 [tilespmem:s16], [sflag:$0x2], $0x80, s31, s15, $0xb8;
	[tilespmem:$0x1CC00] =	vst v63  }
0x23: {  	_ =	swait.ge [sflag:s12], $0x4000  }
0x24: {  	s20 =	simm.s32 $0x400;
	s19 =	simm.s32 $0x80;
	[sflag:s12] =	ssyncset.done $0x0  }
.LBB2_2:
0x25: {  	s21 =	sadd.s32 $0x13C00, s19  }
0x26: {  	[sflag:s12] =	ssyncadd.s32 $0xFFFFC000;
	s22 =	smov.u32 s20;
	s23 =	sadd.s32 $0x200, s20  }
0x27: {  	[tilespmem:s16], [sflag:$0x1] =	stream.indirect.gather [hbm4b:s4+s15], $0x80, s21, s15, $0xb8;
	[tilespmem:$0x1CC00] =	vst v63  }
0x28: {  	p0 =	sne.s32 s20, $0x9C00;
	_ =	swait.ge [sflag:s17], $0x4000  }
.Ltmp0:
0x29: {  	[sflag:s17] =	ssyncset.done $0x0;
	(pc) =	sbr.rel @p0 .LBB2_2-.Ltmp0, $4  }
0x2a: {  	s19 =	sadd.s32 $0x16400, s19;
	[sflag:s17] =	ssyncadd.s32 $0xFFFFC000  }
0x2b: {  	[spmem:s2] =	stream.indirect.scatter.add.f32 [tilespmem:s16], [sflag:$0x2], $0x80, s19, s15, $0xb8;
	[tilespmem:$0x1CC00] =	vst v63  }
0x2c: {  	_ =	swait.ge [sflag:s12], $0x4000  }
0x2d: {  	s20 =	smov.u32 s23;
	s19 =	sshra.s32 s22, $0x2;
	[sflag:s12] =	ssyncset.done $0x0  }
0x2e: {  	s20 =	sadd.s32 $0x13C00, s19;
	[sflag:s12] =	ssyncadd.s32 $0xFFFFC000  }
0x2f: {  	[tilespmem:s16], [sflag:$0x1] =	stream.indirect.gather [hbm4b:s4+s15], $0x80, s20, s15, $0xb8;
	[tilespmem:$0x1CC00] =	vst v63  }
0x30: {  	_ =	swait.ge [sflag:s17], $0x4000  }
0x31: {  	[sflag:s17] =	ssyncset.done $0x0  }
0x32: {  	s31 =	sadd.s32 $0x16400, s19;
	[sflag:s17] =	ssyncadd.s32 $0xFFFFC000  }
0x33: {  	[spmem:s2] =	stream.indirect.scatter.add.f32 [tilespmem:s16], [sflag:$0x2], $0x80, s31, s15, $0xb8;
	[tilespmem:$0x1CC00] =	vst v63  }
0x34: {  	_ =	swait.ge [sflag:s12], $0x4000  }
0x35: {  	s18 =	sadd.s32 $0x1, s18;
	[sflag:s12] =	ssyncset.done $0x0  }
0x36: {  	p0 =	sne.s32 s18, s10;
	[sflag:s12] =	ssyncadd.s32 $0xFFFFC000  }
.Ltmp1:
0x37: {  	[bflag:$0x0] =	sbarrier.arrive $0xFFFF;
	(pc) =	sbr.rel @p0 .LBB2_1-.Ltmp1, $4  }
0x38: {  	[hbm:s9], [sflag:s6] =	dma.local [spmem:s11], $0x2780  }
0x39: {  	_ =	swait.ge [sflag:s12], $0x2780  }
0x3a: {  	[sflag:s12] =	ssyncset.done $0x0  }
0x3b: {  	[sflag:s12] =	ssyncadd.s32 $0xFFFFD880  }
0x3c: {  	_ =	sfence.sel $0x180000  }
0x3d: {  	[bflag:$0x0] =	sbarrier.arrive $0xFFFF  }
0x3e: {  	p0 =	sne.s32 s1, $0x0;
	_ =	strace $0x9000004A  }
0x3f: {  	s0 =	sadd.s32 @!p0 $0x100000, s0;
	[bflag:$0x2] =	sbarrier.arrive $0xFFFF  }
0x40: {  	[sflag:s0] =	ssyncadd.tile.s32 @!p0 $0x1;
	_ =	shalt  }
.Lfunc_end2:
_tile_overlayer_lowered:
.L_overlay_start_2:
0x41: {  	(tag) =	ssettag $0x2  }
0x42: {  	s0 =	rddreg [dreg:$0x0];
	s2 =	stileid.u32  }
0x43: {  	s1 =	rddreg [dreg:$0x1];
	p0 =	sne.s32 s2, $0x0  }
0x44: {  	s3 =	rddreg [dreg:$0x2];
	[bflag:$0x3] =	sbarrier.arrive $0xFFFF;
	s2 =	simm.s32 @!p0 $0x1C02  }
0x45: {  	[timem:s3], [sflag:s2] =	dma.local @!p0 [hbm:s0], s1  }
0x46: {  	s0 =	simm.s32 @!p0 $0x2  }
0x47: {  	_ =	swait.ge @!p0 [sflag:s0], s1  }
0x48: {  	s1 =	ssub.s32 @!p0 $0x0, s1;
	[sflag:s0] =	ssyncset.done @!p0 $0x0  }
0x49: {  	[sflag:s0] =	ssyncadd.s32 @!p0 s1  }
0x4a: {  	[bflag:$0x3] =	sbarrier.arrive $0xFFFF  }
0x4b: {  	_ =	shalt  }

// kernel: kernel.30.cloned.1.call-start
scs
__scs_entry_jumppad:
0x0: {  	(pc) =	sbr.rel $0x88, $3  }
0x1: {  	(tag) =	ssettag $0x0;
	lr =	simm.s32 $0x1  }
0x2: {  	[smem:$0x3F99] =	sst lr;
	_ =	strace $0xD0000000  }
0x3: {  	_ = 	snop  }
0x4: {  	_ = 	snop  }
0x5: {  	_ = 	snop  }
0x6: {  	_ = 	snop  }
0x7: {  	_ = 	snop  }
__scs_overlays_trampoline_lowered:
0x8: {  	[smem:$0x3FA8] =	sst s0  }
0x9: {  	[smem:$0x3FA9] =	sst s1  }
0xa: {  	[smem:$0x3FAA] =	sst s2  }
0xb: {  	[smem:$0x3FAB] =	sst s3  }
0xc: {  	[smem:$0x3FAC] =	sst s4  }
0xd: {  	[smem:$0x3FAD] =	sst s5  }
0xe: {  	[smem:$0x3FAE] =	sst s6  }
0xf: {  	[smem:$0x3FAF] =	sst s7  }
0x10: {  	[smem:$0x3FB0] =	sst s8  }
0x11: {  	[smem:$0x3FB1] =	sst s9;
	s0 =	simm.s32 @!p0 $0x0  }
0x12: {  	s1 =	sld [smem:$0x3F97];
	s0 =	simm.s32 @p0 $0x1  }
0x13: {  	[smem:$0x3FB2] =	sst s0;
	s0 =	simm.s32 @!p1 $0x0  }
0x14: {  	s2 =	sld [smem:$0x3F96];
	s0 =	simm.s32 @p1 $0x1  }
0x15: {  	[smem:$0x3FB3] =	sst s0;
	s0 =	simm.s32 @!p2 $0x0  }
0x16: {  	s3 =	sld [smem:$0x3FDB];
	s0 =	simm.s32 @p2 $0x1  }
0x17: {  	s4 =	simm.s32 $0x1BF5;
	[smem:$0x3FB5] =	sst s0  }
0x18: {  	s0 =	sld [smem:$0x3F98];
	_ =	swait.ge [sflag:s4], $0x0  }
0x19: {  	s7 =	sld [smem:$0x3F99]  }
0x1a: {  	s8 =	sadd.s32 $0xFFFFE003, lr  }
0x1b: {  	s9 =	sadd.s32 $0xFFFFFEF7, lr;
	s5 =	simm.s32 $0xFFFFFFFF;
	p2 =	slt.u32 s8, $0xFFFFF086  }
0x1c: {  	p1 =	slt.u32 s9, $0xF7A;
	s5 =	simm.s32 @!p2 $0x0  }
0x1d: {  	s5 =	simm.s32 @p1 $0x1;
	p0 =	seq.s32 s7, s2  }
0x1e: {  	s7 =	smul.u32 @!p0 $0xF7A, s2;
	p2 =	seq.s32 @!p0 s5, $0x0  }
0x1f: {  	s9 =	smul.u32 $0xF7A, s1;
	s8 =	simm.s32 @!p0 $0x1BF5;
	p2 =	por !p2, p0  }
0x20: {  	[sflag:s8] =	ssyncset.s32 @!p0 $0xFFFFF086;
	s6 =	sadd.s32 @!p0 s3, s7;
	s7 =	simm.s32 @!p0 $0x108  }
0x21: {  	s3 =	sadd.s32 s3, s9;
	s6 =	sadd.s32 @!p0 $0x88, s6;
	s7 =	simm.s32 @p2 $0x1082  }
0x22: {  	[simem:s7], [sflag:s8] =	dma.local @!p0 [hbm:s6], $0xF7A  }
0x23: {  	s9 =	sor.u32 $0xD0000000, s2;
	s6 =	simm.s32 $0x108;
	_ =	swait.ge @!p0 [sflag:s8], $0x0  }
0x24: {  	s3 =	sadd.s32 $0x88, s3;
	s6 =	simm.s32 @!p1 $0x1082;
	[sflag:s4] =	ssyncset.s32 $0xFFFFF086  }
0x25: {  	[simem:s6], [sflag:s4] =	dma.local [hbm:s3], $0xF7A  }
0x26: {  	[smem:$0x3F99] =	sst s1;
	(tag) =	ssettag s2;
	_ =	strace s9  }
0x27: {  	s1 =	sld [smem:$0x3FA9]  }
0x28: {  	s2 =	sld [smem:$0x3FAA]  }
0x29: {  	s4 =	sld [smem:$0x3FAC]  }
0x2a: {  	p0 =	seq.s32 s5, $0x0;
	s5 =	sld [smem:$0x3FAD]  }
0x2b: {  	s6 =	sld [smem:$0x3FAE]  }
0x2c: {  	s7 =	sld [smem:$0x3FAF]  }
0x2d: {  	s3 =	simm.s32 $0x108;
	s8 =	sld [smem:$0x3FB0]  }
0x2e: {  	s3 =	simm.s32 @!p0 $0x1082;
	s9 =	sld [smem:$0x3FB1]  }
0x2f: {  	lr =	sadd.s32 s0, s3;
	s0 =	sld [smem:$0x3FA8]  }
0x30: {  	s3 =	sld [smem:$0x3FAB]  }
0x31: {  	[smem:$0x3FB4] =	sst s10  }
0x32: {  	s10 =	sld [smem:$0x3FB2];
	_ =	sdelay $0x3  }
0x33: {  	p0 =	seq.s32 s10, $0x1;
	s10 =	sld [smem:$0x3FB4];
	_ =	sdelay $0x3  }
0x34: {  	[smem:$0x3FB4] =	sst s10  }
0x35: {  	s10 =	sld [smem:$0x3FB3];
	_ =	sdelay $0x3  }
0x36: {  	p1 =	seq.s32 s10, $0x1;
	s10 =	sld [smem:$0x3FB4];
	_ =	sdelay $0x3  }
0x37: {  	[smem:$0x3FB4] =	sst s10  }
0x38: {  	s10 =	sld [smem:$0x3FB5]  }
0x39: {  	_ = 	snop;
	(pc) =	sbr.ind lr, $3  }
0x3a: {  	_ = 	snop  }
0x3b: {  	_ = 	snop  }
0x3c: {  	p2 =	seq.s32 s10, $0x1;
	s10 =	sld [smem:$0x3FB4]  }
0x3d: {  	_ =	shalt  }
0x3e: {  	_ =	shalt  }
0x3f: {  	_ =	shalt  }
0x40: {  	_ =	shalt  }
0x41: {  	_ =	shalt  }
0x42: {  	_ =	shalt  }
0x43: {  	_ =	shalt  }
0x44: {  	_ =	shalt  }
0x45: {  	_ =	shalt  }
0x46: {  	_ =	shalt  }
0x47: {  	_ =	shalt  }
0x48: {  	_ =	shalt  }
0x49: {  	_ =	shalt  }
0x4a: {  	_ =	shalt  }
0x4b: {  	_ =	shalt  }
0x4c: {  	_ =	shalt  }
0x4d: {  	_ =	shalt  }
0x4e: {  	_ =	shalt  }
0x4f: {  	_ =	shalt  }
0x50: {  	_ =	shalt  }
0x51: {  	_ =	shalt  }
0x52: {  	_ =	shalt  }
0x53: {  	_ =	shalt  }
0x54: {  	_ =	shalt  }
0x55: {  	_ =	shalt  }
0x56: {  	_ =	shalt  }
0x57: {  	_ =	shalt  }
0x58: {  	_ =	shalt  }
0x59: {  	_ =	shalt  }
0x5a: {  	_ =	shalt  }
0x5b: {  	_ =	shalt  }
0x5c: {  	_ =	shalt  }
0x5d: {  	_ =	shalt  }
0x5e: {  	_ =	shalt  }
0x5f: {  	_ =	shalt  }
0x60: {  	_ =	shalt  }
0x61: {  	_ =	shalt  }
0x62: {  	_ =	shalt  }
0x63: {  	_ =	shalt  }
0x64: {  	_ =	shalt  }
0x65: {  	_ =	shalt  }
0x66: {  	_ =	shalt  }
0x67: {  	_ =	shalt  }
0x68: {  	_ =	shalt  }
0x69: {  	_ =	shalt  }
0x6a: {  	_ =	shalt  }
0x6b: {  	_ =	shalt  }
0x6c: {  	_ =	shalt  }
0x6d: {  	_ =	shalt  }
0x6e: {  	_ =	shalt  }
0x6f: {  	_ =	shalt  }
0x70: {  	_ =	shalt  }
0x71: {  	_ =	shalt  }
0x72: {  	_ =	shalt  }
0x73: {  	_ =	shalt  }
0x74: {  	_ =	shalt  }
0x75: {  	_ =	shalt  }
0x76: {  	_ =	shalt  }
0x77: {  	_ =	shalt  }
0x78: {  	_ =	shalt  }
0x79: {  	_ =	shalt  }
0x7a: {  	_ =	shalt  }
0x7b: {  	_ =	shalt  }
0x7c: {  	_ =	shalt  }
0x7d: {  	_ =	shalt  }
0x7e: {  	_ =	shalt  }
0x7f: {  	_ =	shalt  }
0x80: {  	_ =	shalt  }
0x81: {  	_ =	shalt  }
0x82: {  	_ =	shalt  }
0x83: {  	_ =	shalt  }
0x84: {  	_ =	shalt  }
0x85: {  	_ =	shalt  }
0x86: {  	_ =	shalt  }
0x87: {  	_ =	shalt  }
.Lfunc_end0:
.L_simem_size_0:
called_computation.2_lowered:
.L_overlay_start_0:
0x88: {  	s2 =	sld [smem:$0x3FD9]  }
0x89: {  	s3 =	sld [smem:$0x3FFE];
	_ =	sdelay $0x1  }
0x8a: {  	s1 =	srdreg.scid  }
0x8b: {  	s0 =	sand.u32 $0x1, s1  }
0x8c: {  	s16 =	sshll.u32 s0, $0xA;
	s2 =	sadd.s32 s3, s2  }
0x8d: {  	s2 =	sadd.s32 s2, s16  }
0x8e: {  	[smem:$0x3FC0] =	sst s2  }
0x8f: {  	_ = 	snop  }
0x90: {  	(tm) =	ssettm $0x1  }
0x91: {  	s17 =	sld [smem:$0x3FFB];
	_ =	sdelay $0x3  }
0x92: {  	_ =	strace s17  }
0x93: {  	s2 =	sld [smem:$0x3FFC];
	_ =	sdelay $0x3  }
0x94: {  	_ =	strace s2  }
0x95: {  	s2 =	sld [smem:$0x3FFD];
	_ =	sdelay $0x3  }
0x96: {  	_ =	strace s2  }
0x97: {  	_ =	strace $0x8FFFFFFF  }
0x98: {  	s18 =	sld [smem:$0x3FDB];
	_ =	sdelay $0x1  }
0x99: {  	s19 =	simm.s32 $_scs_section_size  }
0x9a: {  	s4 =	simm.s32 $_size__tile_overlayer_lowered;
	s5 =	simm.s32 $_tile_overlayer_lowered  }
0x9b: {  	s22 =	simm.s32 $0x1BFF;
	s21 =	sshll.u32 s5, $0x1;
	s2 =	sadd.s32 s19, s18  }
0x9c: {  	s6 =	simm.s32 $0x0;
	s20 =	sshll.u32 s4, $0x1;
	s4 =	sadd.s32 s21, s2  }
0x9d: {  	[timem:s6], [sflag:s22] =	dma.local [hbm:s4], s20  }
0x9e: {  	_ =	swait.ge [sflag:s22], s20  }
0x9f: {  	s3 =	ssub.s32 $0x0, s20;
	[sflag:s22] =	ssyncset.done $0x0  }
0xa0: {  	[sflag:s22] =	ssyncadd.s32 s3;
	_ =	sdelay $0x1  }
0xa1: {  	s23 =	simm.s32 $0x1B8B  }
0xa2: {  	_ =	swait.ge [sflag:s23], $0x1  }
0xa3: {  	[sflag:s23] =	ssyncset.done $0x0  }
0xa4: {  	s25 =	simm.s32 $0x1B8E;
	s24 =	sld [smem:$0x3FFE];
	[sflag:s23] =	ssyncadd.s32 $0xFFFFFFFF  }
0xa5: {  	s26 =	simm.s32 $execute0_lowered;
	[smem:$0x3FD2] =	sst s25  }
0xa6: {  	s4 =	sshll.u32 s26, $0x1;
	_ =	strace $0x8000004C;
	[dreg:$0x1] =	wrdreg $0xFFFFFFFF  }
0xa7: {  	s28 =	simm.s32 $_size_execute0_lowered;
	s2 =	sadd.s32 s2, s4;
	[dreg:$0x0] =	wrdreg $0x0  }
0xa8: {  	s4 =	sshll.u32 s28, $0x1;
	[dreg:$0x2] =	wrdreg s2  }
0xa9: {  	[dreg:$0x3] =	wrdreg s4  }
0xaa: {  	[dreg:$0x4] =	wrdreg $0xC0  }
0xab: {  	_ =	task [dreg:s6], $0x5FFFF  }
0xac: {  	[dreg:$0x1] =	wrdreg $0xFFFFFFFF  }
0xad: {  	[dreg:$0x0] =	wrdreg $0x60  }
0xae: {  	[dreg:$0x2] =	wrdreg s24  }
0xaf: {  	[dreg:$0x3] =	wrdreg $0x0  }
0xb0: {  	[dreg:$0x4] =	wrdreg $0x9  }
0xb1: {  	_ =	task.clear_ibuf [dreg:s6], $0x5FFFF;
	_ =	strace $0x9000004C  }
0xb2: {  	s29 =	simm.s32 $0x9;
	_ =	strace $0x8000004E  }
0xb3: {  	_ =	swait.ge [sflag:s29], $0x1  }
0xb4: {  	[sflag:s29] =	ssyncadd.s32 $0xFFFFFFFF  }
0xb5: {  	_ =	strace $0x9000004E  }
0xb6: {  	_ =	sfence  }
0xb7: {  	s30 =	sld [smem:$0x0];
	_ =	sdelay $0x2  }
0xb8: {  	s31 =	sshll.u32 s1, $0xD;
	s1 =	sshrl.u32 s1, $0x2  }
0xb9: {  	s3 =	sand.u32 $0x4000, s31;
	s1 =	sadd.s32 s1, s30  }
0xba: {  	s0 =	sor.u32 s3, s0;
	s1 =	sshll.u32 s1, $0x11  }
0xbb: {  	s0 =	sor.u32 s1, s0  }
0xbc: {  	s0 =	sadd.s32 $0x8F2B, s0  }
0xbd: {  	[sflag:s0] =	ssyncadd.remote.s32 $0x1  }
0xbe: {  	_ =	sfence.sel $0xFFFF  }
0xbf: {  	[dreg:$0x0] =	wrdreg $0xFFFFFFFF;
	(pc) =	sbr.abs _section_cstart, $3  }
0xc0: {  	[dreg:$0x1] =	wrdreg $0xFFFFFFFF  }
0xc1: {  	_ =	task.clear_ibuf [dreg:s6], $0x2FFFF;
	_ =	strace $0x9FFFFFFF  }
0xc2: {  	(tm) =	ssettm $0x7FFFFFFF  }
0xc3: {  	_ =	shalt  }
tec
execute0_lowered:
.L_overlay_start_1:
0x0: {  	(tag) =	ssettag $0x1  }
0x1: {  	s5 =	rddreg [dreg:$0x0]  }
0x2: {  	s2 =	rddreg [dreg:$0x1]  }
0x3: {  	s0 =	rddreg [dreg:$0x2]  }
0x4: {  	s4 =	srdreg.scid;
	s1 =	stileid.u32  }
0x5: {  	s3 =	simm.s32 $0x0;
	s12 =	simm.s32 $0x2;
	s13 =	simm.s32 $0x13C00  }
0x6: {  	s14 =	simm.s32 $0x16400;
	s15 =	simm.s32 $0x80;
	s16 =	simm.s32 $0x18C00  }
0x7: {  	s17 =	simm.s32 $0x1;
	s18 =	simm.s32 $0x0;
	s6 =	sand.u32 $0x1, s4  }
0x8: {  	s7 =	smul.u32 $0x13C00, s1;
	[smem:$0x7FF] =	sst s3;
	s4 =	sadd.s32 $0x38A00, s5  }
0x9: {  	s11 =	smul.u32 $0x4F000, s1;
	s31 =	sshll.u32 s1, $0x6;
	s8 =	sshll.u32 s6, $0x4  }
0xa: {  	s9 =	smul.u32 $0x13C000, s6;
	_ =	strace $0x8000004D;
	s6 =	ssub.s32 $0x2, s6  }
0xb: {  	s8 =	sor.u32 s1, s8;
	s10 =	sshrl.u32 s6, $0x1;
	s29 =	sshrl.u32 s11, $0x2  }
0xc: {  	s30 =	sshrl.u32 s7, $0x3;
	s8 =	smul.u32 $0x500, s8;
	s9 =	sadd.s32 s7, s9  }
0xd: {  	s10 =	ssub.s32 s6, s10;
	s11 =	sadd.s32 s29, s2;
	s6 =	sor.u32 $0x1C02, s31  }
0xe: {  	s9 =	sshrl.u32 s9, $0x3;
	s10 =	smax.u32 s10, $0x1;
	s11 =	sshrl.u32 s11, $0x3  }
0xf: {  	s8 =	sadd.s32 s8, s5;
	s9 =	sadd.s32 s9, s5;
	s5 =	sadd.s32 s4, s30  }
0x10: {  	s7 =	sadd.s32 $0x88000, s8;
	s8 =	sadd.s32 $0x7800, s8;
	s9 =	sadd.s32 $0x92000, s9  }
.LBB2_1:
0x11: {  	[spmem:s11], [sflag:s6] =	dma.local [hbm:s5], $0x2780  }
0x12: {  	_ =	swait.ge [sflag:s12], $0x2780  }
0x13: {  	[sflag:s12] =	ssyncset.done $0x0  }
0x14: {  	[sflag:s12] =	ssyncadd.s32 $0xFFFFD880  }
0x15: {  	[tilespmem:s13], [sflag:$0x2] =	stream.linear.gather [hbm4b:s7+s3], $0x2780, $0x38;
	[tilespmem:$0x1CC00] =	vst v63  }
0x16: {  	_ =	swait.ge [sflag:s12], $0x2780  }
0x17: {  	[sflag:s12] =	ssyncset.done $0x0  }
0x18: {  	[sflag:s12] =	ssyncadd.s32 $0xFFFFD880  }
0x19: {  	[tilespmem:s14], [sflag:$0x2] =	stream.linear.gather [hbm4b:s8+s3], $0x2780, $0x38;
	[tilespmem:$0x1CC00] =	vst v63  }
0x1a: {  	_ =	swait.ge [sflag:s12], $0x2780  }
0x1b: {  	[sflag:s12] =	ssyncset.done $0x0  }
0x1c: {  	[sflag:s12] =	ssyncadd.s32 $0xFFFFD880  }
0x1d: {  	s19 =	simm.s32 $0x13C00;
	[bflag:$0x0] =	sbarrier.arrive $0xFFFF  }
0x1e: {  	[tilespmem:s16], [sflag:$0x1] =	stream.indirect.gather [hbm4b:s4+s15], $0x80, s19, s15, $0xb8;
	[tilespmem:$0x1CC00] =	vst v63  }
0x1f: {  	_ =	swait.ge [sflag:s17], $0x4000  }
0x20: {  	[sflag:s17] =	ssyncset.done $0x0  }
0x21: {  	s31 =	simm.s32 $0x16400;
	[sflag:s17] =	ssyncadd.s32 $0xFFFFC000  }
0x22: {  	[spmem:s2] =	stream.indirect.scatter.add.f32 [tilespmem:s16], [sflag:$0x2], $0x80, s31, s15, $0xb8;
	[tilespmem:$0x1CC00] =	vst v63  }
0x23: {  	_ =	swait.ge [sflag:s12], $0x4000  }
0x24: {  	s20 =	simm.s32 $0x400;
	s19 =	simm.s32 $0x80;
	[sflag:s12] =	ssyncset.done $0x0  }
.LBB2_2:
0x25: {  	s21 =	sadd.s32 $0x13C00, s19  }
0x26: {  	[sflag:s12] =	ssyncadd.s32 $0xFFFFC000;
	s22 =	smov.u32 s20;
	s23 =	sadd.s32 $0x200, s20  }
0x27: {  	[tilespmem:s16], [sflag:$0x1] =	stream.indirect.gather [hbm4b:s4+s15], $0x80, s21, s15, $0xb8;
	[tilespmem:$0x1CC00] =	vst v63  }
0x28: {  	p0 =	sne.s32 s20, $0x9C00;
	_ =	swait.ge [sflag:s17], $0x4000  }
.Ltmp0:
0x29: {  	[sflag:s17] =	ssyncset.done $0x0;
	(pc) =	sbr.rel @p0 .LBB2_2-.Ltmp0, $4  }
0x2a: {  	s19 =	sadd.s32 $0x16400, s19;
	[sflag:s17] =	ssyncadd.s32 $0xFFFFC000  }
0x2b: {  	[spmem:s2] =	stream.indirect.scatter.add.f32 [tilespmem:s16], [sflag:$0x2], $0x80, s19, s15, $0xb8;
	[tilespmem:$0x1CC00] =	vst v63  }
0x2c: {  	_ =	swait.ge [sflag:s12], $0x4000  }
0x2d: {  	s20 =	smov.u32 s23;
	s19 =	sshra.s32 s22, $0x2;
	[sflag:s12] =	ssyncset.done $0x0  }
0x2e: {  	s20 =	sadd.s32 $0x13C00, s19;
	[sflag:s12] =	ssyncadd.s32 $0xFFFFC000  }
0x2f: {  	[tilespmem:s16], [sflag:$0x1] =	stream.indirect.gather [hbm4b:s4+s15], $0x80, s20, s15, $0xb8;
	[tilespmem:$0x1CC00] =	vst v63  }
0x30: {  	_ =	swait.ge [sflag:s17], $0x4000  }
0x31: {  	[sflag:s17] =	ssyncset.done $0x0  }
0x32: {  	s31 =	sadd.s32 $0x16400, s19;
	[sflag:s17] =	ssyncadd.s32 $0xFFFFC000  }
0x33: {  	[spmem:s2] =	stream.indirect.scatter.add.f32 [tilespmem:s16], [sflag:$0x2], $0x80, s31, s15, $0xb8;
	[tilespmem:$0x1CC00] =	vst v63  }
0x34: {  	_ =	swait.ge [sflag:s12], $0x4000  }
0x35: {  	s18 =	sadd.s32 $0x1, s18;
	[sflag:s12] =	ssyncset.done $0x0  }
0x36: {  	p0 =	sne.s32 s18, s10;
	[sflag:s12] =	ssyncadd.s32 $0xFFFFC000  }
.Ltmp1:
0x37: {  	[bflag:$0x0] =	sbarrier.arrive $0xFFFF;
	(pc) =	sbr.rel @p0 .LBB2_1-.Ltmp1, $4  }
0x38: {  	[hbm:s9], [sflag:s6] =	dma.local [spmem:s11], $0x2780  }
0x39: {  	_ =	swait.ge [sflag:s12], $0x2780  }
0x3a: {  	[sflag:s12] =	ssyncset.done $0x0  }
0x3b: {  	[sflag:s12] =	ssyncadd.s32 $0xFFFFD880  }
0x3c: {  	_ =	sfence.sel $0x180000  }
0x3d: {  	[bflag:$0x0] =	sbarrier.arrive $0xFFFF  }
0x3e: {  	p0 =	sne.s32 s1, $0x0;
	_ =	strace $0x9000004D  }
0x3f: {  	s0 =	sadd.s32 @!p0 $0x100000, s0;
	[bflag:$0x2] =	sbarrier.arrive $0xFFFF  }
0x40: {  	[sflag:s0] =	ssyncadd.tile.s32 @!p0 $0x1;
	_ =	shalt  }
.Lfunc_end2:
_tile_overlayer_lowered:
.L_overlay_start_2:
0x41: {  	(tag) =	ssettag $0x2  }
0x42: {  	s0 =	rddreg [dreg:$0x0];
	s2 =	stileid.u32  }
0x43: {  	s1 =	rddreg [dreg:$0x1];
	p0 =	sne.s32 s2, $0x0  }
0x44: {  	s3 =	rddreg [dreg:$0x2];
	[bflag:$0x3] =	sbarrier.arrive $0xFFFF;
	s2 =	simm.s32 @!p0 $0x1C02  }
0x45: {  	[timem:s3], [sflag:s2] =	dma.local @!p0 [hbm:s0], s1  }
0x46: {  	s0 =	simm.s32 @!p0 $0x2  }
0x47: {  	_ =	swait.ge @!p0 [sflag:s0], s1  }
0x48: {  	s1 =	ssub.s32 @!p0 $0x0, s1;
	[sflag:s0] =	ssyncset.done @!p0 $0x0  }
0x49: {  	[sflag:s0] =	ssyncadd.s32 @!p0 s1  }
0x4a: {  	[bflag:$0x3] =	sbarrier.arrive $0xFFFF  }
0x4b: {  	_ =	shalt  }

// kernel: kernel.33.cloned.1.call-start
scs
__scs_entry_jumppad:
0x0: {  	(pc) =	sbr.rel $0x88, $3  }
0x1: {  	(tag) =	ssettag $0x0;
	lr =	simm.s32 $0x1  }
0x2: {  	[smem:$0x3F99] =	sst lr;
	_ =	strace $0xD0000000  }
0x3: {  	_ = 	snop  }
0x4: {  	_ = 	snop  }
0x5: {  	_ = 	snop  }
0x6: {  	_ = 	snop  }
0x7: {  	_ = 	snop  }
__scs_overlays_trampoline_lowered:
0x8: {  	[smem:$0x3FA8] =	sst s0  }
0x9: {  	[smem:$0x3FA9] =	sst s1  }
0xa: {  	[smem:$0x3FAA] =	sst s2  }
0xb: {  	[smem:$0x3FAB] =	sst s3  }
0xc: {  	[smem:$0x3FAC] =	sst s4  }
0xd: {  	[smem:$0x3FAD] =	sst s5  }
0xe: {  	[smem:$0x3FAE] =	sst s6  }
0xf: {  	[smem:$0x3FAF] =	sst s7  }
0x10: {  	[smem:$0x3FB0] =	sst s8  }
0x11: {  	[smem:$0x3FB1] =	sst s9;
	s0 =	simm.s32 @!p0 $0x0  }
0x12: {  	s1 =	sld [smem:$0x3F97];
	s0 =	simm.s32 @p0 $0x1  }
0x13: {  	[smem:$0x3FB2] =	sst s0;
	s0 =	simm.s32 @!p1 $0x0  }
0x14: {  	s2 =	sld [smem:$0x3F96];
	s0 =	simm.s32 @p1 $0x1  }
0x15: {  	[smem:$0x3FB3] =	sst s0;
	s0 =	simm.s32 @!p2 $0x0  }
0x16: {  	s3 =	sld [smem:$0x3FDB];
	s0 =	simm.s32 @p2 $0x1  }
0x17: {  	s4 =	simm.s32 $0x1BF5;
	[smem:$0x3FB5] =	sst s0  }
0x18: {  	s0 =	sld [smem:$0x3F98];
	_ =	swait.ge [sflag:s4], $0x0  }
0x19: {  	s7 =	sld [smem:$0x3F99]  }
0x1a: {  	s8 =	sadd.s32 $0xFFFFE003, lr  }
0x1b: {  	s9 =	sadd.s32 $0xFFFFFEF7, lr;
	s5 =	simm.s32 $0xFFFFFFFF;
	p2 =	slt.u32 s8, $0xFFFFF086  }
0x1c: {  	p1 =	slt.u32 s9, $0xF7A;
	s5 =	simm.s32 @!p2 $0x0  }
0x1d: {  	s5 =	simm.s32 @p1 $0x1;
	p0 =	seq.s32 s7, s2  }
0x1e: {  	s7 =	smul.u32 @!p0 $0xF7A, s2;
	p2 =	seq.s32 @!p0 s5, $0x0  }
0x1f: {  	s9 =	smul.u32 $0xF7A, s1;
	s8 =	simm.s32 @!p0 $0x1BF5;
	p2 =	por !p2, p0  }
0x20: {  	[sflag:s8] =	ssyncset.s32 @!p0 $0xFFFFF086;
	s6 =	sadd.s32 @!p0 s3, s7;
	s7 =	simm.s32 @!p0 $0x108  }
0x21: {  	s3 =	sadd.s32 s3, s9;
	s6 =	sadd.s32 @!p0 $0x88, s6;
	s7 =	simm.s32 @p2 $0x1082  }
0x22: {  	[simem:s7], [sflag:s8] =	dma.local @!p0 [hbm:s6], $0xF7A  }
0x23: {  	s9 =	sor.u32 $0xD0000000, s2;
	s6 =	simm.s32 $0x108;
	_ =	swait.ge @!p0 [sflag:s8], $0x0  }
0x24: {  	s3 =	sadd.s32 $0x88, s3;
	s6 =	simm.s32 @!p1 $0x1082;
	[sflag:s4] =	ssyncset.s32 $0xFFFFF086  }
0x25: {  	[simem:s6], [sflag:s4] =	dma.local [hbm:s3], $0xF7A  }
0x26: {  	[smem:$0x3F99] =	sst s1;
	(tag) =	ssettag s2;
	_ =	strace s9  }
0x27: {  	s1 =	sld [smem:$0x3FA9]  }
0x28: {  	s2 =	sld [smem:$0x3FAA]  }
0x29: {  	s4 =	sld [smem:$0x3FAC]  }
0x2a: {  	p0 =	seq.s32 s5, $0x0;
	s5 =	sld [smem:$0x3FAD]  }
0x2b: {  	s6 =	sld [smem:$0x3FAE]  }
0x2c: {  	s7 =	sld [smem:$0x3FAF]  }
0x2d: {  	s3 =	simm.s32 $0x108;
	s8 =	sld [smem:$0x3FB0]  }
0x2e: {  	s3 =	simm.s32 @!p0 $0x1082;
	s9 =	sld [smem:$0x3FB1]  }
0x2f: {  	lr =	sadd.s32 s0, s3;
	s0 =	sld [smem:$0x3FA8]  }
0x30: {  	s3 =	sld [smem:$0x3FAB]  }
0x31: {  	[smem:$0x3FB4] =	sst s10  }
0x32: {  	s10 =	sld [smem:$0x3FB2];
	_ =	sdelay $0x3  }
0x33: {  	p0 =	seq.s32 s10, $0x1;
	s10 =	sld [smem:$0x3FB4];
	_ =	sdelay $0x3  }
0x34: {  	[smem:$0x3FB4] =	sst s10  }
0x35: {  	s10 =	sld [smem:$0x3FB3];
	_ =	sdelay $0x3  }
0x36: {  	p1 =	seq.s32 s10, $0x1;
	s10 =	sld [smem:$0x3FB4];
	_ =	sdelay $0x3  }
0x37: {  	[smem:$0x3FB4] =	sst s10  }
0x38: {  	s10 =	sld [smem:$0x3FB5]  }
0x39: {  	_ = 	snop;
	(pc) =	sbr.ind lr, $3  }
0x3a: {  	_ = 	snop  }
0x3b: {  	_ = 	snop  }
0x3c: {  	p2 =	seq.s32 s10, $0x1;
	s10 =	sld [smem:$0x3FB4]  }
0x3d: {  	_ =	shalt  }
0x3e: {  	_ =	shalt  }
0x3f: {  	_ =	shalt  }
0x40: {  	_ =	shalt  }
0x41: {  	_ =	shalt  }
0x42: {  	_ =	shalt  }
0x43: {  	_ =	shalt  }
0x44: {  	_ =	shalt  }
0x45: {  	_ =	shalt  }
0x46: {  	_ =	shalt  }
0x47: {  	_ =	shalt  }
0x48: {  	_ =	shalt  }
0x49: {  	_ =	shalt  }
0x4a: {  	_ =	shalt  }
0x4b: {  	_ =	shalt  }
0x4c: {  	_ =	shalt  }
0x4d: {  	_ =	shalt  }
0x4e: {  	_ =	shalt  }
0x4f: {  	_ =	shalt  }
0x50: {  	_ =	shalt  }
0x51: {  	_ =	shalt  }
0x52: {  	_ =	shalt  }
0x53: {  	_ =	shalt  }
0x54: {  	_ =	shalt  }
0x55: {  	_ =	shalt  }
0x56: {  	_ =	shalt  }
0x57: {  	_ =	shalt  }
0x58: {  	_ =	shalt  }
0x59: {  	_ =	shalt  }
0x5a: {  	_ =	shalt  }
0x5b: {  	_ =	shalt  }
0x5c: {  	_ =	shalt  }
0x5d: {  	_ =	shalt  }
0x5e: {  	_ =	shalt  }
0x5f: {  	_ =	shalt  }
0x60: {  	_ =	shalt  }
0x61: {  	_ =	shalt  }
0x62: {  	_ =	shalt  }
0x63: {  	_ =	shalt  }
0x64: {  	_ =	shalt  }
0x65: {  	_ =	shalt  }
0x66: {  	_ =	shalt  }
0x67: {  	_ =	shalt  }
0x68: {  	_ =	shalt  }
0x69: {  	_ =	shalt  }
0x6a: {  	_ =	shalt  }
0x6b: {  	_ =	shalt  }
0x6c: {  	_ =	shalt  }
0x6d: {  	_ =	shalt  }
0x6e: {  	_ =	shalt  }
0x6f: {  	_ =	shalt  }
0x70: {  	_ =	shalt  }
0x71: {  	_ =	shalt  }
0x72: {  	_ =	shalt  }
0x73: {  	_ =	shalt  }
0x74: {  	_ =	shalt  }
0x75: {  	_ =	shalt  }
0x76: {  	_ =	shalt  }
0x77: {  	_ =	shalt  }
0x78: {  	_ =	shalt  }
0x79: {  	_ =	shalt  }
0x7a: {  	_ =	shalt  }
0x7b: {  	_ =	shalt  }
0x7c: {  	_ =	shalt  }
0x7d: {  	_ =	shalt  }
0x7e: {  	_ =	shalt  }
0x7f: {  	_ =	shalt  }
0x80: {  	_ =	shalt  }
0x81: {  	_ =	shalt  }
0x82: {  	_ =	shalt  }
0x83: {  	_ =	shalt  }
0x84: {  	_ =	shalt  }
0x85: {  	_ =	shalt  }
0x86: {  	_ =	shalt  }
0x87: {  	_ =	shalt  }
.Lfunc_end0:
.L_simem_size_0:
called_computation.3_lowered:
.L_overlay_start_0:
0x88: {  	s2 =	sld [smem:$0x3FD9]  }
0x89: {  	s3 =	sld [smem:$0x3FFE];
	_ =	sdelay $0x1  }
0x8a: {  	s1 =	srdreg.scid  }
0x8b: {  	s0 =	sand.u32 $0x1, s1  }
0x8c: {  	s16 =	sshll.u32 s0, $0xA;
	s2 =	sadd.s32 s3, s2  }
0x8d: {  	s2 =	sadd.s32 s2, s16  }
0x8e: {  	[smem:$0x3FC0] =	sst s2  }
0x8f: {  	_ = 	snop  }
0x90: {  	(tm) =	ssettm $0x1  }
0x91: {  	s17 =	sld [smem:$0x3FFB];
	_ =	sdelay $0x3  }
0x92: {  	_ =	strace s17  }
0x93: {  	s2 =	sld [smem:$0x3FFC];
	_ =	sdelay $0x3  }
0x94: {  	_ =	strace s2  }
0x95: {  	s2 =	sld [smem:$0x3FFD];
	_ =	sdelay $0x3  }
0x96: {  	_ =	strace s2  }
0x97: {  	_ =	strace $0x8FFFFFFF  }
0x98: {  	s18 =	sld [smem:$0x3FDB];
	_ =	sdelay $0x1  }
0x99: {  	s19 =	simm.s32 $_scs_section_size  }
0x9a: {  	s4 =	simm.s32 $_size__tile_overlayer_lowered;
	s5 =	simm.s32 $_tile_overlayer_lowered  }
0x9b: {  	s22 =	simm.s32 $0x1BFF;
	s21 =	sshll.u32 s5, $0x1;
	s2 =	sadd.s32 s19, s18  }
0x9c: {  	s6 =	simm.s32 $0x0;
	s20 =	sshll.u32 s4, $0x1;
	s4 =	sadd.s32 s21, s2  }
0x9d: {  	[timem:s6], [sflag:s22] =	dma.local [hbm:s4], s20  }
0x9e: {  	_ =	swait.ge [sflag:s22], s20  }
0x9f: {  	s3 =	ssub.s32 $0x0, s20;
	[sflag:s22] =	ssyncset.done $0x0  }
0xa0: {  	[sflag:s22] =	ssyncadd.s32 s3;
	_ =	sdelay $0x1  }
0xa1: {  	s23 =	simm.s32 $0x1B8B  }
0xa2: {  	_ =	swait.ge [sflag:s23], $0x1  }
0xa3: {  	[sflag:s23] =	ssyncset.done $0x0  }
0xa4: {  	s25 =	simm.s32 $0x1B8E;
	s24 =	sld [smem:$0x3FFE];
	[sflag:s23] =	ssyncadd.s32 $0xFFFFFFFF  }
0xa5: {  	s26 =	simm.s32 $execute0_lowered;
	[smem:$0x3FD2] =	sst s25  }
0xa6: {  	s4 =	sshll.u32 s26, $0x1;
	_ =	strace $0x8000004F;
	[dreg:$0x1] =	wrdreg $0xFFFFFFFF  }
0xa7: {  	s28 =	simm.s32 $_size_execute0_lowered;
	s2 =	sadd.s32 s2, s4;
	[dreg:$0x0] =	wrdreg $0x0  }
0xa8: {  	s4 =	sshll.u32 s28, $0x1;
	[dreg:$0x2] =	wrdreg s2  }
0xa9: {  	[dreg:$0x3] =	wrdreg s4  }
0xaa: {  	[dreg:$0x4] =	wrdreg $0xC0  }
0xab: {  	_ =	task [dreg:s6], $0x5FFFF  }
0xac: {  	[dreg:$0x1] =	wrdreg $0xFFFFFFFF  }
0xad: {  	[dreg:$0x0] =	wrdreg $0x60  }
0xae: {  	[dreg:$0x2] =	wrdreg s24  }
0xaf: {  	[dreg:$0x3] =	wrdreg $0x0  }
0xb0: {  	[dreg:$0x4] =	wrdreg $0x9  }
0xb1: {  	_ =	task.clear_ibuf [dreg:s6], $0x5FFFF;
	_ =	strace $0x9000004F  }
0xb2: {  	s29 =	simm.s32 $0x9;
	_ =	strace $0x80000051  }
0xb3: {  	_ =	swait.ge [sflag:s29], $0x1  }
0xb4: {  	[sflag:s29] =	ssyncadd.s32 $0xFFFFFFFF  }
0xb5: {  	_ =	strace $0x90000051  }
0xb6: {  	_ =	sfence  }
0xb7: {  	s30 =	sld [smem:$0x0];
	_ =	sdelay $0x2  }
0xb8: {  	s31 =	sshll.u32 s1, $0xD;
	s1 =	sshrl.u32 s1, $0x2  }
0xb9: {  	s3 =	sand.u32 $0x4000, s31;
	s1 =	sadd.s32 s1, s30  }
0xba: {  	s0 =	sor.u32 s3, s0;
	s1 =	sshll.u32 s1, $0x11  }
0xbb: {  	s0 =	sor.u32 s1, s0  }
0xbc: {  	s0 =	sadd.s32 $0x8F2B, s0  }
0xbd: {  	[sflag:s0] =	ssyncadd.remote.s32 $0x1  }
0xbe: {  	_ =	sfence.sel $0xFFFF  }
0xbf: {  	[dreg:$0x0] =	wrdreg $0xFFFFFFFF;
	(pc) =	sbr.abs _section_cstart, $3  }
0xc0: {  	[dreg:$0x1] =	wrdreg $0xFFFFFFFF  }
0xc1: {  	_ =	task.clear_ibuf [dreg:s6], $0x2FFFF;
	_ =	strace $0x9FFFFFFF  }
0xc2: {  	(tm) =	ssettm $0x7FFFFFFF  }
0xc3: {  	_ =	shalt  }
tec
execute0_lowered:
.L_overlay_start_1:
0x0: {  	(tag) =	ssettag $0x1  }
0x1: {  	s5 =	rddreg [dreg:$0x0]  }
0x2: {  	s2 =	rddreg [dreg:$0x1]  }
0x3: {  	s0 =	rddreg [dreg:$0x2]  }
0x4: {  	s4 =	srdreg.scid;
	s1 =	stileid.u32  }
0x5: {  	s3 =	simm.s32 $0x0;
	s12 =	simm.s32 $0x2;
	s13 =	simm.s32 $0x13C00  }
0x6: {  	s14 =	simm.s32 $0x16400;
	s15 =	simm.s32 $0x80;
	s16 =	simm.s32 $0x18C00  }
0x7: {  	s17 =	simm.s32 $0x1;
	s18 =	simm.s32 $0x0;
	s6 =	sand.u32 $0x1, s4  }
0x8: {  	s7 =	smul.u32 $0x13C00, s1;
	[smem:$0x7FF] =	sst s3;
	s4 =	sadd.s32 $0x38A00, s5  }
0x9: {  	s11 =	smul.u32 $0x4F000, s1;
	s31 =	sshll.u32 s1, $0x6;
	s8 =	sshll.u32 s6, $0x4  }
0xa: {  	s9 =	smul.u32 $0x13C000, s6;
	_ =	strace $0x80000050;
	s6 =	ssub.s32 $0x2, s6  }
0xb: {  	s8 =	sor.u32 s1, s8;
	s10 =	sshrl.u32 s6, $0x1;
	s29 =	sshrl.u32 s11, $0x2  }
0xc: {  	s30 =	sshrl.u32 s7, $0x3;
	s8 =	smul.u32 $0x500, s8;
	s9 =	sadd.s32 s7, s9  }
0xd: {  	s10 =	ssub.s32 s6, s10;
	s11 =	sadd.s32 s29, s2;
	s6 =	sor.u32 $0x1C02, s31  }
0xe: {  	s9 =	sshrl.u32 s9, $0x3;
	s10 =	smax.u32 s10, $0x1;
	s11 =	sshrl.u32 s11, $0x3  }
0xf: {  	s8 =	sadd.s32 s8, s5;
	s9 =	sadd.s32 s9, s5;
	s5 =	sadd.s32 s4, s30  }
0x10: {  	s7 =	sadd.s32 $0x88000, s8;
	s8 =	sadd.s32 $0x7800, s8;
	s9 =	sadd.s32 $0x92000, s9  }
.LBB2_1:
0x11: {  	[spmem:s11], [sflag:s6] =	dma.local [hbm:s5], $0x2780  }
0x12: {  	_ =	swait.ge [sflag:s12], $0x2780  }
0x13: {  	[sflag:s12] =	ssyncset.done $0x0  }
0x14: {  	[sflag:s12] =	ssyncadd.s32 $0xFFFFD880  }
0x15: {  	[tilespmem:s13], [sflag:$0x2] =	stream.linear.gather [hbm4b:s7+s3], $0x2780, $0x38;
	[tilespmem:$0x1CC00] =	vst v63  }
0x16: {  	_ =	swait.ge [sflag:s12], $0x2780  }
0x17: {  	[sflag:s12] =	ssyncset.done $0x0  }
0x18: {  	[sflag:s12] =	ssyncadd.s32 $0xFFFFD880  }
0x19: {  	[tilespmem:s14], [sflag:$0x2] =	stream.linear.gather [hbm4b:s8+s3], $0x2780, $0x38;
	[tilespmem:$0x1CC00] =	vst v63  }
0x1a: {  	_ =	swait.ge [sflag:s12], $0x2780  }
0x1b: {  	[sflag:s12] =	ssyncset.done $0x0  }
0x1c: {  	[sflag:s12] =	ssyncadd.s32 $0xFFFFD880  }
0x1d: {  	s19 =	simm.s32 $0x13C00;
	[bflag:$0x0] =	sbarrier.arrive $0xFFFF  }
0x1e: {  	[tilespmem:s16], [sflag:$0x1] =	stream.indirect.gather [hbm4b:s4+s15], $0x80, s19, s15, $0xb8;
	[tilespmem:$0x1CC00] =	vst v63  }
0x1f: {  	_ =	swait.ge [sflag:s17], $0x4000  }
0x20: {  	[sflag:s17] =	ssyncset.done $0x0  }
0x21: {  	s31 =	simm.s32 $0x16400;
	[sflag:s17] =	ssyncadd.s32 $0xFFFFC000  }
0x22: {  	[spmem:s2] =	stream.indirect.scatter.add.f32 [tilespmem:s16], [sflag:$0x2], $0x80, s31, s15, $0xb8;
	[tilespmem:$0x1CC00] =	vst v63  }
0x23: {  	_ =	swait.ge [sflag:s12], $0x4000  }
0x24: {  	s20 =	simm.s32 $0x400;
	s19 =	simm.s32 $0x80;
	[sflag:s12] =	ssyncset.done $0x0  }
.LBB2_2:
0x25: {  	s21 =	sadd.s32 $0x13C00, s19  }
0x26: {  	[sflag:s12] =	ssyncadd.s32 $0xFFFFC000;
	s22 =	smov.u32 s20;
	s23 =	sadd.s32 $0x200, s20  }
0x27: {  	[tilespmem:s16], [sflag:$0x1] =	stream.indirect.gather [hbm4b:s4+s15], $0x80, s21, s15, $0xb8;
	[tilespmem:$0x1CC00] =	vst v63  }
0x28: {  	p0 =	sne.s32 s20, $0x9C00;
	_ =	swait.ge [sflag:s17], $0x4000  }
.Ltmp0:
0x29: {  	[sflag:s17] =	ssyncset.done $0x0;
	(pc) =	sbr.rel @p0 .LBB2_2-.Ltmp0, $4  }
0x2a: {  	s19 =	sadd.s32 $0x16400, s19;
	[sflag:s17] =	ssyncadd.s32 $0xFFFFC000  }
0x2b: {  	[spmem:s2] =	stream.indirect.scatter.add.f32 [tilespmem:s16], [sflag:$0x2], $0x80, s19, s15, $0xb8;
	[tilespmem:$0x1CC00] =	vst v63  }
0x2c: {  	_ =	swait.ge [sflag:s12], $0x4000  }
0x2d: {  	s20 =	smov.u32 s23;
	s19 =	sshra.s32 s22, $0x2;
	[sflag:s12] =	ssyncset.done $0x0  }
0x2e: {  	s20 =	sadd.s32 $0x13C00, s19;
	[sflag:s12] =	ssyncadd.s32 $0xFFFFC000  }
0x2f: {  	[tilespmem:s16], [sflag:$0x1] =	stream.indirect.gather [hbm4b:s4+s15], $0x80, s20, s15, $0xb8;
	[tilespmem:$0x1CC00] =	vst v63  }
0x30: {  	_ =	swait.ge [sflag:s17], $0x4000  }
0x31: {  	[sflag:s17] =	ssyncset.done $0x0  }
0x32: {  	s31 =	sadd.s32 $0x16400, s19;
	[sflag:s17] =	ssyncadd.s32 $0xFFFFC000  }
0x33: {  	[spmem:s2] =	stream.indirect.scatter.add.f32 [tilespmem:s16], [sflag:$0x2], $0x80, s31, s15, $0xb8;
	[tilespmem:$0x1CC00] =	vst v63  }
0x34: {  	_ =	swait.ge [sflag:s12], $0x4000  }
0x35: {  	s18 =	sadd.s32 $0x1, s18;
	[sflag:s12] =	ssyncset.done $0x0  }
0x36: {  	p0 =	sne.s32 s18, s10;
	[sflag:s12] =	ssyncadd.s32 $0xFFFFC000  }
.Ltmp1:
0x37: {  	[bflag:$0x0] =	sbarrier.arrive $0xFFFF;
	(pc) =	sbr.rel @p0 .LBB2_1-.Ltmp1, $4  }
0x38: {  	[hbm:s9], [sflag:s6] =	dma.local [spmem:s11], $0x2780  }
0x39: {  	_ =	swait.ge [sflag:s12], $0x2780  }
0x3a: {  	[sflag:s12] =	ssyncset.done $0x0  }
0x3b: {  	[sflag:s12] =	ssyncadd.s32 $0xFFFFD880  }
0x3c: {  	_ =	sfence.sel $0x180000  }
0x3d: {  	[bflag:$0x0] =	sbarrier.arrive $0xFFFF  }
0x3e: {  	p0 =	sne.s32 s1, $0x0;
	_ =	strace $0x90000050  }
0x3f: {  	s0 =	sadd.s32 @!p0 $0x100000, s0;
	[bflag:$0x2] =	sbarrier.arrive $0xFFFF  }
0x40: {  	[sflag:s0] =	ssyncadd.tile.s32 @!p0 $0x1;
	_ =	shalt  }
.Lfunc_end2:
_tile_overlayer_lowered:
.L_overlay_start_2:
0x41: {  	(tag) =	ssettag $0x2  }
0x42: {  	s0 =	rddreg [dreg:$0x0];
	s2 =	stileid.u32  }
0x43: {  	s1 =	rddreg [dreg:$0x1];
	p0 =	sne.s32 s2, $0x0  }
0x44: {  	s3 =	rddreg [dreg:$0x2];
	[bflag:$0x3] =	sbarrier.arrive $0xFFFF;
	s2 =	simm.s32 @!p0 $0x1C02  }
0x45: {  	[timem:s3], [sflag:s2] =	dma.local @!p0 [hbm:s0], s1  }
0x46: {  	s0 =	simm.s32 @!p0 $0x2  }
0x47: {  	_ =	swait.ge @!p0 [sflag:s0], s1  }
0x48: {  	s1 =	ssub.s32 @!p0 $0x0, s1;
	[sflag:s0] =	ssyncset.done @!p0 $0x0  }
0x49: {  	[sflag:s0] =	ssyncadd.s32 @!p0 s1  }
0x4a: {  	[bflag:$0x3] =	sbarrier.arrive $0xFFFF  }
0x4b: {  	_ =	shalt  }

// kernel: kernel.36.cloned.1.call-start
scs
__scs_entry_jumppad:
0x0: {  	(pc) =	sbr.rel $0x88, $3  }
0x1: {  	(tag) =	ssettag $0x0;
	lr =	simm.s32 $0x1  }
0x2: {  	[smem:$0x3F99] =	sst lr;
	_ =	strace $0xD0000000  }
0x3: {  	_ = 	snop  }
0x4: {  	_ = 	snop  }
0x5: {  	_ = 	snop  }
0x6: {  	_ = 	snop  }
0x7: {  	_ = 	snop  }
__scs_overlays_trampoline_lowered:
0x8: {  	[smem:$0x3FA8] =	sst s0  }
0x9: {  	[smem:$0x3FA9] =	sst s1  }
0xa: {  	[smem:$0x3FAA] =	sst s2  }
0xb: {  	[smem:$0x3FAB] =	sst s3  }
0xc: {  	[smem:$0x3FAC] =	sst s4  }
0xd: {  	[smem:$0x3FAD] =	sst s5  }
0xe: {  	[smem:$0x3FAE] =	sst s6  }
0xf: {  	[smem:$0x3FAF] =	sst s7  }
0x10: {  	[smem:$0x3FB0] =	sst s8  }
0x11: {  	[smem:$0x3FB1] =	sst s9;
	s0 =	simm.s32 @!p0 $0x0  }
0x12: {  	s1 =	sld [smem:$0x3F97];
	s0 =	simm.s32 @p0 $0x1  }
0x13: {  	[smem:$0x3FB2] =	sst s0;
	s0 =	simm.s32 @!p1 $0x0  }
0x14: {  	s2 =	sld [smem:$0x3F96];
	s0 =	simm.s32 @p1 $0x1  }
0x15: {  	[smem:$0x3FB3] =	sst s0;
	s0 =	simm.s32 @!p2 $0x0  }
0x16: {  	s3 =	sld [smem:$0x3FDB];
	s0 =	simm.s32 @p2 $0x1  }
0x17: {  	s4 =	simm.s32 $0x1BF5;
	[smem:$0x3FB5] =	sst s0  }
0x18: {  	s0 =	sld [smem:$0x3F98];
	_ =	swait.ge [sflag:s4], $0x0  }
0x19: {  	s7 =	sld [smem:$0x3F99]  }
0x1a: {  	s8 =	sadd.s32 $0xFFFFE003, lr  }
0x1b: {  	s9 =	sadd.s32 $0xFFFFFEF7, lr;
	s5 =	simm.s32 $0xFFFFFFFF;
	p2 =	slt.u32 s8, $0xFFFFF086  }
0x1c: {  	p1 =	slt.u32 s9, $0xF7A;
	s5 =	simm.s32 @!p2 $0x0  }
0x1d: {  	s5 =	simm.s32 @p1 $0x1;
	p0 =	seq.s32 s7, s2  }
0x1e: {  	s7 =	smul.u32 @!p0 $0xF7A, s2;
	p2 =	seq.s32 @!p0 s5, $0x0  }
0x1f: {  	s9 =	smul.u32 $0xF7A, s1;
	s8 =	simm.s32 @!p0 $0x1BF5;
	p2 =	por !p2, p0  }
0x20: {  	[sflag:s8] =	ssyncset.s32 @!p0 $0xFFFFF086;
	s6 =	sadd.s32 @!p0 s3, s7;
	s7 =	simm.s32 @!p0 $0x108  }
0x21: {  	s3 =	sadd.s32 s3, s9;
	s6 =	sadd.s32 @!p0 $0x88, s6;
	s7 =	simm.s32 @p2 $0x1082  }
0x22: {  	[simem:s7], [sflag:s8] =	dma.local @!p0 [hbm:s6], $0xF7A  }
0x23: {  	s9 =	sor.u32 $0xD0000000, s2;
	s6 =	simm.s32 $0x108;
	_ =	swait.ge @!p0 [sflag:s8], $0x0  }
0x24: {  	s3 =	sadd.s32 $0x88, s3;
	s6 =	simm.s32 @!p1 $0x1082;
	[sflag:s4] =	ssyncset.s32 $0xFFFFF086  }
0x25: {  	[simem:s6], [sflag:s4] =	dma.local [hbm:s3], $0xF7A  }
0x26: {  	[smem:$0x3F99] =	sst s1;
	(tag) =	ssettag s2;
	_ =	strace s9  }
0x27: {  	s1 =	sld [smem:$0x3FA9]  }
0x28: {  	s2 =	sld [smem:$0x3FAA]  }
0x29: {  	s4 =	sld [smem:$0x3FAC]  }
0x2a: {  	p0 =	seq.s32 s5, $0x0;
	s5 =	sld [smem:$0x3FAD]  }
0x2b: {  	s6 =	sld [smem:$0x3FAE]  }
0x2c: {  	s7 =	sld [smem:$0x3FAF]  }
0x2d: {  	s3 =	simm.s32 $0x108;
	s8 =	sld [smem:$0x3FB0]  }
0x2e: {  	s3 =	simm.s32 @!p0 $0x1082;
	s9 =	sld [smem:$0x3FB1]  }
0x2f: {  	lr =	sadd.s32 s0, s3;
	s0 =	sld [smem:$0x3FA8]  }
0x30: {  	s3 =	sld [smem:$0x3FAB]  }
0x31: {  	[smem:$0x3FB4] =	sst s10  }
0x32: {  	s10 =	sld [smem:$0x3FB2];
	_ =	sdelay $0x3  }
0x33: {  	p0 =	seq.s32 s10, $0x1;
	s10 =	sld [smem:$0x3FB4];
	_ =	sdelay $0x3  }
0x34: {  	[smem:$0x3FB4] =	sst s10  }
0x35: {  	s10 =	sld [smem:$0x3FB3];
	_ =	sdelay $0x3  }
0x36: {  	p1 =	seq.s32 s10, $0x1;
	s10 =	sld [smem:$0x3FB4];
	_ =	sdelay $0x3  }
0x37: {  	[smem:$0x3FB4] =	sst s10  }
0x38: {  	s10 =	sld [smem:$0x3FB5]  }
0x39: {  	_ = 	snop;
	(pc) =	sbr.ind lr, $3  }
0x3a: {  	_ = 	snop  }
0x3b: {  	_ = 	snop  }
0x3c: {  	p2 =	seq.s32 s10, $0x1;
	s10 =	sld [smem:$0x3FB4]  }
0x3d: {  	_ =	shalt  }
0x3e: {  	_ =	shalt  }
0x3f: {  	_ =	shalt  }
0x40: {  	_ =	shalt  }
0x41: {  	_ =	shalt  }
0x42: {  	_ =	shalt  }
0x43: {  	_ =	shalt  }
0x44: {  	_ =	shalt  }
0x45: {  	_ =	shalt  }
0x46: {  	_ =	shalt  }
0x47: {  	_ =	shalt  }
0x48: {  	_ =	shalt  }
0x49: {  	_ =	shalt  }
0x4a: {  	_ =	shalt  }
0x4b: {  	_ =	shalt  }
0x4c: {  	_ =	shalt  }
0x4d: {  	_ =	shalt  }
0x4e: {  	_ =	shalt  }
0x4f: {  	_ =	shalt  }
0x50: {  	_ =	shalt  }
0x51: {  	_ =	shalt  }
0x52: {  	_ =	shalt  }
0x53: {  	_ =	shalt  }
0x54: {  	_ =	shalt  }
0x55: {  	_ =	shalt  }
0x56: {  	_ =	shalt  }
0x57: {  	_ =	shalt  }
0x58: {  	_ =	shalt  }
0x59: {  	_ =	shalt  }
0x5a: {  	_ =	shalt  }
0x5b: {  	_ =	shalt  }
0x5c: {  	_ =	shalt  }
0x5d: {  	_ =	shalt  }
0x5e: {  	_ =	shalt  }
0x5f: {  	_ =	shalt  }
0x60: {  	_ =	shalt  }
0x61: {  	_ =	shalt  }
0x62: {  	_ =	shalt  }
0x63: {  	_ =	shalt  }
0x64: {  	_ =	shalt  }
0x65: {  	_ =	shalt  }
0x66: {  	_ =	shalt  }
0x67: {  	_ =	shalt  }
0x68: {  	_ =	shalt  }
0x69: {  	_ =	shalt  }
0x6a: {  	_ =	shalt  }
0x6b: {  	_ =	shalt  }
0x6c: {  	_ =	shalt  }
0x6d: {  	_ =	shalt  }
0x6e: {  	_ =	shalt  }
0x6f: {  	_ =	shalt  }
0x70: {  	_ =	shalt  }
0x71: {  	_ =	shalt  }
0x72: {  	_ =	shalt  }
0x73: {  	_ =	shalt  }
0x74: {  	_ =	shalt  }
0x75: {  	_ =	shalt  }
0x76: {  	_ =	shalt  }
0x77: {  	_ =	shalt  }
0x78: {  	_ =	shalt  }
0x79: {  	_ =	shalt  }
0x7a: {  	_ =	shalt  }
0x7b: {  	_ =	shalt  }
0x7c: {  	_ =	shalt  }
0x7d: {  	_ =	shalt  }
0x7e: {  	_ =	shalt  }
0x7f: {  	_ =	shalt  }
0x80: {  	_ =	shalt  }
0x81: {  	_ =	shalt  }
0x82: {  	_ =	shalt  }
0x83: {  	_ =	shalt  }
0x84: {  	_ =	shalt  }
0x85: {  	_ =	shalt  }
0x86: {  	_ =	shalt  }
0x87: {  	_ =	shalt  }
.Lfunc_end0:
.L_simem_size_0:
called_computation.4_lowered:
.L_overlay_start_0:
0x88: {  	s2 =	sld [smem:$0x3FD9]  }
0x89: {  	s3 =	sld [smem:$0x3FFE];
	_ =	sdelay $0x1  }
0x8a: {  	s1 =	srdreg.scid  }
0x8b: {  	s0 =	sand.u32 $0x1, s1  }
0x8c: {  	s16 =	sshll.u32 s0, $0xA;
	s2 =	sadd.s32 s3, s2  }
0x8d: {  	s2 =	sadd.s32 s2, s16  }
0x8e: {  	[smem:$0x3FC0] =	sst s2  }
0x8f: {  	_ = 	snop  }
0x90: {  	(tm) =	ssettm $0x1  }
0x91: {  	s17 =	sld [smem:$0x3FFB];
	_ =	sdelay $0x3  }
0x92: {  	_ =	strace s17  }
0x93: {  	s2 =	sld [smem:$0x3FFC];
	_ =	sdelay $0x3  }
0x94: {  	_ =	strace s2  }
0x95: {  	s2 =	sld [smem:$0x3FFD];
	_ =	sdelay $0x3  }
0x96: {  	_ =	strace s2  }
0x97: {  	_ =	strace $0x8FFFFFFF  }
0x98: {  	s18 =	sld [smem:$0x3FDB];
	_ =	sdelay $0x1  }
0x99: {  	s19 =	simm.s32 $_scs_section_size  }
0x9a: {  	s4 =	simm.s32 $_size__tile_overlayer_lowered;
	s5 =	simm.s32 $_tile_overlayer_lowered  }
0x9b: {  	s22 =	simm.s32 $0x1BFF;
	s21 =	sshll.u32 s5, $0x1;
	s2 =	sadd.s32 s19, s18  }
0x9c: {  	s6 =	simm.s32 $0x0;
	s20 =	sshll.u32 s4, $0x1;
	s4 =	sadd.s32 s21, s2  }
0x9d: {  	[timem:s6], [sflag:s22] =	dma.local [hbm:s4], s20  }
0x9e: {  	_ =	swait.ge [sflag:s22], s20  }
0x9f: {  	s3 =	ssub.s32 $0x0, s20;
	[sflag:s22] =	ssyncset.done $0x0  }
0xa0: {  	[sflag:s22] =	ssyncadd.s32 s3;
	_ =	sdelay $0x1  }
0xa1: {  	s23 =	simm.s32 $0x1B8B  }
0xa2: {  	_ =	swait.ge [sflag:s23], $0x1  }
0xa3: {  	[sflag:s23] =	ssyncset.done $0x0  }
0xa4: {  	s25 =	simm.s32 $0x1B8E;
	s24 =	sld [smem:$0x3FFE];
	[sflag:s23] =	ssyncadd.s32 $0xFFFFFFFF  }
0xa5: {  	s26 =	simm.s32 $execute0_lowered;
	[smem:$0x3FD2] =	sst s25  }
0xa6: {  	s4 =	sshll.u32 s26, $0x1;
	_ =	strace $0x80000052;
	[dreg:$0x1] =	wrdreg $0xFFFFFFFF  }
0xa7: {  	s28 =	simm.s32 $_size_execute0_lowered;
	s2 =	sadd.s32 s2, s4;
	[dreg:$0x0] =	wrdreg $0x0  }
0xa8: {  	s4 =	sshll.u32 s28, $0x1;
	[dreg:$0x2] =	wrdreg s2  }
0xa9: {  	[dreg:$0x3] =	wrdreg s4  }
0xaa: {  	[dreg:$0x4] =	wrdreg $0xC0  }
0xab: {  	_ =	task [dreg:s6], $0x5FFFF  }
0xac: {  	[dreg:$0x1] =	wrdreg $0xFFFFFFFF  }
0xad: {  	[dreg:$0x0] =	wrdreg $0x60  }
0xae: {  	[dreg:$0x2] =	wrdreg s24  }
0xaf: {  	[dreg:$0x3] =	wrdreg $0x0  }
0xb0: {  	[dreg:$0x4] =	wrdreg $0x9  }
0xb1: {  	_ =	task.clear_ibuf [dreg:s6], $0x5FFFF;
	_ =	strace $0x90000052  }
0xb2: {  	s29 =	simm.s32 $0x9;
	_ =	strace $0x80000054  }
0xb3: {  	_ =	swait.ge [sflag:s29], $0x1  }
0xb4: {  	[sflag:s29] =	ssyncadd.s32 $0xFFFFFFFF  }
0xb5: {  	_ =	strace $0x90000054  }
0xb6: {  	_ =	sfence  }
0xb7: {  	s30 =	sld [smem:$0x0];
	_ =	sdelay $0x2  }
0xb8: {  	s31 =	sshll.u32 s1, $0xD;
	s1 =	sshrl.u32 s1, $0x2  }
0xb9: {  	s3 =	sand.u32 $0x4000, s31;
	s1 =	sadd.s32 s1, s30  }
0xba: {  	s0 =	sor.u32 s3, s0;
	s1 =	sshll.u32 s1, $0x11  }
0xbb: {  	s0 =	sor.u32 s1, s0  }
0xbc: {  	s0 =	sadd.s32 $0x8F2B, s0  }
0xbd: {  	[sflag:s0] =	ssyncadd.remote.s32 $0x1  }
0xbe: {  	_ =	sfence.sel $0xFFFF  }
0xbf: {  	[dreg:$0x0] =	wrdreg $0xFFFFFFFF;
	(pc) =	sbr.abs _section_cstart, $3  }
0xc0: {  	[dreg:$0x1] =	wrdreg $0xFFFFFFFF  }
0xc1: {  	_ =	task.clear_ibuf [dreg:s6], $0x2FFFF;
	_ =	strace $0x9FFFFFFF  }
0xc2: {  	(tm) =	ssettm $0x7FFFFFFF  }
0xc3: {  	_ =	shalt  }
tec
execute0_lowered:
.L_overlay_start_1:
0x0: {  	(tag) =	ssettag $0x1  }
0x1: {  	s5 =	rddreg [dreg:$0x0]  }
0x2: {  	s2 =	rddreg [dreg:$0x1]  }
0x3: {  	s0 =	rddreg [dreg:$0x2]  }
0x4: {  	s4 =	srdreg.scid;
	s1 =	stileid.u32  }
0x5: {  	s3 =	simm.s32 $0x0;
	s12 =	simm.s32 $0x2;
	s13 =	simm.s32 $0x13C00  }
0x6: {  	s14 =	simm.s32 $0x16400;
	s15 =	simm.s32 $0x80;
	s16 =	simm.s32 $0x18C00  }
0x7: {  	s17 =	simm.s32 $0x1;
	s18 =	simm.s32 $0x0;
	s6 =	sand.u32 $0x1, s4  }
0x8: {  	s7 =	smul.u32 $0x13C00, s1;
	[smem:$0x7FF] =	sst s3;
	s4 =	sadd.s32 $0x38A00, s5  }
0x9: {  	s11 =	smul.u32 $0x4F000, s1;
	s31 =	sshll.u32 s1, $0x6;
	s8 =	sshll.u32 s6, $0x4  }
0xa: {  	s9 =	smul.u32 $0x13C000, s6;
	_ =	strace $0x80000053;
	s6 =	ssub.s32 $0x2, s6  }
0xb: {  	s8 =	sor.u32 s1, s8;
	s10 =	sshrl.u32 s6, $0x1;
	s29 =	sshrl.u32 s11, $0x2  }
0xc: {  	s30 =	sshrl.u32 s7, $0x3;
	s8 =	smul.u32 $0x500, s8;
	s9 =	sadd.s32 s7, s9  }
0xd: {  	s10 =	ssub.s32 s6, s10;
	s11 =	sadd.s32 s29, s2;
	s6 =	sor.u32 $0x1C02, s31  }
0xe: {  	s9 =	sshrl.u32 s9, $0x3;
	s10 =	smax.u32 s10, $0x1;
	s11 =	sshrl.u32 s11, $0x3  }
0xf: {  	s8 =	sadd.s32 s8, s5;
	s9 =	sadd.s32 s9, s5;
	s5 =	sadd.s32 s4, s30  }
0x10: {  	s7 =	sadd.s32 $0x88000, s8;
	s8 =	sadd.s32 $0x7800, s8;
	s9 =	sadd.s32 $0x92000, s9  }
.LBB2_1:
0x11: {  	[spmem:s11], [sflag:s6] =	dma.local [hbm:s5], $0x2780  }
0x12: {  	_ =	swait.ge [sflag:s12], $0x2780  }
0x13: {  	[sflag:s12] =	ssyncset.done $0x0  }
0x14: {  	[sflag:s12] =	ssyncadd.s32 $0xFFFFD880  }
0x15: {  	[tilespmem:s13], [sflag:$0x2] =	stream.linear.gather [hbm4b:s7+s3], $0x2780, $0x38;
	[tilespmem:$0x1CC00] =	vst v63  }
0x16: {  	_ =	swait.ge [sflag:s12], $0x2780  }
0x17: {  	[sflag:s12] =	ssyncset.done $0x0  }
0x18: {  	[sflag:s12] =	ssyncadd.s32 $0xFFFFD880  }
0x19: {  	[tilespmem:s14], [sflag:$0x2] =	stream.linear.gather [hbm4b:s8+s3], $0x2780, $0x38;
	[tilespmem:$0x1CC00] =	vst v63  }
0x1a: {  	_ =	swait.ge [sflag:s12], $0x2780  }
0x1b: {  	[sflag:s12] =	ssyncset.done $0x0  }
0x1c: {  	[sflag:s12] =	ssyncadd.s32 $0xFFFFD880  }
0x1d: {  	s19 =	simm.s32 $0x13C00;
	[bflag:$0x0] =	sbarrier.arrive $0xFFFF  }
0x1e: {  	[tilespmem:s16], [sflag:$0x1] =	stream.indirect.gather [hbm4b:s4+s15], $0x80, s19, s15, $0xb8;
	[tilespmem:$0x1CC00] =	vst v63  }
0x1f: {  	_ =	swait.ge [sflag:s17], $0x4000  }
0x20: {  	[sflag:s17] =	ssyncset.done $0x0  }
0x21: {  	s31 =	simm.s32 $0x16400;
	[sflag:s17] =	ssyncadd.s32 $0xFFFFC000  }
0x22: {  	[spmem:s2] =	stream.indirect.scatter.add.f32 [tilespmem:s16], [sflag:$0x2], $0x80, s31, s15, $0xb8;
	[tilespmem:$0x1CC00] =	vst v63  }
0x23: {  	_ =	swait.ge [sflag:s12], $0x4000  }
0x24: {  	s20 =	simm.s32 $0x400;
	s19 =	simm.s32 $0x80;
	[sflag:s12] =	ssyncset.done $0x0  }
.LBB2_2:
0x25: {  	s21 =	sadd.s32 $0x13C00, s19  }
0x26: {  	[sflag:s12] =	ssyncadd.s32 $0xFFFFC000;
	s22 =	smov.u32 s20;
	s23 =	sadd.s32 $0x200, s20  }
0x27: {  	[tilespmem:s16], [sflag:$0x1] =	stream.indirect.gather [hbm4b:s4+s15], $0x80, s21, s15, $0xb8;
	[tilespmem:$0x1CC00] =	vst v63  }
0x28: {  	p0 =	sne.s32 s20, $0x9C00;
	_ =	swait.ge [sflag:s17], $0x4000  }
.Ltmp0:
0x29: {  	[sflag:s17] =	ssyncset.done $0x0;
	(pc) =	sbr.rel @p0 .LBB2_2-.Ltmp0, $4  }
0x2a: {  	s19 =	sadd.s32 $0x16400, s19;
	[sflag:s17] =	ssyncadd.s32 $0xFFFFC000  }
0x2b: {  	[spmem:s2] =	stream.indirect.scatter.add.f32 [tilespmem:s16], [sflag:$0x2], $0x80, s19, s15, $0xb8;
	[tilespmem:$0x1CC00] =	vst v63  }
0x2c: {  	_ =	swait.ge [sflag:s12], $0x4000  }
0x2d: {  	s20 =	smov.u32 s23;
	s19 =	sshra.s32 s22, $0x2;
	[sflag:s12] =	ssyncset.done $0x0  }
0x2e: {  	s20 =	sadd.s32 $0x13C00, s19;
	[sflag:s12] =	ssyncadd.s32 $0xFFFFC000  }
0x2f: {  	[tilespmem:s16], [sflag:$0x1] =	stream.indirect.gather [hbm4b:s4+s15], $0x80, s20, s15, $0xb8;
	[tilespmem:$0x1CC00] =	vst v63  }
0x30: {  	_ =	swait.ge [sflag:s17], $0x4000  }
0x31: {  	[sflag:s17] =	ssyncset.done $0x0  }
0x32: {  	s31 =	sadd.s32 $0x16400, s19;
	[sflag:s17] =	ssyncadd.s32 $0xFFFFC000  }
0x33: {  	[spmem:s2] =	stream.indirect.scatter.add.f32 [tilespmem:s16], [sflag:$0x2], $0x80, s31, s15, $0xb8;
	[tilespmem:$0x1CC00] =	vst v63  }
0x34: {  	_ =	swait.ge [sflag:s12], $0x4000  }
0x35: {  	s18 =	sadd.s32 $0x1, s18;
	[sflag:s12] =	ssyncset.done $0x0  }
0x36: {  	p0 =	sne.s32 s18, s10;
	[sflag:s12] =	ssyncadd.s32 $0xFFFFC000  }
.Ltmp1:
0x37: {  	[bflag:$0x0] =	sbarrier.arrive $0xFFFF;
	(pc) =	sbr.rel @p0 .LBB2_1-.Ltmp1, $4  }
0x38: {  	[hbm:s9], [sflag:s6] =	dma.local [spmem:s11], $0x2780  }
0x39: {  	_ =	swait.ge [sflag:s12], $0x2780  }
0x3a: {  	[sflag:s12] =	ssyncset.done $0x0  }
0x3b: {  	[sflag:s12] =	ssyncadd.s32 $0xFFFFD880  }
0x3c: {  	_ =	sfence.sel $0x180000  }
0x3d: {  	[bflag:$0x0] =	sbarrier.arrive $0xFFFF  }
0x3e: {  	p0 =	sne.s32 s1, $0x0;
	_ =	strace $0x90000053  }
0x3f: {  	s0 =	sadd.s32 @!p0 $0x100000, s0;
	[bflag:$0x2] =	sbarrier.arrive $0xFFFF  }
0x40: {  	[sflag:s0] =	ssyncadd.tile.s32 @!p0 $0x1;
	_ =	shalt  }
.Lfunc_end2:
_tile_overlayer_lowered:
.L_overlay_start_2:
0x41: {  	(tag) =	ssettag $0x2  }
0x42: {  	s0 =	rddreg [dreg:$0x0];
	s2 =	stileid.u32  }
0x43: {  	s1 =	rddreg [dreg:$0x1];
	p0 =	sne.s32 s2, $0x0  }
0x44: {  	s3 =	rddreg [dreg:$0x2];
	[bflag:$0x3] =	sbarrier.arrive $0xFFFF;
	s2 =	simm.s32 @!p0 $0x1C02  }
0x45: {  	[timem:s3], [sflag:s2] =	dma.local @!p0 [hbm:s0], s1  }
0x46: {  	s0 =	simm.s32 @!p0 $0x2  }
0x47: {  	_ =	swait.ge @!p0 [sflag:s0], s1  }
0x48: {  	s1 =	ssub.s32 @!p0 $0x0, s1;
	[sflag:s0] =	ssyncset.done @!p0 $0x0  }
0x49: {  	[sflag:s0] =	ssyncadd.s32 @!p0 s1  }
0x4a: {  	[bflag:$0x3] =	sbarrier.arrive $0xFFFF  }
0x4b: {  	_ =	shalt  }

// kernel: kernel.39.cloned.1.call-start
scs
__scs_entry_jumppad:
0x0: {  	(pc) =	sbr.rel $0x88, $3  }
0x1: {  	(tag) =	ssettag $0x0;
	lr =	simm.s32 $0x1  }
0x2: {  	[smem:$0x3F99] =	sst lr;
	_ =	strace $0xD0000000  }
0x3: {  	_ = 	snop  }
0x4: {  	_ = 	snop  }
0x5: {  	_ = 	snop  }
0x6: {  	_ = 	snop  }
0x7: {  	_ = 	snop  }
__scs_overlays_trampoline_lowered:
0x8: {  	[smem:$0x3FA8] =	sst s0  }
0x9: {  	[smem:$0x3FA9] =	sst s1  }
0xa: {  	[smem:$0x3FAA] =	sst s2  }
0xb: {  	[smem:$0x3FAB] =	sst s3  }
0xc: {  	[smem:$0x3FAC] =	sst s4  }
0xd: {  	[smem:$0x3FAD] =	sst s5  }
0xe: {  	[smem:$0x3FAE] =	sst s6  }
0xf: {  	[smem:$0x3FAF] =	sst s7  }
0x10: {  	[smem:$0x3FB0] =	sst s8  }
0x11: {  	[smem:$0x3FB1] =	sst s9;
	s0 =	simm.s32 @!p0 $0x0  }
0x12: {  	s1 =	sld [smem:$0x3F97];
	s0 =	simm.s32 @p0 $0x1  }
0x13: {  	[smem:$0x3FB2] =	sst s0;
	s0 =	simm.s32 @!p1 $0x0  }
0x14: {  	s2 =	sld [smem:$0x3F96];
	s0 =	simm.s32 @p1 $0x1  }
0x15: {  	[smem:$0x3FB3] =	sst s0;
	s0 =	simm.s32 @!p2 $0x0  }
0x16: {  	s3 =	sld [smem:$0x3FDB];
	s0 =	simm.s32 @p2 $0x1  }
0x17: {  	s4 =	simm.s32 $0x1BF5;
	[smem:$0x3FB5] =	sst s0  }
0x18: {  	s0 =	sld [smem:$0x3F98];
	_ =	swait.ge [sflag:s4], $0x0  }
0x19: {  	s7 =	sld [smem:$0x3F99]  }
0x1a: {  	s8 =	sadd.s32 $0xFFFFE003, lr  }
0x1b: {  	s9 =	sadd.s32 $0xFFFFFEF7, lr;
	s5 =	simm.s32 $0xFFFFFFFF;
	p2 =	slt.u32 s8, $0xFFFFF086  }
0x1c: {  	p1 =	slt.u32 s9, $0xF7A;
	s5 =	simm.s32 @!p2 $0x0  }
0x1d: {  	s5 =	simm.s32 @p1 $0x1;
	p0 =	seq.s32 s7, s2  }
0x1e: {  	s7 =	smul.u32 @!p0 $0xF7A, s2;
	p2 =	seq.s32 @!p0 s5, $0x0  }
0x1f: {  	s9 =	smul.u32 $0xF7A, s1;
	s8 =	simm.s32 @!p0 $0x1BF5;
	p2 =	por !p2, p0  }
0x20: {  	[sflag:s8] =	ssyncset.s32 @!p0 $0xFFFFF086;
	s6 =	sadd.s32 @!p0 s3, s7;
	s7 =	simm.s32 @!p0 $0x108  }
0x21: {  	s3 =	sadd.s32 s3, s9;
	s6 =	sadd.s32 @!p0 $0x88, s6;
	s7 =	simm.s32 @p2 $0x1082  }
0x22: {  	[simem:s7], [sflag:s8] =	dma.local @!p0 [hbm:s6], $0xF7A  }
0x23: {  	s9 =	sor.u32 $0xD0000000, s2;
	s6 =	simm.s32 $0x108;
	_ =	swait.ge @!p0 [sflag:s8], $0x0  }
0x24: {  	s3 =	sadd.s32 $0x88, s3;
	s6 =	simm.s32 @!p1 $0x1082;
	[sflag:s4] =	ssyncset.s32 $0xFFFFF086  }
0x25: {  	[simem:s6], [sflag:s4] =	dma.local [hbm:s3], $0xF7A  }
0x26: {  	[smem:$0x3F99] =	sst s1;
	(tag) =	ssettag s2;
	_ =	strace s9  }
0x27: {  	s1 =	sld [smem:$0x3FA9]  }
0x28: {  	s2 =	sld [smem:$0x3FAA]  }
0x29: {  	s4 =	sld [smem:$0x3FAC]  }
0x2a: {  	p0 =	seq.s32 s5, $0x0;
	s5 =	sld [smem:$0x3FAD]  }
0x2b: {  	s6 =	sld [smem:$0x3FAE]  }
0x2c: {  	s7 =	sld [smem:$0x3FAF]  }
0x2d: {  	s3 =	simm.s32 $0x108;
	s8 =	sld [smem:$0x3FB0]  }
0x2e: {  	s3 =	simm.s32 @!p0 $0x1082;
	s9 =	sld [smem:$0x3FB1]  }
0x2f: {  	lr =	sadd.s32 s0, s3;
	s0 =	sld [smem:$0x3FA8]  }
0x30: {  	s3 =	sld [smem:$0x3FAB]  }
0x31: {  	[smem:$0x3FB4] =	sst s10  }
0x32: {  	s10 =	sld [smem:$0x3FB2];
	_ =	sdelay $0x3  }
0x33: {  	p0 =	seq.s32 s10, $0x1;
	s10 =	sld [smem:$0x3FB4];
	_ =	sdelay $0x3  }
0x34: {  	[smem:$0x3FB4] =	sst s10  }
0x35: {  	s10 =	sld [smem:$0x3FB3];
	_ =	sdelay $0x3  }
0x36: {  	p1 =	seq.s32 s10, $0x1;
	s10 =	sld [smem:$0x3FB4];
	_ =	sdelay $0x3  }
0x37: {  	[smem:$0x3FB4] =	sst s10  }
0x38: {  	s10 =	sld [smem:$0x3FB5]  }
0x39: {  	_ = 	snop;
	(pc) =	sbr.ind lr, $3  }
0x3a: {  	_ = 	snop  }
0x3b: {  	_ = 	snop  }
0x3c: {  	p2 =	seq.s32 s10, $0x1;
	s10 =	sld [smem:$0x3FB4]  }
0x3d: {  	_ =	shalt  }
0x3e: {  	_ =	shalt  }
0x3f: {  	_ =	shalt  }
0x40: {  	_ =	shalt  }
0x41: {  	_ =	shalt  }
0x42: {  	_ =	shalt  }
0x43: {  	_ =	shalt  }
0x44: {  	_ =	shalt  }
0x45: {  	_ =	shalt  }
0x46: {  	_ =	shalt  }
0x47: {  	_ =	shalt  }
0x48: {  	_ =	shalt  }
0x49: {  	_ =	shalt  }
0x4a: {  	_ =	shalt  }
0x4b: {  	_ =	shalt  }
0x4c: {  	_ =	shalt  }
0x4d: {  	_ =	shalt  }
0x4e: {  	_ =	shalt  }
0x4f: {  	_ =	shalt  }
0x50: {  	_ =	shalt  }
0x51: {  	_ =	shalt  }
0x52: {  	_ =	shalt  }
0x53: {  	_ =	shalt  }
0x54: {  	_ =	shalt  }
0x55: {  	_ =	shalt  }
0x56: {  	_ =	shalt  }
0x57: {  	_ =	shalt  }
0x58: {  	_ =	shalt  }
0x59: {  	_ =	shalt  }
0x5a: {  	_ =	shalt  }
0x5b: {  	_ =	shalt  }
0x5c: {  	_ =	shalt  }
0x5d: {  	_ =	shalt  }
0x5e: {  	_ =	shalt  }
0x5f: {  	_ =	shalt  }
0x60: {  	_ =	shalt  }
0x61: {  	_ =	shalt  }
0x62: {  	_ =	shalt  }
0x63: {  	_ =	shalt  }
0x64: {  	_ =	shalt  }
0x65: {  	_ =	shalt  }
0x66: {  	_ =	shalt  }
0x67: {  	_ =	shalt  }
0x68: {  	_ =	shalt  }
0x69: {  	_ =	shalt  }
0x6a: {  	_ =	shalt  }
0x6b: {  	_ =	shalt  }
0x6c: {  	_ =	shalt  }
0x6d: {  	_ =	shalt  }
0x6e: {  	_ =	shalt  }
0x6f: {  	_ =	shalt  }
0x70: {  	_ =	shalt  }
0x71: {  	_ =	shalt  }
0x72: {  	_ =	shalt  }
0x73: {  	_ =	shalt  }
0x74: {  	_ =	shalt  }
0x75: {  	_ =	shalt  }
0x76: {  	_ =	shalt  }
0x77: {  	_ =	shalt  }
0x78: {  	_ =	shalt  }
0x79: {  	_ =	shalt  }
0x7a: {  	_ =	shalt  }
0x7b: {  	_ =	shalt  }
0x7c: {  	_ =	shalt  }
0x7d: {  	_ =	shalt  }
0x7e: {  	_ =	shalt  }
0x7f: {  	_ =	shalt  }
0x80: {  	_ =	shalt  }
0x81: {  	_ =	shalt  }
0x82: {  	_ =	shalt  }
0x83: {  	_ =	shalt  }
0x84: {  	_ =	shalt  }
0x85: {  	_ =	shalt  }
0x86: {  	_ =	shalt  }
0x87: {  	_ =	shalt  }
.Lfunc_end0:
.L_simem_size_0:
called_computation.5_lowered:
.L_overlay_start_0:
0x88: {  	s2 =	sld [smem:$0x3FD9]  }
0x89: {  	s3 =	sld [smem:$0x3FFE];
	_ =	sdelay $0x1  }
0x8a: {  	s1 =	srdreg.scid  }
0x8b: {  	s0 =	sand.u32 $0x1, s1  }
0x8c: {  	s16 =	sshll.u32 s0, $0xA;
	s2 =	sadd.s32 s3, s2  }
0x8d: {  	s2 =	sadd.s32 s2, s16  }
0x8e: {  	[smem:$0x3FC0] =	sst s2  }
0x8f: {  	_ = 	snop  }
0x90: {  	(tm) =	ssettm $0x1  }
0x91: {  	s17 =	sld [smem:$0x3FFB];
	_ =	sdelay $0x3  }
0x92: {  	_ =	strace s17  }
0x93: {  	s2 =	sld [smem:$0x3FFC];
	_ =	sdelay $0x3  }
0x94: {  	_ =	strace s2  }
0x95: {  	s2 =	sld [smem:$0x3FFD];
	_ =	sdelay $0x3  }
0x96: {  	_ =	strace s2  }
0x97: {  	_ =	strace $0x8FFFFFFF  }
0x98: {  	s18 =	sld [smem:$0x3FDB];
	_ =	sdelay $0x1  }
0x99: {  	s19 =	simm.s32 $_scs_section_size  }
0x9a: {  	s4 =	simm.s32 $_size__tile_overlayer_lowered;
	s5 =	simm.s32 $_tile_overlayer_lowered  }
0x9b: {  	s22 =	simm.s32 $0x1BFF;
	s21 =	sshll.u32 s5, $0x1;
	s2 =	sadd.s32 s19, s18  }
0x9c: {  	s6 =	simm.s32 $0x0;
	s20 =	sshll.u32 s4, $0x1;
	s4 =	sadd.s32 s21, s2  }
0x9d: {  	[timem:s6], [sflag:s22] =	dma.local [hbm:s4], s20  }
0x9e: {  	_ =	swait.ge [sflag:s22], s20  }
0x9f: {  	s3 =	ssub.s32 $0x0, s20;
	[sflag:s22] =	ssyncset.done $0x0  }
0xa0: {  	[sflag:s22] =	ssyncadd.s32 s3;
	_ =	sdelay $0x1  }
0xa1: {  	s23 =	simm.s32 $0x1B8B  }
0xa2: {  	_ =	swait.ge [sflag:s23], $0x1  }
0xa3: {  	[sflag:s23] =	ssyncset.done $0x0  }
0xa4: {  	s25 =	simm.s32 $0x1B8E;
	s24 =	sld [smem:$0x3FFE];
	[sflag:s23] =	ssyncadd.s32 $0xFFFFFFFF  }
0xa5: {  	s26 =	simm.s32 $execute0_lowered;
	[smem:$0x3FD2] =	sst s25  }
0xa6: {  	s4 =	sshll.u32 s26, $0x1;
	_ =	strace $0x80000055;
	[dreg:$0x1] =	wrdreg $0xFFFFFFFF  }
0xa7: {  	s28 =	simm.s32 $_size_execute0_lowered;
	s2 =	sadd.s32 s2, s4;
	[dreg:$0x0] =	wrdreg $0x0  }
0xa8: {  	s4 =	sshll.u32 s28, $0x1;
	[dreg:$0x2] =	wrdreg s2  }
0xa9: {  	[dreg:$0x3] =	wrdreg s4  }
0xaa: {  	[dreg:$0x4] =	wrdreg $0xC0  }
0xab: {  	_ =	task [dreg:s6], $0x5FFFF  }
0xac: {  	[dreg:$0x1] =	wrdreg $0xFFFFFFFF  }
0xad: {  	[dreg:$0x0] =	wrdreg $0x60  }
0xae: {  	[dreg:$0x2] =	wrdreg s24  }
0xaf: {  	[dreg:$0x3] =	wrdreg $0x0  }
0xb0: {  	[dreg:$0x4] =	wrdreg $0x9  }
0xb1: {  	_ =	task.clear_ibuf [dreg:s6], $0x5FFFF;
	_ =	strace $0x90000055  }
0xb2: {  	s29 =	simm.s32 $0x9;
	_ =	strace $0x80000057  }
0xb3: {  	_ =	swait.ge [sflag:s29], $0x1  }
0xb4: {  	[sflag:s29] =	ssyncadd.s32 $0xFFFFFFFF  }
0xb5: {  	_ =	strace $0x90000057  }
0xb6: {  	_ =	sfence  }
0xb7: {  	s30 =	sld [smem:$0x0];
	_ =	sdelay $0x2  }
0xb8: {  	s31 =	sshll.u32 s1, $0xD;
	s1 =	sshrl.u32 s1, $0x2  }
0xb9: {  	s3 =	sand.u32 $0x4000, s31;
	s1 =	sadd.s32 s1, s30  }
0xba: {  	s0 =	sor.u32 s3, s0;
	s1 =	sshll.u32 s1, $0x11  }
0xbb: {  	s0 =	sor.u32 s1, s0  }
0xbc: {  	s0 =	sadd.s32 $0x8F2B, s0  }
0xbd: {  	[sflag:s0] =	ssyncadd.remote.s32 $0x1  }
0xbe: {  	_ =	sfence.sel $0xFFFF  }
0xbf: {  	[dreg:$0x0] =	wrdreg $0xFFFFFFFF;
	(pc) =	sbr.abs _section_cstart, $3  }
0xc0: {  	[dreg:$0x1] =	wrdreg $0xFFFFFFFF  }
0xc1: {  	_ =	task.clear_ibuf [dreg:s6], $0x2FFFF;
	_ =	strace $0x9FFFFFFF  }
0xc2: {  	(tm) =	ssettm $0x7FFFFFFF  }
0xc3: {  	_ =	shalt  }
tec
execute0_lowered:
.L_overlay_start_1:
0x0: {  	(tag) =	ssettag $0x1  }
0x1: {  	s5 =	rddreg [dreg:$0x0]  }
0x2: {  	s2 =	rddreg [dreg:$0x1]  }
0x3: {  	s0 =	rddreg [dreg:$0x2]  }
0x4: {  	s4 =	srdreg.scid;
	s1 =	stileid.u32  }
0x5: {  	s3 =	simm.s32 $0x0;
	s12 =	simm.s32 $0x2;
	s13 =	simm.s32 $0x13C00  }
0x6: {  	s14 =	simm.s32 $0x16400;
	s15 =	simm.s32 $0x80;
	s16 =	simm.s32 $0x18C00  }
0x7: {  	s17 =	simm.s32 $0x1;
	s18 =	simm.s32 $0x0;
	s6 =	sand.u32 $0x1, s4  }
0x8: {  	s7 =	smul.u32 $0x13C00, s1;
	[smem:$0x7FF] =	sst s3;
	s4 =	sadd.s32 $0x38A00, s5  }
0x9: {  	s11 =	smul.u32 $0x4F000, s1;
	s31 =	sshll.u32 s1, $0x6;
	s8 =	sshll.u32 s6, $0x4  }
0xa: {  	s9 =	smul.u32 $0x13C000, s6;
	_ =	strace $0x80000056;
	s6 =	ssub.s32 $0x2, s6  }
0xb: {  	s8 =	sor.u32 s1, s8;
	s10 =	sshrl.u32 s6, $0x1;
	s29 =	sshrl.u32 s11, $0x2  }
0xc: {  	s30 =	sshrl.u32 s7, $0x3;
	s8 =	smul.u32 $0x500, s8;
	s9 =	sadd.s32 s7, s9  }
0xd: {  	s10 =	ssub.s32 s6, s10;
	s11 =	sadd.s32 s29, s2;
	s6 =	sor.u32 $0x1C02, s31  }
0xe: {  	s9 =	sshrl.u32 s9, $0x3;
	s10 =	smax.u32 s10, $0x1;
	s11 =	sshrl.u32 s11, $0x3  }
0xf: {  	s8 =	sadd.s32 s8, s5;
	s9 =	sadd.s32 s9, s5;
	s5 =	sadd.s32 s4, s30  }
0x10: {  	s7 =	sadd.s32 $0x88000, s8;
	s8 =	sadd.s32 $0x7800, s8;
	s9 =	sadd.s32 $0x92000, s9  }
.LBB2_1:
0x11: {  	[spmem:s11], [sflag:s6] =	dma.local [hbm:s5], $0x2780  }
0x12: {  	_ =	swait.ge [sflag:s12], $0x2780  }
0x13: {  	[sflag:s12] =	ssyncset.done $0x0  }
0x14: {  	[sflag:s12] =	ssyncadd.s32 $0xFFFFD880  }
0x15: {  	[tilespmem:s13], [sflag:$0x2] =	stream.linear.gather [hbm4b:s7+s3], $0x2780, $0x38;
	[tilespmem:$0x1CC00] =	vst v63  }
0x16: {  	_ =	swait.ge [sflag:s12], $0x2780  }
0x17: {  	[sflag:s12] =	ssyncset.done $0x0  }
0x18: {  	[sflag:s12] =	ssyncadd.s32 $0xFFFFD880  }
0x19: {  	[tilespmem:s14], [sflag:$0x2] =	stream.linear.gather [hbm4b:s8+s3], $0x2780, $0x38;
	[tilespmem:$0x1CC00] =	vst v63  }
0x1a: {  	_ =	swait.ge [sflag:s12], $0x2780  }
0x1b: {  	[sflag:s12] =	ssyncset.done $0x0  }
0x1c: {  	[sflag:s12] =	ssyncadd.s32 $0xFFFFD880  }
0x1d: {  	s19 =	simm.s32 $0x13C00;
	[bflag:$0x0] =	sbarrier.arrive $0xFFFF  }
0x1e: {  	[tilespmem:s16], [sflag:$0x1] =	stream.indirect.gather [hbm4b:s4+s15], $0x80, s19, s15, $0xb8;
	[tilespmem:$0x1CC00] =	vst v63  }
0x1f: {  	_ =	swait.ge [sflag:s17], $0x4000  }
0x20: {  	[sflag:s17] =	ssyncset.done $0x0  }
0x21: {  	s31 =	simm.s32 $0x16400;
	[sflag:s17] =	ssyncadd.s32 $0xFFFFC000  }
0x22: {  	[spmem:s2] =	stream.indirect.scatter.add.f32 [tilespmem:s16], [sflag:$0x2], $0x80, s31, s15, $0xb8;
	[tilespmem:$0x1CC00] =	vst v63  }
0x23: {  	_ =	swait.ge [sflag:s12], $0x4000  }
0x24: {  	s20 =	simm.s32 $0x400;
	s19 =	simm.s32 $0x80;
	[sflag:s12] =	ssyncset.done $0x0  }
.LBB2_2:
0x25: {  	s21 =	sadd.s32 $0x13C00, s19  }
0x26: {  	[sflag:s12] =	ssyncadd.s32 $0xFFFFC000;
	s22 =	smov.u32 s20;
	s23 =	sadd.s32 $0x200, s20  }
0x27: {  	[tilespmem:s16], [sflag:$0x1] =	stream.indirect.gather [hbm4b:s4+s15], $0x80, s21, s15, $0xb8;
	[tilespmem:$0x1CC00] =	vst v63  }
0x28: {  	p0 =	sne.s32 s20, $0x9C00;
	_ =	swait.ge [sflag:s17], $0x4000  }
.Ltmp0:
0x29: {  	[sflag:s17] =	ssyncset.done $0x0;
	(pc) =	sbr.rel @p0 .LBB2_2-.Ltmp0, $4  }
0x2a: {  	s19 =	sadd.s32 $0x16400, s19;
	[sflag:s17] =	ssyncadd.s32 $0xFFFFC000  }
0x2b: {  	[spmem:s2] =	stream.indirect.scatter.add.f32 [tilespmem:s16], [sflag:$0x2], $0x80, s19, s15, $0xb8;
	[tilespmem:$0x1CC00] =	vst v63  }
0x2c: {  	_ =	swait.ge [sflag:s12], $0x4000  }
0x2d: {  	s20 =	smov.u32 s23;
	s19 =	sshra.s32 s22, $0x2;
	[sflag:s12] =	ssyncset.done $0x0  }
0x2e: {  	s20 =	sadd.s32 $0x13C00, s19;
	[sflag:s12] =	ssyncadd.s32 $0xFFFFC000  }
0x2f: {  	[tilespmem:s16], [sflag:$0x1] =	stream.indirect.gather [hbm4b:s4+s15], $0x80, s20, s15, $0xb8;
	[tilespmem:$0x1CC00] =	vst v63  }
0x30: {  	_ =	swait.ge [sflag:s17], $0x4000  }
0x31: {  	[sflag:s17] =	ssyncset.done $0x0  }
0x32: {  	s31 =	sadd.s32 $0x16400, s19;
	[sflag:s17] =	ssyncadd.s32 $0xFFFFC000  }
0x33: {  	[spmem:s2] =	stream.indirect.scatter.add.f32 [tilespmem:s16], [sflag:$0x2], $0x80, s31, s15, $0xb8;
	[tilespmem:$0x1CC00] =	vst v63  }
0x34: {  	_ =	swait.ge [sflag:s12], $0x4000  }
0x35: {  	s18 =	sadd.s32 $0x1, s18;
	[sflag:s12] =	ssyncset.done $0x0  }
0x36: {  	p0 =	sne.s32 s18, s10;
	[sflag:s12] =	ssyncadd.s32 $0xFFFFC000  }
.Ltmp1:
0x37: {  	[bflag:$0x0] =	sbarrier.arrive $0xFFFF;
	(pc) =	sbr.rel @p0 .LBB2_1-.Ltmp1, $4  }
0x38: {  	[hbm:s9], [sflag:s6] =	dma.local [spmem:s11], $0x2780  }
0x39: {  	_ =	swait.ge [sflag:s12], $0x2780  }
0x3a: {  	[sflag:s12] =	ssyncset.done $0x0  }
0x3b: {  	[sflag:s12] =	ssyncadd.s32 $0xFFFFD880  }
0x3c: {  	_ =	sfence.sel $0x180000  }
0x3d: {  	[bflag:$0x0] =	sbarrier.arrive $0xFFFF  }
0x3e: {  	p0 =	sne.s32 s1, $0x0;
	_ =	strace $0x90000056  }
0x3f: {  	s0 =	sadd.s32 @!p0 $0x100000, s0;
	[bflag:$0x2] =	sbarrier.arrive $0xFFFF  }
0x40: {  	[sflag:s0] =	ssyncadd.tile.s32 @!p0 $0x1;
	_ =	shalt  }
.Lfunc_end2:
_tile_overlayer_lowered:
.L_overlay_start_2:
0x41: {  	(tag) =	ssettag $0x2  }
0x42: {  	s0 =	rddreg [dreg:$0x0];
	s2 =	stileid.u32  }
0x43: {  	s1 =	rddreg [dreg:$0x1];
	p0 =	sne.s32 s2, $0x0  }
0x44: {  	s3 =	rddreg [dreg:$0x2];
	[bflag:$0x3] =	sbarrier.arrive $0xFFFF;
	s2 =	simm.s32 @!p0 $0x1C02  }
0x45: {  	[timem:s3], [sflag:s2] =	dma.local @!p0 [hbm:s0], s1  }
0x46: {  	s0 =	simm.s32 @!p0 $0x2  }
0x47: {  	_ =	swait.ge @!p0 [sflag:s0], s1  }
0x48: {  	s1 =	ssub.s32 @!p0 $0x0, s1;
	[sflag:s0] =	ssyncset.done @!p0 $0x0  }
0x49: {  	[sflag:s0] =	ssyncadd.s32 @!p0 s1  }
0x4a: {  	[bflag:$0x3] =	sbarrier.arrive $0xFFFF  }
0x4b: {  	_ =	shalt  }

// kernel: kernel.42.cloned.1.call-start
scs
__scs_entry_jumppad:
0x0: {  	(pc) =	sbr.rel $0x88, $3  }
0x1: {  	(tag) =	ssettag $0x0;
	lr =	simm.s32 $0x1  }
0x2: {  	[smem:$0x3F99] =	sst lr;
	_ =	strace $0xD0000000  }
0x3: {  	_ = 	snop  }
0x4: {  	_ = 	snop  }
0x5: {  	_ = 	snop  }
0x6: {  	_ = 	snop  }
0x7: {  	_ = 	snop  }
__scs_overlays_trampoline_lowered:
0x8: {  	[smem:$0x3FA8] =	sst s0  }
0x9: {  	[smem:$0x3FA9] =	sst s1  }
0xa: {  	[smem:$0x3FAA] =	sst s2  }
0xb: {  	[smem:$0x3FAB] =	sst s3  }
0xc: {  	[smem:$0x3FAC] =	sst s4  }
0xd: {  	[smem:$0x3FAD] =	sst s5  }
0xe: {  	[smem:$0x3FAE] =	sst s6  }
0xf: {  	[smem:$0x3FAF] =	sst s7  }
0x10: {  	[smem:$0x3FB0] =	sst s8  }
0x11: {  	[smem:$0x3FB1] =	sst s9;
	s0 =	simm.s32 @!p0 $0x0  }
0x12: {  	s1 =	sld [smem:$0x3F97];
	s0 =	simm.s32 @p0 $0x1  }
0x13: {  	[smem:$0x3FB2] =	sst s0;
	s0 =	simm.s32 @!p1 $0x0  }
0x14: {  	s2 =	sld [smem:$0x3F96];
	s0 =	simm.s32 @p1 $0x1  }
0x15: {  	[smem:$0x3FB3] =	sst s0;
	s0 =	simm.s32 @!p2 $0x0  }
0x16: {  	s3 =	sld [smem:$0x3FDB];
	s0 =	simm.s32 @p2 $0x1  }
0x17: {  	s4 =	simm.s32 $0x1BF5;
	[smem:$0x3FB5] =	sst s0  }
0x18: {  	s0 =	sld [smem:$0x3F98];
	_ =	swait.ge [sflag:s4], $0x0  }
0x19: {  	s7 =	sld [smem:$0x3F99]  }
0x1a: {  	s8 =	sadd.s32 $0xFFFFE003, lr  }
0x1b: {  	s9 =	sadd.s32 $0xFFFFFEF7, lr;
	s5 =	simm.s32 $0xFFFFFFFF;
	p2 =	slt.u32 s8, $0xFFFFF086  }
0x1c: {  	p1 =	slt.u32 s9, $0xF7A;
	s5 =	simm.s32 @!p2 $0x0  }
0x1d: {  	s5 =	simm.s32 @p1 $0x1;
	p0 =	seq.s32 s7, s2  }
0x1e: {  	s7 =	smul.u32 @!p0 $0xF7A, s2;
	p2 =	seq.s32 @!p0 s5, $0x0  }
0x1f: {  	s9 =	smul.u32 $0xF7A, s1;
	s8 =	simm.s32 @!p0 $0x1BF5;
	p2 =	por !p2, p0  }
0x20: {  	[sflag:s8] =	ssyncset.s32 @!p0 $0xFFFFF086;
	s6 =	sadd.s32 @!p0 s3, s7;
	s7 =	simm.s32 @!p0 $0x108  }
0x21: {  	s3 =	sadd.s32 s3, s9;
	s6 =	sadd.s32 @!p0 $0x88, s6;
	s7 =	simm.s32 @p2 $0x1082  }
0x22: {  	[simem:s7], [sflag:s8] =	dma.local @!p0 [hbm:s6], $0xF7A  }
0x23: {  	s9 =	sor.u32 $0xD0000000, s2;
	s6 =	simm.s32 $0x108;
	_ =	swait.ge @!p0 [sflag:s8], $0x0  }
0x24: {  	s3 =	sadd.s32 $0x88, s3;
	s6 =	simm.s32 @!p1 $0x1082;
	[sflag:s4] =	ssyncset.s32 $0xFFFFF086  }
0x25: {  	[simem:s6], [sflag:s4] =	dma.local [hbm:s3], $0xF7A  }
0x26: {  	[smem:$0x3F99] =	sst s1;
	(tag) =	ssettag s2;
	_ =	strace s9  }
0x27: {  	s1 =	sld [smem:$0x3FA9]  }
0x28: {  	s2 =	sld [smem:$0x3FAA]  }
0x29: {  	s4 =	sld [smem:$0x3FAC]  }
0x2a: {  	p0 =	seq.s32 s5, $0x0;
	s5 =	sld [smem:$0x3FAD]  }
0x2b: {  	s6 =	sld [smem:$0x3FAE]  }
0x2c: {  	s7 =	sld [smem:$0x3FAF]  }
0x2d: {  	s3 =	simm.s32 $0x108;
	s8 =	sld [smem:$0x3FB0]  }
0x2e: {  	s3 =	simm.s32 @!p0 $0x1082;
	s9 =	sld [smem:$0x3FB1]  }
0x2f: {  	lr =	sadd.s32 s0, s3;
	s0 =	sld [smem:$0x3FA8]  }
0x30: {  	s3 =	sld [smem:$0x3FAB]  }
0x31: {  	[smem:$0x3FB4] =	sst s10  }
0x32: {  	s10 =	sld [smem:$0x3FB2];
	_ =	sdelay $0x3  }
0x33: {  	p0 =	seq.s32 s10, $0x1;
	s10 =	sld [smem:$0x3FB4];
	_ =	sdelay $0x3  }
0x34: {  	[smem:$0x3FB4] =	sst s10  }
0x35: {  	s10 =	sld [smem:$0x3FB3];
	_ =	sdelay $0x3  }
0x36: {  	p1 =	seq.s32 s10, $0x1;
	s10 =	sld [smem:$0x3FB4];
	_ =	sdelay $0x3  }
0x37: {  	[smem:$0x3FB4] =	sst s10  }
0x38: {  	s10 =	sld [smem:$0x3FB5]  }
0x39: {  	_ = 	snop;
	(pc) =	sbr.ind lr, $3  }
0x3a: {  	_ = 	snop  }
0x3b: {  	_ = 	snop  }
0x3c: {  	p2 =	seq.s32 s10, $0x1;
	s10 =	sld [smem:$0x3FB4]  }
0x3d: {  	_ =	shalt  }
0x3e: {  	_ =	shalt  }
0x3f: {  	_ =	shalt  }
0x40: {  	_ =	shalt  }
0x41: {  	_ =	shalt  }
0x42: {  	_ =	shalt  }
0x43: {  	_ =	shalt  }
0x44: {  	_ =	shalt  }
0x45: {  	_ =	shalt  }
0x46: {  	_ =	shalt  }
0x47: {  	_ =	shalt  }
0x48: {  	_ =	shalt  }
0x49: {  	_ =	shalt  }
0x4a: {  	_ =	shalt  }
0x4b: {  	_ =	shalt  }
0x4c: {  	_ =	shalt  }
0x4d: {  	_ =	shalt  }
0x4e: {  	_ =	shalt  }
0x4f: {  	_ =	shalt  }
0x50: {  	_ =	shalt  }
0x51: {  	_ =	shalt  }
0x52: {  	_ =	shalt  }
0x53: {  	_ =	shalt  }
0x54: {  	_ =	shalt  }
0x55: {  	_ =	shalt  }
0x56: {  	_ =	shalt  }
0x57: {  	_ =	shalt  }
0x58: {  	_ =	shalt  }
0x59: {  	_ =	shalt  }
0x5a: {  	_ =	shalt  }
0x5b: {  	_ =	shalt  }
0x5c: {  	_ =	shalt  }
0x5d: {  	_ =	shalt  }
0x5e: {  	_ =	shalt  }
0x5f: {  	_ =	shalt  }
0x60: {  	_ =	shalt  }
0x61: {  	_ =	shalt  }
0x62: {  	_ =	shalt  }
0x63: {  	_ =	shalt  }
0x64: {  	_ =	shalt  }
0x65: {  	_ =	shalt  }
0x66: {  	_ =	shalt  }
0x67: {  	_ =	shalt  }
0x68: {  	_ =	shalt  }
0x69: {  	_ =	shalt  }
0x6a: {  	_ =	shalt  }
0x6b: {  	_ =	shalt  }
0x6c: {  	_ =	shalt  }
0x6d: {  	_ =	shalt  }
0x6e: {  	_ =	shalt  }
0x6f: {  	_ =	shalt  }
0x70: {  	_ =	shalt  }
0x71: {  	_ =	shalt  }
0x72: {  	_ =	shalt  }
0x73: {  	_ =	shalt  }
0x74: {  	_ =	shalt  }
0x75: {  	_ =	shalt  }
0x76: {  	_ =	shalt  }
0x77: {  	_ =	shalt  }
0x78: {  	_ =	shalt  }
0x79: {  	_ =	shalt  }
0x7a: {  	_ =	shalt  }
0x7b: {  	_ =	shalt  }
0x7c: {  	_ =	shalt  }
0x7d: {  	_ =	shalt  }
0x7e: {  	_ =	shalt  }
0x7f: {  	_ =	shalt  }
0x80: {  	_ =	shalt  }
0x81: {  	_ =	shalt  }
0x82: {  	_ =	shalt  }
0x83: {  	_ =	shalt  }
0x84: {  	_ =	shalt  }
0x85: {  	_ =	shalt  }
0x86: {  	_ =	shalt  }
0x87: {  	_ =	shalt  }
.Lfunc_end0:
.L_simem_size_0:
called_computation.6_lowered:
.L_overlay_start_0:
0x88: {  	s2 =	sld [smem:$0x3FD9]  }
0x89: {  	s3 =	sld [smem:$0x3FFE];
	_ =	sdelay $0x1  }
0x8a: {  	s1 =	srdreg.scid  }
0x8b: {  	s0 =	sand.u32 $0x1, s1  }
0x8c: {  	s16 =	sshll.u32 s0, $0xA;
	s2 =	sadd.s32 s3, s2  }
0x8d: {  	s2 =	sadd.s32 s2, s16  }
0x8e: {  	[smem:$0x3FC0] =	sst s2  }
0x8f: {  	_ = 	snop  }
0x90: {  	(tm) =	ssettm $0x1  }
0x91: {  	s17 =	sld [smem:$0x3FFB];
	_ =	sdelay $0x3  }
0x92: {  	_ =	strace s17  }
0x93: {  	s2 =	sld [smem:$0x3FFC];
	_ =	sdelay $0x3  }
0x94: {  	_ =	strace s2  }
0x95: {  	s2 =	sld [smem:$0x3FFD];
	_ =	sdelay $0x3  }
0x96: {  	_ =	strace s2  }
0x97: {  	_ =	strace $0x8FFFFFFF  }
0x98: {  	s18 =	sld [smem:$0x3FDB];
	_ =	sdelay $0x1  }
0x99: {  	s19 =	simm.s32 $_scs_section_size  }
0x9a: {  	s4 =	simm.s32 $_size__tile_overlayer_lowered;
	s5 =	simm.s32 $_tile_overlayer_lowered  }
0x9b: {  	s22 =	simm.s32 $0x1BFF;
	s21 =	sshll.u32 s5, $0x1;
	s2 =	sadd.s32 s19, s18  }
0x9c: {  	s6 =	simm.s32 $0x0;
	s20 =	sshll.u32 s4, $0x1;
	s4 =	sadd.s32 s21, s2  }
0x9d: {  	[timem:s6], [sflag:s22] =	dma.local [hbm:s4], s20  }
0x9e: {  	_ =	swait.ge [sflag:s22], s20  }
0x9f: {  	s3 =	ssub.s32 $0x0, s20;
	[sflag:s22] =	ssyncset.done $0x0  }
0xa0: {  	[sflag:s22] =	ssyncadd.s32 s3;
	_ =	sdelay $0x1  }
0xa1: {  	s23 =	simm.s32 $0x1B8B  }
0xa2: {  	_ =	swait.ge [sflag:s23], $0x1  }
0xa3: {  	[sflag:s23] =	ssyncset.done $0x0  }
0xa4: {  	s25 =	simm.s32 $0x1B8E;
	s24 =	sld [smem:$0x3FFE];
	[sflag:s23] =	ssyncadd.s32 $0xFFFFFFFF  }
0xa5: {  	s26 =	simm.s32 $execute0_lowered;
	[smem:$0x3FD2] =	sst s25  }
0xa6: {  	s4 =	sshll.u32 s26, $0x1;
	_ =	strace $0x80000058;
	[dreg:$0x1] =	wrdreg $0xFFFFFFFF  }
0xa7: {  	s28 =	simm.s32 $_size_execute0_lowered;
	s2 =	sadd.s32 s2, s4;
	[dreg:$0x0] =	wrdreg $0x0  }
0xa8: {  	s4 =	sshll.u32 s28, $0x1;
	[dreg:$0x2] =	wrdreg s2  }
0xa9: {  	[dreg:$0x3] =	wrdreg s4  }
0xaa: {  	[dreg:$0x4] =	wrdreg $0xC0  }
0xab: {  	_ =	task [dreg:s6], $0x5FFFF  }
0xac: {  	[dreg:$0x1] =	wrdreg $0xFFFFFFFF  }
0xad: {  	[dreg:$0x0] =	wrdreg $0x60  }
0xae: {  	[dreg:$0x2] =	wrdreg s24  }
0xaf: {  	[dreg:$0x3] =	wrdreg $0x0  }
0xb0: {  	[dreg:$0x4] =	wrdreg $0x9  }
0xb1: {  	_ =	task.clear_ibuf [dreg:s6], $0x5FFFF;
	_ =	strace $0x90000058  }
0xb2: {  	s29 =	simm.s32 $0x9;
	_ =	strace $0x8000005A  }
0xb3: {  	_ =	swait.ge [sflag:s29], $0x1  }
0xb4: {  	[sflag:s29] =	ssyncadd.s32 $0xFFFFFFFF  }
0xb5: {  	_ =	strace $0x9000005A  }
0xb6: {  	_ =	sfence  }
0xb7: {  	s30 =	sld [smem:$0x0];
	_ =	sdelay $0x2  }
0xb8: {  	s31 =	sshll.u32 s1, $0xD;
	s1 =	sshrl.u32 s1, $0x2  }
0xb9: {  	s3 =	sand.u32 $0x4000, s31;
	s1 =	sadd.s32 s1, s30  }
0xba: {  	s0 =	sor.u32 s3, s0;
	s1 =	sshll.u32 s1, $0x11  }
0xbb: {  	s0 =	sor.u32 s1, s0  }
0xbc: {  	s0 =	sadd.s32 $0x8F2B, s0  }
0xbd: {  	[sflag:s0] =	ssyncadd.remote.s32 $0x1  }
0xbe: {  	_ =	sfence.sel $0xFFFF  }
0xbf: {  	[dreg:$0x0] =	wrdreg $0xFFFFFFFF;
	(pc) =	sbr.abs _section_cstart, $3  }
0xc0: {  	[dreg:$0x1] =	wrdreg $0xFFFFFFFF  }
0xc1: {  	_ =	task.clear_ibuf [dreg:s6], $0x2FFFF;
	_ =	strace $0x9FFFFFFF  }
0xc2: {  	(tm) =	ssettm $0x7FFFFFFF  }
0xc3: {  	_ =	shalt  }
tec
execute0_lowered:
.L_overlay_start_1:
0x0: {  	(tag) =	ssettag $0x1  }
0x1: {  	s5 =	rddreg [dreg:$0x0]  }
0x2: {  	s2 =	rddreg [dreg:$0x1]  }
0x3: {  	s0 =	rddreg [dreg:$0x2]  }
0x4: {  	s4 =	srdreg.scid;
	s1 =	stileid.u32  }
0x5: {  	s3 =	simm.s32 $0x0;
	s12 =	simm.s32 $0x2;
	s13 =	simm.s32 $0x13C00  }
0x6: {  	s14 =	simm.s32 $0x16400;
	s15 =	simm.s32 $0x80;
	s16 =	simm.s32 $0x18C00  }
0x7: {  	s17 =	simm.s32 $0x1;
	s18 =	simm.s32 $0x0;
	s6 =	sand.u32 $0x1, s4  }
0x8: {  	s7 =	smul.u32 $0x13C00, s1;
	[smem:$0x7FF] =	sst s3;
	s4 =	sadd.s32 $0x38A00, s5  }
0x9: {  	s11 =	smul.u32 $0x4F000, s1;
	s31 =	sshll.u32 s1, $0x6;
	s8 =	sshll.u32 s6, $0x4  }
0xa: {  	s9 =	smul.u32 $0x13C000, s6;
	_ =	strace $0x80000059;
	s6 =	ssub.s32 $0x2, s6  }
0xb: {  	s8 =	sor.u32 s1, s8;
	s10 =	sshrl.u32 s6, $0x1;
	s29 =	sshrl.u32 s11, $0x2  }
0xc: {  	s30 =	sshrl.u32 s7, $0x3;
	s8 =	smul.u32 $0x500, s8;
	s9 =	sadd.s32 s7, s9  }
0xd: {  	s10 =	ssub.s32 s6, s10;
	s11 =	sadd.s32 s29, s2;
	s6 =	sor.u32 $0x1C02, s31  }
0xe: {  	s9 =	sshrl.u32 s9, $0x3;
	s10 =	smax.u32 s10, $0x1;
	s11 =	sshrl.u32 s11, $0x3  }
0xf: {  	s8 =	sadd.s32 s8, s5;
	s9 =	sadd.s32 s9, s5;
	s5 =	sadd.s32 s4, s30  }
0x10: {  	s7 =	sadd.s32 $0x88000, s8;
	s8 =	sadd.s32 $0x7800, s8;
	s9 =	sadd.s32 $0x92000, s9  }
.LBB2_1:
0x11: {  	[spmem:s11], [sflag:s6] =	dma.local [hbm:s5], $0x2780  }
0x12: {  	_ =	swait.ge [sflag:s12], $0x2780  }
0x13: {  	[sflag:s12] =	ssyncset.done $0x0  }
0x14: {  	[sflag:s12] =	ssyncadd.s32 $0xFFFFD880  }
0x15: {  	[tilespmem:s13], [sflag:$0x2] =	stream.linear.gather [hbm4b:s7+s3], $0x2780, $0x38;
	[tilespmem:$0x1CC00] =	vst v63  }
0x16: {  	_ =	swait.ge [sflag:s12], $0x2780  }
0x17: {  	[sflag:s12] =	ssyncset.done $0x0  }
0x18: {  	[sflag:s12] =	ssyncadd.s32 $0xFFFFD880  }
0x19: {  	[tilespmem:s14], [sflag:$0x2] =	stream.linear.gather [hbm4b:s8+s3], $0x2780, $0x38;
	[tilespmem:$0x1CC00] =	vst v63  }
0x1a: {  	_ =	swait.ge [sflag:s12], $0x2780  }
0x1b: {  	[sflag:s12] =	ssyncset.done $0x0  }
0x1c: {  	[sflag:s12] =	ssyncadd.s32 $0xFFFFD880  }
0x1d: {  	s19 =	simm.s32 $0x13C00;
	[bflag:$0x0] =	sbarrier.arrive $0xFFFF  }
0x1e: {  	[tilespmem:s16], [sflag:$0x1] =	stream.indirect.gather [hbm4b:s4+s15], $0x80, s19, s15, $0xb8;
	[tilespmem:$0x1CC00] =	vst v63  }
0x1f: {  	_ =	swait.ge [sflag:s17], $0x4000  }
0x20: {  	[sflag:s17] =	ssyncset.done $0x0  }
0x21: {  	s31 =	simm.s32 $0x16400;
	[sflag:s17] =	ssyncadd.s32 $0xFFFFC000  }
0x22: {  	[spmem:s2] =	stream.indirect.scatter.add.f32 [tilespmem:s16], [sflag:$0x2], $0x80, s31, s15, $0xb8;
	[tilespmem:$0x1CC00] =	vst v63  }
0x23: {  	_ =	swait.ge [sflag:s12], $0x4000  }
0x24: {  	s20 =	simm.s32 $0x400;
	s19 =	simm.s32 $0x80;
	[sflag:s12] =	ssyncset.done $0x0  }
.LBB2_2:
0x25: {  	s21 =	sadd.s32 $0x13C00, s19  }
0x26: {  	[sflag:s12] =	ssyncadd.s32 $0xFFFFC000;
	s22 =	smov.u32 s20;
	s23 =	sadd.s32 $0x200, s20  }
0x27: {  	[tilespmem:s16], [sflag:$0x1] =	stream.indirect.gather [hbm4b:s4+s15], $0x80, s21, s15, $0xb8;
	[tilespmem:$0x1CC00] =	vst v63  }
0x28: {  	p0 =	sne.s32 s20, $0x9C00;
	_ =	swait.ge [sflag:s17], $0x4000  }
.Ltmp0:
0x29: {  	[sflag:s17] =	ssyncset.done $0x0;
	(pc) =	sbr.rel @p0 .LBB2_2-.Ltmp0, $4  }
0x2a: {  	s19 =	sadd.s32 $0x16400, s19;
	[sflag:s17] =	ssyncadd.s32 $0xFFFFC000  }
0x2b: {  	[spmem:s2] =	stream.indirect.scatter.add.f32 [tilespmem:s16], [sflag:$0x2], $0x80, s19, s15, $0xb8;
	[tilespmem:$0x1CC00] =	vst v63  }
0x2c: {  	_ =	swait.ge [sflag:s12], $0x4000  }
0x2d: {  	s20 =	smov.u32 s23;
	s19 =	sshra.s32 s22, $0x2;
	[sflag:s12] =	ssyncset.done $0x0  }
0x2e: {  	s20 =	sadd.s32 $0x13C00, s19;
	[sflag:s12] =	ssyncadd.s32 $0xFFFFC000  }
0x2f: {  	[tilespmem:s16], [sflag:$0x1] =	stream.indirect.gather [hbm4b:s4+s15], $0x80, s20, s15, $0xb8;
	[tilespmem:$0x1CC00] =	vst v63  }
0x30: {  	_ =	swait.ge [sflag:s17], $0x4000  }
0x31: {  	[sflag:s17] =	ssyncset.done $0x0  }
0x32: {  	s31 =	sadd.s32 $0x16400, s19;
	[sflag:s17] =	ssyncadd.s32 $0xFFFFC000  }
0x33: {  	[spmem:s2] =	stream.indirect.scatter.add.f32 [tilespmem:s16], [sflag:$0x2], $0x80, s31, s15, $0xb8;
	[tilespmem:$0x1CC00] =	vst v63  }
0x34: {  	_ =	swait.ge [sflag:s12], $0x4000  }
0x35: {  	s18 =	sadd.s32 $0x1, s18;
	[sflag:s12] =	ssyncset.done $0x0  }
0x36: {  	p0 =	sne.s32 s18, s10;
	[sflag:s12] =	ssyncadd.s32 $0xFFFFC000  }
.Ltmp1:
0x37: {  	[bflag:$0x0] =	sbarrier.arrive $0xFFFF;
	(pc) =	sbr.rel @p0 .LBB2_1-.Ltmp1, $4  }
0x38: {  	[hbm:s9], [sflag:s6] =	dma.local [spmem:s11], $0x2780  }
0x39: {  	_ =	swait.ge [sflag:s12], $0x2780  }
0x3a: {  	[sflag:s12] =	ssyncset.done $0x0  }
0x3b: {  	[sflag:s12] =	ssyncadd.s32 $0xFFFFD880  }
0x3c: {  	_ =	sfence.sel $0x180000  }
0x3d: {  	[bflag:$0x0] =	sbarrier.arrive $0xFFFF  }
0x3e: {  	p0 =	sne.s32 s1, $0x0;
	_ =	strace $0x90000059  }
0x3f: {  	s0 =	sadd.s32 @!p0 $0x100000, s0;
	[bflag:$0x2] =	sbarrier.arrive $0xFFFF  }
0x40: {  	[sflag:s0] =	ssyncadd.tile.s32 @!p0 $0x1;
	_ =	shalt  }
.Lfunc_end2:
_tile_overlayer_lowered:
.L_overlay_start_2:
0x41: {  	(tag) =	ssettag $0x2  }
0x42: {  	s0 =	rddreg [dreg:$0x0];
	s2 =	stileid.u32  }
0x43: {  	s1 =	rddreg [dreg:$0x1];
	p0 =	sne.s32 s2, $0x0  }
0x44: {  	s3 =	rddreg [dreg:$0x2];
	[bflag:$0x3] =	sbarrier.arrive $0xFFFF;
	s2 =	simm.s32 @!p0 $0x1C02  }
0x45: {  	[timem:s3], [sflag:s2] =	dma.local @!p0 [hbm:s0], s1  }
0x46: {  	s0 =	simm.s32 @!p0 $0x2  }
0x47: {  	_ =	swait.ge @!p0 [sflag:s0], s1  }
0x48: {  	s1 =	ssub.s32 @!p0 $0x0, s1;
	[sflag:s0] =	ssyncset.done @!p0 $0x0  }
0x49: {  	[sflag:s0] =	ssyncadd.s32 @!p0 s1  }
0x4a: {  	[bflag:$0x3] =	sbarrier.arrive $0xFFFF  }
0x4b: {  	_ =	shalt  }

// kernel: kernel.45.cloned.1.call-start
scs
__scs_entry_jumppad:
0x0: {  	(pc) =	sbr.rel $0x88, $3  }
0x1: {  	(tag) =	ssettag $0x0;
	lr =	simm.s32 $0x1  }
0x2: {  	[smem:$0x3F99] =	sst lr;
	_ =	strace $0xD0000000  }
0x3: {  	_ = 	snop  }
0x4: {  	_ = 	snop  }
0x5: {  	_ = 	snop  }
0x6: {  	_ = 	snop  }
0x7: {  	_ = 	snop  }
__scs_overlays_trampoline_lowered:
0x8: {  	[smem:$0x3FA8] =	sst s0  }
0x9: {  	[smem:$0x3FA9] =	sst s1  }
0xa: {  	[smem:$0x3FAA] =	sst s2  }
0xb: {  	[smem:$0x3FAB] =	sst s3  }
0xc: {  	[smem:$0x3FAC] =	sst s4  }
0xd: {  	[smem:$0x3FAD] =	sst s5  }
0xe: {  	[smem:$0x3FAE] =	sst s6  }
0xf: {  	[smem:$0x3FAF] =	sst s7  }
0x10: {  	[smem:$0x3FB0] =	sst s8  }
0x11: {  	[smem:$0x3FB1] =	sst s9;
	s0 =	simm.s32 @!p0 $0x0  }
0x12: {  	s1 =	sld [smem:$0x3F97];
	s0 =	simm.s32 @p0 $0x1  }
0x13: {  	[smem:$0x3FB2] =	sst s0;
	s0 =	simm.s32 @!p1 $0x0  }
0x14: {  	s2 =	sld [smem:$0x3F96];
	s0 =	simm.s32 @p1 $0x1  }
0x15: {  	[smem:$0x3FB3] =	sst s0;
	s0 =	simm.s32 @!p2 $0x0  }
0x16: {  	s3 =	sld [smem:$0x3FDB];
	s0 =	simm.s32 @p2 $0x1  }
0x17: {  	s4 =	simm.s32 $0x1BF5;
	[smem:$0x3FB5] =	sst s0  }
0x18: {  	s0 =	sld [smem:$0x3F98];
	_ =	swait.ge [sflag:s4], $0x0  }
0x19: {  	s7 =	sld [smem:$0x3F99]  }
0x1a: {  	s8 =	sadd.s32 $0xFFFFE003, lr  }
0x1b: {  	s9 =	sadd.s32 $0xFFFFFEF7, lr;
	s5 =	simm.s32 $0xFFFFFFFF;
	p2 =	slt.u32 s8, $0xFFFFF086  }
0x1c: {  	p1 =	slt.u32 s9, $0xF7A;
	s5 =	simm.s32 @!p2 $0x0  }
0x1d: {  	s5 =	simm.s32 @p1 $0x1;
	p0 =	seq.s32 s7, s2  }
0x1e: {  	s7 =	smul.u32 @!p0 $0xF7A, s2;
	p2 =	seq.s32 @!p0 s5, $0x0  }
0x1f: {  	s9 =	smul.u32 $0xF7A, s1;
	s8 =	simm.s32 @!p0 $0x1BF5;
	p2 =	por !p2, p0  }
0x20: {  	[sflag:s8] =	ssyncset.s32 @!p0 $0xFFFFF086;
	s6 =	sadd.s32 @!p0 s3, s7;
	s7 =	simm.s32 @!p0 $0x108  }
0x21: {  	s3 =	sadd.s32 s3, s9;
	s6 =	sadd.s32 @!p0 $0x88, s6;
	s7 =	simm.s32 @p2 $0x1082  }
0x22: {  	[simem:s7], [sflag:s8] =	dma.local @!p0 [hbm:s6], $0xF7A  }
0x23: {  	s9 =	sor.u32 $0xD0000000, s2;
	s6 =	simm.s32 $0x108;
	_ =	swait.ge @!p0 [sflag:s8], $0x0  }
0x24: {  	s3 =	sadd.s32 $0x88, s3;
	s6 =	simm.s32 @!p1 $0x1082;
	[sflag:s4] =	ssyncset.s32 $0xFFFFF086  }
0x25: {  	[simem:s6], [sflag:s4] =	dma.local [hbm:s3], $0xF7A  }
0x26: {  	[smem:$0x3F99] =	sst s1;
	(tag) =	ssettag s2;
	_ =	strace s9  }
0x27: {  	s1 =	sld [smem:$0x3FA9]  }
0x28: {  	s2 =	sld [smem:$0x3FAA]  }
0x29: {  	s4 =	sld [smem:$0x3FAC]  }
0x2a: {  	p0 =	seq.s32 s5, $0x0;
	s5 =	sld [smem:$0x3FAD]  }
0x2b: {  	s6 =	sld [smem:$0x3FAE]  }
0x2c: {  	s7 =	sld [smem:$0x3FAF]  }
0x2d: {  	s3 =	simm.s32 $0x108;
	s8 =	sld [smem:$0x3FB0]  }
0x2e: {  	s3 =	simm.s32 @!p0 $0x1082;
	s9 =	sld [smem:$0x3FB1]  }
0x2f: {  	lr =	sadd.s32 s0, s3;
	s0 =	sld [smem:$0x3FA8]  }
0x30: {  	s3 =	sld [smem:$0x3FAB]  }
0x31: {  	[smem:$0x3FB4] =	sst s10  }
0x32: {  	s10 =	sld [smem:$0x3FB2];
	_ =	sdelay $0x3  }
0x33: {  	p0 =	seq.s32 s10, $0x1;
	s10 =	sld [smem:$0x3FB4];
	_ =	sdelay $0x3  }
0x34: {  	[smem:$0x3FB4] =	sst s10  }
0x35: {  	s10 =	sld [smem:$0x3FB3];
	_ =	sdelay $0x3  }
0x36: {  	p1 =	seq.s32 s10, $0x1;
	s10 =	sld [smem:$0x3FB4];
	_ =	sdelay $0x3  }
0x37: {  	[smem:$0x3FB4] =	sst s10  }
0x38: {  	s10 =	sld [smem:$0x3FB5]  }
0x39: {  	_ = 	snop;
	(pc) =	sbr.ind lr, $3  }
0x3a: {  	_ = 	snop  }
0x3b: {  	_ = 	snop  }
0x3c: {  	p2 =	seq.s32 s10, $0x1;
	s10 =	sld [smem:$0x3FB4]  }
0x3d: {  	_ =	shalt  }
0x3e: {  	_ =	shalt  }
0x3f: {  	_ =	shalt  }
0x40: {  	_ =	shalt  }
0x41: {  	_ =	shalt  }
0x42: {  	_ =	shalt  }
0x43: {  	_ =	shalt  }
0x44: {  	_ =	shalt  }
0x45: {  	_ =	shalt  }
0x46: {  	_ =	shalt  }
0x47: {  	_ =	shalt  }
0x48: {  	_ =	shalt  }
0x49: {  	_ =	shalt  }
0x4a: {  	_ =	shalt  }
0x4b: {  	_ =	shalt  }
0x4c: {  	_ =	shalt  }
0x4d: {  	_ =	shalt  }
0x4e: {  	_ =	shalt  }
0x4f: {  	_ =	shalt  }
0x50: {  	_ =	shalt  }
0x51: {  	_ =	shalt  }
0x52: {  	_ =	shalt  }
0x53: {  	_ =	shalt  }
0x54: {  	_ =	shalt  }
0x55: {  	_ =	shalt  }
0x56: {  	_ =	shalt  }
0x57: {  	_ =	shalt  }
0x58: {  	_ =	shalt  }
0x59: {  	_ =	shalt  }
0x5a: {  	_ =	shalt  }
0x5b: {  	_ =	shalt  }
0x5c: {  	_ =	shalt  }
0x5d: {  	_ =	shalt  }
0x5e: {  	_ =	shalt  }
0x5f: {  	_ =	shalt  }
0x60: {  	_ =	shalt  }
0x61: {  	_ =	shalt  }
0x62: {  	_ =	shalt  }
0x63: {  	_ =	shalt  }
0x64: {  	_ =	shalt  }
0x65: {  	_ =	shalt  }
0x66: {  	_ =	shalt  }
0x67: {  	_ =	shalt  }
0x68: {  	_ =	shalt  }
0x69: {  	_ =	shalt  }
0x6a: {  	_ =	shalt  }
0x6b: {  	_ =	shalt  }
0x6c: {  	_ =	shalt  }
0x6d: {  	_ =	shalt  }
0x6e: {  	_ =	shalt  }
0x6f: {  	_ =	shalt  }
0x70: {  	_ =	shalt  }
0x71: {  	_ =	shalt  }
0x72: {  	_ =	shalt  }
0x73: {  	_ =	shalt  }
0x74: {  	_ =	shalt  }
0x75: {  	_ =	shalt  }
0x76: {  	_ =	shalt  }
0x77: {  	_ =	shalt  }
0x78: {  	_ =	shalt  }
0x79: {  	_ =	shalt  }
0x7a: {  	_ =	shalt  }
0x7b: {  	_ =	shalt  }
0x7c: {  	_ =	shalt  }
0x7d: {  	_ =	shalt  }
0x7e: {  	_ =	shalt  }
0x7f: {  	_ =	shalt  }
0x80: {  	_ =	shalt  }
0x81: {  	_ =	shalt  }
0x82: {  	_ =	shalt  }
0x83: {  	_ =	shalt  }
0x84: {  	_ =	shalt  }
0x85: {  	_ =	shalt  }
0x86: {  	_ =	shalt  }
0x87: {  	_ =	shalt  }
.Lfunc_end0:
.L_simem_size_0:
called_computation.7_lowered:
.L_overlay_start_0:
0x88: {  	s2 =	sld [smem:$0x3FD9]  }
0x89: {  	s3 =	sld [smem:$0x3FFE];
	_ =	sdelay $0x1  }
0x8a: {  	s1 =	srdreg.scid  }
0x8b: {  	s0 =	sand.u32 $0x1, s1  }
0x8c: {  	s16 =	sshll.u32 s0, $0xA;
	s2 =	sadd.s32 s3, s2  }
0x8d: {  	s2 =	sadd.s32 s2, s16  }
0x8e: {  	[smem:$0x3FC0] =	sst s2  }
0x8f: {  	_ = 	snop  }
0x90: {  	(tm) =	ssettm $0x1  }
0x91: {  	s17 =	sld [smem:$0x3FFB];
	_ =	sdelay $0x3  }
0x92: {  	_ =	strace s17  }
0x93: {  	s2 =	sld [smem:$0x3FFC];
	_ =	sdelay $0x3  }
0x94: {  	_ =	strace s2  }
0x95: {  	s2 =	sld [smem:$0x3FFD];
	_ =	sdelay $0x3  }
0x96: {  	_ =	strace s2  }
0x97: {  	_ =	strace $0x8FFFFFFF  }
0x98: {  	s18 =	sld [smem:$0x3FDB];
	_ =	sdelay $0x1  }
0x99: {  	s19 =	simm.s32 $_scs_section_size  }
0x9a: {  	s4 =	simm.s32 $_size__tile_overlayer_lowered;
	s5 =	simm.s32 $_tile_overlayer_lowered  }
0x9b: {  	s22 =	simm.s32 $0x1BFF;
	s21 =	sshll.u32 s5, $0x1;
	s2 =	sadd.s32 s19, s18  }
0x9c: {  	s6 =	simm.s32 $0x0;
	s20 =	sshll.u32 s4, $0x1;
	s4 =	sadd.s32 s21, s2  }
0x9d: {  	[timem:s6], [sflag:s22] =	dma.local [hbm:s4], s20  }
0x9e: {  	_ =	swait.ge [sflag:s22], s20  }
0x9f: {  	s3 =	ssub.s32 $0x0, s20;
	[sflag:s22] =	ssyncset.done $0x0  }
0xa0: {  	[sflag:s22] =	ssyncadd.s32 s3;
	_ =	sdelay $0x1  }
0xa1: {  	s23 =	simm.s32 $0x1B8B  }
0xa2: {  	_ =	swait.ge [sflag:s23], $0x1  }
0xa3: {  	[sflag:s23] =	ssyncset.done $0x0  }
0xa4: {  	s25 =	simm.s32 $0x1B8E;
	s24 =	sld [smem:$0x3FFE];
	[sflag:s23] =	ssyncadd.s32 $0xFFFFFFFF  }
0xa5: {  	s26 =	simm.s32 $execute0_lowered;
	[smem:$0x3FD2] =	sst s25  }
0xa6: {  	s4 =	sshll.u32 s26, $0x1;
	_ =	strace $0x8000005B;
	[dreg:$0x1] =	wrdreg $0xFFFFFFFF  }
0xa7: {  	s28 =	simm.s32 $_size_execute0_lowered;
	s2 =	sadd.s32 s2, s4;
	[dreg:$0x0] =	wrdreg $0x0  }
0xa8: {  	s4 =	sshll.u32 s28, $0x1;
	[dreg:$0x2] =	wrdreg s2  }
0xa9: {  	[dreg:$0x3] =	wrdreg s4  }
0xaa: {  	[dreg:$0x4] =	wrdreg $0xC0  }
0xab: {  	_ =	task [dreg:s6], $0x5FFFF  }
0xac: {  	[dreg:$0x1] =	wrdreg $0xFFFFFFFF  }
0xad: {  	[dreg:$0x0] =	wrdreg $0x60  }
0xae: {  	[dreg:$0x2] =	wrdreg s24  }
0xaf: {  	[dreg:$0x3] =	wrdreg $0x0  }
0xb0: {  	[dreg:$0x4] =	wrdreg $0x9  }
0xb1: {  	_ =	task.clear_ibuf [dreg:s6], $0x5FFFF;
	_ =	strace $0x9000005B  }
0xb2: {  	s29 =	simm.s32 $0x9;
	_ =	strace $0x8000005D  }
0xb3: {  	_ =	swait.ge [sflag:s29], $0x1  }
0xb4: {  	[sflag:s29] =	ssyncadd.s32 $0xFFFFFFFF  }
0xb5: {  	_ =	strace $0x9000005D  }
0xb6: {  	_ =	sfence  }
0xb7: {  	s30 =	sld [smem:$0x0];
	_ =	sdelay $0x2  }
0xb8: {  	s31 =	sshll.u32 s1, $0xD;
	s1 =	sshrl.u32 s1, $0x2  }
0xb9: {  	s3 =	sand.u32 $0x4000, s31;
	s1 =	sadd.s32 s1, s30  }
0xba: {  	s0 =	sor.u32 s3, s0;
	s1 =	sshll.u32 s1, $0x11  }
0xbb: {  	s0 =	sor.u32 s1, s0  }
0xbc: {  	s0 =	sadd.s32 $0x8F2B, s0  }
0xbd: {  	[sflag:s0] =	ssyncadd.remote.s32 $0x1  }
0xbe: {  	_ =	sfence.sel $0xFFFF  }
0xbf: {  	[dreg:$0x0] =	wrdreg $0xFFFFFFFF;
	(pc) =	sbr.abs _section_cstart, $3  }
0xc0: {  	[dreg:$0x1] =	wrdreg $0xFFFFFFFF  }
0xc1: {  	_ =	task.clear_ibuf [dreg:s6], $0x2FFFF;
	_ =	strace $0x9FFFFFFF  }
0xc2: {  	(tm) =	ssettm $0x7FFFFFFF  }
0xc3: {  	_ =	shalt  }
tec
execute0_lowered:
.L_overlay_start_1:
0x0: {  	(tag) =	ssettag $0x1  }
0x1: {  	s5 =	rddreg [dreg:$0x0]  }
0x2: {  	s2 =	rddreg [dreg:$0x1]  }
0x3: {  	s0 =	rddreg [dreg:$0x2]  }
0x4: {  	s4 =	srdreg.scid;
	s1 =	stileid.u32  }
0x5: {  	s3 =	simm.s32 $0x0;
	s12 =	simm.s32 $0x2;
	s13 =	simm.s32 $0x13C00  }
0x6: {  	s14 =	simm.s32 $0x16400;
	s15 =	simm.s32 $0x80;
	s16 =	simm.s32 $0x18C00  }
0x7: {  	s17 =	simm.s32 $0x1;
	s18 =	simm.s32 $0x0;
	s6 =	sand.u32 $0x1, s4  }
0x8: {  	s7 =	smul.u32 $0x13C00, s1;
	[smem:$0x7FF] =	sst s3;
	s4 =	sadd.s32 $0x38A00, s5  }
0x9: {  	s11 =	smul.u32 $0x4F000, s1;
	s31 =	sshll.u32 s1, $0x6;
	s8 =	sshll.u32 s6, $0x4  }
0xa: {  	s9 =	smul.u32 $0x13C000, s6;
	_ =	strace $0x8000005C;
	s6 =	ssub.s32 $0x2, s6  }
0xb: {  	s8 =	sor.u32 s1, s8;
	s10 =	sshrl.u32 s6, $0x1;
	s29 =	sshrl.u32 s11, $0x2  }
0xc: {  	s30 =	sshrl.u32 s7, $0x3;
	s8 =	smul.u32 $0x500, s8;
	s9 =	sadd.s32 s7, s9  }
0xd: {  	s10 =	ssub.s32 s6, s10;
	s11 =	sadd.s32 s29, s2;
	s6 =	sor.u32 $0x1C02, s31  }
0xe: {  	s9 =	sshrl.u32 s9, $0x3;
	s10 =	smax.u32 s10, $0x1;
	s11 =	sshrl.u32 s11, $0x3  }
0xf: {  	s8 =	sadd.s32 s8, s5;
	s9 =	sadd.s32 s9, s5;
	s5 =	sadd.s32 s4, s30  }
0x10: {  	s7 =	sadd.s32 $0x88000, s8;
	s8 =	sadd.s32 $0x7800, s8;
	s9 =	sadd.s32 $0x92000, s9  }
.LBB2_1:
0x11: {  	[spmem:s11], [sflag:s6] =	dma.local [hbm:s5], $0x2780  }
0x12: {  	_ =	swait.ge [sflag:s12], $0x2780  }
0x13: {  	[sflag:s12] =	ssyncset.done $0x0  }
0x14: {  	[sflag:s12] =	ssyncadd.s32 $0xFFFFD880  }
0x15: {  	[tilespmem:s13], [sflag:$0x2] =	stream.linear.gather [hbm4b:s7+s3], $0x2780, $0x38;
	[tilespmem:$0x1CC00] =	vst v63  }
0x16: {  	_ =	swait.ge [sflag:s12], $0x2780  }
0x17: {  	[sflag:s12] =	ssyncset.done $0x0  }
0x18: {  	[sflag:s12] =	ssyncadd.s32 $0xFFFFD880  }
0x19: {  	[tilespmem:s14], [sflag:$0x2] =	stream.linear.gather [hbm4b:s8+s3], $0x2780, $0x38;
	[tilespmem:$0x1CC00] =	vst v63  }
0x1a: {  	_ =	swait.ge [sflag:s12], $0x2780  }
0x1b: {  	[sflag:s12] =	ssyncset.done $0x0  }
0x1c: {  	[sflag:s12] =	ssyncadd.s32 $0xFFFFD880  }
0x1d: {  	s19 =	simm.s32 $0x13C00;
	[bflag:$0x0] =	sbarrier.arrive $0xFFFF  }
0x1e: {  	[tilespmem:s16], [sflag:$0x1] =	stream.indirect.gather [hbm4b:s4+s15], $0x80, s19, s15, $0xb8;
	[tilespmem:$0x1CC00] =	vst v63  }
0x1f: {  	_ =	swait.ge [sflag:s17], $0x4000  }
0x20: {  	[sflag:s17] =	ssyncset.done $0x0  }
0x21: {  	s31 =	simm.s32 $0x16400;
	[sflag:s17] =	ssyncadd.s32 $0xFFFFC000  }
0x22: {  	[spmem:s2] =	stream.indirect.scatter.add.f32 [tilespmem:s16], [sflag:$0x2], $0x80, s31, s15, $0xb8;
	[tilespmem:$0x1CC00] =	vst v63  }
0x23: {  	_ =	swait.ge [sflag:s12], $0x4000  }
0x24: {  	s20 =	simm.s32 $0x400;
	s19 =	simm.s32 $0x80;
	[sflag:s12] =	ssyncset.done $0x0  }
.LBB2_2:
0x25: {  	s21 =	sadd.s32 $0x13C00, s19  }
0x26: {  	[sflag:s12] =	ssyncadd.s32 $0xFFFFC000;
	s22 =	smov.u32 s20;
	s23 =	sadd.s32 $0x200, s20  }
0x27: {  	[tilespmem:s16], [sflag:$0x1] =	stream.indirect.gather [hbm4b:s4+s15], $0x80, s21, s15, $0xb8;
	[tilespmem:$0x1CC00] =	vst v63  }
0x28: {  	p0 =	sne.s32 s20, $0x9C00;
	_ =	swait.ge [sflag:s17], $0x4000  }
.Ltmp0:
0x29: {  	[sflag:s17] =	ssyncset.done $0x0;
	(pc) =	sbr.rel @p0 .LBB2_2-.Ltmp0, $4  }
0x2a: {  	s19 =	sadd.s32 $0x16400, s19;
	[sflag:s17] =	ssyncadd.s32 $0xFFFFC000  }
0x2b: {  	[spmem:s2] =	stream.indirect.scatter.add.f32 [tilespmem:s16], [sflag:$0x2], $0x80, s19, s15, $0xb8;
	[tilespmem:$0x1CC00] =	vst v63  }
0x2c: {  	_ =	swait.ge [sflag:s12], $0x4000  }
0x2d: {  	s20 =	smov.u32 s23;
	s19 =	sshra.s32 s22, $0x2;
	[sflag:s12] =	ssyncset.done $0x0  }
0x2e: {  	s20 =	sadd.s32 $0x13C00, s19;
	[sflag:s12] =	ssyncadd.s32 $0xFFFFC000  }
0x2f: {  	[tilespmem:s16], [sflag:$0x1] =	stream.indirect.gather [hbm4b:s4+s15], $0x80, s20, s15, $0xb8;
	[tilespmem:$0x1CC00] =	vst v63  }
0x30: {  	_ =	swait.ge [sflag:s17], $0x4000  }
0x31: {  	[sflag:s17] =	ssyncset.done $0x0  }
0x32: {  	s31 =	sadd.s32 $0x16400, s19;
	[sflag:s17] =	ssyncadd.s32 $0xFFFFC000  }
0x33: {  	[spmem:s2] =	stream.indirect.scatter.add.f32 [tilespmem:s16], [sflag:$0x2], $0x80, s31, s15, $0xb8;
	[tilespmem:$0x1CC00] =	vst v63  }
0x34: {  	_ =	swait.ge [sflag:s12], $0x4000  }
0x35: {  	s18 =	sadd.s32 $0x1, s18;
	[sflag:s12] =	ssyncset.done $0x0  }
0x36: {  	p0 =	sne.s32 s18, s10;
	[sflag:s12] =	ssyncadd.s32 $0xFFFFC000  }
.Ltmp1:
0x37: {  	[bflag:$0x0] =	sbarrier.arrive $0xFFFF;
	(pc) =	sbr.rel @p0 .LBB2_1-.Ltmp1, $4  }
0x38: {  	[hbm:s9], [sflag:s6] =	dma.local [spmem:s11], $0x2780  }
0x39: {  	_ =	swait.ge [sflag:s12], $0x2780  }
0x3a: {  	[sflag:s12] =	ssyncset.done $0x0  }
0x3b: {  	[sflag:s12] =	ssyncadd.s32 $0xFFFFD880  }
0x3c: {  	_ =	sfence.sel $0x180000  }
0x3d: {  	[bflag:$0x0] =	sbarrier.arrive $0xFFFF  }
0x3e: {  	p0 =	sne.s32 s1, $0x0;
	_ =	strace $0x9000005C  }
0x3f: {  	s0 =	sadd.s32 @!p0 $0x100000, s0;
	[bflag:$0x2] =	sbarrier.arrive $0xFFFF  }
0x40: {  	[sflag:s0] =	ssyncadd.tile.s32 @!p0 $0x1;
	_ =	shalt  }
.Lfunc_end2:
_tile_overlayer_lowered:
.L_overlay_start_2:
0x41: {  	(tag) =	ssettag $0x2  }
0x42: {  	s0 =	rddreg [dreg:$0x0];
	s2 =	stileid.u32  }
0x43: {  	s1 =	rddreg [dreg:$0x1];
	p0 =	sne.s32 s2, $0x0  }
0x44: {  	s3 =	rddreg [dreg:$0x2];
	[bflag:$0x3] =	sbarrier.arrive $0xFFFF;
	s2 =	simm.s32 @!p0 $0x1C02  }
0x45: {  	[timem:s3], [sflag:s2] =	dma.local @!p0 [hbm:s0], s1  }
0x46: {  	s0 =	simm.s32 @!p0 $0x2  }
0x47: {  	_ =	swait.ge @!p0 [sflag:s0], s1  }
0x48: {  	s1 =	ssub.s32 @!p0 $0x0, s1;
	[sflag:s0] =	ssyncset.done @!p0 $0x0  }
0x49: {  	[sflag:s0] =	ssyncadd.s32 @!p0 s1  }
0x4a: {  	[bflag:$0x3] =	sbarrier.arrive $0xFFFF  }
0x4b: {  	_ =	shalt  }

// kernel: kernel.48.cloned.1.call-start
scs
__scs_entry_jumppad:
0x0: {  	(pc) =	sbr.rel $0x88, $3  }
0x1: {  	(tag) =	ssettag $0x0;
	lr =	simm.s32 $0x1  }
0x2: {  	[smem:$0x3F99] =	sst lr;
	_ =	strace $0xD0000000  }
0x3: {  	_ = 	snop  }
0x4: {  	_ = 	snop  }
0x5: {  	_ = 	snop  }
0x6: {  	_ = 	snop  }
0x7: {  	_ = 	snop  }
__scs_overlays_trampoline_lowered:
0x8: {  	[smem:$0x3FA8] =	sst s0  }
0x9: {  	[smem:$0x3FA9] =	sst s1  }
0xa: {  	[smem:$0x3FAA] =	sst s2  }
0xb: {  	[smem:$0x3FAB] =	sst s3  }
0xc: {  	[smem:$0x3FAC] =	sst s4  }
0xd: {  	[smem:$0x3FAD] =	sst s5  }
0xe: {  	[smem:$0x3FAE] =	sst s6  }
0xf: {  	[smem:$0x3FAF] =	sst s7  }
0x10: {  	[smem:$0x3FB0] =	sst s8  }
0x11: {  	[smem:$0x3FB1] =	sst s9;
	s0 =	simm.s32 @!p0 $0x0  }
0x12: {  	s1 =	sld [smem:$0x3F97];
	s0 =	simm.s32 @p0 $0x1  }
0x13: {  	[smem:$0x3FB2] =	sst s0;
	s0 =	simm.s32 @!p1 $0x0  }
0x14: {  	s2 =	sld [smem:$0x3F96];
	s0 =	simm.s32 @p1 $0x1  }
0x15: {  	[smem:$0x3FB3] =	sst s0;
	s0 =	simm.s32 @!p2 $0x0  }
0x16: {  	s3 =	sld [smem:$0x3FDB];
	s0 =	simm.s32 @p2 $0x1  }
0x17: {  	s4 =	simm.s32 $0x1BF5;
	[smem:$0x3FB5] =	sst s0  }
0x18: {  	s0 =	sld [smem:$0x3F98];
	_ =	swait.ge [sflag:s4], $0x0  }
0x19: {  	s7 =	sld [smem:$0x3F99]  }
0x1a: {  	s8 =	sadd.s32 $0xFFFFE003, lr  }
0x1b: {  	s9 =	sadd.s32 $0xFFFFFEF7, lr;
	s5 =	simm.s32 $0xFFFFFFFF;
	p2 =	slt.u32 s8, $0xFFFFF086  }
0x1c: {  	p1 =	slt.u32 s9, $0xF7A;
	s5 =	simm.s32 @!p2 $0x0  }
0x1d: {  	s5 =	simm.s32 @p1 $0x1;
	p0 =	seq.s32 s7, s2  }
0x1e: {  	s7 =	smul.u32 @!p0 $0xF7A, s2;
	p2 =	seq.s32 @!p0 s5, $0x0  }
0x1f: {  	s9 =	smul.u32 $0xF7A, s1;
	s8 =	simm.s32 @!p0 $0x1BF5;
	p2 =	por !p2, p0  }
0x20: {  	[sflag:s8] =	ssyncset.s32 @!p0 $0xFFFFF086;
	s6 =	sadd.s32 @!p0 s3, s7;
	s7 =	simm.s32 @!p0 $0x108  }
0x21: {  	s3 =	sadd.s32 s3, s9;
	s6 =	sadd.s32 @!p0 $0x88, s6;
	s7 =	simm.s32 @p2 $0x1082  }
0x22: {  	[simem:s7], [sflag:s8] =	dma.local @!p0 [hbm:s6], $0xF7A  }
0x23: {  	s9 =	sor.u32 $0xD0000000, s2;
	s6 =	simm.s32 $0x108;
	_ =	swait.ge @!p0 [sflag:s8], $0x0  }
0x24: {  	s3 =	sadd.s32 $0x88, s3;
	s6 =	simm.s32 @!p1 $0x1082;
	[sflag:s4] =	ssyncset.s32 $0xFFFFF086  }
0x25: {  	[simem:s6], [sflag:s4] =	dma.local [hbm:s3], $0xF7A  }
0x26: {  	[smem:$0x3F99] =	sst s1;
	(tag) =	ssettag s2;
	_ =	strace s9  }
0x27: {  	s1 =	sld [smem:$0x3FA9]  }
0x28: {  	s2 =	sld [smem:$0x3FAA]  }
0x29: {  	s4 =	sld [smem:$0x3FAC]  }
0x2a: {  	p0 =	seq.s32 s5, $0x0;
	s5 =	sld [smem:$0x3FAD]  }
0x2b: {  	s6 =	sld [smem:$0x3FAE]  }
0x2c: {  	s7 =	sld [smem:$0x3FAF]  }
0x2d: {  	s3 =	simm.s32 $0x108;
	s8 =	sld [smem:$0x3FB0]  }
0x2e: {  	s3 =	simm.s32 @!p0 $0x1082;
	s9 =	sld [smem:$0x3FB1]  }
0x2f: {  	lr =	sadd.s32 s0, s3;
	s0 =	sld [smem:$0x3FA8]  }
0x30: {  	s3 =	sld [smem:$0x3FAB]  }
0x31: {  	[smem:$0x3FB4] =	sst s10  }
0x32: {  	s10 =	sld [smem:$0x3FB2];
	_ =	sdelay $0x3  }
0x33: {  	p0 =	seq.s32 s10, $0x1;
	s10 =	sld [smem:$0x3FB4];
	_ =	sdelay $0x3  }
0x34: {  	[smem:$0x3FB4] =	sst s10  }
0x35: {  	s10 =	sld [smem:$0x3FB3];
	_ =	sdelay $0x3  }
0x36: {  	p1 =	seq.s32 s10, $0x1;
	s10 =	sld [smem:$0x3FB4];
	_ =	sdelay $0x3  }
0x37: {  	[smem:$0x3FB4] =	sst s10  }
0x38: {  	s10 =	sld [smem:$0x3FB5]  }
0x39: {  	_ = 	snop;
	(pc) =	sbr.ind lr, $3  }
0x3a: {  	_ = 	snop  }
0x3b: {  	_ = 	snop  }
0x3c: {  	p2 =	seq.s32 s10, $0x1;
	s10 =	sld [smem:$0x3FB4]  }
0x3d: {  	_ =	shalt  }
0x3e: {  	_ =	shalt  }
0x3f: {  	_ =	shalt  }
0x40: {  	_ =	shalt  }
0x41: {  	_ =	shalt  }
0x42: {  	_ =	shalt  }
0x43: {  	_ =	shalt  }
0x44: {  	_ =	shalt  }
0x45: {  	_ =	shalt  }
0x46: {  	_ =	shalt  }
0x47: {  	_ =	shalt  }
0x48: {  	_ =	shalt  }
0x49: {  	_ =	shalt  }
0x4a: {  	_ =	shalt  }
0x4b: {  	_ =	shalt  }
0x4c: {  	_ =	shalt  }
0x4d: {  	_ =	shalt  }
0x4e: {  	_ =	shalt  }
0x4f: {  	_ =	shalt  }
0x50: {  	_ =	shalt  }
0x51: {  	_ =	shalt  }
0x52: {  	_ =	shalt  }
0x53: {  	_ =	shalt  }
0x54: {  	_ =	shalt  }
0x55: {  	_ =	shalt  }
0x56: {  	_ =	shalt  }
0x57: {  	_ =	shalt  }
0x58: {  	_ =	shalt  }
0x59: {  	_ =	shalt  }
0x5a: {  	_ =	shalt  }
0x5b: {  	_ =	shalt  }
0x5c: {  	_ =	shalt  }
0x5d: {  	_ =	shalt  }
0x5e: {  	_ =	shalt  }
0x5f: {  	_ =	shalt  }
0x60: {  	_ =	shalt  }
0x61: {  	_ =	shalt  }
0x62: {  	_ =	shalt  }
0x63: {  	_ =	shalt  }
0x64: {  	_ =	shalt  }
0x65: {  	_ =	shalt  }
0x66: {  	_ =	shalt  }
0x67: {  	_ =	shalt  }
0x68: {  	_ =	shalt  }
0x69: {  	_ =	shalt  }
0x6a: {  	_ =	shalt  }
0x6b: {  	_ =	shalt  }
0x6c: {  	_ =	shalt  }
0x6d: {  	_ =	shalt  }
0x6e: {  	_ =	shalt  }
0x6f: {  	_ =	shalt  }
0x70: {  	_ =	shalt  }
0x71: {  	_ =	shalt  }
0x72: {  	_ =	shalt  }
0x73: {  	_ =	shalt  }
0x74: {  	_ =	shalt  }
0x75: {  	_ =	shalt  }
0x76: {  	_ =	shalt  }
0x77: {  	_ =	shalt  }
0x78: {  	_ =	shalt  }
0x79: {  	_ =	shalt  }
0x7a: {  	_ =	shalt  }
0x7b: {  	_ =	shalt  }
0x7c: {  	_ =	shalt  }
0x7d: {  	_ =	shalt  }
0x7e: {  	_ =	shalt  }
0x7f: {  	_ =	shalt  }
0x80: {  	_ =	shalt  }
0x81: {  	_ =	shalt  }
0x82: {  	_ =	shalt  }
0x83: {  	_ =	shalt  }
0x84: {  	_ =	shalt  }
0x85: {  	_ =	shalt  }
0x86: {  	_ =	shalt  }
0x87: {  	_ =	shalt  }
.Lfunc_end0:
.L_simem_size_0:
called_computation.8_lowered:
.L_overlay_start_0:
0x88: {  	s2 =	sld [smem:$0x3FD9]  }
0x89: {  	s3 =	sld [smem:$0x3FFE];
	_ =	sdelay $0x1  }
0x8a: {  	s1 =	srdreg.scid  }
0x8b: {  	s0 =	sand.u32 $0x1, s1  }
0x8c: {  	s16 =	sshll.u32 s0, $0xA;
	s2 =	sadd.s32 s3, s2  }
0x8d: {  	s2 =	sadd.s32 s2, s16  }
0x8e: {  	[smem:$0x3FC0] =	sst s2  }
0x8f: {  	_ = 	snop  }
0x90: {  	(tm) =	ssettm $0x1  }
0x91: {  	s17 =	sld [smem:$0x3FFB];
	_ =	sdelay $0x3  }
0x92: {  	_ =	strace s17  }
0x93: {  	s2 =	sld [smem:$0x3FFC];
	_ =	sdelay $0x3  }
0x94: {  	_ =	strace s2  }
0x95: {  	s2 =	sld [smem:$0x3FFD];
	_ =	sdelay $0x3  }
0x96: {  	_ =	strace s2  }
0x97: {  	_ =	strace $0x8FFFFFFF  }
0x98: {  	s18 =	sld [smem:$0x3FDB];
	_ =	sdelay $0x1  }
0x99: {  	s19 =	simm.s32 $_scs_section_size  }
0x9a: {  	s4 =	simm.s32 $_size__tile_overlayer_lowered;
	s5 =	simm.s32 $_tile_overlayer_lowered  }
0x9b: {  	s22 =	simm.s32 $0x1BFF;
	s21 =	sshll.u32 s5, $0x1;
	s2 =	sadd.s32 s19, s18  }
0x9c: {  	s6 =	simm.s32 $0x0;
	s20 =	sshll.u32 s4, $0x1;
	s4 =	sadd.s32 s21, s2  }
0x9d: {  	[timem:s6], [sflag:s22] =	dma.local [hbm:s4], s20  }
0x9e: {  	_ =	swait.ge [sflag:s22], s20  }
0x9f: {  	s3 =	ssub.s32 $0x0, s20;
	[sflag:s22] =	ssyncset.done $0x0  }
0xa0: {  	[sflag:s22] =	ssyncadd.s32 s3;
	_ =	sdelay $0x1  }
0xa1: {  	s23 =	simm.s32 $0x1B8B  }
0xa2: {  	_ =	swait.ge [sflag:s23], $0x1  }
0xa3: {  	[sflag:s23] =	ssyncset.done $0x0  }
0xa4: {  	s25 =	simm.s32 $0x1B8E;
	s24 =	sld [smem:$0x3FFE];
	[sflag:s23] =	ssyncadd.s32 $0xFFFFFFFF  }
0xa5: {  	s26 =	simm.s32 $execute0_lowered;
	[smem:$0x3FD2] =	sst s25  }
0xa6: {  	s4 =	sshll.u32 s26, $0x1;
	_ =	strace $0x8000005E;
	[dreg:$0x1] =	wrdreg $0xFFFFFFFF  }
0xa7: {  	s28 =	simm.s32 $_size_execute0_lowered;
	s2 =	sadd.s32 s2, s4;
	[dreg:$0x0] =	wrdreg $0x0  }
0xa8: {  	s4 =	sshll.u32 s28, $0x1;
	[dreg:$0x2] =	wrdreg s2  }
0xa9: {  	[dreg:$0x3] =	wrdreg s4  }
0xaa: {  	[dreg:$0x4] =	wrdreg $0xC0  }
0xab: {  	_ =	task [dreg:s6], $0x5FFFF  }
0xac: {  	[dreg:$0x1] =	wrdreg $0xFFFFFFFF  }
0xad: {  	[dreg:$0x0] =	wrdreg $0x60  }
0xae: {  	[dreg:$0x2] =	wrdreg s24  }
0xaf: {  	[dreg:$0x3] =	wrdreg $0x0  }
0xb0: {  	[dreg:$0x4] =	wrdreg $0x9  }
0xb1: {  	_ =	task.clear_ibuf [dreg:s6], $0x5FFFF;
	_ =	strace $0x9000005E  }
0xb2: {  	s29 =	simm.s32 $0x9;
	_ =	strace $0x80000060  }
0xb3: {  	_ =	swait.ge [sflag:s29], $0x1  }
0xb4: {  	[sflag:s29] =	ssyncadd.s32 $0xFFFFFFFF  }
0xb5: {  	_ =	strace $0x90000060  }
0xb6: {  	_ =	sfence  }
0xb7: {  	s30 =	sld [smem:$0x0];
	_ =	sdelay $0x2  }
0xb8: {  	s31 =	sshll.u32 s1, $0xD;
	s1 =	sshrl.u32 s1, $0x2  }
0xb9: {  	s3 =	sand.u32 $0x4000, s31;
	s1 =	sadd.s32 s1, s30  }
0xba: {  	s0 =	sor.u32 s3, s0;
	s1 =	sshll.u32 s1, $0x11  }
0xbb: {  	s0 =	sor.u32 s1, s0  }
0xbc: {  	s0 =	sadd.s32 $0x8F2B, s0  }
0xbd: {  	[sflag:s0] =	ssyncadd.remote.s32 $0x1  }
0xbe: {  	_ =	sfence.sel $0xFFFF  }
0xbf: {  	[dreg:$0x0] =	wrdreg $0xFFFFFFFF;
	(pc) =	sbr.abs _section_cstart, $3  }
0xc0: {  	[dreg:$0x1] =	wrdreg $0xFFFFFFFF  }
0xc1: {  	_ =	task.clear_ibuf [dreg:s6], $0x2FFFF;
	_ =	strace $0x9FFFFFFF  }
0xc2: {  	(tm) =	ssettm $0x7FFFFFFF  }
0xc3: {  	_ =	shalt  }
tec
execute0_lowered:
.L_overlay_start_1:
0x0: {  	(tag) =	ssettag $0x1  }
0x1: {  	s5 =	rddreg [dreg:$0x0]  }
0x2: {  	s2 =	rddreg [dreg:$0x1]  }
0x3: {  	s0 =	rddreg [dreg:$0x2]  }
0x4: {  	s4 =	srdreg.scid;
	s1 =	stileid.u32  }
0x5: {  	s3 =	simm.s32 $0x0;
	s12 =	simm.s32 $0x2;
	s13 =	simm.s32 $0x13C00  }
0x6: {  	s14 =	simm.s32 $0x16400;
	s15 =	simm.s32 $0x80;
	s16 =	simm.s32 $0x18C00  }
0x7: {  	s17 =	simm.s32 $0x1;
	s18 =	simm.s32 $0x0;
	s6 =	sand.u32 $0x1, s4  }
0x8: {  	s7 =	smul.u32 $0x13C00, s1;
	[smem:$0x7FF] =	sst s3;
	s4 =	sadd.s32 $0x38A00, s5  }
0x9: {  	s11 =	smul.u32 $0x4F000, s1;
	s31 =	sshll.u32 s1, $0x6;
	s8 =	sshll.u32 s6, $0x4  }
0xa: {  	s9 =	smul.u32 $0x13C000, s6;
	_ =	strace $0x8000005F;
	s6 =	ssub.s32 $0x2, s6  }
0xb: {  	s8 =	sor.u32 s1, s8;
	s10 =	sshrl.u32 s6, $0x1;
	s29 =	sshrl.u32 s11, $0x2  }
0xc: {  	s30 =	sshrl.u32 s7, $0x3;
	s8 =	smul.u32 $0x500, s8;
	s9 =	sadd.s32 s7, s9  }
0xd: {  	s10 =	ssub.s32 s6, s10;
	s11 =	sadd.s32 s29, s2;
	s6 =	sor.u32 $0x1C02, s31  }
0xe: {  	s9 =	sshrl.u32 s9, $0x3;
	s10 =	smax.u32 s10, $0x1;
	s11 =	sshrl.u32 s11, $0x3  }
0xf: {  	s8 =	sadd.s32 s8, s5;
	s9 =	sadd.s32 s9, s5;
	s5 =	sadd.s32 s4, s30  }
0x10: {  	s7 =	sadd.s32 $0x88000, s8;
	s8 =	sadd.s32 $0x7800, s8;
	s9 =	sadd.s32 $0x92000, s9  }
.LBB2_1:
0x11: {  	[spmem:s11], [sflag:s6] =	dma.local [hbm:s5], $0x2780  }
0x12: {  	_ =	swait.ge [sflag:s12], $0x2780  }
0x13: {  	[sflag:s12] =	ssyncset.done $0x0  }
0x14: {  	[sflag:s12] =	ssyncadd.s32 $0xFFFFD880  }
0x15: {  	[tilespmem:s13], [sflag:$0x2] =	stream.linear.gather [hbm4b:s7+s3], $0x2780, $0x38;
	[tilespmem:$0x1CC00] =	vst v63  }
0x16: {  	_ =	swait.ge [sflag:s12], $0x2780  }
0x17: {  	[sflag:s12] =	ssyncset.done $0x0  }
0x18: {  	[sflag:s12] =	ssyncadd.s32 $0xFFFFD880  }
0x19: {  	[tilespmem:s14], [sflag:$0x2] =	stream.linear.gather [hbm4b:s8+s3], $0x2780, $0x38;
	[tilespmem:$0x1CC00] =	vst v63  }
0x1a: {  	_ =	swait.ge [sflag:s12], $0x2780  }
0x1b: {  	[sflag:s12] =	ssyncset.done $0x0  }
0x1c: {  	[sflag:s12] =	ssyncadd.s32 $0xFFFFD880  }
0x1d: {  	s19 =	simm.s32 $0x13C00;
	[bflag:$0x0] =	sbarrier.arrive $0xFFFF  }
0x1e: {  	[tilespmem:s16], [sflag:$0x1] =	stream.indirect.gather [hbm4b:s4+s15], $0x80, s19, s15, $0xb8;
	[tilespmem:$0x1CC00] =	vst v63  }
0x1f: {  	_ =	swait.ge [sflag:s17], $0x4000  }
0x20: {  	[sflag:s17] =	ssyncset.done $0x0  }
0x21: {  	s31 =	simm.s32 $0x16400;
	[sflag:s17] =	ssyncadd.s32 $0xFFFFC000  }
0x22: {  	[spmem:s2] =	stream.indirect.scatter.add.f32 [tilespmem:s16], [sflag:$0x2], $0x80, s31, s15, $0xb8;
	[tilespmem:$0x1CC00] =	vst v63  }
0x23: {  	_ =	swait.ge [sflag:s12], $0x4000  }
0x24: {  	s20 =	simm.s32 $0x400;
	s19 =	simm.s32 $0x80;
	[sflag:s12] =	ssyncset.done $0x0  }
.LBB2_2:
0x25: {  	s21 =	sadd.s32 $0x13C00, s19  }
0x26: {  	[sflag:s12] =	ssyncadd.s32 $0xFFFFC000;
	s22 =	smov.u32 s20;
	s23 =	sadd.s32 $0x200, s20  }
0x27: {  	[tilespmem:s16], [sflag:$0x1] =	stream.indirect.gather [hbm4b:s4+s15], $0x80, s21, s15, $0xb8;
	[tilespmem:$0x1CC00] =	vst v63  }
0x28: {  	p0 =	sne.s32 s20, $0x9C00;
	_ =	swait.ge [sflag:s17], $0x4000  }
.Ltmp0:
0x29: {  	[sflag:s17] =	ssyncset.done $0x0;
	(pc) =	sbr.rel @p0 .LBB2_2-.Ltmp0, $4  }
0x2a: {  	s19 =	sadd.s32 $0x16400, s19;
	[sflag:s17] =	ssyncadd.s32 $0xFFFFC000  }
0x2b: {  	[spmem:s2] =	stream.indirect.scatter.add.f32 [tilespmem:s16], [sflag:$0x2], $0x80, s19, s15, $0xb8;
	[tilespmem:$0x1CC00] =	vst v63  }
0x2c: {  	_ =	swait.ge [sflag:s12], $0x4000  }
0x2d: {  	s20 =	smov.u32 s23;
	s19 =	sshra.s32 s22, $0x2;
	[sflag:s12] =	ssyncset.done $0x0  }
0x2e: {  	s20 =	sadd.s32 $0x13C00, s19;
	[sflag:s12] =	ssyncadd.s32 $0xFFFFC000  }
0x2f: {  	[tilespmem:s16], [sflag:$0x1] =	stream.indirect.gather [hbm4b:s4+s15], $0x80, s20, s15, $0xb8;
	[tilespmem:$0x1CC00] =	vst v63  }
0x30: {  	_ =	swait.ge [sflag:s17], $0x4000  }
0x31: {  	[sflag:s17] =	ssyncset.done $0x0  }
0x32: {  	s31 =	sadd.s32 $0x16400, s19;
	[sflag:s17] =	ssyncadd.s32 $0xFFFFC000  }
0x33: {  	[spmem:s2] =	stream.indirect.scatter.add.f32 [tilespmem:s16], [sflag:$0x2], $0x80, s31, s15, $0xb8;
	[tilespmem:$0x1CC00] =	vst v63  }
0x34: {  	_ =	swait.ge [sflag:s12], $0x4000  }
0x35: {  	s18 =	sadd.s32 $0x1, s18;
	[sflag:s12] =	ssyncset.done $0x0  }
0x36: {  	p0 =	sne.s32 s18, s10;
	[sflag:s12] =	ssyncadd.s32 $0xFFFFC000  }
.Ltmp1:
0x37: {  	[bflag:$0x0] =	sbarrier.arrive $0xFFFF;
	(pc) =	sbr.rel @p0 .LBB2_1-.Ltmp1, $4  }
0x38: {  	[hbm:s9], [sflag:s6] =	dma.local [spmem:s11], $0x2780  }
0x39: {  	_ =	swait.ge [sflag:s12], $0x2780  }
0x3a: {  	[sflag:s12] =	ssyncset.done $0x0  }
0x3b: {  	[sflag:s12] =	ssyncadd.s32 $0xFFFFD880  }
0x3c: {  	_ =	sfence.sel $0x180000  }
0x3d: {  	[bflag:$0x0] =	sbarrier.arrive $0xFFFF  }
0x3e: {  	p0 =	sne.s32 s1, $0x0;
	_ =	strace $0x9000005F  }
0x3f: {  	s0 =	sadd.s32 @!p0 $0x100000, s0;
	[bflag:$0x2] =	sbarrier.arrive $0xFFFF  }
0x40: {  	[sflag:s0] =	ssyncadd.tile.s32 @!p0 $0x1;
	_ =	shalt  }
.Lfunc_end2:
_tile_overlayer_lowered:
.L_overlay_start_2:
0x41: {  	(tag) =	ssettag $0x2  }
0x42: {  	s0 =	rddreg [dreg:$0x0];
	s2 =	stileid.u32  }
0x43: {  	s1 =	rddreg [dreg:$0x1];
	p0 =	sne.s32 s2, $0x0  }
0x44: {  	s3 =	rddreg [dreg:$0x2];
	[bflag:$0x3] =	sbarrier.arrive $0xFFFF;
	s2 =	simm.s32 @!p0 $0x1C02  }
0x45: {  	[timem:s3], [sflag:s2] =	dma.local @!p0 [hbm:s0], s1  }
0x46: {  	s0 =	simm.s32 @!p0 $0x2  }
0x47: {  	_ =	swait.ge @!p0 [sflag:s0], s1  }
0x48: {  	s1 =	ssub.s32 @!p0 $0x0, s1;
	[sflag:s0] =	ssyncset.done @!p0 $0x0  }
0x49: {  	[sflag:s0] =	ssyncadd.s32 @!p0 s1  }
0x4a: {  	[bflag:$0x3] =	sbarrier.arrive $0xFFFF  }
0x4b: {  	_ =	shalt  }

// kernel: kernel.51.cloned.1.call-start
scs
__scs_entry_jumppad:
0x0: {  	(pc) =	sbr.rel $0x88, $3  }
0x1: {  	(tag) =	ssettag $0x0;
	lr =	simm.s32 $0x1  }
0x2: {  	[smem:$0x3F99] =	sst lr;
	_ =	strace $0xD0000000  }
0x3: {  	_ = 	snop  }
0x4: {  	_ = 	snop  }
0x5: {  	_ = 	snop  }
0x6: {  	_ = 	snop  }
0x7: {  	_ = 	snop  }
__scs_overlays_trampoline_lowered:
0x8: {  	[smem:$0x3FA8] =	sst s0  }
0x9: {  	[smem:$0x3FA9] =	sst s1  }
0xa: {  	[smem:$0x3FAA] =	sst s2  }
0xb: {  	[smem:$0x3FAB] =	sst s3  }
0xc: {  	[smem:$0x3FAC] =	sst s4  }
0xd: {  	[smem:$0x3FAD] =	sst s5  }
0xe: {  	[smem:$0x3FAE] =	sst s6  }
0xf: {  	[smem:$0x3FAF] =	sst s7  }
0x10: {  	[smem:$0x3FB0] =	sst s8  }
0x11: {  	[smem:$0x3FB1] =	sst s9;
	s0 =	simm.s32 @!p0 $0x0  }
0x12: {  	s1 =	sld [smem:$0x3F97];
	s0 =	simm.s32 @p0 $0x1  }
0x13: {  	[smem:$0x3FB2] =	sst s0;
	s0 =	simm.s32 @!p1 $0x0  }
0x14: {  	s2 =	sld [smem:$0x3F96];
	s0 =	simm.s32 @p1 $0x1  }
0x15: {  	[smem:$0x3FB3] =	sst s0;
	s0 =	simm.s32 @!p2 $0x0  }
0x16: {  	s3 =	sld [smem:$0x3FDB];
	s0 =	simm.s32 @p2 $0x1  }
0x17: {  	s4 =	simm.s32 $0x1BF5;
	[smem:$0x3FB5] =	sst s0  }
0x18: {  	s0 =	sld [smem:$0x3F98];
	_ =	swait.ge [sflag:s4], $0x0  }
0x19: {  	s7 =	sld [smem:$0x3F99]  }
0x1a: {  	s8 =	sadd.s32 $0xFFFFE003, lr  }
0x1b: {  	s9 =	sadd.s32 $0xFFFFFEF7, lr;
	s5 =	simm.s32 $0xFFFFFFFF;
	p2 =	slt.u32 s8, $0xFFFFF086  }
0x1c: {  	p1 =	slt.u32 s9, $0xF7A;
	s5 =	simm.s32 @!p2 $0x0  }
0x1d: {  	s5 =	simm.s32 @p1 $0x1;
	p0 =	seq.s32 s7, s2  }
0x1e: {  	s7 =	smul.u32 @!p0 $0xF7A, s2;
	p2 =	seq.s32 @!p0 s5, $0x0  }
0x1f: {  	s9 =	smul.u32 $0xF7A, s1;
	s8 =	simm.s32 @!p0 $0x1BF5;
	p2 =	por !p2, p0  }
0x20: {  	[sflag:s8] =	ssyncset.s32 @!p0 $0xFFFFF086;
	s6 =	sadd.s32 @!p0 s3, s7;
	s7 =	simm.s32 @!p0 $0x108  }
0x21: {  	s3 =	sadd.s32 s3, s9;
	s6 =	sadd.s32 @!p0 $0x88, s6;
	s7 =	simm.s32 @p2 $0x1082  }
0x22: {  	[simem:s7], [sflag:s8] =	dma.local @!p0 [hbm:s6], $0xF7A  }
0x23: {  	s9 =	sor.u32 $0xD0000000, s2;
	s6 =	simm.s32 $0x108;
	_ =	swait.ge @!p0 [sflag:s8], $0x0  }
0x24: {  	s3 =	sadd.s32 $0x88, s3;
	s6 =	simm.s32 @!p1 $0x1082;
	[sflag:s4] =	ssyncset.s32 $0xFFFFF086  }
0x25: {  	[simem:s6], [sflag:s4] =	dma.local [hbm:s3], $0xF7A  }
0x26: {  	[smem:$0x3F99] =	sst s1;
	(tag) =	ssettag s2;
	_ =	strace s9  }
0x27: {  	s1 =	sld [smem:$0x3FA9]  }
0x28: {  	s2 =	sld [smem:$0x3FAA]  }
0x29: {  	s4 =	sld [smem:$0x3FAC]  }
0x2a: {  	p0 =	seq.s32 s5, $0x0;
	s5 =	sld [smem:$0x3FAD]  }
0x2b: {  	s6 =	sld [smem:$0x3FAE]  }
0x2c: {  	s7 =	sld [smem:$0x3FAF]  }
0x2d: {  	s3 =	simm.s32 $0x108;
	s8 =	sld [smem:$0x3FB0]  }
0x2e: {  	s3 =	simm.s32 @!p0 $0x1082;
	s9 =	sld [smem:$0x3FB1]  }
0x2f: {  	lr =	sadd.s32 s0, s3;
	s0 =	sld [smem:$0x3FA8]  }
0x30: {  	s3 =	sld [smem:$0x3FAB]  }
0x31: {  	[smem:$0x3FB4] =	sst s10  }
0x32: {  	s10 =	sld [smem:$0x3FB2];
	_ =	sdelay $0x3  }
0x33: {  	p0 =	seq.s32 s10, $0x1;
	s10 =	sld [smem:$0x3FB4];
	_ =	sdelay $0x3  }
0x34: {  	[smem:$0x3FB4] =	sst s10  }
0x35: {  	s10 =	sld [smem:$0x3FB3];
	_ =	sdelay $0x3  }
0x36: {  	p1 =	seq.s32 s10, $0x1;
	s10 =	sld [smem:$0x3FB4];
	_ =	sdelay $0x3  }
0x37: {  	[smem:$0x3FB4] =	sst s10  }
0x38: {  	s10 =	sld [smem:$0x3FB5]  }
0x39: {  	_ = 	snop;
	(pc) =	sbr.ind lr, $3  }
0x3a: {  	_ = 	snop  }
0x3b: {  	_ = 	snop  }
0x3c: {  	p2 =	seq.s32 s10, $0x1;
	s10 =	sld [smem:$0x3FB4]  }
0x3d: {  	_ =	shalt  }
0x3e: {  	_ =	shalt  }
0x3f: {  	_ =	shalt  }
0x40: {  	_ =	shalt  }
0x41: {  	_ =	shalt  }
0x42: {  	_ =	shalt  }
0x43: {  	_ =	shalt  }
0x44: {  	_ =	shalt  }
0x45: {  	_ =	shalt  }
0x46: {  	_ =	shalt  }
0x47: {  	_ =	shalt  }
0x48: {  	_ =	shalt  }
0x49: {  	_ =	shalt  }
0x4a: {  	_ =	shalt  }
0x4b: {  	_ =	shalt  }
0x4c: {  	_ =	shalt  }
0x4d: {  	_ =	shalt  }
0x4e: {  	_ =	shalt  }
0x4f: {  	_ =	shalt  }
0x50: {  	_ =	shalt  }
0x51: {  	_ =	shalt  }
0x52: {  	_ =	shalt  }
0x53: {  	_ =	shalt  }
0x54: {  	_ =	shalt  }
0x55: {  	_ =	shalt  }
0x56: {  	_ =	shalt  }
0x57: {  	_ =	shalt  }
0x58: {  	_ =	shalt  }
0x59: {  	_ =	shalt  }
0x5a: {  	_ =	shalt  }
0x5b: {  	_ =	shalt  }
0x5c: {  	_ =	shalt  }
0x5d: {  	_ =	shalt  }
0x5e: {  	_ =	shalt  }
0x5f: {  	_ =	shalt  }
0x60: {  	_ =	shalt  }
0x61: {  	_ =	shalt  }
0x62: {  	_ =	shalt  }
0x63: {  	_ =	shalt  }
0x64: {  	_ =	shalt  }
0x65: {  	_ =	shalt  }
0x66: {  	_ =	shalt  }
0x67: {  	_ =	shalt  }
0x68: {  	_ =	shalt  }
0x69: {  	_ =	shalt  }
0x6a: {  	_ =	shalt  }
0x6b: {  	_ =	shalt  }
0x6c: {  	_ =	shalt  }
0x6d: {  	_ =	shalt  }
0x6e: {  	_ =	shalt  }
0x6f: {  	_ =	shalt  }
0x70: {  	_ =	shalt  }
0x71: {  	_ =	shalt  }
0x72: {  	_ =	shalt  }
0x73: {  	_ =	shalt  }
0x74: {  	_ =	shalt  }
0x75: {  	_ =	shalt  }
0x76: {  	_ =	shalt  }
0x77: {  	_ =	shalt  }
0x78: {  	_ =	shalt  }
0x79: {  	_ =	shalt  }
0x7a: {  	_ =	shalt  }
0x7b: {  	_ =	shalt  }
0x7c: {  	_ =	shalt  }
0x7d: {  	_ =	shalt  }
0x7e: {  	_ =	shalt  }
0x7f: {  	_ =	shalt  }
0x80: {  	_ =	shalt  }
0x81: {  	_ =	shalt  }
0x82: {  	_ =	shalt  }
0x83: {  	_ =	shalt  }
0x84: {  	_ =	shalt  }
0x85: {  	_ =	shalt  }
0x86: {  	_ =	shalt  }
0x87: {  	_ =	shalt  }
.Lfunc_end0:
.L_simem_size_0:
called_computation.9_lowered:
.L_overlay_start_0:
0x88: {  	s2 =	sld [smem:$0x3FD9]  }
0x89: {  	s3 =	sld [smem:$0x3FFE];
	_ =	sdelay $0x1  }
0x8a: {  	s1 =	srdreg.scid  }
0x8b: {  	s0 =	sand.u32 $0x1, s1  }
0x8c: {  	s16 =	sshll.u32 s0, $0xA;
	s2 =	sadd.s32 s3, s2  }
0x8d: {  	s2 =	sadd.s32 s2, s16  }
0x8e: {  	[smem:$0x3FC0] =	sst s2  }
0x8f: {  	_ = 	snop  }
0x90: {  	(tm) =	ssettm $0x1  }
0x91: {  	s17 =	sld [smem:$0x3FFB];
	_ =	sdelay $0x3  }
0x92: {  	_ =	strace s17  }
0x93: {  	s2 =	sld [smem:$0x3FFC];
	_ =	sdelay $0x3  }
0x94: {  	_ =	strace s2  }
0x95: {  	s2 =	sld [smem:$0x3FFD];
	_ =	sdelay $0x3  }
0x96: {  	_ =	strace s2  }
0x97: {  	_ =	strace $0x8FFFFFFF  }
0x98: {  	s18 =	sld [smem:$0x3FDB];
	_ =	sdelay $0x1  }
0x99: {  	s19 =	simm.s32 $_scs_section_size  }
0x9a: {  	s4 =	simm.s32 $_size__tile_overlayer_lowered;
	s5 =	simm.s32 $_tile_overlayer_lowered  }
0x9b: {  	s22 =	simm.s32 $0x1BFF;
	s21 =	sshll.u32 s5, $0x1;
	s2 =	sadd.s32 s19, s18  }
0x9c: {  	s6 =	simm.s32 $0x0;
	s20 =	sshll.u32 s4, $0x1;
	s4 =	sadd.s32 s21, s2  }
0x9d: {  	[timem:s6], [sflag:s22] =	dma.local [hbm:s4], s20  }
0x9e: {  	_ =	swait.ge [sflag:s22], s20  }
0x9f: {  	s3 =	ssub.s32 $0x0, s20;
	[sflag:s22] =	ssyncset.done $0x0  }
0xa0: {  	[sflag:s22] =	ssyncadd.s32 s3;
	_ =	sdelay $0x1  }
0xa1: {  	s23 =	simm.s32 $0x1B8B  }
0xa2: {  	_ =	swait.ge [sflag:s23], $0x1  }
0xa3: {  	[sflag:s23] =	ssyncset.done $0x0  }
0xa4: {  	s25 =	simm.s32 $0x1B8E;
	s24 =	sld [smem:$0x3FFE];
	[sflag:s23] =	ssyncadd.s32 $0xFFFFFFFF  }
0xa5: {  	s26 =	simm.s32 $execute0_lowered;
	[smem:$0x3FD2] =	sst s25  }
0xa6: {  	s4 =	sshll.u32 s26, $0x1;
	_ =	strace $0x80000061;
	[dreg:$0x1] =	wrdreg $0xFFFFFFFF  }
0xa7: {  	s28 =	simm.s32 $_size_execute0_lowered;
	s2 =	sadd.s32 s2, s4;
	[dreg:$0x0] =	wrdreg $0x0  }
0xa8: {  	s4 =	sshll.u32 s28, $0x1;
	[dreg:$0x2] =	wrdreg s2  }
0xa9: {  	[dreg:$0x3] =	wrdreg s4  }
0xaa: {  	[dreg:$0x4] =	wrdreg $0xC0  }
0xab: {  	_ =	task [dreg:s6], $0x5FFFF  }
0xac: {  	[dreg:$0x1] =	wrdreg $0xFFFFFFFF  }
0xad: {  	[dreg:$0x0] =	wrdreg $0x60  }
0xae: {  	[dreg:$0x2] =	wrdreg s24  }
0xaf: {  	[dreg:$0x3] =	wrdreg $0x0  }
0xb0: {  	[dreg:$0x4] =	wrdreg $0x9  }
0xb1: {  	_ =	task.clear_ibuf [dreg:s6], $0x5FFFF;
	_ =	strace $0x90000061  }
0xb2: {  	s29 =	simm.s32 $0x9;
	_ =	strace $0x80000063  }
0xb3: {  	_ =	swait.ge [sflag:s29], $0x1  }
0xb4: {  	[sflag:s29] =	ssyncadd.s32 $0xFFFFFFFF  }
0xb5: {  	_ =	strace $0x90000063  }
0xb6: {  	_ =	sfence  }
0xb7: {  	s30 =	sld [smem:$0x0];
	_ =	sdelay $0x2  }
0xb8: {  	s31 =	sshll.u32 s1, $0xD;
	s1 =	sshrl.u32 s1, $0x2  }
0xb9: {  	s3 =	sand.u32 $0x4000, s31;
	s1 =	sadd.s32 s1, s30  }
0xba: {  	s0 =	sor.u32 s3, s0;
	s1 =	sshll.u32 s1, $0x11  }
0xbb: {  	s0 =	sor.u32 s1, s0  }
0xbc: {  	s0 =	sadd.s32 $0x8F2B, s0  }
0xbd: {  	[sflag:s0] =	ssyncadd.remote.s32 $0x1  }
0xbe: {  	_ =	sfence.sel $0xFFFF  }
0xbf: {  	[dreg:$0x0] =	wrdreg $0xFFFFFFFF;
	(pc) =	sbr.abs _section_cstart, $3  }
0xc0: {  	[dreg:$0x1] =	wrdreg $0xFFFFFFFF  }
0xc1: {  	_ =	task.clear_ibuf [dreg:s6], $0x2FFFF;
	_ =	strace $0x9FFFFFFF  }
0xc2: {  	(tm) =	ssettm $0x7FFFFFFF  }
0xc3: {  	_ =	shalt  }
tec
execute0_lowered:
.L_overlay_start_1:
0x0: {  	(tag) =	ssettag $0x1  }
0x1: {  	s5 =	rddreg [dreg:$0x0]  }
0x2: {  	s2 =	rddreg [dreg:$0x1]  }
0x3: {  	s0 =	rddreg [dreg:$0x2]  }
0x4: {  	s4 =	srdreg.scid;
	s1 =	stileid.u32  }
0x5: {  	s3 =	simm.s32 $0x0;
	s12 =	simm.s32 $0x2;
	s13 =	simm.s32 $0x13C00  }
0x6: {  	s14 =	simm.s32 $0x16400;
	s15 =	simm.s32 $0x80;
	s16 =	simm.s32 $0x18C00  }
0x7: {  	s17 =	simm.s32 $0x1;
	s18 =	simm.s32 $0x0;
	s6 =	sand.u32 $0x1, s4  }
0x8: {  	s7 =	smul.u32 $0x13C00, s1;
	[smem:$0x7FF] =	sst s3;
	s4 =	sadd.s32 $0x38A00, s5  }
0x9: {  	s11 =	smul.u32 $0x4F000, s1;
	s31 =	sshll.u32 s1, $0x6;
	s8 =	sshll.u32 s6, $0x4  }
0xa: {  	s9 =	smul.u32 $0x13C000, s6;
	_ =	strace $0x80000062;
	s6 =	ssub.s32 $0x2, s6  }
0xb: {  	s8 =	sor.u32 s1, s8;
	s10 =	sshrl.u32 s6, $0x1;
	s29 =	sshrl.u32 s11, $0x2  }
0xc: {  	s30 =	sshrl.u32 s7, $0x3;
	s8 =	smul.u32 $0x500, s8;
	s9 =	sadd.s32 s7, s9  }
0xd: {  	s10 =	ssub.s32 s6, s10;
	s11 =	sadd.s32 s29, s2;
	s6 =	sor.u32 $0x1C02, s31  }
0xe: {  	s9 =	sshrl.u32 s9, $0x3;
	s10 =	smax.u32 s10, $0x1;
	s11 =	sshrl.u32 s11, $0x3  }
0xf: {  	s8 =	sadd.s32 s8, s5;
	s9 =	sadd.s32 s9, s5;
	s5 =	sadd.s32 s4, s30  }
0x10: {  	s7 =	sadd.s32 $0x88000, s8;
	s8 =	sadd.s32 $0x7800, s8;
	s9 =	sadd.s32 $0x92000, s9  }
.LBB2_1:
0x11: {  	[spmem:s11], [sflag:s6] =	dma.local [hbm:s5], $0x2780  }
0x12: {  	_ =	swait.ge [sflag:s12], $0x2780  }
0x13: {  	[sflag:s12] =	ssyncset.done $0x0  }
0x14: {  	[sflag:s12] =	ssyncadd.s32 $0xFFFFD880  }
0x15: {  	[tilespmem:s13], [sflag:$0x2] =	stream.linear.gather [hbm4b:s7+s3], $0x2780, $0x38;
	[tilespmem:$0x1CC00] =	vst v63  }
0x16: {  	_ =	swait.ge [sflag:s12], $0x2780  }
0x17: {  	[sflag:s12] =	ssyncset.done $0x0  }
0x18: {  	[sflag:s12] =	ssyncadd.s32 $0xFFFFD880  }
0x19: {  	[tilespmem:s14], [sflag:$0x2] =	stream.linear.gather [hbm4b:s8+s3], $0x2780, $0x38;
	[tilespmem:$0x1CC00] =	vst v63  }
0x1a: {  	_ =	swait.ge [sflag:s12], $0x2780  }
0x1b: {  	[sflag:s12] =	ssyncset.done $0x0  }
0x1c: {  	[sflag:s12] =	ssyncadd.s32 $0xFFFFD880  }
0x1d: {  	s19 =	simm.s32 $0x13C00;
	[bflag:$0x0] =	sbarrier.arrive $0xFFFF  }
0x1e: {  	[tilespmem:s16], [sflag:$0x1] =	stream.indirect.gather [hbm4b:s4+s15], $0x80, s19, s15, $0xb8;
	[tilespmem:$0x1CC00] =	vst v63  }
0x1f: {  	_ =	swait.ge [sflag:s17], $0x4000  }
0x20: {  	[sflag:s17] =	ssyncset.done $0x0  }
0x21: {  	s31 =	simm.s32 $0x16400;
	[sflag:s17] =	ssyncadd.s32 $0xFFFFC000  }
0x22: {  	[spmem:s2] =	stream.indirect.scatter.add.f32 [tilespmem:s16], [sflag:$0x2], $0x80, s31, s15, $0xb8;
	[tilespmem:$0x1CC00] =	vst v63  }
0x23: {  	_ =	swait.ge [sflag:s12], $0x4000  }
0x24: {  	s20 =	simm.s32 $0x400;
	s19 =	simm.s32 $0x80;
	[sflag:s12] =	ssyncset.done $0x0  }
.LBB2_2:
0x25: {  	s21 =	sadd.s32 $0x13C00, s19  }
0x26: {  	[sflag:s12] =	ssyncadd.s32 $0xFFFFC000;
	s22 =	smov.u32 s20;
	s23 =	sadd.s32 $0x200, s20  }
0x27: {  	[tilespmem:s16], [sflag:$0x1] =	stream.indirect.gather [hbm4b:s4+s15], $0x80, s21, s15, $0xb8;
	[tilespmem:$0x1CC00] =	vst v63  }
0x28: {  	p0 =	sne.s32 s20, $0x9C00;
	_ =	swait.ge [sflag:s17], $0x4000  }
.Ltmp0:
0x29: {  	[sflag:s17] =	ssyncset.done $0x0;
	(pc) =	sbr.rel @p0 .LBB2_2-.Ltmp0, $4  }
0x2a: {  	s19 =	sadd.s32 $0x16400, s19;
	[sflag:s17] =	ssyncadd.s32 $0xFFFFC000  }
0x2b: {  	[spmem:s2] =	stream.indirect.scatter.add.f32 [tilespmem:s16], [sflag:$0x2], $0x80, s19, s15, $0xb8;
	[tilespmem:$0x1CC00] =	vst v63  }
0x2c: {  	_ =	swait.ge [sflag:s12], $0x4000  }
0x2d: {  	s20 =	smov.u32 s23;
	s19 =	sshra.s32 s22, $0x2;
	[sflag:s12] =	ssyncset.done $0x0  }
0x2e: {  	s20 =	sadd.s32 $0x13C00, s19;
	[sflag:s12] =	ssyncadd.s32 $0xFFFFC000  }
0x2f: {  	[tilespmem:s16], [sflag:$0x1] =	stream.indirect.gather [hbm4b:s4+s15], $0x80, s20, s15, $0xb8;
	[tilespmem:$0x1CC00] =	vst v63  }
0x30: {  	_ =	swait.ge [sflag:s17], $0x4000  }
0x31: {  	[sflag:s17] =	ssyncset.done $0x0  }
0x32: {  	s31 =	sadd.s32 $0x16400, s19;
	[sflag:s17] =	ssyncadd.s32 $0xFFFFC000  }
0x33: {  	[spmem:s2] =	stream.indirect.scatter.add.f32 [tilespmem:s16], [sflag:$0x2], $0x80, s31, s15, $0xb8;
	[tilespmem:$0x1CC00] =	vst v63  }
0x34: {  	_ =	swait.ge [sflag:s12], $0x4000  }
0x35: {  	s18 =	sadd.s32 $0x1, s18;
	[sflag:s12] =	ssyncset.done $0x0  }
0x36: {  	p0 =	sne.s32 s18, s10;
	[sflag:s12] =	ssyncadd.s32 $0xFFFFC000  }
.Ltmp1:
0x37: {  	[bflag:$0x0] =	sbarrier.arrive $0xFFFF;
	(pc) =	sbr.rel @p0 .LBB2_1-.Ltmp1, $4  }
0x38: {  	[hbm:s9], [sflag:s6] =	dma.local [spmem:s11], $0x2780  }
0x39: {  	_ =	swait.ge [sflag:s12], $0x2780  }
0x3a: {  	[sflag:s12] =	ssyncset.done $0x0  }
0x3b: {  	[sflag:s12] =	ssyncadd.s32 $0xFFFFD880  }
0x3c: {  	_ =	sfence.sel $0x180000  }
0x3d: {  	[bflag:$0x0] =	sbarrier.arrive $0xFFFF  }
0x3e: {  	p0 =	sne.s32 s1, $0x0;
	_ =	strace $0x90000062  }
0x3f: {  	s0 =	sadd.s32 @!p0 $0x100000, s0;
	[bflag:$0x2] =	sbarrier.arrive $0xFFFF  }
0x40: {  	[sflag:s0] =	ssyncadd.tile.s32 @!p0 $0x1;
	_ =	shalt  }
.Lfunc_end2:
_tile_overlayer_lowered:
.L_overlay_start_2:
0x41: {  	(tag) =	ssettag $0x2  }
0x42: {  	s0 =	rddreg [dreg:$0x0];
	s2 =	stileid.u32  }
0x43: {  	s1 =	rddreg [dreg:$0x1];
	p0 =	sne.s32 s2, $0x0  }
0x44: {  	s3 =	rddreg [dreg:$0x2];
	[bflag:$0x3] =	sbarrier.arrive $0xFFFF;
	s2 =	simm.s32 @!p0 $0x1C02  }
0x45: {  	[timem:s3], [sflag:s2] =	dma.local @!p0 [hbm:s0], s1  }
0x46: {  	s0 =	simm.s32 @!p0 $0x2  }
0x47: {  	_ =	swait.ge @!p0 [sflag:s0], s1  }
0x48: {  	s1 =	ssub.s32 @!p0 $0x0, s1;
	[sflag:s0] =	ssyncset.done @!p0 $0x0  }
0x49: {  	[sflag:s0] =	ssyncadd.s32 @!p0 s1  }
0x4a: {  	[bflag:$0x3] =	sbarrier.arrive $0xFFFF  }
0x4b: {  	_ =	shalt  }

// kernel: kernel.54.cloned.1.call-start
scs
__scs_entry_jumppad:
0x0: {  	(pc) =	sbr.rel $0x88, $3  }
0x1: {  	(tag) =	ssettag $0x0;
	lr =	simm.s32 $0x1  }
0x2: {  	[smem:$0x3F99] =	sst lr;
	_ =	strace $0xD0000000  }
0x3: {  	_ = 	snop  }
0x4: {  	_ = 	snop  }
0x5: {  	_ = 	snop  }
0x6: {  	_ = 	snop  }
0x7: {  	_ = 	snop  }
__scs_overlays_trampoline_lowered:
0x8: {  	[smem:$0x3FA8] =	sst s0  }
0x9: {  	[smem:$0x3FA9] =	sst s1  }
0xa: {  	[smem:$0x3FAA] =	sst s2  }
0xb: {  	[smem:$0x3FAB] =	sst s3  }
0xc: {  	[smem:$0x3FAC] =	sst s4  }
0xd: {  	[smem:$0x3FAD] =	sst s5  }
0xe: {  	[smem:$0x3FAE] =	sst s6  }
0xf: {  	[smem:$0x3FAF] =	sst s7  }
0x10: {  	[smem:$0x3FB0] =	sst s8  }
0x11: {  	[smem:$0x3FB1] =	sst s9;
	s0 =	simm.s32 @!p0 $0x0  }
0x12: {  	s1 =	sld [smem:$0x3F97];
	s0 =	simm.s32 @p0 $0x1  }
0x13: {  	[smem:$0x3FB2] =	sst s0;
	s0 =	simm.s32 @!p1 $0x0  }
0x14: {  	s2 =	sld [smem:$0x3F96];
	s0 =	simm.s32 @p1 $0x1  }
0x15: {  	[smem:$0x3FB3] =	sst s0;
	s0 =	simm.s32 @!p2 $0x0  }
0x16: {  	s3 =	sld [smem:$0x3FDB];
	s0 =	simm.s32 @p2 $0x1  }
0x17: {  	s4 =	simm.s32 $0x1BF5;
	[smem:$0x3FB5] =	sst s0  }
0x18: {  	s0 =	sld [smem:$0x3F98];
	_ =	swait.ge [sflag:s4], $0x0  }
0x19: {  	s7 =	sld [smem:$0x3F99]  }
0x1a: {  	s8 =	sadd.s32 $0xFFFFE003, lr  }
0x1b: {  	s9 =	sadd.s32 $0xFFFFFEF7, lr;
	s5 =	simm.s32 $0xFFFFFFFF;
	p2 =	slt.u32 s8, $0xFFFFF086  }
0x1c: {  	p1 =	slt.u32 s9, $0xF7A;
	s5 =	simm.s32 @!p2 $0x0  }
0x1d: {  	s5 =	simm.s32 @p1 $0x1;
	p0 =	seq.s32 s7, s2  }
0x1e: {  	s7 =	smul.u32 @!p0 $0xF7A, s2;
	p2 =	seq.s32 @!p0 s5, $0x0  }
0x1f: {  	s9 =	smul.u32 $0xF7A, s1;
	s8 =	simm.s32 @!p0 $0x1BF5;
	p2 =	por !p2, p0  }
0x20: {  	[sflag:s8] =	ssyncset.s32 @!p0 $0xFFFFF086;
	s6 =	sadd.s32 @!p0 s3, s7;
	s7 =	simm.s32 @!p0 $0x108  }
0x21: {  	s3 =	sadd.s32 s3, s9;
	s6 =	sadd.s32 @!p0 $0x88, s6;
	s7 =	simm.s32 @p2 $0x1082  }
0x22: {  	[simem:s7], [sflag:s8] =	dma.local @!p0 [hbm:s6], $0xF7A  }
0x23: {  	s9 =	sor.u32 $0xD0000000, s2;
	s6 =	simm.s32 $0x108;
	_ =	swait.ge @!p0 [sflag:s8], $0x0  }
0x24: {  	s3 =	sadd.s32 $0x88, s3;
	s6 =	simm.s32 @!p1 $0x1082;
	[sflag:s4] =	ssyncset.s32 $0xFFFFF086  }
0x25: {  	[simem:s6], [sflag:s4] =	dma.local [hbm:s3], $0xF7A  }
0x26: {  	[smem:$0x3F99] =	sst s1;
	(tag) =	ssettag s2;
	_ =	strace s9  }
0x27: {  	s1 =	sld [smem:$0x3FA9]  }
0x28: {  	s2 =	sld [smem:$0x3FAA]  }
0x29: {  	s4 =	sld [smem:$0x3FAC]  }
0x2a: {  	p0 =	seq.s32 s5, $0x0;
	s5 =	sld [smem:$0x3FAD]  }
0x2b: {  	s6 =	sld [smem:$0x3FAE]  }
0x2c: {  	s7 =	sld [smem:$0x3FAF]  }
0x2d: {  	s3 =	simm.s32 $0x108;
	s8 =	sld [smem:$0x3FB0]  }
0x2e: {  	s3 =	simm.s32 @!p0 $0x1082;
	s9 =	sld [smem:$0x3FB1]  }
0x2f: {  	lr =	sadd.s32 s0, s3;
	s0 =	sld [smem:$0x3FA8]  }
0x30: {  	s3 =	sld [smem:$0x3FAB]  }
0x31: {  	[smem:$0x3FB4] =	sst s10  }
0x32: {  	s10 =	sld [smem:$0x3FB2];
	_ =	sdelay $0x3  }
0x33: {  	p0 =	seq.s32 s10, $0x1;
	s10 =	sld [smem:$0x3FB4];
	_ =	sdelay $0x3  }
0x34: {  	[smem:$0x3FB4] =	sst s10  }
0x35: {  	s10 =	sld [smem:$0x3FB3];
	_ =	sdelay $0x3  }
0x36: {  	p1 =	seq.s32 s10, $0x1;
	s10 =	sld [smem:$0x3FB4];
	_ =	sdelay $0x3  }
0x37: {  	[smem:$0x3FB4] =	sst s10  }
0x38: {  	s10 =	sld [smem:$0x3FB5]  }
0x39: {  	_ = 	snop;
	(pc) =	sbr.ind lr, $3  }
0x3a: {  	_ = 	snop  }
0x3b: {  	_ = 	snop  }
0x3c: {  	p2 =	seq.s32 s10, $0x1;
	s10 =	sld [smem:$0x3FB4]  }
0x3d: {  	_ =	shalt  }
0x3e: {  	_ =	shalt  }
0x3f: {  	_ =	shalt  }
0x40: {  	_ =	shalt  }
0x41: {  	_ =	shalt  }
0x42: {  	_ =	shalt  }
0x43: {  	_ =	shalt  }
0x44: {  	_ =	shalt  }
0x45: {  	_ =	shalt  }
0x46: {  	_ =	shalt  }
0x47: {  	_ =	shalt  }
0x48: {  	_ =	shalt  }
0x49: {  	_ =	shalt  }
0x4a: {  	_ =	shalt  }
0x4b: {  	_ =	shalt  }
0x4c: {  	_ =	shalt  }
0x4d: {  	_ =	shalt  }
0x4e: {  	_ =	shalt  }
0x4f: {  	_ =	shalt  }
0x50: {  	_ =	shalt  }
0x51: {  	_ =	shalt  }
0x52: {  	_ =	shalt  }
0x53: {  	_ =	shalt  }
0x54: {  	_ =	shalt  }
0x55: {  	_ =	shalt  }
0x56: {  	_ =	shalt  }
0x57: {  	_ =	shalt  }
0x58: {  	_ =	shalt  }
0x59: {  	_ =	shalt  }
0x5a: {  	_ =	shalt  }
0x5b: {  	_ =	shalt  }
0x5c: {  	_ =	shalt  }
0x5d: {  	_ =	shalt  }
0x5e: {  	_ =	shalt  }
0x5f: {  	_ =	shalt  }
0x60: {  	_ =	shalt  }
0x61: {  	_ =	shalt  }
0x62: {  	_ =	shalt  }
0x63: {  	_ =	shalt  }
0x64: {  	_ =	shalt  }
0x65: {  	_ =	shalt  }
0x66: {  	_ =	shalt  }
0x67: {  	_ =	shalt  }
0x68: {  	_ =	shalt  }
0x69: {  	_ =	shalt  }
0x6a: {  	_ =	shalt  }
0x6b: {  	_ =	shalt  }
0x6c: {  	_ =	shalt  }
0x6d: {  	_ =	shalt  }
0x6e: {  	_ =	shalt  }
0x6f: {  	_ =	shalt  }
0x70: {  	_ =	shalt  }
0x71: {  	_ =	shalt  }
0x72: {  	_ =	shalt  }
0x73: {  	_ =	shalt  }
0x74: {  	_ =	shalt  }
0x75: {  	_ =	shalt  }
0x76: {  	_ =	shalt  }
0x77: {  	_ =	shalt  }
0x78: {  	_ =	shalt  }
0x79: {  	_ =	shalt  }
0x7a: {  	_ =	shalt  }
0x7b: {  	_ =	shalt  }
0x7c: {  	_ =	shalt  }
0x7d: {  	_ =	shalt  }
0x7e: {  	_ =	shalt  }
0x7f: {  	_ =	shalt  }
0x80: {  	_ =	shalt  }
0x81: {  	_ =	shalt  }
0x82: {  	_ =	shalt  }
0x83: {  	_ =	shalt  }
0x84: {  	_ =	shalt  }
0x85: {  	_ =	shalt  }
0x86: {  	_ =	shalt  }
0x87: {  	_ =	shalt  }
.Lfunc_end0:
.L_simem_size_0:
called_computation.10_lowered:
.L_overlay_start_0:
0x88: {  	s2 =	sld [smem:$0x3FD9]  }
0x89: {  	s3 =	sld [smem:$0x3FFE];
	_ =	sdelay $0x1  }
0x8a: {  	s1 =	srdreg.scid  }
0x8b: {  	s0 =	sand.u32 $0x1, s1  }
0x8c: {  	s16 =	sshll.u32 s0, $0xA;
	s2 =	sadd.s32 s3, s2  }
0x8d: {  	s2 =	sadd.s32 s2, s16  }
0x8e: {  	[smem:$0x3FC0] =	sst s2  }
0x8f: {  	_ = 	snop  }
0x90: {  	(tm) =	ssettm $0x1  }
0x91: {  	s17 =	sld [smem:$0x3FFB];
	_ =	sdelay $0x3  }
0x92: {  	_ =	strace s17  }
0x93: {  	s2 =	sld [smem:$0x3FFC];
	_ =	sdelay $0x3  }
0x94: {  	_ =	strace s2  }
0x95: {  	s2 =	sld [smem:$0x3FFD];
	_ =	sdelay $0x3  }
0x96: {  	_ =	strace s2  }
0x97: {  	_ =	strace $0x8FFFFFFF  }
0x98: {  	s18 =	sld [smem:$0x3FDB];
	_ =	sdelay $0x1  }
0x99: {  	s19 =	simm.s32 $_scs_section_size  }
0x9a: {  	s4 =	simm.s32 $_size__tile_overlayer_lowered;
	s5 =	simm.s32 $_tile_overlayer_lowered  }
0x9b: {  	s22 =	simm.s32 $0x1BFF;
	s21 =	sshll.u32 s5, $0x1;
	s2 =	sadd.s32 s19, s18  }
0x9c: {  	s6 =	simm.s32 $0x0;
	s20 =	sshll.u32 s4, $0x1;
	s4 =	sadd.s32 s21, s2  }
0x9d: {  	[timem:s6], [sflag:s22] =	dma.local [hbm:s4], s20  }
0x9e: {  	_ =	swait.ge [sflag:s22], s20  }
0x9f: {  	s3 =	ssub.s32 $0x0, s20;
	[sflag:s22] =	ssyncset.done $0x0  }
0xa0: {  	[sflag:s22] =	ssyncadd.s32 s3;
	_ =	sdelay $0x1  }
0xa1: {  	s23 =	simm.s32 $0x1B8B  }
0xa2: {  	_ =	swait.ge [sflag:s23], $0x1  }
0xa3: {  	[sflag:s23] =	ssyncset.done $0x0  }
0xa4: {  	s25 =	simm.s32 $0x1B8E;
	s24 =	sld [smem:$0x3FFE];
	[sflag:s23] =	ssyncadd.s32 $0xFFFFFFFF  }
0xa5: {  	s26 =	simm.s32 $execute0_lowered;
	[smem:$0x3FD2] =	sst s25  }
0xa6: {  	s4 =	sshll.u32 s26, $0x1;
	_ =	strace $0x80000064;
	[dreg:$0x1] =	wrdreg $0xFFFFFFFF  }
0xa7: {  	s28 =	simm.s32 $_size_execute0_lowered;
	s2 =	sadd.s32 s2, s4;
	[dreg:$0x0] =	wrdreg $0x0  }
0xa8: {  	s4 =	sshll.u32 s28, $0x1;
	[dreg:$0x2] =	wrdreg s2  }
0xa9: {  	[dreg:$0x3] =	wrdreg s4  }
0xaa: {  	[dreg:$0x4] =	wrdreg $0xC0  }
0xab: {  	_ =	task [dreg:s6], $0x5FFFF  }
0xac: {  	[dreg:$0x1] =	wrdreg $0xFFFFFFFF  }
0xad: {  	[dreg:$0x0] =	wrdreg $0x60  }
0xae: {  	[dreg:$0x2] =	wrdreg s24  }
0xaf: {  	[dreg:$0x3] =	wrdreg $0x0  }
0xb0: {  	[dreg:$0x4] =	wrdreg $0x9  }
0xb1: {  	_ =	task.clear_ibuf [dreg:s6], $0x5FFFF;
	_ =	strace $0x90000064  }
0xb2: {  	s29 =	simm.s32 $0x9;
	_ =	strace $0x80000066  }
0xb3: {  	_ =	swait.ge [sflag:s29], $0x1  }
0xb4: {  	[sflag:s29] =	ssyncadd.s32 $0xFFFFFFFF  }
0xb5: {  	_ =	strace $0x90000066  }
0xb6: {  	_ =	sfence  }
0xb7: {  	s30 =	sld [smem:$0x0];
	_ =	sdelay $0x2  }
0xb8: {  	s31 =	sshll.u32 s1, $0xD;
	s1 =	sshrl.u32 s1, $0x2  }
0xb9: {  	s3 =	sand.u32 $0x4000, s31;
	s1 =	sadd.s32 s1, s30  }
0xba: {  	s0 =	sor.u32 s3, s0;
	s1 =	sshll.u32 s1, $0x11  }
0xbb: {  	s0 =	sor.u32 s1, s0  }
0xbc: {  	s0 =	sadd.s32 $0x8F2B, s0  }
0xbd: {  	[sflag:s0] =	ssyncadd.remote.s32 $0x1  }
0xbe: {  	_ =	sfence.sel $0xFFFF  }
0xbf: {  	[dreg:$0x0] =	wrdreg $0xFFFFFFFF;
	(pc) =	sbr.abs _section_cstart, $3  }
0xc0: {  	[dreg:$0x1] =	wrdreg $0xFFFFFFFF  }
0xc1: {  	_ =	task.clear_ibuf [dreg:s6], $0x2FFFF;
	_ =	strace $0x9FFFFFFF  }
0xc2: {  	(tm) =	ssettm $0x7FFFFFFF  }
0xc3: {  	_ =	shalt  }
tec
execute0_lowered:
.L_overlay_start_1:
0x0: {  	(tag) =	ssettag $0x1  }
0x1: {  	s5 =	rddreg [dreg:$0x0]  }
0x2: {  	s2 =	rddreg [dreg:$0x1]  }
0x3: {  	s0 =	rddreg [dreg:$0x2]  }
0x4: {  	s4 =	srdreg.scid;
	s1 =	stileid.u32  }
0x5: {  	s3 =	simm.s32 $0x0;
	s12 =	simm.s32 $0x2;
	s13 =	simm.s32 $0x13C00  }
0x6: {  	s14 =	simm.s32 $0x16400;
	s15 =	simm.s32 $0x80;
	s16 =	simm.s32 $0x18C00  }
0x7: {  	s17 =	simm.s32 $0x1;
	s18 =	simm.s32 $0x0;
	s6 =	sand.u32 $0x1, s4  }
0x8: {  	s7 =	smul.u32 $0x13C00, s1;
	[smem:$0x7FF] =	sst s3;
	s4 =	sadd.s32 $0x38A00, s5  }
0x9: {  	s11 =	smul.u32 $0x4F000, s1;
	s31 =	sshll.u32 s1, $0x6;
	s8 =	sshll.u32 s6, $0x4  }
0xa: {  	s9 =	smul.u32 $0x13C000, s6;
	_ =	strace $0x80000065;
	s6 =	ssub.s32 $0x2, s6  }
0xb: {  	s8 =	sor.u32 s1, s8;
	s10 =	sshrl.u32 s6, $0x1;
	s29 =	sshrl.u32 s11, $0x2  }
0xc: {  	s30 =	sshrl.u32 s7, $0x3;
	s8 =	smul.u32 $0x500, s8;
	s9 =	sadd.s32 s7, s9  }
0xd: {  	s10 =	ssub.s32 s6, s10;
	s11 =	sadd.s32 s29, s2;
	s6 =	sor.u32 $0x1C02, s31  }
0xe: {  	s9 =	sshrl.u32 s9, $0x3;
	s10 =	smax.u32 s10, $0x1;
	s11 =	sshrl.u32 s11, $0x3  }
0xf: {  	s8 =	sadd.s32 s8, s5;
	s9 =	sadd.s32 s9, s5;
	s5 =	sadd.s32 s4, s30  }
0x10: {  	s7 =	sadd.s32 $0x88000, s8;
	s8 =	sadd.s32 $0x7800, s8;
	s9 =	sadd.s32 $0x92000, s9  }
.LBB2_1:
0x11: {  	[spmem:s11], [sflag:s6] =	dma.local [hbm:s5], $0x2780  }
0x12: {  	_ =	swait.ge [sflag:s12], $0x2780  }
0x13: {  	[sflag:s12] =	ssyncset.done $0x0  }
0x14: {  	[sflag:s12] =	ssyncadd.s32 $0xFFFFD880  }
0x15: {  	[tilespmem:s13], [sflag:$0x2] =	stream.linear.gather [hbm4b:s7+s3], $0x2780, $0x38;
	[tilespmem:$0x1CC00] =	vst v63  }
0x16: {  	_ =	swait.ge [sflag:s12], $0x2780  }
0x17: {  	[sflag:s12] =	ssyncset.done $0x0  }
0x18: {  	[sflag:s12] =	ssyncadd.s32 $0xFFFFD880  }
0x19: {  	[tilespmem:s14], [sflag:$0x2] =	stream.linear.gather [hbm4b:s8+s3], $0x2780, $0x38;
	[tilespmem:$0x1CC00] =	vst v63  }
0x1a: {  	_ =	swait.ge [sflag:s12], $0x2780  }
0x1b: {  	[sflag:s12] =	ssyncset.done $0x0  }
0x1c: {  	[sflag:s12] =	ssyncadd.s32 $0xFFFFD880  }
0x1d: {  	s19 =	simm.s32 $0x13C00;
	[bflag:$0x0] =	sbarrier.arrive $0xFFFF  }
0x1e: {  	[tilespmem:s16], [sflag:$0x1] =	stream.indirect.gather [hbm4b:s4+s15], $0x80, s19, s15, $0xb8;
	[tilespmem:$0x1CC00] =	vst v63  }
0x1f: {  	_ =	swait.ge [sflag:s17], $0x4000  }
0x20: {  	[sflag:s17] =	ssyncset.done $0x0  }
0x21: {  	s31 =	simm.s32 $0x16400;
	[sflag:s17] =	ssyncadd.s32 $0xFFFFC000  }
0x22: {  	[spmem:s2] =	stream.indirect.scatter.add.f32 [tilespmem:s16], [sflag:$0x2], $0x80, s31, s15, $0xb8;
	[tilespmem:$0x1CC00] =	vst v63  }
0x23: {  	_ =	swait.ge [sflag:s12], $0x4000  }
0x24: {  	s20 =	simm.s32 $0x400;
	s19 =	simm.s32 $0x80;
	[sflag:s12] =	ssyncset.done $0x0  }
.LBB2_2:
0x25: {  	s21 =	sadd.s32 $0x13C00, s19  }
0x26: {  	[sflag:s12] =	ssyncadd.s32 $0xFFFFC000;
	s22 =	smov.u32 s20;
	s23 =	sadd.s32 $0x200, s20  }
0x27: {  	[tilespmem:s16], [sflag:$0x1] =	stream.indirect.gather [hbm4b:s4+s15], $0x80, s21, s15, $0xb8;
	[tilespmem:$0x1CC00] =	vst v63  }
0x28: {  	p0 =	sne.s32 s20, $0x9C00;
	_ =	swait.ge [sflag:s17], $0x4000  }
.Ltmp0:
0x29: {  	[sflag:s17] =	ssyncset.done $0x0;
	(pc) =	sbr.rel @p0 .LBB2_2-.Ltmp0, $4  }
0x2a: {  	s19 =	sadd.s32 $0x16400, s19;
	[sflag:s17] =	ssyncadd.s32 $0xFFFFC000  }
0x2b: {  	[spmem:s2] =	stream.indirect.scatter.add.f32 [tilespmem:s16], [sflag:$0x2], $0x80, s19, s15, $0xb8;
	[tilespmem:$0x1CC00] =	vst v63  }
0x2c: {  	_ =	swait.ge [sflag:s12], $0x4000  }
0x2d: {  	s20 =	smov.u32 s23;
	s19 =	sshra.s32 s22, $0x2;
	[sflag:s12] =	ssyncset.done $0x0  }
0x2e: {  	s20 =	sadd.s32 $0x13C00, s19;
	[sflag:s12] =	ssyncadd.s32 $0xFFFFC000  }
0x2f: {  	[tilespmem:s16], [sflag:$0x1] =	stream.indirect.gather [hbm4b:s4+s15], $0x80, s20, s15, $0xb8;
	[tilespmem:$0x1CC00] =	vst v63  }
0x30: {  	_ =	swait.ge [sflag:s17], $0x4000  }
0x31: {  	[sflag:s17] =	ssyncset.done $0x0  }
0x32: {  	s31 =	sadd.s32 $0x16400, s19;
	[sflag:s17] =	ssyncadd.s32 $0xFFFFC000  }
0x33: {  	[spmem:s2] =	stream.indirect.scatter.add.f32 [tilespmem:s16], [sflag:$0x2], $0x80, s31, s15, $0xb8;
	[tilespmem:$0x1CC00] =	vst v63  }
0x34: {  	_ =	swait.ge [sflag:s12], $0x4000  }
0x35: {  	s18 =	sadd.s32 $0x1, s18;
	[sflag:s12] =	ssyncset.done $0x0  }
0x36: {  	p0 =	sne.s32 s18, s10;
	[sflag:s12] =	ssyncadd.s32 $0xFFFFC000  }
.Ltmp1:
0x37: {  	[bflag:$0x0] =	sbarrier.arrive $0xFFFF;
	(pc) =	sbr.rel @p0 .LBB2_1-.Ltmp1, $4  }
0x38: {  	[hbm:s9], [sflag:s6] =	dma.local [spmem:s11], $0x2780  }
0x39: {  	_ =	swait.ge [sflag:s12], $0x2780  }
0x3a: {  	[sflag:s12] =	ssyncset.done $0x0  }
0x3b: {  	[sflag:s12] =	ssyncadd.s32 $0xFFFFD880  }
0x3c: {  	_ =	sfence.sel $0x180000  }
0x3d: {  	[bflag:$0x0] =	sbarrier.arrive $0xFFFF  }
0x3e: {  	p0 =	sne.s32 s1, $0x0;
	_ =	strace $0x90000065  }
0x3f: {  	s0 =	sadd.s32 @!p0 $0x100000, s0;
	[bflag:$0x2] =	sbarrier.arrive $0xFFFF  }
0x40: {  	[sflag:s0] =	ssyncadd.tile.s32 @!p0 $0x1;
	_ =	shalt  }
.Lfunc_end2:
_tile_overlayer_lowered:
.L_overlay_start_2:
0x41: {  	(tag) =	ssettag $0x2  }
0x42: {  	s0 =	rddreg [dreg:$0x0];
	s2 =	stileid.u32  }
0x43: {  	s1 =	rddreg [dreg:$0x1];
	p0 =	sne.s32 s2, $0x0  }
0x44: {  	s3 =	rddreg [dreg:$0x2];
	[bflag:$0x3] =	sbarrier.arrive $0xFFFF;
	s2 =	simm.s32 @!p0 $0x1C02  }
0x45: {  	[timem:s3], [sflag:s2] =	dma.local @!p0 [hbm:s0], s1  }
0x46: {  	s0 =	simm.s32 @!p0 $0x2  }
0x47: {  	_ =	swait.ge @!p0 [sflag:s0], s1  }
0x48: {  	s1 =	ssub.s32 @!p0 $0x0, s1;
	[sflag:s0] =	ssyncset.done @!p0 $0x0  }
0x49: {  	[sflag:s0] =	ssyncadd.s32 @!p0 s1  }
0x4a: {  	[bflag:$0x3] =	sbarrier.arrive $0xFFFF  }
0x4b: {  	_ =	shalt  }

</sc_bundles>
